<compile_context>
chip_gen: v7x
topology: tpu7x:2x2x1
jax: 0.10.2.dev20260603
libtpu: 0.0.44.dev20260713+nightly
codegen_flags: <defaults>
</compile_context>

<pallas_src>
import functools
import math

import jax
import jax.numpy as jnp
from jax import lax
from jax.experimental import pallas as pl
from jax.experimental.pallas import tpu as pltpu
from jax.experimental.pallas import tpu_sc as plsc

N = 10000
E = 320000
D = 128
H = 128
C = 40
L = 8
ALPHA = 0.1
LAMDA = 0.5

NC = 2
NS = 16
NT = NC * NS
CH = 128
NROW = 640
N_PAD = NS * NROW
E_PW = ((E // NT + CH - 1) // CH) * CH
N_CHUNK = E_PW // CH
E_PAD = E_PW * NT

_mesh = plsc.VectorSubcoreMesh(core_axis_name="c", subcore_axis_name="s")


@functools.partial(
    pl.kernel,
    out_type=jax.ShapeDtypeStruct((NC, N_PAD, 16), jnp.float32),
    mesh=_mesh,
    scratch_types=[
        pltpu.VMEM((CH,), jnp.int32),
        pltpu.VMEM((CH, 16), jnp.float32),
        pltpu.VMEM((CH, 16), jnp.float32),
        pltpu.VMEM_SHARED((N_PAD, 16), jnp.float32),
    ],
)
def _hist_kernel(src_hbm, hist_out, idx_v, obuf, zbuf, hist_sh):
    c = lax.axis_index("c")
    s = lax.axis_index("s")
    t = c * NS + s

    def fill(i, _):
        zbuf[i, :] = jnp.zeros((16,), jnp.float32)
        obuf[i, :] = jnp.ones((16,), jnp.float32)
        return 0

    lax.fori_loop(0, CH, fill, 0)
    for r in range(NROW // CH):
        pltpu.sync_copy(zbuf, hist_sh.at[pl.ds(s * NROW + r * CH, CH)])
    plsc.subcore_barrier()

    def chunk(k, _):
        base = t * E_PW + k * CH
        pltpu.sync_copy(src_hbm.at[pl.ds(base, CH)], idx_v)
        pltpu.sync_copy(obuf, hist_sh.at[idx_v], add=True)
        return 0

    lax.fori_loop(0, N_CHUNK, chunk, 0)
    plsc.subcore_barrier()
    pltpu.sync_copy(hist_sh.at[pl.ds(s * NROW, NROW)],
                    hist_out.at[c, pl.ds(s * NROW, NROW)])


@functools.partial(
    pl.kernel,
    out_type=jax.ShapeDtypeStruct((NC, N_PAD, H), jnp.float32),
    mesh=_mesh,
    scratch_types=[
        pltpu.VMEM((CH,), jnp.int32),
        pltpu.VMEM((CH,), jnp.int32),
        pltpu.VMEM((CH, H), jnp.float32),
        pltpu.VMEM((CH, H), jnp.float32),
        pltpu.VMEM_SHARED((N_PAD, H), jnp.float32),
        pltpu.SemaphoreType.DMA,
    ],
)
def _spmm_kernel(g_hbm, src_hbm, dst_hbm, acc_out,
                 idx_s, idx_d, rows, zbuf, acc_sh, sem):
    c = lax.axis_index("c")
    s = lax.axis_index("s")
    t = c * NS + s

    def fill(i, _):
        for j in range(H // 16):
            zbuf[i, pl.ds(j * 16, 16)] = jnp.zeros((16,), jnp.float32)
        return 0

    lax.fori_loop(0, CH, fill, 0)
    for r in range(NROW // CH):
        pltpu.sync_copy(zbuf, acc_sh.at[pl.ds(s * NROW + r * CH, CH)])
    plsc.subcore_barrier()

    def chunk(k, _):
        base = t * E_PW + k * CH
        pltpu.sync_copy(src_hbm.at[pl.ds(base, CH)], idx_s)
        pltpu.sync_copy(dst_hbm.at[pl.ds(base, CH)], idx_d)
        pltpu.async_copy(g_hbm.at[idx_s], rows, sem).wait()
        pltpu.sync_copy(rows, acc_sh.at[idx_d], add=True)
        return 0

    lax.fori_loop(0, N_CHUNK, chunk, 0)
    plsc.subcore_barrier()
    pltpu.sync_copy(acc_sh.at[pl.ds(s * NROW, NROW)],
                    acc_out.at[c, pl.ds(s * NROW, NROW)])



_BLK = 2000
_GRID = N // _BLK


def _dinv_of(hist_ref):
    deg = hist_ref[0, :, 0:1] + hist_ref[1, :, 0:1] + 1.0
    return lax.rsqrt(deg)


def _pre_body(x_ref, w_ref, b_ref, hist_ref, h0_ref, g_ref):
    h = jnp.maximum(
        jnp.dot(x_ref[...], w_ref[...], preferred_element_type=jnp.float32)
        + b_ref[...], 0.0)
    dinv = _dinv_of(hist_ref)
    h0_ref[...] = h
    g_ref[...] = h * dinv


def _layer_body(beta, acc_ref, g_ref, h0_ref, hist_ref, w_ref, b_ref,
                h_ref, gout_ref):
    dinv = _dinv_of(hist_ref)
    hi = dinv * (acc_ref[0] + acc_ref[1] + g_ref[...])
    sup = (1.0 - ALPHA) * hi + ALPHA * h0_ref[...]
    out = (beta * jnp.dot(sup, w_ref[...], preferred_element_type=jnp.float32)
           + (1.0 - beta) * sup + b_ref[...])
    h = jnp.maximum(out, 0.0)
    h_ref[...] = h
    gout_ref[...] = h * dinv


def _out_body(h_ref, w_ref, b_ref, o_ref):
    o_ref[...] = (
        jnp.dot(h_ref[...], w_ref[...], preferred_element_type=jnp.float32)
        + b_ref[...])


_row_spec = pl.BlockSpec((_BLK, H), lambda i: (i, 0))
_mat_spec = pl.BlockSpec((H, H), lambda i: (0, 0))
_vec_spec = pl.BlockSpec((1, H), lambda i: (0, 0))
_hist_spec = pl.BlockSpec((NC, _BLK, 16), lambda i: (0, i, 0))
_acc_spec = pl.BlockSpec((NC, _BLK, H), lambda i: (0, i, 0))
_rows_out = jax.ShapeDtypeStruct((N, H), jnp.float32)


def _pre_call(x, w, b, hist):
    return pl.pallas_call(
        _pre_body,
        grid=(_GRID,),
        in_specs=[_row_spec, _mat_spec, _vec_spec, _hist_spec],
        out_specs=[_row_spec, _row_spec],
        out_shape=[_rows_out, _rows_out],
    )(x, w, b, hist)


def _layer_call(beta, acc, g, h0, hist, w, b):
    return pl.pallas_call(
        functools.partial(_layer_body, beta),
        grid=(_GRID,),
        in_specs=[_acc_spec, _row_spec, _row_spec, _hist_spec, _mat_spec,
                  _vec_spec],
        out_specs=[_row_spec, _row_spec],
        out_shape=[_rows_out, _rows_out],
    )(acc, g, h0, hist, w, b)


def _out_call(h, w, b):
    return pl.pallas_call(
        _out_body,
        grid=(_GRID,),
        in_specs=[_row_spec, _mat_spec, _vec_spec],
        out_specs=_row_spec,
        out_shape=_rows_out,
    )(h, w, b)


def kernel(x, edge_index, W_in, b_in, Wl, bl, W_out, b_out):
    src = edge_index[0]
    dst = edge_index[1]
    pad = E_PAD - E
    pad_hist = jnp.full((pad,), N, dtype=jnp.int32)
    pad_zero = jnp.zeros((pad,), dtype=jnp.int32)
    src_h = jnp.concatenate([src, pad_hist])
    src_g = jnp.concatenate([src, pad_zero])
    dst_p = jnp.concatenate([dst, pad_hist])

    b_in2 = b_in.reshape(1, H)
    w_out_p = jnp.pad(W_out, ((0, 0), (0, H - C)))
    b_out_p = jnp.pad(b_out, (0, H - C)).reshape(1, H)

    hist = _hist_kernel(src_h)
    h, g = _pre_call(x, W_in, b_in2, hist)
    h0 = h
    for i in range(L):
        beta = math.log(LAMDA / (i + 1) + 1.0)
        acc = _spmm_kernel(g, src_g, dst_p)
        h, g = _layer_call(beta, acc, g, h0, hist, Wl[i],
                           bl[i].reshape(1, H))
    out = _out_call(h, w_out_p, b_out_p)
    return out[:, :C]

# --- scband reference (transcript-rebuilt; emitter-appended) ---
"""Pipeline reference for scband-gcnii-17626545783193 (READ-ONLY COPY).

The authoritative reference and input builder live on the scoring server;
editing this copy changes nothing except your own understanding.
"""

import jax, jax.numpy as jnp
import numpy as np
import math

N = 10000
E = 320000
D = 128
H = 128
C = 40
L = 8
ALPHA = 0.1
LAMDA = 0.5


def setup_inputs(seed: int = 0) -> dict:
    key = jax.random.key(seed)
    ks = jax.random.split(key, 8)
    x = jax.random.normal(ks[0], (N, D), dtype=jnp.float32)
    edge_index = jax.random.randint(ks[1], (2, E), 0, N, dtype=jnp.int32)
    W_in = jax.random.normal(ks[2], (D, H), dtype=jnp.float32) * 0.05
    b_in = jnp.zeros((H,), dtype=jnp.float32)
    Wl = jax.random.normal(ks[3], (L, H, H), dtype=jnp.float32) * 0.05
    bl = jnp.zeros((L, H), dtype=jnp.float32)
    W_out = jax.random.normal(ks[4], (H, C), dtype=jnp.float32) * 0.05
    b_out = jnp.zeros((C,), dtype=jnp.float32)
    return {"x": x, "edge_index": edge_index, "W_in": W_in, "b_in": b_in,
            "Wl": Wl, "bl": bl, "W_out": W_out, "b_out": b_out}


def _gcn_norm(edge_index, num_nodes):
    # gcn_norm with add_self_loops=True, improved=False (fill_value=1)
    src = edge_index[0]
    dst = edge_index[1]
    loop = jnp.arange(num_nodes, dtype=edge_index.dtype)
    src = jnp.concatenate([src, loop])
    dst = jnp.concatenate([dst, loop])
    w = jnp.ones(src.shape[0], dtype=jnp.float32)
    deg = jax.ops.segment_sum(w, src, num_segments=num_nodes)
    deg_inv_sqrt = jnp.where(deg > 0, deg ** -0.5, 0.0)
    norm = deg_inv_sqrt[src] * w * deg_inv_sqrt[dst]
    return src, dst, norm


def reference(x, edge_index, W_in, b_in, Wl, bl, W_out, b_out):
    # GCNII forward in eval mode (dropout = identity), dataset != 'ogbn-arxiv' so no BN
    n = x.shape[0]
    src, dst, norm = _gcn_norm(edge_index, n)
    h = jax.nn.relu(jnp.dot(x, W_in) + b_in)
    h0 = h
    num_layers = Wl.shape[0]
    for i in range(num_layers):
        beta = math.log(LAMDA / (i + 1) + 1)
        # propagate: message = norm * x_j (gather from src), aggregate add at dst
        msg = norm[:, None] * h[src]
        hi = jax.ops.segment_sum(msg, dst, num_segments=n)
        # GCNIIdenseConv: support = (1-alpha)*P h + alpha*h0; out = beta*support@W + (1-beta)*support + bias
        support = (1.0 - ALPHA) * hi + ALPHA * h0
        out = beta * jnp.dot(support, Wl[i]) + (1.0 - beta) * support + bl[i]
        h = jax.nn.relu(out)
    return jnp.dot(h, W_out) + b_out

if __name__ == "__main__":
    import jax
    _d = setup_inputs()
    print(jax.jit(kernel)(*tuple(_d.values())))

</pallas_src>

<mosaic_0001>
#map = affine_map<(d0, d1) -> (0)>
#map1 = affine_map<(d0, d1) -> (0, 0, 0)>
module attributes {stable_mosaic.version = 14 : i64} {
  func.func @_hist_kernel(%arg0: i32, %arg1: i32, %arg2: memref<323584xi32, #tpu.memory_space<hbm>>, %arg3: memref<2x10240x16xf32, #tpu.memory_space<hbm>>, %arg4: memref<128xi32, #tpu.memory_space<vmem>>, %arg5: memref<128x16xf32, #tpu.memory_space<vmem>>, %arg6: memref<128x16xf32, #tpu.memory_space<vmem>>, %arg7: memref<10240x16xf32, #tpu.memory_space<vmem_shared>>) attributes {dimension_semantics = [#tpu.dimension_semantics<core_parallel>, #tpu.dimension_semantics<subcore_parallel>], iteration_bounds = array<i64: 2, 16>, scalar_prefetch = 0 : i64, scratch_operands = 4 : i64, tpu.core_type = #tpu.core_type<sc_vector_subcore>, window_params = [{transform_indices = #map}, {transform_indices = #map1}]} {
    %mul3A = arith.constant 16 : i32
    %mul3A_0 = arith.muli %arg0, %mul3A : i32
    %add3A = arith.addi %mul3A_0, %arg1 : i32
    %scan3A = arith.constant 0 : i32
    %scan3A_1 = arith.constant 0 : i32
    %scan3A_2 = arith.constant 128 : i32
    %scan3A_3 = arith.addi %scan3A_1, %scan3A_2 : i32
    %scan3A_4 = arith.constant 1 : i32
    %scan3A_5 = scf.for %scan3A_39 = %scan3A_1 to %scan3A_3 step %scan3A_4 iter_args(%scan3A_40 = %scan3A) -> (i32)  : i32 {
      %broadcast_in_dim3A = arith.constant 0.000000e+00 : f32
      %broadcast_in_dim3A_41 = vector.broadcast %broadcast_in_dim3A : f32 to vector<16xf32>
      %swap3A = arith.index_cast %scan3A_39 : i32 to index
      %swap3A_42 = arith.constant 0 : index
      %swap3A_43 = tpu.vector_load %arg6[%swap3A, %swap3A_42] {strides = array<i32>} : memref<128x16xf32, #tpu.memory_space<vmem>>, vector<1x16xf32>,
      %swap3A_44 = vector.shape_cast %swap3A_43 : vector<1x16xf32> to vector<16xf32>
      %swap3A_45 = vector.shape_cast %broadcast_in_dim3A_41 : vector<16xf32> to vector<1x16xf32>
      tpu.vector_store %arg6[%swap3A, %swap3A_42], %swap3A_45 {strides = array<i32>} : memref<128x16xf32, #tpu.memory_space<vmem>>, vector<1x16xf32>,
      %broadcast_in_dim3A_46 = arith.constant 1.000000e+00 : f32
      %broadcast_in_dim3A_47 = vector.broadcast %broadcast_in_dim3A_46 : f32 to vector<16xf32>
      %swap3A_48 = arith.index_cast %scan3A_39 : i32 to index
      %swap3A_49 = arith.constant 0 : index
      %swap3A_50 = tpu.vector_load %arg5[%swap3A_48, %swap3A_49] {strides = array<i32>} : memref<128x16xf32, #tpu.memory_space<vmem>>, vector<1x16xf32>,
      %swap3A_51 = vector.shape_cast %swap3A_50 : vector<1x16xf32> to vector<16xf32>
      %swap3A_52 = vector.shape_cast %broadcast_in_dim3A_47 : vector<16xf32> to vector<1x16xf32>
      tpu.vector_store %arg5[%swap3A_48, %swap3A_49], %swap3A_52 {strides = array<i32>} : memref<128x16xf32, #tpu.memory_space<vmem>>, vector<1x16xf32>,
      %scan3A_53 = arith.constant 0 : i32
      scf.yield %scan3A_53 : i32
    }
    %scan3A_6 = arith.constant 128 : i32
    %mul3A_7 = arith.constant 640 : i32
    %mul3A_8 = arith.muli %arg1, %mul3A_7 : i32
    %add3A_9 = arith.constant 0 : i32
    %add3A_10 = arith.addi %mul3A_8, %add3A_9 : i32
    "tpu.region"() ({
      %run_scoped3A = tpu.sem_alloc : memref<!tpu.dma_semaphore, #tpu.memory_space<semaphore_mem>>
      %dma_start3A = arith.constant 0 : i32
      %dma_start3A_39 = tpu.memref_slice %arg7[%add3A_10, %dma_start3A] : memref<10240x16xf32, #tpu.memory_space<vmem_shared>> -> memref<128x16xf32, #tpu.memory_space<vmem_shared>>
      %dma_start3A_40 = arith.constant 0 : i32
      %dma_start3A_41 = tpu.memref_slice %arg7[%add3A_10, %dma_start3A_40] : memref<10240x16xf32, #tpu.memory_space<vmem_shared>> -> memref<128x16xf32, #tpu.memory_space<vmem_shared>>
      tpu.enqueue_dma source(%arg6 : memref<128x16xf32, #tpu.memory_space<vmem>>) target(%dma_start3A_41 : memref<128x16xf32, #tpu.memory_space<vmem_shared>>) target_semaphore(%run_scoped3A : memref<!tpu.dma_semaphore, #tpu.memory_space<semaphore_mem>>)
      %dma_wait3A = arith.constant 0 : i32
      %dma_wait3A_42 = tpu.memref_slice %arg7[%add3A_10, %dma_wait3A] : memref<10240x16xf32, #tpu.memory_space<vmem_shared>> -> memref<128x16xf32, #tpu.memory_space<vmem_shared>>
      %dma_wait3A_43 = arith.constant 0 : i32
      %dma_wait3A_44 = tpu.memref_slice %arg7[%add3A_10, %dma_wait3A_43] : memref<10240x16xf32, #tpu.memory_space<vmem_shared>> -> memref<128x16xf32, #tpu.memory_space<vmem_shared>>
      tpu.wait_dma2 semaphore(%run_scoped3A : memref<!tpu.dma_semaphore, #tpu.memory_space<semaphore_mem>>) src(%arg6 : memref<128x16xf32, #tpu.memory_space<vmem>>) dst(%dma_wait3A_44 : memref<128x16xf32, #tpu.memory_space<vmem_shared>>)
      tpu.yield
    }) : () -> ()
    %mul3A_11 = arith.constant 640 : i32
    %mul3A_12 = arith.muli %arg1, %mul3A_11 : i32
    %add3A_13 = arith.constant 128 : i32
    %add3A_14 = arith.addi %mul3A_12, %add3A_13 : i32
    "tpu.region"() ({
      %run_scoped3A = tpu.sem_alloc : memref<!tpu.dma_semaphore, #tpu.memory_space<semaphore_mem>>
      %dma_start3A = arith.constant 0 : i32
      %dma_start3A_39 = tpu.memref_slice %arg7[%add3A_14, %dma_start3A] : memref<10240x16xf32, #tpu.memory_space<vmem_shared>> -> memref<128x16xf32, #tpu.memory_space<vmem_shared>>
      %dma_start3A_40 = arith.constant 0 : i32
      %dma_start3A_41 = tpu.memref_slice %arg7[%add3A_14, %dma_start3A_40] : memref<10240x16xf32, #tpu.memory_space<vmem_shared>> -> memref<128x16xf32, #tpu.memory_space<vmem_shared>>
      tpu.enqueue_dma source(%arg6 : memref<128x16xf32, #tpu.memory_space<vmem>>) target(%dma_start3A_41 : memref<128x16xf32, #tpu.memory_space<vmem_shared>>) target_semaphore(%run_scoped3A : memref<!tpu.dma_semaphore, #tpu.memory_space<semaphore_mem>>)
      %dma_wait3A = arith.constant 0 : i32
      %dma_wait3A_42 = tpu.memref_slice %arg7[%add3A_14, %dma_wait3A] : memref<10240x16xf32, #tpu.memory_space<vmem_shared>> -> memref<128x16xf32, #tpu.memory_space<vmem_shared>>
      %dma_wait3A_43 = arith.constant 0 : i32
      %dma_wait3A_44 = tpu.memref_slice %arg7[%add3A_14, %dma_wait3A_43] : memref<10240x16xf32, #tpu.memory_space<vmem_shared>> -> memref<128x16xf32, #tpu.memory_space<vmem_shared>>
      tpu.wait_dma2 semaphore(%run_scoped3A : memref<!tpu.dma_semaphore, #tpu.memory_space<semaphore_mem>>) src(%arg6 : memref<128x16xf32, #tpu.memory_space<vmem>>) dst(%dma_wait3A_44 : memref<128x16xf32, #tpu.memory_space<vmem_shared>>)
      tpu.yield
    }) : () -> ()
    %mul3A_15 = arith.constant 640 : i32
    %mul3A_16 = arith.muli %arg1, %mul3A_15 : i32
    %add3A_17 = arith.constant 256 : i32
    %add3A_18 = arith.addi %mul3A_16, %add3A_17 : i32
    "tpu.region"() ({
      %run_scoped3A = tpu.sem_alloc : memref<!tpu.dma_semaphore, #tpu.memory_space<semaphore_mem>>
      %dma_start3A = arith.constant 0 : i32
      %dma_start3A_39 = tpu.memref_slice %arg7[%add3A_18, %dma_start3A] : memref<10240x16xf32, #tpu.memory_space<vmem_shared>> -> memref<128x16xf32, #tpu.memory_space<vmem_shared>>
      %dma_start3A_40 = arith.constant 0 : i32
      %dma_start3A_41 = tpu.memref_slice %arg7[%add3A_18, %dma_start3A_40] : memref<10240x16xf32, #tpu.memory_space<vmem_shared>> -> memref<128x16xf32, #tpu.memory_space<vmem_shared>>
      tpu.enqueue_dma source(%arg6 : memref<128x16xf32, #tpu.memory_space<vmem>>) target(%dma_start3A_41 : memref<128x16xf32, #tpu.memory_space<vmem_shared>>) target_semaphore(%run_scoped3A : memref<!tpu.dma_semaphore, #tpu.memory_space<semaphore_mem>>)
      %dma_wait3A = arith.constant 0 : i32
      %dma_wait3A_42 = tpu.memref_slice %arg7[%add3A_18, %dma_wait3A] : memref<10240x16xf32, #tpu.memory_space<vmem_shared>> -> memref<128x16xf32, #tpu.memory_space<vmem_shared>>
      %dma_wait3A_43 = arith.constant 0 : i32
      %dma_wait3A_44 = tpu.memref_slice %arg7[%add3A_18, %dma_wait3A_43] : memref<10240x16xf32, #tpu.memory_space<vmem_shared>> -> memref<128x16xf32, #tpu.memory_space<vmem_shared>>
      tpu.wait_dma2 semaphore(%run_scoped3A : memref<!tpu.dma_semaphore, #tpu.memory_space<semaphore_mem>>) src(%arg6 : memref<128x16xf32, #tpu.memory_space<vmem>>) dst(%dma_wait3A_44 : memref<128x16xf32, #tpu.memory_space<vmem_shared>>)
      tpu.yield
    }) : () -> ()
    %mul3A_19 = arith.constant 640 : i32
    %mul3A_20 = arith.muli %arg1, %mul3A_19 : i32
    %add3A_21 = arith.constant 384 : i32
    %add3A_22 = arith.addi %mul3A_20, %add3A_21 : i32
    "tpu.region"() ({
      %run_scoped3A = tpu.sem_alloc : memref<!tpu.dma_semaphore, #tpu.memory_space<semaphore_mem>>
      %dma_start3A = arith.constant 0 : i32
      %dma_start3A_39 = tpu.memref_slice %arg7[%add3A_22, %dma_start3A] : memref<10240x16xf32, #tpu.memory_space<vmem_shared>> -> memref<128x16xf32, #tpu.memory_space<vmem_shared>>
      %dma_start3A_40 = arith.constant 0 : i32
      %dma_start3A_41 = tpu.memref_slice %arg7[%add3A_22, %dma_start3A_40] : memref<10240x16xf32, #tpu.memory_space<vmem_shared>> -> memref<128x16xf32, #tpu.memory_space<vmem_shared>>
      tpu.enqueue_dma source(%arg6 : memref<128x16xf32, #tpu.memory_space<vmem>>) target(%dma_start3A_41 : memref<128x16xf32, #tpu.memory_space<vmem_shared>>) target_semaphore(%run_scoped3A : memref<!tpu.dma_semaphore, #tpu.memory_space<semaphore_mem>>)
      %dma_wait3A = arith.constant 0 : i32
      %dma_wait3A_42 = tpu.memref_slice %arg7[%add3A_22, %dma_wait3A] : memref<10240x16xf32, #tpu.memory_space<vmem_shared>> -> memref<128x16xf32, #tpu.memory_space<vmem_shared>>
      %dma_wait3A_43 = arith.constant 0 : i32
      %dma_wait3A_44 = tpu.memref_slice %arg7[%add3A_22, %dma_wait3A_43] : memref<10240x16xf32, #tpu.memory_space<vmem_shared>> -> memref<128x16xf32, #tpu.memory_space<vmem_shared>>
      tpu.wait_dma2 semaphore(%run_scoped3A : memref<!tpu.dma_semaphore, #tpu.memory_space<semaphore_mem>>) src(%arg6 : memref<128x16xf32, #tpu.memory_space<vmem>>) dst(%dma_wait3A_44 : memref<128x16xf32, #tpu.memory_space<vmem_shared>>)
      tpu.yield
    }) : () -> ()
    %mul3A_23 = arith.constant 640 : i32
    %mul3A_24 = arith.muli %arg1, %mul3A_23 : i32
    %add3A_25 = arith.constant 512 : i32
    %add3A_26 = arith.addi %mul3A_24, %add3A_25 : i32
    "tpu.region"() ({
      %run_scoped3A = tpu.sem_alloc : memref<!tpu.dma_semaphore, #tpu.memory_space<semaphore_mem>>
      %dma_start3A = arith.constant 0 : i32
      %dma_start3A_39 = tpu.memref_slice %arg7[%add3A_26, %dma_start3A] : memref<10240x16xf32, #tpu.memory_space<vmem_shared>> -> memref<128x16xf32, #tpu.memory_space<vmem_shared>>
      %dma_start3A_40 = arith.constant 0 : i32
      %dma_start3A_41 = tpu.memref_slice %arg7[%add3A_26, %dma_start3A_40] : memref<10240x16xf32, #tpu.memory_space<vmem_shared>> -> memref<128x16xf32, #tpu.memory_space<vmem_shared>>
      tpu.enqueue_dma source(%arg6 : memref<128x16xf32, #tpu.memory_space<vmem>>) target(%dma_start3A_41 : memref<128x16xf32, #tpu.memory_space<vmem_shared>>) target_semaphore(%run_scoped3A : memref<!tpu.dma_semaphore, #tpu.memory_space<semaphore_mem>>)
      %dma_wait3A = arith.constant 0 : i32
      %dma_wait3A_42 = tpu.memref_slice %arg7[%add3A_26, %dma_wait3A] : memref<10240x16xf32, #tpu.memory_space<vmem_shared>> -> memref<128x16xf32, #tpu.memory_space<vmem_shared>>
      %dma_wait3A_43 = arith.constant 0 : i32
      %dma_wait3A_44 = tpu.memref_slice %arg7[%add3A_26, %dma_wait3A_43] : memref<10240x16xf32, #tpu.memory_space<vmem_shared>> -> memref<128x16xf32, #tpu.memory_space<vmem_shared>>
      tpu.wait_dma2 semaphore(%run_scoped3A : memref<!tpu.dma_semaphore, #tpu.memory_space<semaphore_mem>>) src(%arg6 : memref<128x16xf32, #tpu.memory_space<vmem>>) dst(%dma_wait3A_44 : memref<128x16xf32, #tpu.memory_space<vmem_shared>>)
      tpu.yield
    }) : () -> ()
    %barrier3A = arith.constant 0 : index
    tpu.barrier barrier_id(%barrier3A)
    %scan3A_27 = arith.constant 0 : i32
    %scan3A_28 = arith.constant 0 : i32
    %scan3A_29 = arith.constant 79 : i32
    %scan3A_30 = arith.addi %scan3A_28, %scan3A_29 : i32
    %scan3A_31 = arith.constant 1 : i32
    %scan3A_32 = scf.for %scan3A_39 = %scan3A_28 to %scan3A_30 step %scan3A_31 iter_args(%scan3A_40 = %scan3A_27) -> (i32)  : i32 {
      %mul3A_41 = arith.constant 10112 : i32
      %mul3A_42 = arith.muli %add3A, %mul3A_41 : i32
      %mul3A_43 = arith.constant 128 : i32
      %mul3A_44 = arith.muli %scan3A_39, %mul3A_43 : i32
      %add3A_45 = arith.addi %mul3A_42, %mul3A_44 : i32
      "tpu.region"() ({
        %run_scoped3A = tpu.sem_alloc : memref<!tpu.dma_semaphore, #tpu.memory_space<semaphore_mem>>
        %dma_start3A = tpu.memref_slice %arg2[%add3A_45] : memref<323584xi32, #tpu.memory_space<hbm>> -> memref<128xi32, #tpu.memory_space<hbm>>
        %dma_start3A_47 = tpu.memref_slice %arg2[%add3A_45] : memref<323584xi32, #tpu.memory_space<hbm>> -> memref<128xi32, #tpu.memory_space<hbm>>
        tpu.enqueue_dma source(%dma_start3A_47 : memref<128xi32, #tpu.memory_space<hbm>>) target(%arg4 : memref<128xi32, #tpu.memory_space<vmem>>) target_semaphore(%run_scoped3A : memref<!tpu.dma_semaphore, #tpu.memory_space<semaphore_mem>>)
        %dma_wait3A = tpu.memref_slice %arg2[%add3A_45] : memref<323584xi32, #tpu.memory_space<hbm>> -> memref<128xi32, #tpu.memory_space<hbm>>
        %dma_wait3A_48 = tpu.memref_slice %arg2[%add3A_45] : memref<323584xi32, #tpu.memory_space<hbm>> -> memref<128xi32, #tpu.memory_space<hbm>>
        tpu.wait_dma2 semaphore(%run_scoped3A : memref<!tpu.dma_semaphore, #tpu.memory_space<semaphore_mem>>) src(%dma_wait3A_48 : memref<128xi32, #tpu.memory_space<hbm>>) dst(%arg4 : memref<128xi32, #tpu.memory_space<vmem>>)
        tpu.yield
      }) : () -> ()
      "tpu.region"() ({
        %run_scoped3A = tpu.sem_alloc : memref<!tpu.dma_semaphore, #tpu.memory_space<semaphore_mem>>
        %dma_start3A = arith.constant 0 : i32
        %dma_start3A_47 = arith.constant 0 : i32
        %dma_start3A_48 = tpu.memref_slice %arg7[%dma_start3A, %dma_start3A_47] : memref<10240x16xf32, #tpu.memory_space<vmem_shared>> -> memref<10240x16xf32, #tpu.memory_space<vmem_shared>>
        tpu.enqueue_indirect_dma source(%arg5 : memref<128x16xf32, #tpu.memory_space<vmem>>) target(%dma_start3A_48 : memref<10240x16xf32, #tpu.memory_space<vmem_shared>>) offsets(%arg4 : memref<128xi32, #tpu.memory_space<vmem>>) semaphore(%run_scoped3A : memref<!tpu.dma_semaphore, #tpu.memory_space<semaphore_mem>>) {add = true}
        %dma_wait3A = arith.constant 0 : i32
        %dma_wait3A_49 = arith.constant 0 : i32
        %dma_wait3A_50 = tpu.memref_slice %arg7[%dma_wait3A, %dma_wait3A_49] : memref<10240x16xf32, #tpu.memory_space<vmem_shared>> -> memref<10240x16xf32, #tpu.memory_space<vmem_shared>>
        tpu.wait_indirect_dma semaphore(%run_scoped3A : memref<!tpu.dma_semaphore, #tpu.memory_space<semaphore_mem>>) src(%arg5 : memref<128x16xf32, #tpu.memory_space<vmem>>) dst(%dma_wait3A_50 : memref<10240x16xf32, #tpu.memory_space<vmem_shared>>)
        tpu.yield
      }) : () -> ()
      %scan3A_46 = arith.constant 0 : i32
      scf.yield %scan3A_46 : i32
    }
    %scan3A_33 = arith.constant 79 : i32
    %barrier3A_34 = arith.constant 0 : index
    tpu.barrier barrier_id(%barrier3A_34)
    %mul3A_35 = arith.constant 640 : i32
    %mul3A_36 = arith.muli %arg1, %mul3A_35 : i32
    %mul3A_37 = arith.constant 640 : i32
    %mul3A_38 = arith.muli %arg1, %mul3A_37 : i32
    "tpu.region"() ({
      %run_scoped3A = tpu.sem_alloc : memref<!tpu.dma_semaphore, #tpu.memory_space<semaphore_mem>>
      %dma_start3A = arith.constant 0 : i32
      %dma_start3A_39 = tpu.memref_slice %arg3[%arg0, %mul3A_38, %dma_start3A] : memref<2x10240x16xf32, #tpu.memory_space<hbm>> -> memref<1x640x16xf32, #tpu.memory_space<hbm>>
      %dma_start3A_40 = tpu.memref_squeeze %dma_start3A_39 : memref<1x640x16xf32, #tpu.memory_space<hbm>> -> memref<640x16xf32, #tpu.memory_space<hbm>>
      %dma_start3A_41 = arith.constant 0 : i32
      %dma_start3A_42 = tpu.memref_slice %arg7[%mul3A_36, %dma_start3A_41] : memref<10240x16xf32, #tpu.memory_space<vmem_shared>> -> memref<640x16xf32, #tpu.memory_space<vmem_shared>>
      tpu.enqueue_dma source(%dma_start3A_42 : memref<640x16xf32, #tpu.memory_space<vmem_shared>>) target(%dma_start3A_40 : memref<640x16xf32, #tpu.memory_space<hbm>>) target_semaphore(%run_scoped3A : memref<!tpu.dma_semaphore, #tpu.memory_space<semaphore_mem>>)
      %dma_wait3A = arith.constant 0 : i32
      %dma_wait3A_43 = tpu.memref_slice %arg3[%arg0, %mul3A_38, %dma_wait3A] : memref<2x10240x16xf32, #tpu.memory_space<hbm>> -> memref<1x640x16xf32, #tpu.memory_space<hbm>>
      %dma_wait3A_44 = tpu.memref_squeeze %dma_wait3A_43 : memref<1x640x16xf32, #tpu.memory_space<hbm>> -> memref<640x16xf32, #tpu.memory_space<hbm>>
      %dma_wait3A_45 = arith.constant 0 : i32
      %dma_wait3A_46 = tpu.memref_slice %arg7[%mul3A_36, %dma_wait3A_45] : memref<10240x16xf32, #tpu.memory_space<vmem_shared>> -> memref<640x16xf32, #tpu.memory_space<vmem_shared>>
      tpu.wait_dma2 semaphore(%run_scoped3A : memref<!tpu.dma_semaphore, #tpu.memory_space<semaphore_mem>>) src(%dma_wait3A_46 : memref<640x16xf32, #tpu.memory_space<vmem_shared>>) dst(%dma_wait3A_44 : memref<640x16xf32, #tpu.memory_space<hbm>>)
      tpu.yield
    }) : () -> ()
    return
  }
}

#map = affine_map<(d0, d1) -> (0, 0)>
#map1 = affine_map<(d0, d1) -> (0)>
#map2 = affine_map<(d0, d1) -> (0, 0, 0)>
module attributes {stable_mosaic.version = 14 : i64} {
  func.func @_spmm_kernel(%arg0: i32, %arg1: i32, %arg2: memref<10000x128xf32, #tpu.memory_space<hbm>>, %arg3: memref<323584xi32, #tpu.memory_space<hbm>>, %arg4: memref<323584xi32, #tpu.memory_space<hbm>>, %arg5: memref<2x10240x128xf32, #tpu.memory_space<hbm>>, %arg6: memref<128xi32, #tpu.memory_space<vmem>>, %arg7: memref<128xi32, #tpu.memory_space<vmem>>, %arg8: memref<128x128xf32, #tpu.memory_space<vmem>>, %arg9: memref<128x128xf32, #tpu.memory_space<vmem>>, %arg10: memref<10240x128xf32, #tpu.memory_space<vmem_shared>>, %arg11: memref<!tpu.dma_semaphore, #tpu.memory_space<semaphore_mem>>) attributes {dimension_semantics = [#tpu.dimension_semantics<core_parallel>, #tpu.dimension_semantics<subcore_parallel>], iteration_bounds = array<i64: 2, 16>, scalar_prefetch = 0 : i64, scratch_operands = 6 : i64, tpu.core_type = #tpu.core_type<sc_vector_subcore>, window_params = [{transform_indices = #map}, {transform_indices = #map1}, {transform_indices = #map1}, {transform_indices = #map2}]} {
    %mul3A = arith.constant 16 : i32
    %mul3A_0 = arith.muli %arg0, %mul3A : i32
    %add3A = arith.addi %mul3A_0, %arg1 : i32
    %scan3A = arith.constant 0 : i32
    %scan3A_1 = arith.constant 0 : i32
    %scan3A_2 = arith.constant 128 : i32
    %scan3A_3 = arith.addi %scan3A_1, %scan3A_2 : i32
    %scan3A_4 = arith.constant 1 : i32
    %scan3A_5 = scf.for %scan3A_39 = %scan3A_1 to %scan3A_3 step %scan3A_4 iter_args(%scan3A_40 = %scan3A) -> (i32)  : i32 {
      %broadcast_in_dim3A = arith.constant 0.000000e+00 : f32
      %broadcast_in_dim3A_41 = vector.broadcast %broadcast_in_dim3A : f32 to vector<16xf32>
      %swap3A = arith.index_cast %scan3A_39 : i32 to index
      %swap3A_42 = arith.constant 0 : index
      %swap3A_43 = tpu.vector_load %arg9[%swap3A, %swap3A_42] {strides = array<i32>} : memref<128x128xf32, #tpu.memory_space<vmem>>, vector<1x16xf32>,
      %swap3A_44 = vector.shape_cast %swap3A_43 : vector<1x16xf32> to vector<16xf32>
      %swap3A_45 = vector.shape_cast %broadcast_in_dim3A_41 : vector<16xf32> to vector<1x16xf32>
      tpu.vector_store %arg9[%swap3A, %swap3A_42], %swap3A_45 {strides = array<i32>} : memref<128x128xf32, #tpu.memory_space<vmem>>, vector<1x16xf32>,
      %broadcast_in_dim3A_46 = arith.constant 0.000000e+00 : f32
      %broadcast_in_dim3A_47 = vector.broadcast %broadcast_in_dim3A_46 : f32 to vector<16xf32>
      %swap3A_48 = arith.index_cast %scan3A_39 : i32 to index
      %swap3A_49 = arith.constant 16 : index
      %swap3A_50 = tpu.vector_load %arg9[%swap3A_48, %swap3A_49] {strides = array<i32>} : memref<128x128xf32, #tpu.memory_space<vmem>>, vector<1x16xf32>,
      %swap3A_51 = vector.shape_cast %swap3A_50 : vector<1x16xf32> to vector<16xf32>
      %swap3A_52 = vector.shape_cast %broadcast_in_dim3A_47 : vector<16xf32> to vector<1x16xf32>
      tpu.vector_store %arg9[%swap3A_48, %swap3A_49], %swap3A_52 {strides = array<i32>} : memref<128x128xf32, #tpu.memory_space<vmem>>, vector<1x16xf32>,
      %broadcast_in_dim3A_53 = arith.constant 0.000000e+00 : f32
      %broadcast_in_dim3A_54 = vector.broadcast %broadcast_in_dim3A_53 : f32 to vector<16xf32>
      %swap3A_55 = arith.index_cast %scan3A_39 : i32 to index
      %swap3A_56 = arith.constant 32 : index
      %swap3A_57 = tpu.vector_load %arg9[%swap3A_55, %swap3A_56] {strides = array<i32>} : memref<128x128xf32, #tpu.memory_space<vmem>>, vector<1x16xf32>,
      %swap3A_58 = vector.shape_cast %swap3A_57 : vector<1x16xf32> to vector<16xf32>
      %swap3A_59 = vector.shape_cast %broadcast_in_dim3A_54 : vector<16xf32> to vector<1x16xf32>
      tpu.vector_store %arg9[%swap3A_55, %swap3A_56], %swap3A_59 {strides = array<i32>} : memref<128x128xf32, #tpu.memory_space<vmem>>, vector<1x16xf32>,
      %broadcast_in_dim3A_60 = arith.constant 0.000000e+00 : f32
      %broadcast_in_dim3A_61 = vector.broadcast %broadcast_in_dim3A_60 : f32 to vector<16xf32>
      %swap3A_62 = arith.index_cast %scan3A_39 : i32 to index
      %swap3A_63 = arith.constant 48 : index
      %swap3A_64 = tpu.vector_load %arg9[%swap3A_62, %swap3A_63] {strides = array<i32>} : memref<128x128xf32, #tpu.memory_space<vmem>>, vector<1x16xf32>,
      %swap3A_65 = vector.shape_cast %swap3A_64 : vector<1x16xf32> to vector<16xf32>
      %swap3A_66 = vector.shape_cast %broadcast_in_dim3A_61 : vector<16xf32> to vector<1x16xf32>
      tpu.vector_store %arg9[%swap3A_62, %swap3A_63], %swap3A_66 {strides = array<i32>} : memref<128x128xf32, #tpu.memory_space<vmem>>, vector<1x16xf32>,
      %broadcast_in_dim3A_67 = arith.constant 0.000000e+00 : f32
      %broadcast_in_dim3A_68 = vector.broadcast %broadcast_in_dim3A_67 : f32 to vector<16xf32>
      %swap3A_69 = arith.index_cast %scan3A_39 : i32 to index
      %swap3A_70 = arith.constant 64 : index
      %swap3A_71 = tpu.vector_load %arg9[%swap3A_69, %swap3A_70] {strides = array<i32>} : memref<128x128xf32, #tpu.memory_space<vmem>>, vector<1x16xf32>,
      %swap3A_72 = vector.shape_cast %swap3A_71 : vector<1x16xf32> to vector<16xf32>
      %swap3A_73 = vector.shape_cast %broadcast_in_dim3A_68 : vector<16xf32> to vector<1x16xf32>
      tpu.vector_store %arg9[%swap3A_69, %swap3A_70], %swap3A_73 {strides = array<i32>} : memref<128x128xf32, #tpu.memory_space<vmem>>, vector<1x16xf32>,
      %broadcast_in_dim3A_74 = arith.constant 0.000000e+00 : f32
      %broadcast_in_dim3A_75 = vector.broadcast %broadcast_in_dim3A_74 : f32 to vector<16xf32>
      %swap3A_76 = arith.index_cast %scan3A_39 : i32 to index
      %swap3A_77 = arith.constant 80 : index
      %swap3A_78 = tpu.vector_load %arg9[%swap3A_76, %swap3A_77] {strides = array<i32>} : memref<128x128xf32, #tpu.memory_space<vmem>>, vector<1x16xf32>,
      %swap3A_79 = vector.shape_cast %swap3A_78 : vector<1x16xf32> to vector<16xf32>
      %swap3A_80 = vector.shape_cast %broadcast_in_dim3A_75 : vector<16xf32> to vector<1x16xf32>
      tpu.vector_store %arg9[%swap3A_76, %swap3A_77], %swap3A_80 {strides = array<i32>} : memref<128x128xf32, #tpu.memory_space<vmem>>, vector<1x16xf32>,
      %broadcast_in_dim3A_81 = arith.constant 0.000000e+00 : f32
      %broadcast_in_dim3A_82 = vector.broadcast %broadcast_in_dim3A_81 : f32 to vector<16xf32>
      %swap3A_83 = arith.index_cast %scan3A_39 : i32 to index
      %swap3A_84 = arith.constant 96 : index
      %swap3A_85 = tpu.vector_load %arg9[%swap3A_83, %swap3A_84] {strides = array<i32>} : memref<128x128xf32, #tpu.memory_space<vmem>>, vector<1x16xf32>,
      %swap3A_86 = vector.shape_cast %swap3A_85 : vector<1x16xf32> to vector<16xf32>
      %swap3A_87 = vector.shape_cast %broadcast_in_dim3A_82 : vector<16xf32> to vector<1x16xf32>
      tpu.vector_store %arg9[%swap3A_83, %swap3A_84], %swap3A_87 {strides = array<i32>} : memref<128x128xf32, #tpu.memory_space<vmem>>, vector<1x16xf32>,
      %broadcast_in_dim3A_88 = arith.constant 0.000000e+00 : f32
      %broadcast_in_dim3A_89 = vector.broadcast %broadcast_in_dim3A_88 : f32 to vector<16xf32>
      %swap3A_90 = arith.index_cast %scan3A_39 : i32 to index
      %swap3A_91 = arith.constant 112 : index
      %swap3A_92 = tpu.vector_load %arg9[%swap3A_90, %swap3A_91] {strides = array<i32>} : memref<128x128xf32, #tpu.memory_space<vmem>>, vector<1x16xf32>,
      %swap3A_93 = vector.shape_cast %swap3A_92 : vector<1x16xf32> to vector<16xf32>
      %swap3A_94 = vector.shape_cast %broadcast_in_dim3A_89 : vector<16xf32> to vector<1x16xf32>
      tpu.vector_store %arg9[%swap3A_90, %swap3A_91], %swap3A_94 {strides = array<i32>} : memref<128x128xf32, #tpu.memory_space<vmem>>, vector<1x16xf32>,
      %scan3A_95 = arith.constant 0 : i32
      scf.yield %scan3A_95 : i32
    }
    %scan3A_6 = arith.constant 128 : i32
    %mul3A_7 = arith.constant 640 : i32
    %mul3A_8 = arith.muli %arg1, %mul3A_7 : i32
    %add3A_9 = arith.constant 0 : i32
    %add3A_10 = arith.addi %mul3A_8, %add3A_9 : i32
    "tpu.region"() ({
      %run_scoped3A = tpu.sem_alloc : memref<!tpu.dma_semaphore, #tpu.memory_space<semaphore_mem>>
      %dma_start3A = arith.constant 0 : i32
      %dma_start3A_39 = tpu.memref_slice %arg10[%add3A_10, %dma_start3A] : memref<10240x128xf32, #tpu.memory_space<vmem_shared>> -> memref<128x128xf32, #tpu.memory_space<vmem_shared>>
      %dma_start3A_40 = arith.constant 0 : i32
      %dma_start3A_41 = tpu.memref_slice %arg10[%add3A_10, %dma_start3A_40] : memref<10240x128xf32, #tpu.memory_space<vmem_shared>> -> memref<128x128xf32, #tpu.memory_space<vmem_shared>>
      tpu.enqueue_dma source(%arg9 : memref<128x128xf32, #tpu.memory_space<vmem>>) target(%dma_start3A_41 : memref<128x128xf32, #tpu.memory_space<vmem_shared>>) target_semaphore(%run_scoped3A : memref<!tpu.dma_semaphore, #tpu.memory_space<semaphore_mem>>)
      %dma_wait3A = arith.constant 0 : i32
      %dma_wait3A_42 = tpu.memref_slice %arg10[%add3A_10, %dma_wait3A] : memref<10240x128xf32, #tpu.memory_space<vmem_shared>> -> memref<128x128xf32, #tpu.memory_space<vmem_shared>>
      %dma_wait3A_43 = arith.constant 0 : i32
      %dma_wait3A_44 = tpu.memref_slice %arg10[%add3A_10, %dma_wait3A_43] : memref<10240x128xf32, #tpu.memory_space<vmem_shared>> -> memref<128x128xf32, #tpu.memory_space<vmem_shared>>
      tpu.wait_dma2 semaphore(%run_scoped3A : memref<!tpu.dma_semaphore, #tpu.memory_space<semaphore_mem>>) src(%arg9 : memref<128x128xf32, #tpu.memory_space<vmem>>) dst(%dma_wait3A_44 : memref<128x128xf32, #tpu.memory_space<vmem_shared>>)
      tpu.yield
    }) : () -> ()
    %mul3A_11 = arith.constant 640 : i32
    %mul3A_12 = arith.muli %arg1, %mul3A_11 : i32
    %add3A_13 = arith.constant 128 : i32
    %add3A_14 = arith.addi %mul3A_12, %add3A_13 : i32
    "tpu.region"() ({
      %run_scoped3A = tpu.sem_alloc : memref<!tpu.dma_semaphore, #tpu.memory_space<semaphore_mem>>
      %dma_start3A = arith.constant 0 : i32
      %dma_start3A_39 = tpu.memref_slice %arg10[%add3A_14, %dma_start3A] : memref<10240x128xf32, #tpu.memory_space<vmem_shared>> -> memref<128x128xf32, #tpu.memory_space<vmem_shared>>
      %dma_start3A_40 = arith.constant 0 : i32
      %dma_start3A_41 = tpu.memref_slice %arg10[%add3A_14, %dma_start3A_40] : memref<10240x128xf32, #tpu.memory_space<vmem_shared>> -> memref<128x128xf32, #tpu.memory_space<vmem_shared>>
      tpu.enqueue_dma source(%arg9 : memref<128x128xf32, #tpu.memory_space<vmem>>) target(%dma_start3A_41 : memref<128x128xf32, #tpu.memory_space<vmem_shared>>) target_semaphore(%run_scoped3A : memref<!tpu.dma_semaphore, #tpu.memory_space<semaphore_mem>>)
      %dma_wait3A = arith.constant 0 : i32
      %dma_wait3A_42 = tpu.memref_slice %arg10[%add3A_14, %dma_wait3A] : memref<10240x128xf32, #tpu.memory_space<vmem_shared>> -> memref<128x128xf32, #tpu.memory_space<vmem_shared>>
      %dma_wait3A_43 = arith.constant 0 : i32
      %dma_wait3A_44 = tpu.memref_slice %arg10[%add3A_14, %dma_wait3A_43] : memref<10240x128xf32, #tpu.memory_space<vmem_shared>> -> memref<128x128xf32, #tpu.memory_space<vmem_shared>>
      tpu.wait_dma2 semaphore(%run_scoped3A : memref<!tpu.dma_semaphore, #tpu.memory_space<semaphore_mem>>) src(%arg9 : memref<128x128xf32, #tpu.memory_space<vmem>>) dst(%dma_wait3A_44 : memref<128x128xf32, #tpu.memory_space<vmem_shared>>)
      tpu.yield
    }) : () -> ()
    %mul3A_15 = arith.constant 640 : i32
    %mul3A_16 = arith.muli %arg1, %mul3A_15 : i32
    %add3A_17 = arith.constant 256 : i32
    %add3A_18 = arith.addi %mul3A_16, %add3A_17 : i32
    "tpu.region"() ({
      %run_scoped3A = tpu.sem_alloc : memref<!tpu.dma_semaphore, #tpu.memory_space<semaphore_mem>>
      %dma_start3A = arith.constant 0 : i32
      %dma_start3A_39 = tpu.memref_slice %arg10[%add3A_18, %dma_start3A] : memref<10240x128xf32, #tpu.memory_space<vmem_shared>> -> memref<128x128xf32, #tpu.memory_space<vmem_shared>>
      %dma_start3A_40 = arith.constant 0 : i32
      %dma_start3A_41 = tpu.memref_slice %arg10[%add3A_18, %dma_start3A_40] : memref<10240x128xf32, #tpu.memory_space<vmem_shared>> -> memref<128x128xf32, #tpu.memory_space<vmem_shared>>
      tpu.enqueue_dma source(%arg9 : memref<128x128xf32, #tpu.memory_space<vmem>>) target(%dma_start3A_41 : memref<128x128xf32, #tpu.memory_space<vmem_shared>>) target_semaphore(%run_scoped3A : memref<!tpu.dma_semaphore, #tpu.memory_space<semaphore_mem>>)
      %dma_wait3A = arith.constant 0 : i32
      %dma_wait3A_42 = tpu.memref_slice %arg10[%add3A_18, %dma_wait3A] : memref<10240x128xf32, #tpu.memory_space<vmem_shared>> -> memref<128x128xf32, #tpu.memory_space<vmem_shared>>
      %dma_wait3A_43 = arith.constant 0 : i32
      %dma_wait3A_44 = tpu.memref_slice %arg10[%add3A_18, %dma_wait3A_43] : memref<10240x128xf32, #tpu.memory_space<vmem_shared>> -> memref<128x128xf32, #tpu.memory_space<vmem_shared>>
      tpu.wait_dma2 semaphore(%run_scoped3A : memref<!tpu.dma_semaphore, #tpu.memory_space<semaphore_mem>>) src(%arg9 : memref<128x128xf32, #tpu.memory_space<vmem>>) dst(%dma_wait3A_44 : memref<128x128xf32, #tpu.memory_space<vmem_shared>>)
      tpu.yield
    }) : () -> ()
    %mul3A_19 = arith.constant 640 : i32
    %mul3A_20 = arith.muli %arg1, %mul3A_19 : i32
    %add3A_21 = arith.constant 384 : i32
    %add3A_22 = arith.addi %mul3A_20, %add3A_21 : i32
    "tpu.region"() ({
      %run_scoped3A = tpu.sem_alloc : memref<!tpu.dma_semaphore, #tpu.memory_space<semaphore_mem>>
      %dma_start3A = arith.constant 0 : i32
      %dma_start3A_39 = tpu.memref_slice %arg10[%add3A_22, %dma_start3A] : memref<10240x128xf32, #tpu.memory_space<vmem_shared>> -> memref<128x128xf32, #tpu.memory_space<vmem_shared>>
      %dma_start3A_40 = arith.constant 0 : i32
      %dma_start3A_41 = tpu.memref_slice %arg10[%add3A_22, %dma_start3A_40] : memref<10240x128xf32, #tpu.memory_space<vmem_shared>> -> memref<128x128xf32, #tpu.memory_space<vmem_shared>>
      tpu.enqueue_dma source(%arg9 : memref<128x128xf32, #tpu.memory_space<vmem>>) target(%dma_start3A_41 : memref<128x128xf32, #tpu.memory_space<vmem_shared>>) target_semaphore(%run_scoped3A : memref<!tpu.dma_semaphore, #tpu.memory_space<semaphore_mem>>)
      %dma_wait3A = arith.constant 0 : i32
      %dma_wait3A_42 = tpu.memref_slice %arg10[%add3A_22, %dma_wait3A] : memref<10240x128xf32, #tpu.memory_space<vmem_shared>> -> memref<128x128xf32, #tpu.memory_space<vmem_shared>>
      %dma_wait3A_43 = arith.constant 0 : i32
      %dma_wait3A_44 = tpu.memref_slice %arg10[%add3A_22, %dma_wait3A_43] : memref<10240x128xf32, #tpu.memory_space<vmem_shared>> -> memref<128x128xf32, #tpu.memory_space<vmem_shared>>
      tpu.wait_dma2 semaphore(%run_scoped3A : memref<!tpu.dma_semaphore, #tpu.memory_space<semaphore_mem>>) src(%arg9 : memref<128x128xf32, #tpu.memory_space<vmem>>) dst(%dma_wait3A_44 : memref<128x128xf32, #tpu.memory_space<vmem_shared>>)
      tpu.yield
    }) : () -> ()
    %mul3A_23 = arith.constant 640 : i32
    %mul3A_24 = arith.muli %arg1, %mul3A_23 : i32
    %add3A_25 = arith.constant 512 : i32
    %add3A_26 = arith.addi %mul3A_24, %add3A_25 : i32
    "tpu.region"() ({
      %run_scoped3A = tpu.sem_alloc : memref<!tpu.dma_semaphore, #tpu.memory_space<semaphore_mem>>
      %dma_start3A = arith.constant 0 : i32
      %dma_start3A_39 = tpu.memref_slice %arg10[%add3A_26, %dma_start3A] : memref<10240x128xf32, #tpu.memory_space<vmem_shared>> -> memref<128x128xf32, #tpu.memory_space<vmem_shared>>
      %dma_start3A_40 = arith.constant 0 : i32
      %dma_start3A_41 = tpu.memref_slice %arg10[%add3A_26, %dma_start3A_40] : memref<10240x128xf32, #tpu.memory_space<vmem_shared>> -> memref<128x128xf32, #tpu.memory_space<vmem_shared>>
      tpu.enqueue_dma source(%arg9 : memref<128x128xf32, #tpu.memory_space<vmem>>) target(%dma_start3A_41 : memref<128x128xf32, #tpu.memory_space<vmem_shared>>) target_semaphore(%run_scoped3A : memref<!tpu.dma_semaphore, #tpu.memory_space<semaphore_mem>>)
      %dma_wait3A = arith.constant 0 : i32
      %dma_wait3A_42 = tpu.memref_slice %arg10[%add3A_26, %dma_wait3A] : memref<10240x128xf32, #tpu.memory_space<vmem_shared>> -> memref<128x128xf32, #tpu.memory_space<vmem_shared>>
      %dma_wait3A_43 = arith.constant 0 : i32
      %dma_wait3A_44 = tpu.memref_slice %arg10[%add3A_26, %dma_wait3A_43] : memref<10240x128xf32, #tpu.memory_space<vmem_shared>> -> memref<128x128xf32, #tpu.memory_space<vmem_shared>>
      tpu.wait_dma2 semaphore(%run_scoped3A : memref<!tpu.dma_semaphore, #tpu.memory_space<semaphore_mem>>) src(%arg9 : memref<128x128xf32, #tpu.memory_space<vmem>>) dst(%dma_wait3A_44 : memref<128x128xf32, #tpu.memory_space<vmem_shared>>)
      tpu.yield
    }) : () -> ()
    %barrier3A = arith.constant 0 : index
    tpu.barrier barrier_id(%barrier3A)
    %scan3A_27 = arith.constant 0 : i32
    %scan3A_28 = arith.constant 0 : i32
    %scan3A_29 = arith.constant 79 : i32
    %scan3A_30 = arith.addi %scan3A_28, %scan3A_29 : i32
    %scan3A_31 = arith.constant 1 : i32
    %scan3A_32 = scf.for %scan3A_39 = %scan3A_28 to %scan3A_30 step %scan3A_31 iter_args(%scan3A_40 = %scan3A_27) -> (i32)  : i32 {
      %mul3A_41 = arith.constant 10112 : i32
      %mul3A_42 = arith.muli %add3A, %mul3A_41 : i32
      %mul3A_43 = arith.constant 128 : i32
      %mul3A_44 = arith.muli %scan3A_39, %mul3A_43 : i32
      %add3A_45 = arith.addi %mul3A_42, %mul3A_44 : i32
      "tpu.region"() ({
        %run_scoped3A = tpu.sem_alloc : memref<!tpu.dma_semaphore, #tpu.memory_space<semaphore_mem>>
        %dma_start3A_51 = tpu.memref_slice %arg3[%add3A_45] : memref<323584xi32, #tpu.memory_space<hbm>> -> memref<128xi32, #tpu.memory_space<hbm>>
        %dma_start3A_52 = tpu.memref_slice %arg3[%add3A_45] : memref<323584xi32, #tpu.memory_space<hbm>> -> memref<128xi32, #tpu.memory_space<hbm>>
        tpu.enqueue_dma source(%dma_start3A_52 : memref<128xi32, #tpu.memory_space<hbm>>) target(%arg6 : memref<128xi32, #tpu.memory_space<vmem>>) target_semaphore(%run_scoped3A : memref<!tpu.dma_semaphore, #tpu.memory_space<semaphore_mem>>)
        %dma_wait3A_53 = tpu.memref_slice %arg3[%add3A_45] : memref<323584xi32, #tpu.memory_space<hbm>> -> memref<128xi32, #tpu.memory_space<hbm>>
        %dma_wait3A_54 = tpu.memref_slice %arg3[%add3A_45] : memref<323584xi32, #tpu.memory_space<hbm>> -> memref<128xi32, #tpu.memory_space<hbm>>
        tpu.wait_dma2 semaphore(%run_scoped3A : memref<!tpu.dma_semaphore, #tpu.memory_space<semaphore_mem>>) src(%dma_wait3A_54 : memref<128xi32, #tpu.memory_space<hbm>>) dst(%arg6 : memref<128xi32, #tpu.memory_space<vmem>>)
        tpu.yield
      }) : () -> ()
      "tpu.region"() ({
        %run_scoped3A = tpu.sem_alloc : memref<!tpu.dma_semaphore, #tpu.memory_space<semaphore_mem>>
        %dma_start3A_51 = tpu.memref_slice %arg4[%add3A_45] : memref<323584xi32, #tpu.memory_space<hbm>> -> memref<128xi32, #tpu.memory_space<hbm>>
        %dma_start3A_52 = tpu.memref_slice %arg4[%add3A_45] : memref<323584xi32, #tpu.memory_space<hbm>> -> memref<128xi32, #tpu.memory_space<hbm>>
        tpu.enqueue_dma source(%dma_start3A_52 : memref<128xi32, #tpu.memory_space<hbm>>) target(%arg7 : memref<128xi32, #tpu.memory_space<vmem>>) target_semaphore(%run_scoped3A : memref<!tpu.dma_semaphore, #tpu.memory_space<semaphore_mem>>)
        %dma_wait3A_53 = tpu.memref_slice %arg4[%add3A_45] : memref<323584xi32, #tpu.memory_space<hbm>> -> memref<128xi32, #tpu.memory_space<hbm>>
        %dma_wait3A_54 = tpu.memref_slice %arg4[%add3A_45] : memref<323584xi32, #tpu.memory_space<hbm>> -> memref<128xi32, #tpu.memory_space<hbm>>
        tpu.wait_dma2 semaphore(%run_scoped3A : memref<!tpu.dma_semaphore, #tpu.memory_space<semaphore_mem>>) src(%dma_wait3A_54 : memref<128xi32, #tpu.memory_space<hbm>>) dst(%arg7 : memref<128xi32, #tpu.memory_space<vmem>>)
        tpu.yield
      }) : () -> ()
      %dma_start3A = arith.constant 0 : i32
      %dma_start3A_46 = arith.constant 0 : i32
      %dma_start3A_47 = tpu.memref_slice %arg2[%dma_start3A, %dma_start3A_46] : memref<10000x128xf32, #tpu.memory_space<hbm>> -> memref<10000x128xf32, #tpu.memory_space<hbm>>
      tpu.enqueue_indirect_dma source(%dma_start3A_47 : memref<10000x128xf32, #tpu.memory_space<hbm>>) target(%arg8 : memref<128x128xf32, #tpu.memory_space<vmem>>) offsets(%arg6 : memref<128xi32, #tpu.memory_space<vmem>>) semaphore(%arg11 : memref<!tpu.dma_semaphore, #tpu.memory_space<semaphore_mem>>)
      %dma_wait3A = arith.constant 0 : i32
      %dma_wait3A_48 = arith.constant 0 : i32
      %dma_wait3A_49 = tpu.memref_slice %arg2[%dma_wait3A, %dma_wait3A_48] : memref<10000x128xf32, #tpu.memory_space<hbm>> -> memref<10000x128xf32, #tpu.memory_space<hbm>>
      tpu.wait_indirect_dma semaphore(%arg11 : memref<!tpu.dma_semaphore, #tpu.memory_space<semaphore_mem>>) src(%dma_wait3A_49 : memref<10000x128xf32, #tpu.memory_space<hbm>>) dst(%arg8 : memref<128x128xf32, #tpu.memory_space<vmem>>)
      "tpu.region"() ({
        %run_scoped3A = tpu.sem_alloc : memref<!tpu.dma_semaphore, #tpu.memory_space<semaphore_mem>>
        %dma_start3A_51 = arith.constant 0 : i32
        %dma_start3A_52 = arith.constant 0 : i32
        %dma_start3A_53 = tpu.memref_slice %arg10[%dma_start3A_51, %dma_start3A_52] : memref<10240x128xf32, #tpu.memory_space<vmem_shared>> -> memref<10240x128xf32, #tpu.memory_space<vmem_shared>>
        tpu.enqueue_indirect_dma source(%arg8 : memref<128x128xf32, #tpu.memory_space<vmem>>) target(%dma_start3A_53 : memref<10240x128xf32, #tpu.memory_space<vmem_shared>>) offsets(%arg7 : memref<128xi32, #tpu.memory_space<vmem>>) semaphore(%run_scoped3A : memref<!tpu.dma_semaphore, #tpu.memory_space<semaphore_mem>>) {add = true}
        %dma_wait3A_54 = arith.constant 0 : i32
        %dma_wait3A_55 = arith.constant 0 : i32
        %dma_wait3A_56 = tpu.memref_slice %arg10[%dma_wait3A_54, %dma_wait3A_55] : memref<10240x128xf32, #tpu.memory_space<vmem_shared>> -> memref<10240x128xf32, #tpu.memory_space<vmem_shared>>
        tpu.wait_indirect_dma semaphore(%run_scoped3A : memref<!tpu.dma_semaphore, #tpu.memory_space<semaphore_mem>>) src(%arg8 : memref<128x128xf32, #tpu.memory_space<vmem>>) dst(%dma_wait3A_56 : memref<10240x128xf32, #tpu.memory_space<vmem_shared>>)
        tpu.yield
      }) : () -> ()
      %scan3A_50 = arith.constant 0 : i32
      scf.yield %scan3A_50 : i32
    }
    %scan3A_33 = arith.constant 79 : i32
    %barrier3A_34 = arith.constant 0 : index
    tpu.barrier barrier_id(%barrier3A_34)
    %mul3A_35 = arith.constant 640 : i32
    %mul3A_36 = arith.muli %arg1, %mul3A_35 : i32
    %mul3A_37 = arith.constant 640 : i32
    %mul3A_38 = arith.muli %arg1, %mul3A_37 : i32
    "tpu.region"() ({
      %run_scoped3A = tpu.sem_alloc : memref<!tpu.dma_semaphore, #tpu.memory_space<semaphore_mem>>
      %dma_start3A = arith.constant 0 : i32
      %dma_start3A_39 = tpu.memref_slice %arg5[%arg0, %mul3A_38, %dma_start3A] : memref<2x10240x128xf32, #tpu.memory_space<hbm>> -> memref<1x640x128xf32, #tpu.memory_space<hbm>>
      %dma_start3A_40 = tpu.memref_squeeze %dma_start3A_39 : memref<1x640x128xf32, #tpu.memory_space<hbm>> -> memref<640x128xf32, #tpu.memory_space<hbm>>
      %dma_start3A_41 = arith.constant 0 : i32
      %dma_start3A_42 = tpu.memref_slice %arg10[%mul3A_36, %dma_start3A_41] : memref<10240x128xf32, #tpu.memory_space<vmem_shared>> -> memref<640x128xf32, #tpu.memory_space<vmem_shared>>
      tpu.enqueue_dma source(%dma_start3A_42 : memref<640x128xf32, #tpu.memory_space<vmem_shared>>) target(%dma_start3A_40 : memref<640x128xf32, #tpu.memory_space<hbm>>) target_semaphore(%run_scoped3A : memref<!tpu.dma_semaphore, #tpu.memory_space<semaphore_mem>>)
      %dma_wait3A = arith.constant 0 : i32
      %dma_wait3A_43 = tpu.memref_slice %arg5[%arg0, %mul3A_38, %dma_wait3A] : memref<2x10240x128xf32, #tpu.memory_space<hbm>> -> memref<1x640x128xf32, #tpu.memory_space<hbm>>
      %dma_wait3A_44 = tpu.memref_squeeze %dma_wait3A_43 : memref<1x640x128xf32, #tpu.memory_space<hbm>> -> memref<640x128xf32, #tpu.memory_space<hbm>>
      %dma_wait3A_45 = arith.constant 0 : i32
      %dma_wait3A_46 = tpu.memref_slice %arg10[%mul3A_36, %dma_wait3A_45] : memref<10240x128xf32, #tpu.memory_space<vmem_shared>> -> memref<640x128xf32, #tpu.memory_space<vmem_shared>>
      tpu.wait_dma2 semaphore(%run_scoped3A : memref<!tpu.dma_semaphore, #tpu.memory_space<semaphore_mem>>) src(%dma_wait3A_46 : memref<640x128xf32, #tpu.memory_space<vmem_shared>>) dst(%dma_wait3A_44 : memref<640x128xf32, #tpu.memory_space<hbm>>)
      tpu.yield
    }) : () -> ()
    return
  }
}

#map = affine_map<(d0, d1) -> (0, 0)>
#map1 = affine_map<(d0, d1) -> (0)>
#map2 = affine_map<(d0, d1) -> (0, 0, 0)>
module attributes {stable_mosaic.version = 14 : i64} {
  func.func @_spmm_kernel(%arg0: i32, %arg1: i32, %arg2: memref<10000x128xf32, #tpu.memory_space<hbm>>, %arg3: memref<323584xi32, #tpu.memory_space<hbm>>, %arg4: memref<323584xi32, #tpu.memory_space<hbm>>, %arg5: memref<2x10240x128xf32, #tpu.memory_space<hbm>>, %arg6: memref<128xi32, #tpu.memory_space<vmem>>, %arg7: memref<128xi32, #tpu.memory_space<vmem>>, %arg8: memref<128x128xf32, #tpu.memory_space<vmem>>, %arg9: memref<128x128xf32, #tpu.memory_space<vmem>>, %arg10: memref<10240x128xf32, #tpu.memory_space<vmem_shared>>, %arg11: memref<!tpu.dma_semaphore, #tpu.memory_space<semaphore_mem>>) attributes {dimension_semantics = [#tpu.dimension_semantics<core_parallel>, #tpu.dimension_semantics<subcore_parallel>], iteration_bounds = array<i64: 2, 16>, scalar_prefetch = 0 : i64, scratch_operands = 6 : i64, tpu.core_type = #tpu.core_type<sc_vector_subcore>, window_params = [{transform_indices = #map}, {transform_indices = #map1}, {transform_indices = #map1}, {transform_indices = #map2}]} {
    %mul3A = arith.constant 16 : i32
    %mul3A_0 = arith.muli %arg0, %mul3A : i32
    %add3A = arith.addi %mul3A_0, %arg1 : i32
    %scan3A = arith.constant 0 : i32
    %scan3A_1 = arith.constant 0 : i32
    %scan3A_2 = arith.constant 128 : i32
    %scan3A_3 = arith.addi %scan3A_1, %scan3A_2 : i32
    %scan3A_4 = arith.constant 1 : i32
    %scan3A_5 = scf.for %scan3A_39 = %scan3A_1 to %scan3A_3 step %scan3A_4 iter_args(%scan3A_40 = %scan3A) -> (i32)  : i32 {
      %broadcast_in_dim3A = arith.constant 0.000000e+00 : f32
      %broadcast_in_dim3A_41 = vector.broadcast %broadcast_in_dim3A : f32 to vector<16xf32>
      %swap3A = arith.index_cast %scan3A_39 : i32 to index
      %swap3A_42 = arith.constant 0 : index
      %swap3A_43 = tpu.vector_load %arg9[%swap3A, %swap3A_42] {strides = array<i32>} : memref<128x128xf32, #tpu.memory_space<vmem>>, vector<1x16xf32>,
      %swap3A_44 = vector.shape_cast %swap3A_43 : vector<1x16xf32> to vector<16xf32>
      %swap3A_45 = vector.shape_cast %broadcast_in_dim3A_41 : vector<16xf32> to vector<1x16xf32>
      tpu.vector_store %arg9[%swap3A, %swap3A_42], %swap3A_45 {strides = array<i32>} : memref<128x128xf32, #tpu.memory_space<vmem>>, vector<1x16xf32>,
      %broadcast_in_dim3A_46 = arith.constant 0.000000e+00 : f32
      %broadcast_in_dim3A_47 = vector.broadcast %broadcast_in_dim3A_46 : f32 to vector<16xf32>
      %swap3A_48 = arith.index_cast %scan3A_39 : i32 to index
      %swap3A_49 = arith.constant 16 : index
      %swap3A_50 = tpu.vector_load %arg9[%swap3A_48, %swap3A_49] {strides = array<i32>} : memref<128x128xf32, #tpu.memory_space<vmem>>, vector<1x16xf32>,
      %swap3A_51 = vector.shape_cast %swap3A_50 : vector<1x16xf32> to vector<16xf32>
      %swap3A_52 = vector.shape_cast %broadcast_in_dim3A_47 : vector<16xf32> to vector<1x16xf32>
      tpu.vector_store %arg9[%swap3A_48, %swap3A_49], %swap3A_52 {strides = array<i32>} : memref<128x128xf32, #tpu.memory_space<vmem>>, vector<1x16xf32>,
      %broadcast_in_dim3A_53 = arith.constant 0.000000e+00 : f32
      %broadcast_in_dim3A_54 = vector.broadcast %broadcast_in_dim3A_53 : f32 to vector<16xf32>
      %swap3A_55 = arith.index_cast %scan3A_39 : i32 to index
      %swap3A_56 = arith.constant 32 : index
      %swap3A_57 = tpu.vector_load %arg9[%swap3A_55, %swap3A_56] {strides = array<i32>} : memref<128x128xf32, #tpu.memory_space<vmem>>, vector<1x16xf32>,
      %swap3A_58 = vector.shape_cast %swap3A_57 : vector<1x16xf32> to vector<16xf32>
      %swap3A_59 = vector.shape_cast %broadcast_in_dim3A_54 : vector<16xf32> to vector<1x16xf32>
      tpu.vector_store %arg9[%swap3A_55, %swap3A_56], %swap3A_59 {strides = array<i32>} : memref<128x128xf32, #tpu.memory_space<vmem>>, vector<1x16xf32>,
      %broadcast_in_dim3A_60 = arith.constant 0.000000e+00 : f32
      %broadcast_in_dim3A_61 = vector.broadcast %broadcast_in_dim3A_60 : f32 to vector<16xf32>
      %swap3A_62 = arith.index_cast %scan3A_39 : i32 to index
      %swap3A_63 = arith.constant 48 : index
      %swap3A_64 = tpu.vector_load %arg9[%swap3A_62, %swap3A_63] {strides = array<i32>} : memref<128x128xf32, #tpu.memory_space<vmem>>, vector<1x16xf32>,
      %swap3A_65 = vector.shape_cast %swap3A_64 : vector<1x16xf32> to vector<16xf32>
      %swap3A_66 = vector.shape_cast %broadcast_in_dim3A_61 : vector<16xf32> to vector<1x16xf32>
      tpu.vector_store %arg9[%swap3A_62, %swap3A_63], %swap3A_66 {strides = array<i32>} : memref<128x128xf32, #tpu.memory_space<vmem>>, vector<1x16xf32>,
      %broadcast_in_dim3A_67 = arith.constant 0.000000e+00 : f32
      %broadcast_in_dim3A_68 = vector.broadcast %broadcast_in_dim3A_67 : f32 to vector<16xf32>
      %swap3A_69 = arith.index_cast %scan3A_39 : i32 to index
      %swap3A_70 = arith.constant 64 : index
      %swap3A_71 = tpu.vector_load %arg9[%swap3A_69, %swap3A_70] {strides = array<i32>} : memref<128x128xf32, #tpu.memory_space<vmem>>, vector<1x16xf32>,
      %swap3A_72 = vector.shape_cast %swap3A_71 : vector<1x16xf32> to vector<16xf32>
      %swap3A_73 = vector.shape_cast %broadcast_in_dim3A_68 : vector<16xf32> to vector<1x16xf32>
      tpu.vector_store %arg9[%swap3A_69, %swap3A_70], %swap3A_73 {strides = array<i32>} : memref<128x128xf32, #tpu.memory_space<vmem>>, vector<1x16xf32>,
      %broadcast_in_dim3A_74 = arith.constant 0.000000e+00 : f32
      %broadcast_in_dim3A_75 = vector.broadcast %broadcast_in_dim3A_74 : f32 to vector<16xf32>
      %swap3A_76 = arith.index_cast %scan3A_39 : i32 to index
      %swap3A_77 = arith.constant 80 : index
      %swap3A_78 = tpu.vector_load %arg9[%swap3A_76, %swap3A_77] {strides = array<i32>} : memref<128x128xf32, #tpu.memory_space<vmem>>, vector<1x16xf32>,
      %swap3A_79 = vector.shape_cast %swap3A_78 : vector<1x16xf32> to vector<16xf32>
      %swap3A_80 = vector.shape_cast %broadcast_in_dim3A_75 : vector<16xf32> to vector<1x16xf32>
      tpu.vector_store %arg9[%swap3A_76, %swap3A_77], %swap3A_80 {strides = array<i32>} : memref<128x128xf32, #tpu.memory_space<vmem>>, vector<1x16xf32>,
      %broadcast_in_dim3A_81 = arith.constant 0.000000e+00 : f32
      %broadcast_in_dim3A_82 = vector.broadcast %broadcast_in_dim3A_81 : f32 to vector<16xf32>
      %swap3A_83 = arith.index_cast %scan3A_39 : i32 to index
      %swap3A_84 = arith.constant 96 : index
      %swap3A_85 = tpu.vector_load %arg9[%swap3A_83, %swap3A_84] {strides = array<i32>} : memref<128x128xf32, #tpu.memory_space<vmem>>, vector<1x16xf32>,
      %swap3A_86 = vector.shape_cast %swap3A_85 : vector<1x16xf32> to vector<16xf32>
      %swap3A_87 = vector.shape_cast %broadcast_in_dim3A_82 : vector<16xf32> to vector<1x16xf32>
      tpu.vector_store %arg9[%swap3A_83, %swap3A_84], %swap3A_87 {strides = array<i32>} : memref<128x128xf32, #tpu.memory_space<vmem>>, vector<1x16xf32>,
      %broadcast_in_dim3A_88 = arith.constant 0.000000e+00 : f32
      %broadcast_in_dim3A_89 = vector.broadcast %broadcast_in_dim3A_88 : f32 to vector<16xf32>
      %swap3A_90 = arith.index_cast %scan3A_39 : i32 to index
      %swap3A_91 = arith.constant 112 : index
      %swap3A_92 = tpu.vector_load %arg9[%swap3A_90, %swap3A_91] {strides = array<i32>} : memref<128x128xf32, #tpu.memory_space<vmem>>, vector<1x16xf32>,
      %swap3A_93 = vector.shape_cast %swap3A_92 : vector<1x16xf32> to vector<16xf32>
      %swap3A_94 = vector.shape_cast %broadcast_in_dim3A_89 : vector<16xf32> to vector<1x16xf32>
      tpu.vector_store %arg9[%swap3A_90, %swap3A_91], %swap3A_94 {strides = array<i32>} : memref<128x128xf32, #tpu.memory_space<vmem>>, vector<1x16xf32>,
      %scan3A_95 = arith.constant 0 : i32
      scf.yield %scan3A_95 : i32
    }
    %scan3A_6 = arith.constant 128 : i32
    %mul3A_7 = arith.constant 640 : i32
    %mul3A_8 = arith.muli %arg1, %mul3A_7 : i32
    %add3A_9 = arith.constant 0 : i32
    %add3A_10 = arith.addi %mul3A_8, %add3A_9 : i32
    "tpu.region"() ({
      %run_scoped3A = tpu.sem_alloc : memref<!tpu.dma_semaphore, #tpu.memory_space<semaphore_mem>>
      %dma_start3A = arith.constant 0 : i32
      %dma_start3A_39 = tpu.memref_slice %arg10[%add3A_10, %dma_start3A] : memref<10240x128xf32, #tpu.memory_space<vmem_shared>> -> memref<128x128xf32, #tpu.memory_space<vmem_shared>>
      %dma_start3A_40 = arith.constant 0 : i32
      %dma_start3A_41 = tpu.memref_slice %arg10[%add3A_10, %dma_start3A_40] : memref<10240x128xf32, #tpu.memory_space<vmem_shared>> -> memref<128x128xf32, #tpu.memory_space<vmem_shared>>
      tpu.enqueue_dma source(%arg9 : memref<128x128xf32, #tpu.memory_space<vmem>>) target(%dma_start3A_41 : memref<128x128xf32, #tpu.memory_space<vmem_shared>>) target_semaphore(%run_scoped3A : memref<!tpu.dma_semaphore, #tpu.memory_space<semaphore_mem>>)
      %dma_wait3A = arith.constant 0 : i32
      %dma_wait3A_42 = tpu.memref_slice %arg10[%add3A_10, %dma_wait3A] : memref<10240x128xf32, #tpu.memory_space<vmem_shared>> -> memref<128x128xf32, #tpu.memory_space<vmem_shared>>
      %dma_wait3A_43 = arith.constant 0 : i32
      %dma_wait3A_44 = tpu.memref_slice %arg10[%add3A_10, %dma_wait3A_43] : memref<10240x128xf32, #tpu.memory_space<vmem_shared>> -> memref<128x128xf32, #tpu.memory_space<vmem_shared>>
      tpu.wait_dma2 semaphore(%run_scoped3A : memref<!tpu.dma_semaphore, #tpu.memory_space<semaphore_mem>>) src(%arg9 : memref<128x128xf32, #tpu.memory_space<vmem>>) dst(%dma_wait3A_44 : memref<128x128xf32, #tpu.memory_space<vmem_shared>>)
      tpu.yield
    }) : () -> ()
    %mul3A_11 = arith.constant 640 : i32
    %mul3A_12 = arith.muli %arg1, %mul3A_11 : i32
    %add3A_13 = arith.constant 128 : i32
    %add3A_14 = arith.addi %mul3A_12, %add3A_13 : i32
    "tpu.region"() ({
      %run_scoped3A = tpu.sem_alloc : memref<!tpu.dma_semaphore, #tpu.memory_space<semaphore_mem>>
      %dma_start3A = arith.constant 0 : i32
      %dma_start3A_39 = tpu.memref_slice %arg10[%add3A_14, %dma_start3A] : memref<10240x128xf32, #tpu.memory_space<vmem_shared>> -> memref<128x128xf32, #tpu.memory_space<vmem_shared>>
      %dma_start3A_40 = arith.constant 0 : i32
      %dma_start3A_41 = tpu.memref_slice %arg10[%add3A_14, %dma_start3A_40] : memref<10240x128xf32, #tpu.memory_space<vmem_shared>> -> memref<128x128xf32, #tpu.memory_space<vmem_shared>>
      tpu.enqueue_dma source(%arg9 : memref<128x128xf32, #tpu.memory_space<vmem>>) target(%dma_start3A_41 : memref<128x128xf32, #tpu.memory_space<vmem_shared>>) target_semaphore(%run_scoped3A : memref<!tpu.dma_semaphore, #tpu.memory_space<semaphore_mem>>)
      %dma_wait3A = arith.constant 0 : i32
      %dma_wait3A_42 = tpu.memref_slice %arg10[%add3A_14, %dma_wait3A] : memref<10240x128xf32, #tpu.memory_space<vmem_shared>> -> memref<128x128xf32, #tpu.memory_space<vmem_shared>>
      %dma_wait3A_43 = arith.constant 0 : i32
      %dma_wait3A_44 = tpu.memref_slice %arg10[%add3A_14, %dma_wait3A_43] : memref<10240x128xf32, #tpu.memory_space<vmem_shared>> -> memref<128x128xf32, #tpu.memory_space<vmem_shared>>
      tpu.wait_dma2 semaphore(%run_scoped3A : memref<!tpu.dma_semaphore, #tpu.memory_space<semaphore_mem>>) src(%arg9 : memref<128x128xf32, #tpu.memory_space<vmem>>) dst(%dma_wait3A_44 : memref<128x128xf32, #tpu.memory_space<vmem_shared>>)
      tpu.yield
    }) : () -> ()
    %mul3A_15 = arith.constant 640 : i32
    %mul3A_16 = arith.muli %arg1, %mul3A_15 : i32
    %add3A_17 = arith.constant 256 : i32
    %add3A_18 = arith.addi %mul3A_16, %add3A_17 : i32
    "tpu.region"() ({
      %run_scoped3A = tpu.sem_alloc : memref<!tpu.dma_semaphore, #tpu.memory_space<semaphore_mem>>
      %dma_start3A = arith.constant 0 : i32
      %dma_start3A_39 = tpu.memref_slice %arg10[%add3A_18, %dma_start3A] : memref<10240x128xf32, #tpu.memory_space<vmem_shared>> -> memref<128x128xf32, #tpu.memory_space<vmem_shared>>
      %dma_start3A_40 = arith.constant 0 : i32
      %dma_start3A_41 = tpu.memref_slice %arg10[%add3A_18, %dma_start3A_40] : memref<10240x128xf32, #tpu.memory_space<vmem_shared>> -> memref<128x128xf32, #tpu.memory_space<vmem_shared>>
      tpu.enqueue_dma source(%arg9 : memref<128x128xf32, #tpu.memory_space<vmem>>) target(%dma_start3A_41 : memref<128x128xf32, #tpu.memory_space<vmem_shared>>) target_semaphore(%run_scoped3A : memref<!tpu.dma_semaphore, #tpu.memory_space<semaphore_mem>>)
      %dma_wait3A = arith.constant 0 : i32
      %dma_wait3A_42 = tpu.memref_slice %arg10[%add3A_18, %dma_wait3A] : memref<10240x128xf32, #tpu.memory_space<vmem_shared>> -> memref<128x128xf32, #tpu.memory_space<vmem_shared>>
      %dma_wait3A_43 = arith.constant 0 : i32
      %dma_wait3A_44 = tpu.memref_slice %arg10[%add3A_18, %dma_wait3A_43] : memref<10240x128xf32, #tpu.memory_space<vmem_shared>> -> memref<128x128xf32, #tpu.memory_space<vmem_shared>>
      tpu.wait_dma2 semaphore(%run_scoped3A : memref<!tpu.dma_semaphore, #tpu.memory_space<semaphore_mem>>) src(%arg9 : memref<128x128xf32, #tpu.memory_space<vmem>>) dst(%dma_wait3A_44 : memref<128x128xf32, #tpu.memory_space<vmem_shared>>)
      tpu.yield
    }) : () -> ()
    %mul3A_19 = arith.constant 640 : i32
    %mul3A_20 = arith.muli %arg1, %mul3A_19 : i32
    %add3A_21 = arith.constant 384 : i32
    %add3A_22 = arith.addi %mul3A_20, %add3A_21 : i32
    "tpu.region"() ({
      %run_scoped3A = tpu.sem_alloc : memref<!tpu.dma_semaphore, #tpu.memory_space<semaphore_mem>>
      %dma_start3A = arith.constant 0 : i32
      %dma_start3A_39 = tpu.memref_slice %arg10[%add3A_22, %dma_start3A] : memref<10240x128xf32, #tpu.memory_space<vmem_shared>> -> memref<128x128xf32, #tpu.memory_space<vmem_shared>>
      %dma_start3A_40 = arith.constant 0 : i32
      %dma_start3A_41 = tpu.memref_slice %arg10[%add3A_22, %dma_start3A_40] : memref<10240x128xf32, #tpu.memory_space<vmem_shared>> -> memref<128x128xf32, #tpu.memory_space<vmem_shared>>
      tpu.enqueue_dma source(%arg9 : memref<128x128xf32, #tpu.memory_space<vmem>>) target(%dma_start3A_41 : memref<128x128xf32, #tpu.memory_space<vmem_shared>>) target_semaphore(%run_scoped3A : memref<!tpu.dma_semaphore, #tpu.memory_space<semaphore_mem>>)
      %dma_wait3A = arith.constant 0 : i32
      %dma_wait3A_42 = tpu.memref_slice %arg10[%add3A_22, %dma_wait3A] : memref<10240x128xf32, #tpu.memory_space<vmem_shared>> -> memref<128x128xf32, #tpu.memory_space<vmem_shared>>
      %dma_wait3A_43 = arith.constant 0 : i32
      %dma_wait3A_44 = tpu.memref_slice %arg10[%add3A_22, %dma_wait3A_43] : memref<10240x128xf32, #tpu.memory_space<vmem_shared>> -> memref<128x128xf32, #tpu.memory_space<vmem_shared>>
      tpu.wait_dma2 semaphore(%run_scoped3A : memref<!tpu.dma_semaphore, #tpu.memory_space<semaphore_mem>>) src(%arg9 : memref<128x128xf32, #tpu.memory_space<vmem>>) dst(%dma_wait3A_44 : memref<128x128xf32, #tpu.memory_space<vmem_shared>>)
      tpu.yield
    }) : () -> ()
    %mul3A_23 = arith.constant 640 : i32
    %mul3A_24 = arith.muli %arg1, %mul3A_23 : i32
    %add3A_25 = arith.constant 512 : i32
    %add3A_26 = arith.addi %mul3A_24, %add3A_25 : i32
    "tpu.region"() ({
      %run_scoped3A = tpu.sem_alloc : memref<!tpu.dma_semaphore, #tpu.memory_space<semaphore_mem>>
      %dma_start3A = arith.constant 0 : i32
      %dma_start3A_39 = tpu.memref_slice %arg10[%add3A_26, %dma_start3A] : memref<10240x128xf32, #tpu.memory_space<vmem_shared>> -> memref<128x128xf32, #tpu.memory_space<vmem_shared>>
      %dma_start3A_40 = arith.constant 0 : i32
      %dma_start3A_41 = tpu.memref_slice %arg10[%add3A_26, %dma_start3A_40] : memref<10240x128xf32, #tpu.memory_space<vmem_shared>> -> memref<128x128xf32, #tpu.memory_space<vmem_shared>>
      tpu.enqueue_dma source(%arg9 : memref<128x128xf32, #tpu.memory_space<vmem>>) target(%dma_start3A_41 : memref<128x128xf32, #tpu.memory_space<vmem_shared>>) target_semaphore(%run_scoped3A : memref<!tpu.dma_semaphore, #tpu.memory_space<semaphore_mem>>)
      %dma_wait3A = arith.constant 0 : i32
      %dma_wait3A_42 = tpu.memref_slice %arg10[%add3A_26, %dma_wait3A] : memref<10240x128xf32, #tpu.memory_space<vmem_shared>> -> memref<128x128xf32, #tpu.memory_space<vmem_shared>>
      %dma_wait3A_43 = arith.constant 0 : i32
      %dma_wait3A_44 = tpu.memref_slice %arg10[%add3A_26, %dma_wait3A_43] : memref<10240x128xf32, #tpu.memory_space<vmem_shared>> -> memref<128x128xf32, #tpu.memory_space<vmem_shared>>
      tpu.wait_dma2 semaphore(%run_scoped3A : memref<!tpu.dma_semaphore, #tpu.memory_space<semaphore_mem>>) src(%arg9 : memref<128x128xf32, #tpu.memory_space<vmem>>) dst(%dma_wait3A_44 : memref<128x128xf32, #tpu.memory_space<vmem_shared>>)
      tpu.yield
    }) : () -> ()
    %barrier3A = arith.constant 0 : index
    tpu.barrier barrier_id(%barrier3A)
    %scan3A_27 = arith.constant 0 : i32
    %scan3A_28 = arith.constant 0 : i32
    %scan3A_29 = arith.constant 79 : i32
    %scan3A_30 = arith.addi %scan3A_28, %scan3A_29 : i32
    %scan3A_31 = arith.constant 1 : i32
    %scan3A_32 = scf.for %scan3A_39 = %scan3A_28 to %scan3A_30 step %scan3A_31 iter_args(%scan3A_40 = %scan3A_27) -> (i32)  : i32 {
      %mul3A_41 = arith.constant 10112 : i32
      %mul3A_42 = arith.muli %add3A, %mul3A_41 : i32
      %mul3A_43 = arith.constant 128 : i32
      %mul3A_44 = arith.muli %scan3A_39, %mul3A_43 : i32
      %add3A_45 = arith.addi %mul3A_42, %mul3A_44 : i32
      "tpu.region"() ({
        %run_scoped3A = tpu.sem_alloc : memref<!tpu.dma_semaphore, #tpu.memory_space<semaphore_mem>>
        %dma_start3A_51 = tpu.memref_slice %arg3[%add3A_45] : memref<323584xi32, #tpu.memory_space<hbm>> -> memref<128xi32, #tpu.memory_space<hbm>>
        %dma_start3A_52 = tpu.memref_slice %arg3[%add3A_45] : memref<323584xi32, #tpu.memory_space<hbm>> -> memref<128xi32, #tpu.memory_space<hbm>>
        tpu.enqueue_dma source(%dma_start3A_52 : memref<128xi32, #tpu.memory_space<hbm>>) target(%arg6 : memref<128xi32, #tpu.memory_space<vmem>>) target_semaphore(%run_scoped3A : memref<!tpu.dma_semaphore, #tpu.memory_space<semaphore_mem>>)
        %dma_wait3A_53 = tpu.memref_slice %arg3[%add3A_45] : memref<323584xi32, #tpu.memory_space<hbm>> -> memref<128xi32, #tpu.memory_space<hbm>>
        %dma_wait3A_54 = tpu.memref_slice %arg3[%add3A_45] : memref<323584xi32, #tpu.memory_space<hbm>> -> memref<128xi32, #tpu.memory_space<hbm>>
        tpu.wait_dma2 semaphore(%run_scoped3A : memref<!tpu.dma_semaphore, #tpu.memory_space<semaphore_mem>>) src(%dma_wait3A_54 : memref<128xi32, #tpu.memory_space<hbm>>) dst(%arg6 : memref<128xi32, #tpu.memory_space<vmem>>)
        tpu.yield
      }) : () -> ()
      "tpu.region"() ({
        %run_scoped3A = tpu.sem_alloc : memref<!tpu.dma_semaphore, #tpu.memory_space<semaphore_mem>>
        %dma_start3A_51 = tpu.memref_slice %arg4[%add3A_45] : memref<323584xi32, #tpu.memory_space<hbm>> -> memref<128xi32, #tpu.memory_space<hbm>>
        %dma_start3A_52 = tpu.memref_slice %arg4[%add3A_45] : memref<323584xi32, #tpu.memory_space<hbm>> -> memref<128xi32, #tpu.memory_space<hbm>>
        tpu.enqueue_dma source(%dma_start3A_52 : memref<128xi32, #tpu.memory_space<hbm>>) target(%arg7 : memref<128xi32, #tpu.memory_space<vmem>>) target_semaphore(%run_scoped3A : memref<!tpu.dma_semaphore, #tpu.memory_space<semaphore_mem>>)
        %dma_wait3A_53 = tpu.memref_slice %arg4[%add3A_45] : memref<323584xi32, #tpu.memory_space<hbm>> -> memref<128xi32, #tpu.memory_space<hbm>>
        %dma_wait3A_54 = tpu.memref_slice %arg4[%add3A_45] : memref<323584xi32, #tpu.memory_space<hbm>> -> memref<128xi32, #tpu.memory_space<hbm>>
        tpu.wait_dma2 semaphore(%run_scoped3A : memref<!tpu.dma_semaphore, #tpu.memory_space<semaphore_mem>>) src(%dma_wait3A_54 : memref<128xi32, #tpu.memory_space<hbm>>) dst(%arg7 : memref<128xi32, #tpu.memory_space<vmem>>)
        tpu.yield
      }) : () -> ()
      %dma_start3A = arith.constant 0 : i32
      %dma_start3A_46 = arith.constant 0 : i32
      %dma_start3A_47 = tpu.memref_slice %arg2[%dma_start3A, %dma_start3A_46] : memref<10000x128xf32, #tpu.memory_space<hbm>> -> memref<10000x128xf32, #tpu.memory_space<hbm>>
      tpu.enqueue_indirect_dma source(%dma_start3A_47 : memref<10000x128xf32, #tpu.memory_space<hbm>>) target(%arg8 : memref<128x128xf32, #tpu.memory_space<vmem>>) offsets(%arg6 : memref<128xi32, #tpu.memory_space<vmem>>) semaphore(%arg11 : memref<!tpu.dma_semaphore, #tpu.memory_space<semaphore_mem>>)
      %dma_wait3A = arith.constant 0 : i32
      %dma_wait3A_48 = arith.constant 0 : i32
      %dma_wait3A_49 = tpu.memref_slice %arg2[%dma_wait3A, %dma_wait3A_48] : memref<10000x128xf32, #tpu.memory_space<hbm>> -> memref<10000x128xf32, #tpu.memory_space<hbm>>
      tpu.wait_indirect_dma semaphore(%arg11 : memref<!tpu.dma_semaphore, #tpu.memory_space<semaphore_mem>>) src(%dma_wait3A_49 : memref<10000x128xf32, #tpu.memory_space<hbm>>) dst(%arg8 : memref<128x128xf32, #tpu.memory_space<vmem>>)
      "tpu.region"() ({
        %run_scoped3A = tpu.sem_alloc : memref<!tpu.dma_semaphore, #tpu.memory_space<semaphore_mem>>
        %dma_start3A_51 = arith.constant 0 : i32
        %dma_start3A_52 = arith.constant 0 : i32
        %dma_start3A_53 = tpu.memref_slice %arg10[%dma_start3A_51, %dma_start3A_52] : memref<10240x128xf32, #tpu.memory_space<vmem_shared>> -> memref<10240x128xf32, #tpu.memory_space<vmem_shared>>
        tpu.enqueue_indirect_dma source(%arg8 : memref<128x128xf32, #tpu.memory_space<vmem>>) target(%dma_start3A_53 : memref<10240x128xf32, #tpu.memory_space<vmem_shared>>) offsets(%arg7 : memref<128xi32, #tpu.memory_space<vmem>>) semaphore(%run_scoped3A : memref<!tpu.dma_semaphore, #tpu.memory_space<semaphore_mem>>) {add = true}
        %dma_wait3A_54 = arith.constant 0 : i32
        %dma_wait3A_55 = arith.constant 0 : i32
        %dma_wait3A_56 = tpu.memref_slice %arg10[%dma_wait3A_54, %dma_wait3A_55] : memref<10240x128xf32, #tpu.memory_space<vmem_shared>> -> memref<10240x128xf32, #tpu.memory_space<vmem_shared>>
        tpu.wait_indirect_dma semaphore(%run_scoped3A : memref<!tpu.dma_semaphore, #tpu.memory_space<semaphore_mem>>) src(%arg8 : memref<128x128xf32, #tpu.memory_space<vmem>>) dst(%dma_wait3A_56 : memref<10240x128xf32, #tpu.memory_space<vmem_shared>>)
        tpu.yield
      }) : () -> ()
      %scan3A_50 = arith.constant 0 : i32
      scf.yield %scan3A_50 : i32
    }
    %scan3A_33 = arith.constant 79 : i32
    %barrier3A_34 = arith.constant 0 : index
    tpu.barrier barrier_id(%barrier3A_34)
    %mul3A_35 = arith.constant 640 : i32
    %mul3A_36 = arith.muli %arg1, %mul3A_35 : i32
    %mul3A_37 = arith.constant 640 : i32
    %mul3A_38 = arith.muli %arg1, %mul3A_37 : i32
    "tpu.region"() ({
      %run_scoped3A = tpu.sem_alloc : memref<!tpu.dma_semaphore, #tpu.memory_space<semaphore_mem>>
      %dma_start3A = arith.constant 0 : i32
      %dma_start3A_39 = tpu.memref_slice %arg5[%arg0, %mul3A_38, %dma_start3A] : memref<2x10240x128xf32, #tpu.memory_space<hbm>> -> memref<1x640x128xf32, #tpu.memory_space<hbm>>
      %dma_start3A_40 = tpu.memref_squeeze %dma_start3A_39 : memref<1x640x128xf32, #tpu.memory_space<hbm>> -> memref<640x128xf32, #tpu.memory_space<hbm>>
      %dma_start3A_41 = arith.constant 0 : i32
      %dma_start3A_42 = tpu.memref_slice %arg10[%mul3A_36, %dma_start3A_41] : memref<10240x128xf32, #tpu.memory_space<vmem_shared>> -> memref<640x128xf32, #tpu.memory_space<vmem_shared>>
      tpu.enqueue_dma source(%dma_start3A_42 : memref<640x128xf32, #tpu.memory_space<vmem_shared>>) target(%dma_start3A_40 : memref<640x128xf32, #tpu.memory_space<hbm>>) target_semaphore(%run_scoped3A : memref<!tpu.dma_semaphore, #tpu.memory_space<semaphore_mem>>)
      %dma_wait3A = arith.constant 0 : i32
      %dma_wait3A_43 = tpu.memref_slice %arg5[%arg0, %mul3A_38, %dma_wait3A] : memref<2x10240x128xf32, #tpu.memory_space<hbm>> -> memref<1x640x128xf32, #tpu.memory_space<hbm>>
      %dma_wait3A_44 = tpu.memref_squeeze %dma_wait3A_43 : memref<1x640x128xf32, #tpu.memory_space<hbm>> -> memref<640x128xf32, #tpu.memory_space<hbm>>
      %dma_wait3A_45 = arith.constant 0 : i32
      %dma_wait3A_46 = tpu.memref_slice %arg10[%mul3A_36, %dma_wait3A_45] : memref<10240x128xf32, #tpu.memory_space<vmem_shared>> -> memref<640x128xf32, #tpu.memory_space<vmem_shared>>
      tpu.wait_dma2 semaphore(%run_scoped3A : memref<!tpu.dma_semaphore, #tpu.memory_space<semaphore_mem>>) src(%dma_wait3A_46 : memref<640x128xf32, #tpu.memory_space<vmem_shared>>) dst(%dma_wait3A_44 : memref<640x128xf32, #tpu.memory_space<hbm>>)
      tpu.yield
    }) : () -> ()
    return
  }
}

#map = affine_map<(d0, d1) -> (0, 0)>
#map1 = affine_map<(d0, d1) -> (0)>
#map2 = affine_map<(d0, d1) -> (0, 0, 0)>
module attributes {stable_mosaic.version = 14 : i64} {
  func.func @_spmm_kernel(%arg0: i32, %arg1: i32, %arg2: memref<10000x128xf32, #tpu.memory_space<hbm>>, %arg3: memref<323584xi32, #tpu.memory_space<hbm>>, %arg4: memref<323584xi32, #tpu.memory_space<hbm>>, %arg5: memref<2x10240x128xf32, #tpu.memory_space<hbm>>, %arg6: memref<128xi32, #tpu.memory_space<vmem>>, %arg7: memref<128xi32, #tpu.memory_space<vmem>>, %arg8: memref<128x128xf32, #tpu.memory_space<vmem>>, %arg9: memref<128x128xf32, #tpu.memory_space<vmem>>, %arg10: memref<10240x128xf32, #tpu.memory_space<vmem_shared>>, %arg11: memref<!tpu.dma_semaphore, #tpu.memory_space<semaphore_mem>>) attributes {dimension_semantics = [#tpu.dimension_semantics<core_parallel>, #tpu.dimension_semantics<subcore_parallel>], iteration_bounds = array<i64: 2, 16>, scalar_prefetch = 0 : i64, scratch_operands = 6 : i64, tpu.core_type = #tpu.core_type<sc_vector_subcore>, window_params = [{transform_indices = #map}, {transform_indices = #map1}, {transform_indices = #map1}, {transform_indices = #map2}]} {
    %mul3A = arith.constant 16 : i32
    %mul3A_0 = arith.muli %arg0, %mul3A : i32
    %add3A = arith.addi %mul3A_0, %arg1 : i32
    %scan3A = arith.constant 0 : i32
    %scan3A_1 = arith.constant 0 : i32
    %scan3A_2 = arith.constant 128 : i32
    %scan3A_3 = arith.addi %scan3A_1, %scan3A_2 : i32
    %scan3A_4 = arith.constant 1 : i32
    %scan3A_5 = scf.for %scan3A_39 = %scan3A_1 to %scan3A_3 step %scan3A_4 iter_args(%scan3A_40 = %scan3A) -> (i32)  : i32 {
      %broadcast_in_dim3A = arith.constant 0.000000e+00 : f32
      %broadcast_in_dim3A_41 = vector.broadcast %broadcast_in_dim3A : f32 to vector<16xf32>
      %swap3A = arith.index_cast %scan3A_39 : i32 to index
      %swap3A_42 = arith.constant 0 : index
      %swap3A_43 = tpu.vector_load %arg9[%swap3A, %swap3A_42] {strides = array<i32>} : memref<128x128xf32, #tpu.memory_space<vmem>>, vector<1x16xf32>,
      %swap3A_44 = vector.shape_cast %swap3A_43 : vector<1x16xf32> to vector<16xf32>
      %swap3A_45 = vector.shape_cast %broadcast_in_dim3A_41 : vector<16xf32> to vector<1x16xf32>
      tpu.vector_store %arg9[%swap3A, %swap3A_42], %swap3A_45 {strides = array<i32>} : memref<128x128xf32, #tpu.memory_space<vmem>>, vector<1x16xf32>,
      %broadcast_in_dim3A_46 = arith.constant 0.000000e+00 : f32
      %broadcast_in_dim3A_47 = vector.broadcast %broadcast_in_dim3A_46 : f32 to vector<16xf32>
      %swap3A_48 = arith.index_cast %scan3A_39 : i32 to index
      %swap3A_49 = arith.constant 16 : index
      %swap3A_50 = tpu.vector_load %arg9[%swap3A_48, %swap3A_49] {strides = array<i32>} : memref<128x128xf32, #tpu.memory_space<vmem>>, vector<1x16xf32>,
      %swap3A_51 = vector.shape_cast %swap3A_50 : vector<1x16xf32> to vector<16xf32>
      %swap3A_52 = vector.shape_cast %broadcast_in_dim3A_47 : vector<16xf32> to vector<1x16xf32>
      tpu.vector_store %arg9[%swap3A_48, %swap3A_49], %swap3A_52 {strides = array<i32>} : memref<128x128xf32, #tpu.memory_space<vmem>>, vector<1x16xf32>,
      %broadcast_in_dim3A_53 = arith.constant 0.000000e+00 : f32
      %broadcast_in_dim3A_54 = vector.broadcast %broadcast_in_dim3A_53 : f32 to vector<16xf32>
      %swap3A_55 = arith.index_cast %scan3A_39 : i32 to index
      %swap3A_56 = arith.constant 32 : index
      %swap3A_57 = tpu.vector_load %arg9[%swap3A_55, %swap3A_56] {strides = array<i32>} : memref<128x128xf32, #tpu.memory_space<vmem>>, vector<1x16xf32>,
      %swap3A_58 = vector.shape_cast %swap3A_57 : vector<1x16xf32> to vector<16xf32>
      %swap3A_59 = vector.shape_cast %broadcast_in_dim3A_54 : vector<16xf32> to vector<1x16xf32>
      tpu.vector_store %arg9[%swap3A_55, %swap3A_56], %swap3A_59 {strides = array<i32>} : memref<128x128xf32, #tpu.memory_space<vmem>>, vector<1x16xf32>,
      %broadcast_in_dim3A_60 = arith.constant 0.000000e+00 : f32
      %broadcast_in_dim3A_61 = vector.broadcast %broadcast_in_dim3A_60 : f32 to vector<16xf32>
      %swap3A_62 = arith.index_cast %scan3A_39 : i32 to index
      %swap3A_63 = arith.constant 48 : index
      %swap3A_64 = tpu.vector_load %arg9[%swap3A_62, %swap3A_63] {strides = array<i32>} : memref<128x128xf32, #tpu.memory_space<vmem>>, vector<1x16xf32>,
      %swap3A_65 = vector.shape_cast %swap3A_64 : vector<1x16xf32> to vector<16xf32>
      %swap3A_66 = vector.shape_cast %broadcast_in_dim3A_61 : vector<16xf32> to vector<1x16xf32>
      tpu.vector_store %arg9[%swap3A_62, %swap3A_63], %swap3A_66 {strides = array<i32>} : memref<128x128xf32, #tpu.memory_space<vmem>>, vector<1x16xf32>,
      %broadcast_in_dim3A_67 = arith.constant 0.000000e+00 : f32
      %broadcast_in_dim3A_68 = vector.broadcast %broadcast_in_dim3A_67 : f32 to vector<16xf32>
      %swap3A_69 = arith.index_cast %scan3A_39 : i32 to index
      %swap3A_70 = arith.constant 64 : index
      %swap3A_71 = tpu.vector_load %arg9[%swap3A_69, %swap3A_70] {strides = array<i32>} : memref<128x128xf32, #tpu.memory_space<vmem>>, vector<1x16xf32>,
      %swap3A_72 = vector.shape_cast %swap3A_71 : vector<1x16xf32> to vector<16xf32>
      %swap3A_73 = vector.shape_cast %broadcast_in_dim3A_68 : vector<16xf32> to vector<1x16xf32>
      tpu.vector_store %arg9[%swap3A_69, %swap3A_70], %swap3A_73 {strides = array<i32>} : memref<128x128xf32, #tpu.memory_space<vmem>>, vector<1x16xf32>,
      %broadcast_in_dim3A_74 = arith.constant 0.000000e+00 : f32
      %broadcast_in_dim3A_75 = vector.broadcast %broadcast_in_dim3A_74 : f32 to vector<16xf32>
      %swap3A_76 = arith.index_cast %scan3A_39 : i32 to index
      %swap3A_77 = arith.constant 80 : index
      %swap3A_78 = tpu.vector_load %arg9[%swap3A_76, %swap3A_77] {strides = array<i32>} : memref<128x128xf32, #tpu.memory_space<vmem>>, vector<1x16xf32>,
      %swap3A_79 = vector.shape_cast %swap3A_78 : vector<1x16xf32> to vector<16xf32>
      %swap3A_80 = vector.shape_cast %broadcast_in_dim3A_75 : vector<16xf32> to vector<1x16xf32>
      tpu.vector_store %arg9[%swap3A_76, %swap3A_77], %swap3A_80 {strides = array<i32>} : memref<128x128xf32, #tpu.memory_space<vmem>>, vector<1x16xf32>,
      %broadcast_in_dim3A_81 = arith.constant 0.000000e+00 : f32
      %broadcast_in_dim3A_82 = vector.broadcast %broadcast_in_dim3A_81 : f32 to vector<16xf32>
      %swap3A_83 = arith.index_cast %scan3A_39 : i32 to index
      %swap3A_84 = arith.constant 96 : index
      %swap3A_85 = tpu.vector_load %arg9[%swap3A_83, %swap3A_84] {strides = array<i32>} : memref<128x128xf32, #tpu.memory_space<vmem>>, vector<1x16xf32>,
      %swap3A_86 = vector.shape_cast %swap3A_85 : vector<1x16xf32> to vector<16xf32>
      %swap3A_87 = vector.shape_cast %broadcast_in_dim3A_82 : vector<16xf32> to vector<1x16xf32>
      tpu.vector_store %arg9[%swap3A_83, %swap3A_84], %swap3A_87 {strides = array<i32>} : memref<128x128xf32, #tpu.memory_space<vmem>>, vector<1x16xf32>,
      %broadcast_in_dim3A_88 = arith.constant 0.000000e+00 : f32
      %broadcast_in_dim3A_89 = vector.broadcast %broadcast_in_dim3A_88 : f32 to vector<16xf32>
      %swap3A_90 = arith.index_cast %scan3A_39 : i32 to index
      %swap3A_91 = arith.constant 112 : index
      %swap3A_92 = tpu.vector_load %arg9[%swap3A_90, %swap3A_91] {strides = array<i32>} : memref<128x128xf32, #tpu.memory_space<vmem>>, vector<1x16xf32>,
      %swap3A_93 = vector.shape_cast %swap3A_92 : vector<1x16xf32> to vector<16xf32>
      %swap3A_94 = vector.shape_cast %broadcast_in_dim3A_89 : vector<16xf32> to vector<1x16xf32>
      tpu.vector_store %arg9[%swap3A_90, %swap3A_91], %swap3A_94 {strides = array<i32>} : memref<128x128xf32, #tpu.memory_space<vmem>>, vector<1x16xf32>,
      %scan3A_95 = arith.constant 0 : i32
      scf.yield %scan3A_95 : i32
    }
    %scan3A_6 = arith.constant 128 : i32
    %mul3A_7 = arith.constant 640 : i32
    %mul3A_8 = arith.muli %arg1, %mul3A_7 : i32
    %add3A_9 = arith.constant 0 : i32
    %add3A_10 = arith.addi %mul3A_8, %add3A_9 : i32
    "tpu.region"() ({
      %run_scoped3A = tpu.sem_alloc : memref<!tpu.dma_semaphore, #tpu.memory_space<semaphore_mem>>
      %dma_start3A = arith.constant 0 : i32
      %dma_start3A_39 = tpu.memref_slice %arg10[%add3A_10, %dma_start3A] : memref<10240x128xf32, #tpu.memory_space<vmem_shared>> -> memref<128x128xf32, #tpu.memory_space<vmem_shared>>
      %dma_start3A_40 = arith.constant 0 : i32
      %dma_start3A_41 = tpu.memref_slice %arg10[%add3A_10, %dma_start3A_40] : memref<10240x128xf32, #tpu.memory_space<vmem_shared>> -> memref<128x128xf32, #tpu.memory_space<vmem_shared>>
      tpu.enqueue_dma source(%arg9 : memref<128x128xf32, #tpu.memory_space<vmem>>) target(%dma_start3A_41 : memref<128x128xf32, #tpu.memory_space<vmem_shared>>) target_semaphore(%run_scoped3A : memref<!tpu.dma_semaphore, #tpu.memory_space<semaphore_mem>>)
      %dma_wait3A = arith.constant 0 : i32
      %dma_wait3A_42 = tpu.memref_slice %arg10[%add3A_10, %dma_wait3A] : memref<10240x128xf32, #tpu.memory_space<vmem_shared>> -> memref<128x128xf32, #tpu.memory_space<vmem_shared>>
      %dma_wait3A_43 = arith.constant 0 : i32
      %dma_wait3A_44 = tpu.memref_slice %arg10[%add3A_10, %dma_wait3A_43] : memref<10240x128xf32, #tpu.memory_space<vmem_shared>> -> memref<128x128xf32, #tpu.memory_space<vmem_shared>>
      tpu.wait_dma2 semaphore(%run_scoped3A : memref<!tpu.dma_semaphore, #tpu.memory_space<semaphore_mem>>) src(%arg9 : memref<128x128xf32, #tpu.memory_space<vmem>>) dst(%dma_wait3A_44 : memref<128x128xf32, #tpu.memory_space<vmem_shared>>)
      tpu.yield
    }) : () -> ()
    %mul3A_11 = arith.constant 640 : i32
    %mul3A_12 = arith.muli %arg1, %mul3A_11 : i32
    %add3A_13 = arith.constant 128 : i32
    %add3A_14 = arith.addi %mul3A_12, %add3A_13 : i32
    "tpu.region"() ({
      %run_scoped3A = tpu.sem_alloc : memref<!tpu.dma_semaphore, #tpu.memory_space<semaphore_mem>>
      %dma_start3A = arith.constant 0 : i32
      %dma_start3A_39 = tpu.memref_slice %arg10[%add3A_14, %dma_start3A] : memref<10240x128xf32, #tpu.memory_space<vmem_shared>> -> memref<128x128xf32, #tpu.memory_space<vmem_shared>>
      %dma_start3A_40 = arith.constant 0 : i32
      %dma_start3A_41 = tpu.memref_slice %arg10[%add3A_14, %dma_start3A_40] : memref<10240x128xf32, #tpu.memory_space<vmem_shared>> -> memref<128x128xf32, #tpu.memory_space<vmem_shared>>
      tpu.enqueue_dma source(%arg9 : memref<128x128xf32, #tpu.memory_space<vmem>>) target(%dma_start3A_41 : memref<128x128xf32, #tpu.memory_space<vmem_shared>>) target_semaphore(%run_scoped3A : memref<!tpu.dma_semaphore, #tpu.memory_space<semaphore_mem>>)
      %dma_wait3A = arith.constant 0 : i32
      %dma_wait3A_42 = tpu.memref_slice %arg10[%add3A_14, %dma_wait3A] : memref<10240x128xf32, #tpu.memory_space<vmem_shared>> -> memref<128x128xf32, #tpu.memory_space<vmem_shared>>
      %dma_wait3A_43 = arith.constant 0 : i32
      %dma_wait3A_44 = tpu.memref_slice %arg10[%add3A_14, %dma_wait3A_43] : memref<10240x128xf32, #tpu.memory_space<vmem_shared>> -> memref<128x128xf32, #tpu.memory_space<vmem_shared>>
      tpu.wait_dma2 semaphore(%run_scoped3A : memref<!tpu.dma_semaphore, #tpu.memory_space<semaphore_mem>>) src(%arg9 : memref<128x128xf32, #tpu.memory_space<vmem>>) dst(%dma_wait3A_44 : memref<128x128xf32, #tpu.memory_space<vmem_shared>>)
      tpu.yield
    }) : () -> ()
    %mul3A_15 = arith.constant 640 : i32
    %mul3A_16 = arith.muli %arg1, %mul3A_15 : i32
    %add3A_17 = arith.constant 256 : i32
    %add3A_18 = arith.addi %mul3A_16, %add3A_17 : i32
    "tpu.region"() ({
      %run_scoped3A = tpu.sem_alloc : memref<!tpu.dma_semaphore, #tpu.memory_space<semaphore_mem>>
      %dma_start3A = arith.constant 0 : i32
      %dma_start3A_39 = tpu.memref_slice %arg10[%add3A_18, %dma_start3A] : memref<10240x128xf32, #tpu.memory_space<vmem_shared>> -> memref<128x128xf32, #tpu.memory_space<vmem_shared>>
      %dma_start3A_40 = arith.constant 0 : i32
      %dma_start3A_41 = tpu.memref_slice %arg10[%add3A_18, %dma_start3A_40] : memref<10240x128xf32, #tpu.memory_space<vmem_shared>> -> memref<128x128xf32, #tpu.memory_space<vmem_shared>>
      tpu.enqueue_dma source(%arg9 : memref<128x128xf32, #tpu.memory_space<vmem>>) target(%dma_start3A_41 : memref<128x128xf32, #tpu.memory_space<vmem_shared>>) target_semaphore(%run_scoped3A : memref<!tpu.dma_semaphore, #tpu.memory_space<semaphore_mem>>)
      %dma_wait3A = arith.constant 0 : i32
      %dma_wait3A_42 = tpu.memref_slice %arg10[%add3A_18, %dma_wait3A] : memref<10240x128xf32, #tpu.memory_space<vmem_shared>> -> memref<128x128xf32, #tpu.memory_space<vmem_shared>>
      %dma_wait3A_43 = arith.constant 0 : i32
      %dma_wait3A_44 = tpu.memref_slice %arg10[%add3A_18, %dma_wait3A_43] : memref<10240x128xf32, #tpu.memory_space<vmem_shared>> -> memref<128x128xf32, #tpu.memory_space<vmem_shared>>
      tpu.wait_dma2 semaphore(%run_scoped3A : memref<!tpu.dma_semaphore, #tpu.memory_space<semaphore_mem>>) src(%arg9 : memref<128x128xf32, #tpu.memory_space<vmem>>) dst(%dma_wait3A_44 : memref<128x128xf32, #tpu.memory_space<vmem_shared>>)
      tpu.yield
    }) : () -> ()
    %mul3A_19 = arith.constant 640 : i32
    %mul3A_20 = arith.muli %arg1, %mul3A_19 : i32
    %add3A_21 = arith.constant 384 : i32
    %add3A_22 = arith.addi %mul3A_20, %add3A_21 : i32
    "tpu.region"() ({
      %run_scoped3A = tpu.sem_alloc : memref<!tpu.dma_semaphore, #tpu.memory_space<semaphore_mem>>
      %dma_start3A = arith.constant 0 : i32
      %dma_start3A_39 = tpu.memref_slice %arg10[%add3A_22, %dma_start3A] : memref<10240x128xf32, #tpu.memory_space<vmem_shared>> -> memref<128x128xf32, #tpu.memory_space<vmem_shared>>
      %dma_start3A_40 = arith.constant 0 : i32
      %dma_start3A_41 = tpu.memref_slice %arg10[%add3A_22, %dma_start3A_40] : memref<10240x128xf32, #tpu.memory_space<vmem_shared>> -> memref<128x128xf32, #tpu.memory_space<vmem_shared>>
      tpu.enqueue_dma source(%arg9 : memref<128x128xf32, #tpu.memory_space<vmem>>) target(%dma_start3A_41 : memref<128x128xf32, #tpu.memory_space<vmem_shared>>) target_semaphore(%run_scoped3A : memref<!tpu.dma_semaphore, #tpu.memory_space<semaphore_mem>>)
      %dma_wait3A = arith.constant 0 : i32
      %dma_wait3A_42 = tpu.memref_slice %arg10[%add3A_22, %dma_wait3A] : memref<10240x128xf32, #tpu.memory_space<vmem_shared>> -> memref<128x128xf32, #tpu.memory_space<vmem_shared>>
      %dma_wait3A_43 = arith.constant 0 : i32
      %dma_wait3A_44 = tpu.memref_slice %arg10[%add3A_22, %dma_wait3A_43] : memref<10240x128xf32, #tpu.memory_space<vmem_shared>> -> memref<128x128xf32, #tpu.memory_space<vmem_shared>>
      tpu.wait_dma2 semaphore(%run_scoped3A : memref<!tpu.dma_semaphore, #tpu.memory_space<semaphore_mem>>) src(%arg9 : memref<128x128xf32, #tpu.memory_space<vmem>>) dst(%dma_wait3A_44 : memref<128x128xf32, #tpu.memory_space<vmem_shared>>)
      tpu.yield
    }) : () -> ()
    %mul3A_23 = arith.constant 640 : i32
    %mul3A_24 = arith.muli %arg1, %mul3A_23 : i32
    %add3A_25 = arith.constant 512 : i32
    %add3A_26 = arith.addi %mul3A_24, %add3A_25 : i32
    "tpu.region"() ({
      %run_scoped3A = tpu.sem_alloc : memref<!tpu.dma_semaphore, #tpu.memory_space<semaphore_mem>>
      %dma_start3A = arith.constant 0 : i32
      %dma_start3A_39 = tpu.memref_slice %arg10[%add3A_26, %dma_start3A] : memref<10240x128xf32, #tpu.memory_space<vmem_shared>> -> memref<128x128xf32, #tpu.memory_space<vmem_shared>>
      %dma_start3A_40 = arith.constant 0 : i32
      %dma_start3A_41 = tpu.memref_slice %arg10[%add3A_26, %dma_start3A_40] : memref<10240x128xf32, #tpu.memory_space<vmem_shared>> -> memref<128x128xf32, #tpu.memory_space<vmem_shared>>
      tpu.enqueue_dma source(%arg9 : memref<128x128xf32, #tpu.memory_space<vmem>>) target(%dma_start3A_41 : memref<128x128xf32, #tpu.memory_space<vmem_shared>>) target_semaphore(%run_scoped3A : memref<!tpu.dma_semaphore, #tpu.memory_space<semaphore_mem>>)
      %dma_wait3A = arith.constant 0 : i32
      %dma_wait3A_42 = tpu.memref_slice %arg10[%add3A_26, %dma_wait3A] : memref<10240x128xf32, #tpu.memory_space<vmem_shared>> -> memref<128x128xf32, #tpu.memory_space<vmem_shared>>
      %dma_wait3A_43 = arith.constant 0 : i32
      %dma_wait3A_44 = tpu.memref_slice %arg10[%add3A_26, %dma_wait3A_43] : memref<10240x128xf32, #tpu.memory_space<vmem_shared>> -> memref<128x128xf32, #tpu.memory_space<vmem_shared>>
      tpu.wait_dma2 semaphore(%run_scoped3A : memref<!tpu.dma_semaphore, #tpu.memory_space<semaphore_mem>>) src(%arg9 : memref<128x128xf32, #tpu.memory_space<vmem>>) dst(%dma_wait3A_44 : memref<128x128xf32, #tpu.memory_space<vmem_shared>>)
      tpu.yield
    }) : () -> ()
    %barrier3A = arith.constant 0 : index
    tpu.barrier barrier_id(%barrier3A)
    %scan3A_27 = arith.constant 0 : i32
    %scan3A_28 = arith.constant 0 : i32
    %scan3A_29 = arith.constant 79 : i32
    %scan3A_30 = arith.addi %scan3A_28, %scan3A_29 : i32
    %scan3A_31 = arith.constant 1 : i32
    %scan3A_32 = scf.for %scan3A_39 = %scan3A_28 to %scan3A_30 step %scan3A_31 iter_args(%scan3A_40 = %scan3A_27) -> (i32)  : i32 {
      %mul3A_41 = arith.constant 10112 : i32
      %mul3A_42 = arith.muli %add3A, %mul3A_41 : i32
      %mul3A_43 = arith.constant 128 : i32
      %mul3A_44 = arith.muli %scan3A_39, %mul3A_43 : i32
      %add3A_45 = arith.addi %mul3A_42, %mul3A_44 : i32
      "tpu.region"() ({
        %run_scoped3A = tpu.sem_alloc : memref<!tpu.dma_semaphore, #tpu.memory_space<semaphore_mem>>
        %dma_start3A_51 = tpu.memref_slice %arg3[%add3A_45] : memref<323584xi32, #tpu.memory_space<hbm>> -> memref<128xi32, #tpu.memory_space<hbm>>
        %dma_start3A_52 = tpu.memref_slice %arg3[%add3A_45] : memref<323584xi32, #tpu.memory_space<hbm>> -> memref<128xi32, #tpu.memory_space<hbm>>
        tpu.enqueue_dma source(%dma_start3A_52 : memref<128xi32, #tpu.memory_space<hbm>>) target(%arg6 : memref<128xi32, #tpu.memory_space<vmem>>) target_semaphore(%run_scoped3A : memref<!tpu.dma_semaphore, #tpu.memory_space<semaphore_mem>>)
        %dma_wait3A_53 = tpu.memref_slice %arg3[%add3A_45] : memref<323584xi32, #tpu.memory_space<hbm>> -> memref<128xi32, #tpu.memory_space<hbm>>
        %dma_wait3A_54 = tpu.memref_slice %arg3[%add3A_45] : memref<323584xi32, #tpu.memory_space<hbm>> -> memref<128xi32, #tpu.memory_space<hbm>>
        tpu.wait_dma2 semaphore(%run_scoped3A : memref<!tpu.dma_semaphore, #tpu.memory_space<semaphore_mem>>) src(%dma_wait3A_54 : memref<128xi32, #tpu.memory_space<hbm>>) dst(%arg6 : memref<128xi32, #tpu.memory_space<vmem>>)
        tpu.yield
      }) : () -> ()
      "tpu.region"() ({
        %run_scoped3A = tpu.sem_alloc : memref<!tpu.dma_semaphore, #tpu.memory_space<semaphore_mem>>
        %dma_start3A_51 = tpu.memref_slice %arg4[%add3A_45] : memref<323584xi32, #tpu.memory_space<hbm>> -> memref<128xi32, #tpu.memory_space<hbm>>
        %dma_start3A_52 = tpu.memref_slice %arg4[%add3A_45] : memref<323584xi32, #tpu.memory_space<hbm>> -> memref<128xi32, #tpu.memory_space<hbm>>
        tpu.enqueue_dma source(%dma_start3A_52 : memref<128xi32, #tpu.memory_space<hbm>>) target(%arg7 : memref<128xi32, #tpu.memory_space<vmem>>) target_semaphore(%run_scoped3A : memref<!tpu.dma_semaphore, #tpu.memory_space<semaphore_mem>>)
        %dma_wait3A_53 = tpu.memref_slice %arg4[%add3A_45] : memref<323584xi32, #tpu.memory_space<hbm>> -> memref<128xi32, #tpu.memory_space<hbm>>
        %dma_wait3A_54 = tpu.memref_slice %arg4[%add3A_45] : memref<323584xi32, #tpu.memory_space<hbm>> -> memref<128xi32, #tpu.memory_space<hbm>>
        tpu.wait_dma2 semaphore(%run_scoped3A : memref<!tpu.dma_semaphore, #tpu.memory_space<semaphore_mem>>) src(%dma_wait3A_54 : memref<128xi32, #tpu.memory_space<hbm>>) dst(%arg7 : memref<128xi32, #tpu.memory_space<vmem>>)
        tpu.yield
      }) : () -> ()
      %dma_start3A = arith.constant 0 : i32
      %dma_start3A_46 = arith.constant 0 : i32
      %dma_start3A_47 = tpu.memref_slice %arg2[%dma_start3A, %dma_start3A_46] : memref<10000x128xf32, #tpu.memory_space<hbm>> -> memref<10000x128xf32, #tpu.memory_space<hbm>>
      tpu.enqueue_indirect_dma source(%dma_start3A_47 : memref<10000x128xf32, #tpu.memory_space<hbm>>) target(%arg8 : memref<128x128xf32, #tpu.memory_space<vmem>>) offsets(%arg6 : memref<128xi32, #tpu.memory_space<vmem>>) semaphore(%arg11 : memref<!tpu.dma_semaphore, #tpu.memory_space<semaphore_mem>>)
      %dma_wait3A = arith.constant 0 : i32
      %dma_wait3A_48 = arith.constant 0 : i32
      %dma_wait3A_49 = tpu.memref_slice %arg2[%dma_wait3A, %dma_wait3A_48] : memref<10000x128xf32, #tpu.memory_space<hbm>> -> memref<10000x128xf32, #tpu.memory_space<hbm>>
      tpu.wait_indirect_dma semaphore(%arg11 : memref<!tpu.dma_semaphore, #tpu.memory_space<semaphore_mem>>) src(%dma_wait3A_49 : memref<10000x128xf32, #tpu.memory_space<hbm>>) dst(%arg8 : memref<128x128xf32, #tpu.memory_space<vmem>>)
      "tpu.region"() ({
        %run_scoped3A = tpu.sem_alloc : memref<!tpu.dma_semaphore, #tpu.memory_space<semaphore_mem>>
        %dma_start3A_51 = arith.constant 0 : i32
        %dma_start3A_52 = arith.constant 0 : i32
        %dma_start3A_53 = tpu.memref_slice %arg10[%dma_start3A_51, %dma_start3A_52] : memref<10240x128xf32, #tpu.memory_space<vmem_shared>> -> memref<10240x128xf32, #tpu.memory_space<vmem_shared>>
        tpu.enqueue_indirect_dma source(%arg8 : memref<128x128xf32, #tpu.memory_space<vmem>>) target(%dma_start3A_53 : memref<10240x128xf32, #tpu.memory_space<vmem_shared>>) offsets(%arg7 : memref<128xi32, #tpu.memory_space<vmem>>) semaphore(%run_scoped3A : memref<!tpu.dma_semaphore, #tpu.memory_space<semaphore_mem>>) {add = true}
        %dma_wait3A_54 = arith.constant 0 : i32
        %dma_wait3A_55 = arith.constant 0 : i32
        %dma_wait3A_56 = tpu.memref_slice %arg10[%dma_wait3A_54, %dma_wait3A_55] : memref<10240x128xf32, #tpu.memory_space<vmem_shared>> -> memref<10240x128xf32, #tpu.memory_space<vmem_shared>>
        tpu.wait_indirect_dma semaphore(%run_scoped3A : memref<!tpu.dma_semaphore, #tpu.memory_space<semaphore_mem>>) src(%arg8 : memref<128x128xf32, #tpu.memory_space<vmem>>) dst(%dma_wait3A_56 : memref<10240x128xf32, #tpu.memory_space<vmem_shared>>)
        tpu.yield
      }) : () -> ()
      %scan3A_50 = arith.constant 0 : i32
      scf.yield %scan3A_50 : i32
    }
    %scan3A_33 = arith.constant 79 : i32
    %barrier3A_34 = arith.constant 0 : index
    tpu.barrier barrier_id(%barrier3A_34)
    %mul3A_35 = arith.constant 640 : i32
    %mul3A_36 = arith.muli %arg1, %mul3A_35 : i32
    %mul3A_37 = arith.constant 640 : i32
    %mul3A_38 = arith.muli %arg1, %mul3A_37 : i32
    "tpu.region"() ({
      %run_scoped3A = tpu.sem_alloc : memref<!tpu.dma_semaphore, #tpu.memory_space<semaphore_mem>>
      %dma_start3A = arith.constant 0 : i32
      %dma_start3A_39 = tpu.memref_slice %arg5[%arg0, %mul3A_38, %dma_start3A] : memref<2x10240x128xf32, #tpu.memory_space<hbm>> -> memref<1x640x128xf32, #tpu.memory_space<hbm>>
      %dma_start3A_40 = tpu.memref_squeeze %dma_start3A_39 : memref<1x640x128xf32, #tpu.memory_space<hbm>> -> memref<640x128xf32, #tpu.memory_space<hbm>>
      %dma_start3A_41 = arith.constant 0 : i32
      %dma_start3A_42 = tpu.memref_slice %arg10[%mul3A_36, %dma_start3A_41] : memref<10240x128xf32, #tpu.memory_space<vmem_shared>> -> memref<640x128xf32, #tpu.memory_space<vmem_shared>>
      tpu.enqueue_dma source(%dma_start3A_42 : memref<640x128xf32, #tpu.memory_space<vmem_shared>>) target(%dma_start3A_40 : memref<640x128xf32, #tpu.memory_space<hbm>>) target_semaphore(%run_scoped3A : memref<!tpu.dma_semaphore, #tpu.memory_space<semaphore_mem>>)
      %dma_wait3A = arith.constant 0 : i32
      %dma_wait3A_43 = tpu.memref_slice %arg5[%arg0, %mul3A_38, %dma_wait3A] : memref<2x10240x128xf32, #tpu.memory_space<hbm>> -> memref<1x640x128xf32, #tpu.memory_space<hbm>>
      %dma_wait3A_44 = tpu.memref_squeeze %dma_wait3A_43 : memref<1x640x128xf32, #tpu.memory_space<hbm>> -> memref<640x128xf32, #tpu.memory_space<hbm>>
      %dma_wait3A_45 = arith.constant 0 : i32
      %dma_wait3A_46 = tpu.memref_slice %arg10[%mul3A_36, %dma_wait3A_45] : memref<10240x128xf32, #tpu.memory_space<vmem_shared>> -> memref<640x128xf32, #tpu.memory_space<vmem_shared>>
      tpu.wait_dma2 semaphore(%run_scoped3A : memref<!tpu.dma_semaphore, #tpu.memory_space<semaphore_mem>>) src(%dma_wait3A_46 : memref<640x128xf32, #tpu.memory_space<vmem_shared>>) dst(%dma_wait3A_44 : memref<640x128xf32, #tpu.memory_space<hbm>>)
      tpu.yield
    }) : () -> ()
    return
  }
}

#map = affine_map<(d0, d1) -> (0, 0)>
#map1 = affine_map<(d0, d1) -> (0)>
#map2 = affine_map<(d0, d1) -> (0, 0, 0)>
module attributes {stable_mosaic.version = 14 : i64} {
  func.func @_spmm_kernel(%arg0: i32, %arg1: i32, %arg2: memref<10000x128xf32, #tpu.memory_space<hbm>>, %arg3: memref<323584xi32, #tpu.memory_space<hbm>>, %arg4: memref<323584xi32, #tpu.memory_space<hbm>>, %arg5: memref<2x10240x128xf32, #tpu.memory_space<hbm>>, %arg6: memref<128xi32, #tpu.memory_space<vmem>>, %arg7: memref<128xi32, #tpu.memory_space<vmem>>, %arg8: memref<128x128xf32, #tpu.memory_space<vmem>>, %arg9: memref<128x128xf32, #tpu.memory_space<vmem>>, %arg10: memref<10240x128xf32, #tpu.memory_space<vmem_shared>>, %arg11: memref<!tpu.dma_semaphore, #tpu.memory_space<semaphore_mem>>) attributes {dimension_semantics = [#tpu.dimension_semantics<core_parallel>, #tpu.dimension_semantics<subcore_parallel>], iteration_bounds = array<i64: 2, 16>, scalar_prefetch = 0 : i64, scratch_operands = 6 : i64, tpu.core_type = #tpu.core_type<sc_vector_subcore>, window_params = [{transform_indices = #map}, {transform_indices = #map1}, {transform_indices = #map1}, {transform_indices = #map2}]} {
    %mul3A = arith.constant 16 : i32
    %mul3A_0 = arith.muli %arg0, %mul3A : i32
    %add3A = arith.addi %mul3A_0, %arg1 : i32
    %scan3A = arith.constant 0 : i32
    %scan3A_1 = arith.constant 0 : i32
    %scan3A_2 = arith.constant 128 : i32
    %scan3A_3 = arith.addi %scan3A_1, %scan3A_2 : i32
    %scan3A_4 = arith.constant 1 : i32
    %scan3A_5 = scf.for %scan3A_39 = %scan3A_1 to %scan3A_3 step %scan3A_4 iter_args(%scan3A_40 = %scan3A) -> (i32)  : i32 {
      %broadcast_in_dim3A = arith.constant 0.000000e+00 : f32
      %broadcast_in_dim3A_41 = vector.broadcast %broadcast_in_dim3A : f32 to vector<16xf32>
      %swap3A = arith.index_cast %scan3A_39 : i32 to index
      %swap3A_42 = arith.constant 0 : index
      %swap3A_43 = tpu.vector_load %arg9[%swap3A, %swap3A_42] {strides = array<i32>} : memref<128x128xf32, #tpu.memory_space<vmem>>, vector<1x16xf32>,
      %swap3A_44 = vector.shape_cast %swap3A_43 : vector<1x16xf32> to vector<16xf32>
      %swap3A_45 = vector.shape_cast %broadcast_in_dim3A_41 : vector<16xf32> to vector<1x16xf32>
      tpu.vector_store %arg9[%swap3A, %swap3A_42], %swap3A_45 {strides = array<i32>} : memref<128x128xf32, #tpu.memory_space<vmem>>, vector<1x16xf32>,
      %broadcast_in_dim3A_46 = arith.constant 0.000000e+00 : f32
      %broadcast_in_dim3A_47 = vector.broadcast %broadcast_in_dim3A_46 : f32 to vector<16xf32>
      %swap3A_48 = arith.index_cast %scan3A_39 : i32 to index
      %swap3A_49 = arith.constant 16 : index
      %swap3A_50 = tpu.vector_load %arg9[%swap3A_48, %swap3A_49] {strides = array<i32>} : memref<128x128xf32, #tpu.memory_space<vmem>>, vector<1x16xf32>,
      %swap3A_51 = vector.shape_cast %swap3A_50 : vector<1x16xf32> to vector<16xf32>
      %swap3A_52 = vector.shape_cast %broadcast_in_dim3A_47 : vector<16xf32> to vector<1x16xf32>
      tpu.vector_store %arg9[%swap3A_48, %swap3A_49], %swap3A_52 {strides = array<i32>} : memref<128x128xf32, #tpu.memory_space<vmem>>, vector<1x16xf32>,
      %broadcast_in_dim3A_53 = arith.constant 0.000000e+00 : f32
      %broadcast_in_dim3A_54 = vector.broadcast %broadcast_in_dim3A_53 : f32 to vector<16xf32>
      %swap3A_55 = arith.index_cast %scan3A_39 : i32 to index
      %swap3A_56 = arith.constant 32 : index
      %swap3A_57 = tpu.vector_load %arg9[%swap3A_55, %swap3A_56] {strides = array<i32>} : memref<128x128xf32, #tpu.memory_space<vmem>>, vector<1x16xf32>,
      %swap3A_58 = vector.shape_cast %swap3A_57 : vector<1x16xf32> to vector<16xf32>
      %swap3A_59 = vector.shape_cast %broadcast_in_dim3A_54 : vector<16xf32> to vector<1x16xf32>
      tpu.vector_store %arg9[%swap3A_55, %swap3A_56], %swap3A_59 {strides = array<i32>} : memref<128x128xf32, #tpu.memory_space<vmem>>, vector<1x16xf32>,
      %broadcast_in_dim3A_60 = arith.constant 0.000000e+00 : f32
      %broadcast_in_dim3A_61 = vector.broadcast %broadcast_in_dim3A_60 : f32 to vector<16xf32>
      %swap3A_62 = arith.index_cast %scan3A_39 : i32 to index
      %swap3A_63 = arith.constant 48 : index
      %swap3A_64 = tpu.vector_load %arg9[%swap3A_62, %swap3A_63] {strides = array<i32>} : memref<128x128xf32, #tpu.memory_space<vmem>>, vector<1x16xf32>,
      %swap3A_65 = vector.shape_cast %swap3A_64 : vector<1x16xf32> to vector<16xf32>
      %swap3A_66 = vector.shape_cast %broadcast_in_dim3A_61 : vector<16xf32> to vector<1x16xf32>
      tpu.vector_store %arg9[%swap3A_62, %swap3A_63], %swap3A_66 {strides = array<i32>} : memref<128x128xf32, #tpu.memory_space<vmem>>, vector<1x16xf32>,
      %broadcast_in_dim3A_67 = arith.constant 0.000000e+00 : f32
      %broadcast_in_dim3A_68 = vector.broadcast %broadcast_in_dim3A_67 : f32 to vector<16xf32>
      %swap3A_69 = arith.index_cast %scan3A_39 : i32 to index
      %swap3A_70 = arith.constant 64 : index
      %swap3A_71 = tpu.vector_load %arg9[%swap3A_69, %swap3A_70] {strides = array<i32>} : memref<128x128xf32, #tpu.memory_space<vmem>>, vector<1x16xf32>,
      %swap3A_72 = vector.shape_cast %swap3A_71 : vector<1x16xf32> to vector<16xf32>
      %swap3A_73 = vector.shape_cast %broadcast_in_dim3A_68 : vector<16xf32> to vector<1x16xf32>
      tpu.vector_store %arg9[%swap3A_69, %swap3A_70], %swap3A_73 {strides = array<i32>} : memref<128x128xf32, #tpu.memory_space<vmem>>, vector<1x16xf32>,
      %broadcast_in_dim3A_74 = arith.constant 0.000000e+00 : f32
      %broadcast_in_dim3A_75 = vector.broadcast %broadcast_in_dim3A_74 : f32 to vector<16xf32>
      %swap3A_76 = arith.index_cast %scan3A_39 : i32 to index
      %swap3A_77 = arith.constant 80 : index
      %swap3A_78 = tpu.vector_load %arg9[%swap3A_76, %swap3A_77] {strides = array<i32>} : memref<128x128xf32, #tpu.memory_space<vmem>>, vector<1x16xf32>,
      %swap3A_79 = vector.shape_cast %swap3A_78 : vector<1x16xf32> to vector<16xf32>
      %swap3A_80 = vector.shape_cast %broadcast_in_dim3A_75 : vector<16xf32> to vector<1x16xf32>
      tpu.vector_store %arg9[%swap3A_76, %swap3A_77], %swap3A_80 {strides = array<i32>} : memref<128x128xf32, #tpu.memory_space<vmem>>, vector<1x16xf32>,
      %broadcast_in_dim3A_81 = arith.constant 0.000000e+00 : f32
      %broadcast_in_dim3A_82 = vector.broadcast %broadcast_in_dim3A_81 : f32 to vector<16xf32>
      %swap3A_83 = arith.index_cast %scan3A_39 : i32 to index
      %swap3A_84 = arith.constant 96 : index
      %swap3A_85 = tpu.vector_load %arg9[%swap3A_83, %swap3A_84] {strides = array<i32>} : memref<128x128xf32, #tpu.memory_space<vmem>>, vector<1x16xf32>,
      %swap3A_86 = vector.shape_cast %swap3A_85 : vector<1x16xf32> to vector<16xf32>
      %swap3A_87 = vector.shape_cast %broadcast_in_dim3A_82 : vector<16xf32> to vector<1x16xf32>
      tpu.vector_store %arg9[%swap3A_83, %swap3A_84], %swap3A_87 {strides = array<i32>} : memref<128x128xf32, #tpu.memory_space<vmem>>, vector<1x16xf32>,
      %broadcast_in_dim3A_88 = arith.constant 0.000000e+00 : f32
      %broadcast_in_dim3A_89 = vector.broadcast %broadcast_in_dim3A_88 : f32 to vector<16xf32>
      %swap3A_90 = arith.index_cast %scan3A_39 : i32 to index
      %swap3A_91 = arith.constant 112 : index
      %swap3A_92 = tpu.vector_load %arg9[%swap3A_90, %swap3A_91] {strides = array<i32>} : memref<128x128xf32, #tpu.memory_space<vmem>>, vector<1x16xf32>,
      %swap3A_93 = vector.shape_cast %swap3A_92 : vector<1x16xf32> to vector<16xf32>
      %swap3A_94 = vector.shape_cast %broadcast_in_dim3A_89 : vector<16xf32> to vector<1x16xf32>
      tpu.vector_store %arg9[%swap3A_90, %swap3A_91], %swap3A_94 {strides = array<i32>} : memref<128x128xf32, #tpu.memory_space<vmem>>, vector<1x16xf32>,
      %scan3A_95 = arith.constant 0 : i32
      scf.yield %scan3A_95 : i32
    }
    %scan3A_6 = arith.constant 128 : i32
    %mul3A_7 = arith.constant 640 : i32
    %mul3A_8 = arith.muli %arg1, %mul3A_7 : i32
    %add3A_9 = arith.constant 0 : i32
    %add3A_10 = arith.addi %mul3A_8, %add3A_9 : i32
    "tpu.region"() ({
      %run_scoped3A = tpu.sem_alloc : memref<!tpu.dma_semaphore, #tpu.memory_space<semaphore_mem>>
      %dma_start3A = arith.constant 0 : i32
      %dma_start3A_39 = tpu.memref_slice %arg10[%add3A_10, %dma_start3A] : memref<10240x128xf32, #tpu.memory_space<vmem_shared>> -> memref<128x128xf32, #tpu.memory_space<vmem_shared>>
      %dma_start3A_40 = arith.constant 0 : i32
      %dma_start3A_41 = tpu.memref_slice %arg10[%add3A_10, %dma_start3A_40] : memref<10240x128xf32, #tpu.memory_space<vmem_shared>> -> memref<128x128xf32, #tpu.memory_space<vmem_shared>>
      tpu.enqueue_dma source(%arg9 : memref<128x128xf32, #tpu.memory_space<vmem>>) target(%dma_start3A_41 : memref<128x128xf32, #tpu.memory_space<vmem_shared>>) target_semaphore(%run_scoped3A : memref<!tpu.dma_semaphore, #tpu.memory_space<semaphore_mem>>)
      %dma_wait3A = arith.constant 0 : i32
      %dma_wait3A_42 = tpu.memref_slice %arg10[%add3A_10, %dma_wait3A] : memref<10240x128xf32, #tpu.memory_space<vmem_shared>> -> memref<128x128xf32, #tpu.memory_space<vmem_shared>>
      %dma_wait3A_43 = arith.constant 0 : i32
      %dma_wait3A_44 = tpu.memref_slice %arg10[%add3A_10, %dma_wait3A_43] : memref<10240x128xf32, #tpu.memory_space<vmem_shared>> -> memref<128x128xf32, #tpu.memory_space<vmem_shared>>
      tpu.wait_dma2 semaphore(%run_scoped3A : memref<!tpu.dma_semaphore, #tpu.memory_space<semaphore_mem>>) src(%arg9 : memref<128x128xf32, #tpu.memory_space<vmem>>) dst(%dma_wait3A_44 : memref<128x128xf32, #tpu.memory_space<vmem_shared>>)
      tpu.yield
    }) : () -> ()
    %mul3A_11 = arith.constant 640 : i32
    %mul3A_12 = arith.muli %arg1, %mul3A_11 : i32
    %add3A_13 = arith.constant 128 : i32
    %add3A_14 = arith.addi %mul3A_12, %add3A_13 : i32
    "tpu.region"() ({
      %run_scoped3A = tpu.sem_alloc : memref<!tpu.dma_semaphore, #tpu.memory_space<semaphore_mem>>
      %dma_start3A = arith.constant 0 : i32
      %dma_start3A_39 = tpu.memref_slice %arg10[%add3A_14, %dma_start3A] : memref<10240x128xf32, #tpu.memory_space<vmem_shared>> -> memref<128x128xf32, #tpu.memory_space<vmem_shared>>
      %dma_start3A_40 = arith.constant 0 : i32
      %dma_start3A_41 = tpu.memref_slice %arg10[%add3A_14, %dma_start3A_40] : memref<10240x128xf32, #tpu.memory_space<vmem_shared>> -> memref<128x128xf32, #tpu.memory_space<vmem_shared>>
      tpu.enqueue_dma source(%arg9 : memref<128x128xf32, #tpu.memory_space<vmem>>) target(%dma_start3A_41 : memref<128x128xf32, #tpu.memory_space<vmem_shared>>) target_semaphore(%run_scoped3A : memref<!tpu.dma_semaphore, #tpu.memory_space<semaphore_mem>>)
      %dma_wait3A = arith.constant 0 : i32
      %dma_wait3A_42 = tpu.memref_slice %arg10[%add3A_14, %dma_wait3A] : memref<10240x128xf32, #tpu.memory_space<vmem_shared>> -> memref<128x128xf32, #tpu.memory_space<vmem_shared>>
      %dma_wait3A_43 = arith.constant 0 : i32
      %dma_wait3A_44 = tpu.memref_slice %arg10[%add3A_14, %dma_wait3A_43] : memref<10240x128xf32, #tpu.memory_space<vmem_shared>> -> memref<128x128xf32, #tpu.memory_space<vmem_shared>>
      tpu.wait_dma2 semaphore(%run_scoped3A : memref<!tpu.dma_semaphore, #tpu.memory_space<semaphore_mem>>) src(%arg9 : memref<128x128xf32, #tpu.memory_space<vmem>>) dst(%dma_wait3A_44 : memref<128x128xf32, #tpu.memory_space<vmem_shared>>)
      tpu.yield
    }) : () -> ()
    %mul3A_15 = arith.constant 640 : i32
    %mul3A_16 = arith.muli %arg1, %mul3A_15 : i32
    %add3A_17 = arith.constant 256 : i32
    %add3A_18 = arith.addi %mul3A_16, %add3A_17 : i32
    "tpu.region"() ({
      %run_scoped3A = tpu.sem_alloc : memref<!tpu.dma_semaphore, #tpu.memory_space<semaphore_mem>>
      %dma_start3A = arith.constant 0 : i32
      %dma_start3A_39 = tpu.memref_slice %arg10[%add3A_18, %dma_start3A] : memref<10240x128xf32, #tpu.memory_space<vmem_shared>> -> memref<128x128xf32, #tpu.memory_space<vmem_shared>>
      %dma_start3A_40 = arith.constant 0 : i32
      %dma_start3A_41 = tpu.memref_slice %arg10[%add3A_18, %dma_start3A_40] : memref<10240x128xf32, #tpu.memory_space<vmem_shared>> -> memref<128x128xf32, #tpu.memory_space<vmem_shared>>
      tpu.enqueue_dma source(%arg9 : memref<128x128xf32, #tpu.memory_space<vmem>>) target(%dma_start3A_41 : memref<128x128xf32, #tpu.memory_space<vmem_shared>>) target_semaphore(%run_scoped3A : memref<!tpu.dma_semaphore, #tpu.memory_space<semaphore_mem>>)
      %dma_wait3A = arith.constant 0 : i32
      %dma_wait3A_42 = tpu.memref_slice %arg10[%add3A_18, %dma_wait3A] : memref<10240x128xf32, #tpu.memory_space<vmem_shared>> -> memref<128x128xf32, #tpu.memory_space<vmem_shared>>
      %dma_wait3A_43 = arith.constant 0 : i32
      %dma_wait3A_44 = tpu.memref_slice %arg10[%add3A_18, %dma_wait3A_43] : memref<10240x128xf32, #tpu.memory_space<vmem_shared>> -> memref<128x128xf32, #tpu.memory_space<vmem_shared>>
      tpu.wait_dma2 semaphore(%run_scoped3A : memref<!tpu.dma_semaphore, #tpu.memory_space<semaphore_mem>>) src(%arg9 : memref<128x128xf32, #tpu.memory_space<vmem>>) dst(%dma_wait3A_44 : memref<128x128xf32, #tpu.memory_space<vmem_shared>>)
      tpu.yield
    }) : () -> ()
    %mul3A_19 = arith.constant 640 : i32
    %mul3A_20 = arith.muli %arg1, %mul3A_19 : i32
    %add3A_21 = arith.constant 384 : i32
    %add3A_22 = arith.addi %mul3A_20, %add3A_21 : i32
    "tpu.region"() ({
      %run_scoped3A = tpu.sem_alloc : memref<!tpu.dma_semaphore, #tpu.memory_space<semaphore_mem>>
      %dma_start3A = arith.constant 0 : i32
      %dma_start3A_39 = tpu.memref_slice %arg10[%add3A_22, %dma_start3A] : memref<10240x128xf32, #tpu.memory_space<vmem_shared>> -> memref<128x128xf32, #tpu.memory_space<vmem_shared>>
      %dma_start3A_40 = arith.constant 0 : i32
      %dma_start3A_41 = tpu.memref_slice %arg10[%add3A_22, %dma_start3A_40] : memref<10240x128xf32, #tpu.memory_space<vmem_shared>> -> memref<128x128xf32, #tpu.memory_space<vmem_shared>>
      tpu.enqueue_dma source(%arg9 : memref<128x128xf32, #tpu.memory_space<vmem>>) target(%dma_start3A_41 : memref<128x128xf32, #tpu.memory_space<vmem_shared>>) target_semaphore(%run_scoped3A : memref<!tpu.dma_semaphore, #tpu.memory_space<semaphore_mem>>)
      %dma_wait3A = arith.constant 0 : i32
      %dma_wait3A_42 = tpu.memref_slice %arg10[%add3A_22, %dma_wait3A] : memref<10240x128xf32, #tpu.memory_space<vmem_shared>> -> memref<128x128xf32, #tpu.memory_space<vmem_shared>>
      %dma_wait3A_43 = arith.constant 0 : i32
      %dma_wait3A_44 = tpu.memref_slice %arg10[%add3A_22, %dma_wait3A_43] : memref<10240x128xf32, #tpu.memory_space<vmem_shared>> -> memref<128x128xf32, #tpu.memory_space<vmem_shared>>
      tpu.wait_dma2 semaphore(%run_scoped3A : memref<!tpu.dma_semaphore, #tpu.memory_space<semaphore_mem>>) src(%arg9 : memref<128x128xf32, #tpu.memory_space<vmem>>) dst(%dma_wait3A_44 : memref<128x128xf32, #tpu.memory_space<vmem_shared>>)
      tpu.yield
    }) : () -> ()
    %mul3A_23 = arith.constant 640 : i32
    %mul3A_24 = arith.muli %arg1, %mul3A_23 : i32
    %add3A_25 = arith.constant 512 : i32
    %add3A_26 = arith.addi %mul3A_24, %add3A_25 : i32
    "tpu.region"() ({
      %run_scoped3A = tpu.sem_alloc : memref<!tpu.dma_semaphore, #tpu.memory_space<semaphore_mem>>
      %dma_start3A = arith.constant 0 : i32
      %dma_start3A_39 = tpu.memref_slice %arg10[%add3A_26, %dma_start3A] : memref<10240x128xf32, #tpu.memory_space<vmem_shared>> -> memref<128x128xf32, #tpu.memory_space<vmem_shared>>
      %dma_start3A_40 = arith.constant 0 : i32
      %dma_start3A_41 = tpu.memref_slice %arg10[%add3A_26, %dma_start3A_40] : memref<10240x128xf32, #tpu.memory_space<vmem_shared>> -> memref<128x128xf32, #tpu.memory_space<vmem_shared>>
      tpu.enqueue_dma source(%arg9 : memref<128x128xf32, #tpu.memory_space<vmem>>) target(%dma_start3A_41 : memref<128x128xf32, #tpu.memory_space<vmem_shared>>) target_semaphore(%run_scoped3A : memref<!tpu.dma_semaphore, #tpu.memory_space<semaphore_mem>>)
      %dma_wait3A = arith.constant 0 : i32
      %dma_wait3A_42 = tpu.memref_slice %arg10[%add3A_26, %dma_wait3A] : memref<10240x128xf32, #tpu.memory_space<vmem_shared>> -> memref<128x128xf32, #tpu.memory_space<vmem_shared>>
      %dma_wait3A_43 = arith.constant 0 : i32
      %dma_wait3A_44 = tpu.memref_slice %arg10[%add3A_26, %dma_wait3A_43] : memref<10240x128xf32, #tpu.memory_space<vmem_shared>> -> memref<128x128xf32, #tpu.memory_space<vmem_shared>>
      tpu.wait_dma2 semaphore(%run_scoped3A : memref<!tpu.dma_semaphore, #tpu.memory_space<semaphore_mem>>) src(%arg9 : memref<128x128xf32, #tpu.memory_space<vmem>>) dst(%dma_wait3A_44 : memref<128x128xf32, #tpu.memory_space<vmem_shared>>)
      tpu.yield
    }) : () -> ()
    %barrier3A = arith.constant 0 : index
    tpu.barrier barrier_id(%barrier3A)
    %scan3A_27 = arith.constant 0 : i32
    %scan3A_28 = arith.constant 0 : i32
    %scan3A_29 = arith.constant 79 : i32
    %scan3A_30 = arith.addi %scan3A_28, %scan3A_29 : i32
    %scan3A_31 = arith.constant 1 : i32
    %scan3A_32 = scf.for %scan3A_39 = %scan3A_28 to %scan3A_30 step %scan3A_31 iter_args(%scan3A_40 = %scan3A_27) -> (i32)  : i32 {
      %mul3A_41 = arith.constant 10112 : i32
      %mul3A_42 = arith.muli %add3A, %mul3A_41 : i32
      %mul3A_43 = arith.constant 128 : i32
      %mul3A_44 = arith.muli %scan3A_39, %mul3A_43 : i32
      %add3A_45 = arith.addi %mul3A_42, %mul3A_44 : i32
      "tpu.region"() ({
        %run_scoped3A = tpu.sem_alloc : memref<!tpu.dma_semaphore, #tpu.memory_space<semaphore_mem>>
        %dma_start3A_51 = tpu.memref_slice %arg3[%add3A_45] : memref<323584xi32, #tpu.memory_space<hbm>> -> memref<128xi32, #tpu.memory_space<hbm>>
        %dma_start3A_52 = tpu.memref_slice %arg3[%add3A_45] : memref<323584xi32, #tpu.memory_space<hbm>> -> memref<128xi32, #tpu.memory_space<hbm>>
        tpu.enqueue_dma source(%dma_start3A_52 : memref<128xi32, #tpu.memory_space<hbm>>) target(%arg6 : memref<128xi32, #tpu.memory_space<vmem>>) target_semaphore(%run_scoped3A : memref<!tpu.dma_semaphore, #tpu.memory_space<semaphore_mem>>)
        %dma_wait3A_53 = tpu.memref_slice %arg3[%add3A_45] : memref<323584xi32, #tpu.memory_space<hbm>> -> memref<128xi32, #tpu.memory_space<hbm>>
        %dma_wait3A_54 = tpu.memref_slice %arg3[%add3A_45] : memref<323584xi32, #tpu.memory_space<hbm>> -> memref<128xi32, #tpu.memory_space<hbm>>
        tpu.wait_dma2 semaphore(%run_scoped3A : memref<!tpu.dma_semaphore, #tpu.memory_space<semaphore_mem>>) src(%dma_wait3A_54 : memref<128xi32, #tpu.memory_space<hbm>>) dst(%arg6 : memref<128xi32, #tpu.memory_space<vmem>>)
        tpu.yield
      }) : () -> ()
      "tpu.region"() ({
        %run_scoped3A = tpu.sem_alloc : memref<!tpu.dma_semaphore, #tpu.memory_space<semaphore_mem>>
        %dma_start3A_51 = tpu.memref_slice %arg4[%add3A_45] : memref<323584xi32, #tpu.memory_space<hbm>> -> memref<128xi32, #tpu.memory_space<hbm>>
        %dma_start3A_52 = tpu.memref_slice %arg4[%add3A_45] : memref<323584xi32, #tpu.memory_space<hbm>> -> memref<128xi32, #tpu.memory_space<hbm>>
        tpu.enqueue_dma source(%dma_start3A_52 : memref<128xi32, #tpu.memory_space<hbm>>) target(%arg7 : memref<128xi32, #tpu.memory_space<vmem>>) target_semaphore(%run_scoped3A : memref<!tpu.dma_semaphore, #tpu.memory_space<semaphore_mem>>)
        %dma_wait3A_53 = tpu.memref_slice %arg4[%add3A_45] : memref<323584xi32, #tpu.memory_space<hbm>> -> memref<128xi32, #tpu.memory_space<hbm>>
        %dma_wait3A_54 = tpu.memref_slice %arg4[%add3A_45] : memref<323584xi32, #tpu.memory_space<hbm>> -> memref<128xi32, #tpu.memory_space<hbm>>
        tpu.wait_dma2 semaphore(%run_scoped3A : memref<!tpu.dma_semaphore, #tpu.memory_space<semaphore_mem>>) src(%dma_wait3A_54 : memref<128xi32, #tpu.memory_space<hbm>>) dst(%arg7 : memref<128xi32, #tpu.memory_space<vmem>>)
        tpu.yield
      }) : () -> ()
      %dma_start3A = arith.constant 0 : i32
      %dma_start3A_46 = arith.constant 0 : i32
      %dma_start3A_47 = tpu.memref_slice %arg2[%dma_start3A, %dma_start3A_46] : memref<10000x128xf32, #tpu.memory_space<hbm>> -> memref<10000x128xf32, #tpu.memory_space<hbm>>
      tpu.enqueue_indirect_dma source(%dma_start3A_47 : memref<10000x128xf32, #tpu.memory_space<hbm>>) target(%arg8 : memref<128x128xf32, #tpu.memory_space<vmem>>) offsets(%arg6 : memref<128xi32, #tpu.memory_space<vmem>>) semaphore(%arg11 : memref<!tpu.dma_semaphore, #tpu.memory_space<semaphore_mem>>)
      %dma_wait3A = arith.constant 0 : i32
      %dma_wait3A_48 = arith.constant 0 : i32
      %dma_wait3A_49 = tpu.memref_slice %arg2[%dma_wait3A, %dma_wait3A_48] : memref<10000x128xf32, #tpu.memory_space<hbm>> -> memref<10000x128xf32, #tpu.memory_space<hbm>>
      tpu.wait_indirect_dma semaphore(%arg11 : memref<!tpu.dma_semaphore, #tpu.memory_space<semaphore_mem>>) src(%dma_wait3A_49 : memref<10000x128xf32, #tpu.memory_space<hbm>>) dst(%arg8 : memref<128x128xf32, #tpu.memory_space<vmem>>)
      "tpu.region"() ({
        %run_scoped3A = tpu.sem_alloc : memref<!tpu.dma_semaphore, #tpu.memory_space<semaphore_mem>>
        %dma_start3A_51 = arith.constant 0 : i32
        %dma_start3A_52 = arith.constant 0 : i32
        %dma_start3A_53 = tpu.memref_slice %arg10[%dma_start3A_51, %dma_start3A_52] : memref<10240x128xf32, #tpu.memory_space<vmem_shared>> -> memref<10240x128xf32, #tpu.memory_space<vmem_shared>>
        tpu.enqueue_indirect_dma source(%arg8 : memref<128x128xf32, #tpu.memory_space<vmem>>) target(%dma_start3A_53 : memref<10240x128xf32, #tpu.memory_space<vmem_shared>>) offsets(%arg7 : memref<128xi32, #tpu.memory_space<vmem>>) semaphore(%run_scoped3A : memref<!tpu.dma_semaphore, #tpu.memory_space<semaphore_mem>>) {add = true}
        %dma_wait3A_54 = arith.constant 0 : i32
        %dma_wait3A_55 = arith.constant 0 : i32
        %dma_wait3A_56 = tpu.memref_slice %arg10[%dma_wait3A_54, %dma_wait3A_55] : memref<10240x128xf32, #tpu.memory_space<vmem_shared>> -> memref<10240x128xf32, #tpu.memory_space<vmem_shared>>
        tpu.wait_indirect_dma semaphore(%run_scoped3A : memref<!tpu.dma_semaphore, #tpu.memory_space<semaphore_mem>>) src(%arg8 : memref<128x128xf32, #tpu.memory_space<vmem>>) dst(%dma_wait3A_56 : memref<10240x128xf32, #tpu.memory_space<vmem_shared>>)
        tpu.yield
      }) : () -> ()
      %scan3A_50 = arith.constant 0 : i32
      scf.yield %scan3A_50 : i32
    }
    %scan3A_33 = arith.constant 79 : i32
    %barrier3A_34 = arith.constant 0 : index
    tpu.barrier barrier_id(%barrier3A_34)
    %mul3A_35 = arith.constant 640 : i32
    %mul3A_36 = arith.muli %arg1, %mul3A_35 : i32
    %mul3A_37 = arith.constant 640 : i32
    %mul3A_38 = arith.muli %arg1, %mul3A_37 : i32
    "tpu.region"() ({
      %run_scoped3A = tpu.sem_alloc : memref<!tpu.dma_semaphore, #tpu.memory_space<semaphore_mem>>
      %dma_start3A = arith.constant 0 : i32
      %dma_start3A_39 = tpu.memref_slice %arg5[%arg0, %mul3A_38, %dma_start3A] : memref<2x10240x128xf32, #tpu.memory_space<hbm>> -> memref<1x640x128xf32, #tpu.memory_space<hbm>>
      %dma_start3A_40 = tpu.memref_squeeze %dma_start3A_39 : memref<1x640x128xf32, #tpu.memory_space<hbm>> -> memref<640x128xf32, #tpu.memory_space<hbm>>
      %dma_start3A_41 = arith.constant 0 : i32
      %dma_start3A_42 = tpu.memref_slice %arg10[%mul3A_36, %dma_start3A_41] : memref<10240x128xf32, #tpu.memory_space<vmem_shared>> -> memref<640x128xf32, #tpu.memory_space<vmem_shared>>
      tpu.enqueue_dma source(%dma_start3A_42 : memref<640x128xf32, #tpu.memory_space<vmem_shared>>) target(%dma_start3A_40 : memref<640x128xf32, #tpu.memory_space<hbm>>) target_semaphore(%run_scoped3A : memref<!tpu.dma_semaphore, #tpu.memory_space<semaphore_mem>>)
      %dma_wait3A = arith.constant 0 : i32
      %dma_wait3A_43 = tpu.memref_slice %arg5[%arg0, %mul3A_38, %dma_wait3A] : memref<2x10240x128xf32, #tpu.memory_space<hbm>> -> memref<1x640x128xf32, #tpu.memory_space<hbm>>
      %dma_wait3A_44 = tpu.memref_squeeze %dma_wait3A_43 : memref<1x640x128xf32, #tpu.memory_space<hbm>> -> memref<640x128xf32, #tpu.memory_space<hbm>>
      %dma_wait3A_45 = arith.constant 0 : i32
      %dma_wait3A_46 = tpu.memref_slice %arg10[%mul3A_36, %dma_wait3A_45] : memref<10240x128xf32, #tpu.memory_space<vmem_shared>> -> memref<640x128xf32, #tpu.memory_space<vmem_shared>>
      tpu.wait_dma2 semaphore(%run_scoped3A : memref<!tpu.dma_semaphore, #tpu.memory_space<semaphore_mem>>) src(%dma_wait3A_46 : memref<640x128xf32, #tpu.memory_space<vmem_shared>>) dst(%dma_wait3A_44 : memref<640x128xf32, #tpu.memory_space<hbm>>)
      tpu.yield
    }) : () -> ()
    return
  }
}

#map = affine_map<(d0, d1) -> (0, 0)>
#map1 = affine_map<(d0, d1) -> (0)>
#map2 = affine_map<(d0, d1) -> (0, 0, 0)>
module attributes {stable_mosaic.version = 14 : i64} {
  func.func @_spmm_kernel(%arg0: i32, %arg1: i32, %arg2: memref<10000x128xf32, #tpu.memory_space<hbm>>, %arg3: memref<323584xi32, #tpu.memory_space<hbm>>, %arg4: memref<323584xi32, #tpu.memory_space<hbm>>, %arg5: memref<2x10240x128xf32, #tpu.memory_space<hbm>>, %arg6: memref<128xi32, #tpu.memory_space<vmem>>, %arg7: memref<128xi32, #tpu.memory_space<vmem>>, %arg8: memref<128x128xf32, #tpu.memory_space<vmem>>, %arg9: memref<128x128xf32, #tpu.memory_space<vmem>>, %arg10: memref<10240x128xf32, #tpu.memory_space<vmem_shared>>, %arg11: memref<!tpu.dma_semaphore, #tpu.memory_space<semaphore_mem>>) attributes {dimension_semantics = [#tpu.dimension_semantics<core_parallel>, #tpu.dimension_semantics<subcore_parallel>], iteration_bounds = array<i64: 2, 16>, scalar_prefetch = 0 : i64, scratch_operands = 6 : i64, tpu.core_type = #tpu.core_type<sc_vector_subcore>, window_params = [{transform_indices = #map}, {transform_indices = #map1}, {transform_indices = #map1}, {transform_indices = #map2}]} {
    %mul3A = arith.constant 16 : i32
    %mul3A_0 = arith.muli %arg0, %mul3A : i32
    %add3A = arith.addi %mul3A_0, %arg1 : i32
    %scan3A = arith.constant 0 : i32
    %scan3A_1 = arith.constant 0 : i32
    %scan3A_2 = arith.constant 128 : i32
    %scan3A_3 = arith.addi %scan3A_1, %scan3A_2 : i32
    %scan3A_4 = arith.constant 1 : i32
    %scan3A_5 = scf.for %scan3A_39 = %scan3A_1 to %scan3A_3 step %scan3A_4 iter_args(%scan3A_40 = %scan3A) -> (i32)  : i32 {
      %broadcast_in_dim3A = arith.constant 0.000000e+00 : f32
      %broadcast_in_dim3A_41 = vector.broadcast %broadcast_in_dim3A : f32 to vector<16xf32>
      %swap3A = arith.index_cast %scan3A_39 : i32 to index
      %swap3A_42 = arith.constant 0 : index
      %swap3A_43 = tpu.vector_load %arg9[%swap3A, %swap3A_42] {strides = array<i32>} : memref<128x128xf32, #tpu.memory_space<vmem>>, vector<1x16xf32>,
      %swap3A_44 = vector.shape_cast %swap3A_43 : vector<1x16xf32> to vector<16xf32>
      %swap3A_45 = vector.shape_cast %broadcast_in_dim3A_41 : vector<16xf32> to vector<1x16xf32>
      tpu.vector_store %arg9[%swap3A, %swap3A_42], %swap3A_45 {strides = array<i32>} : memref<128x128xf32, #tpu.memory_space<vmem>>, vector<1x16xf32>,
      %broadcast_in_dim3A_46 = arith.constant 0.000000e+00 : f32
      %broadcast_in_dim3A_47 = vector.broadcast %broadcast_in_dim3A_46 : f32 to vector<16xf32>
      %swap3A_48 = arith.index_cast %scan3A_39 : i32 to index
      %swap3A_49 = arith.constant 16 : index
      %swap3A_50 = tpu.vector_load %arg9[%swap3A_48, %swap3A_49] {strides = array<i32>} : memref<128x128xf32, #tpu.memory_space<vmem>>, vector<1x16xf32>,
      %swap3A_51 = vector.shape_cast %swap3A_50 : vector<1x16xf32> to vector<16xf32>
      %swap3A_52 = vector.shape_cast %broadcast_in_dim3A_47 : vector<16xf32> to vector<1x16xf32>
      tpu.vector_store %arg9[%swap3A_48, %swap3A_49], %swap3A_52 {strides = array<i32>} : memref<128x128xf32, #tpu.memory_space<vmem>>, vector<1x16xf32>,
      %broadcast_in_dim3A_53 = arith.constant 0.000000e+00 : f32
      %broadcast_in_dim3A_54 = vector.broadcast %broadcast_in_dim3A_53 : f32 to vector<16xf32>
      %swap3A_55 = arith.index_cast %scan3A_39 : i32 to index
      %swap3A_56 = arith.constant 32 : index
      %swap3A_57 = tpu.vector_load %arg9[%swap3A_55, %swap3A_56] {strides = array<i32>} : memref<128x128xf32, #tpu.memory_space<vmem>>, vector<1x16xf32>,
      %swap3A_58 = vector.shape_cast %swap3A_57 : vector<1x16xf32> to vector<16xf32>
      %swap3A_59 = vector.shape_cast %broadcast_in_dim3A_54 : vector<16xf32> to vector<1x16xf32>
      tpu.vector_store %arg9[%swap3A_55, %swap3A_56], %swap3A_59 {strides = array<i32>} : memref<128x128xf32, #tpu.memory_space<vmem>>, vector<1x16xf32>,
      %broadcast_in_dim3A_60 = arith.constant 0.000000e+00 : f32
      %broadcast_in_dim3A_61 = vector.broadcast %broadcast_in_dim3A_60 : f32 to vector<16xf32>
      %swap3A_62 = arith.index_cast %scan3A_39 : i32 to index
      %swap3A_63 = arith.constant 48 : index
      %swap3A_64 = tpu.vector_load %arg9[%swap3A_62, %swap3A_63] {strides = array<i32>} : memref<128x128xf32, #tpu.memory_space<vmem>>, vector<1x16xf32>,
      %swap3A_65 = vector.shape_cast %swap3A_64 : vector<1x16xf32> to vector<16xf32>
      %swap3A_66 = vector.shape_cast %broadcast_in_dim3A_61 : vector<16xf32> to vector<1x16xf32>
      tpu.vector_store %arg9[%swap3A_62, %swap3A_63], %swap3A_66 {strides = array<i32>} : memref<128x128xf32, #tpu.memory_space<vmem>>, vector<1x16xf32>,
      %broadcast_in_dim3A_67 = arith.constant 0.000000e+00 : f32
      %broadcast_in_dim3A_68 = vector.broadcast %broadcast_in_dim3A_67 : f32 to vector<16xf32>
      %swap3A_69 = arith.index_cast %scan3A_39 : i32 to index
      %swap3A_70 = arith.constant 64 : index
      %swap3A_71 = tpu.vector_load %arg9[%swap3A_69, %swap3A_70] {strides = array<i32>} : memref<128x128xf32, #tpu.memory_space<vmem>>, vector<1x16xf32>,
      %swap3A_72 = vector.shape_cast %swap3A_71 : vector<1x16xf32> to vector<16xf32>
      %swap3A_73 = vector.shape_cast %broadcast_in_dim3A_68 : vector<16xf32> to vector<1x16xf32>
      tpu.vector_store %arg9[%swap3A_69, %swap3A_70], %swap3A_73 {strides = array<i32>} : memref<128x128xf32, #tpu.memory_space<vmem>>, vector<1x16xf32>,
      %broadcast_in_dim3A_74 = arith.constant 0.000000e+00 : f32
      %broadcast_in_dim3A_75 = vector.broadcast %broadcast_in_dim3A_74 : f32 to vector<16xf32>
      %swap3A_76 = arith.index_cast %scan3A_39 : i32 to index
      %swap3A_77 = arith.constant 80 : index
      %swap3A_78 = tpu.vector_load %arg9[%swap3A_76, %swap3A_77] {strides = array<i32>} : memref<128x128xf32, #tpu.memory_space<vmem>>, vector<1x16xf32>,
      %swap3A_79 = vector.shape_cast %swap3A_78 : vector<1x16xf32> to vector<16xf32>
      %swap3A_80 = vector.shape_cast %broadcast_in_dim3A_75 : vector<16xf32> to vector<1x16xf32>
      tpu.vector_store %arg9[%swap3A_76, %swap3A_77], %swap3A_80 {strides = array<i32>} : memref<128x128xf32, #tpu.memory_space<vmem>>, vector<1x16xf32>,
      %broadcast_in_dim3A_81 = arith.constant 0.000000e+00 : f32
      %broadcast_in_dim3A_82 = vector.broadcast %broadcast_in_dim3A_81 : f32 to vector<16xf32>
      %swap3A_83 = arith.index_cast %scan3A_39 : i32 to index
      %swap3A_84 = arith.constant 96 : index
      %swap3A_85 = tpu.vector_load %arg9[%swap3A_83, %swap3A_84] {strides = array<i32>} : memref<128x128xf32, #tpu.memory_space<vmem>>, vector<1x16xf32>,
      %swap3A_86 = vector.shape_cast %swap3A_85 : vector<1x16xf32> to vector<16xf32>
      %swap3A_87 = vector.shape_cast %broadcast_in_dim3A_82 : vector<16xf32> to vector<1x16xf32>
      tpu.vector_store %arg9[%swap3A_83, %swap3A_84], %swap3A_87 {strides = array<i32>} : memref<128x128xf32, #tpu.memory_space<vmem>>, vector<1x16xf32>,
      %broadcast_in_dim3A_88 = arith.constant 0.000000e+00 : f32
      %broadcast_in_dim3A_89 = vector.broadcast %broadcast_in_dim3A_88 : f32 to vector<16xf32>
      %swap3A_90 = arith.index_cast %scan3A_39 : i32 to index
      %swap3A_91 = arith.constant 112 : index
      %swap3A_92 = tpu.vector_load %arg9[%swap3A_90, %swap3A_91] {strides = array<i32>} : memref<128x128xf32, #tpu.memory_space<vmem>>, vector<1x16xf32>,
      %swap3A_93 = vector.shape_cast %swap3A_92 : vector<1x16xf32> to vector<16xf32>
      %swap3A_94 = vector.shape_cast %broadcast_in_dim3A_89 : vector<16xf32> to vector<1x16xf32>
      tpu.vector_store %arg9[%swap3A_90, %swap3A_91], %swap3A_94 {strides = array<i32>} : memref<128x128xf32, #tpu.memory_space<vmem>>, vector<1x16xf32>,
      %scan3A_95 = arith.constant 0 : i32
      scf.yield %scan3A_95 : i32
    }
    %scan3A_6 = arith.constant 128 : i32
    %mul3A_7 = arith.constant 640 : i32
    %mul3A_8 = arith.muli %arg1, %mul3A_7 : i32
    %add3A_9 = arith.constant 0 : i32
    %add3A_10 = arith.addi %mul3A_8, %add3A_9 : i32
    "tpu.region"() ({
      %run_scoped3A = tpu.sem_alloc : memref<!tpu.dma_semaphore, #tpu.memory_space<semaphore_mem>>
      %dma_start3A = arith.constant 0 : i32
      %dma_start3A_39 = tpu.memref_slice %arg10[%add3A_10, %dma_start3A] : memref<10240x128xf32, #tpu.memory_space<vmem_shared>> -> memref<128x128xf32, #tpu.memory_space<vmem_shared>>
      %dma_start3A_40 = arith.constant 0 : i32
      %dma_start3A_41 = tpu.memref_slice %arg10[%add3A_10, %dma_start3A_40] : memref<10240x128xf32, #tpu.memory_space<vmem_shared>> -> memref<128x128xf32, #tpu.memory_space<vmem_shared>>
      tpu.enqueue_dma source(%arg9 : memref<128x128xf32, #tpu.memory_space<vmem>>) target(%dma_start3A_41 : memref<128x128xf32, #tpu.memory_space<vmem_shared>>) target_semaphore(%run_scoped3A : memref<!tpu.dma_semaphore, #tpu.memory_space<semaphore_mem>>)
      %dma_wait3A = arith.constant 0 : i32
      %dma_wait3A_42 = tpu.memref_slice %arg10[%add3A_10, %dma_wait3A] : memref<10240x128xf32, #tpu.memory_space<vmem_shared>> -> memref<128x128xf32, #tpu.memory_space<vmem_shared>>
      %dma_wait3A_43 = arith.constant 0 : i32
      %dma_wait3A_44 = tpu.memref_slice %arg10[%add3A_10, %dma_wait3A_43] : memref<10240x128xf32, #tpu.memory_space<vmem_shared>> -> memref<128x128xf32, #tpu.memory_space<vmem_shared>>
      tpu.wait_dma2 semaphore(%run_scoped3A : memref<!tpu.dma_semaphore, #tpu.memory_space<semaphore_mem>>) src(%arg9 : memref<128x128xf32, #tpu.memory_space<vmem>>) dst(%dma_wait3A_44 : memref<128x128xf32, #tpu.memory_space<vmem_shared>>)
      tpu.yield
    }) : () -> ()
    %mul3A_11 = arith.constant 640 : i32
    %mul3A_12 = arith.muli %arg1, %mul3A_11 : i32
    %add3A_13 = arith.constant 128 : i32
    %add3A_14 = arith.addi %mul3A_12, %add3A_13 : i32
    "tpu.region"() ({
      %run_scoped3A = tpu.sem_alloc : memref<!tpu.dma_semaphore, #tpu.memory_space<semaphore_mem>>
      %dma_start3A = arith.constant 0 : i32
      %dma_start3A_39 = tpu.memref_slice %arg10[%add3A_14, %dma_start3A] : memref<10240x128xf32, #tpu.memory_space<vmem_shared>> -> memref<128x128xf32, #tpu.memory_space<vmem_shared>>
      %dma_start3A_40 = arith.constant 0 : i32
      %dma_start3A_41 = tpu.memref_slice %arg10[%add3A_14, %dma_start3A_40] : memref<10240x128xf32, #tpu.memory_space<vmem_shared>> -> memref<128x128xf32, #tpu.memory_space<vmem_shared>>
      tpu.enqueue_dma source(%arg9 : memref<128x128xf32, #tpu.memory_space<vmem>>) target(%dma_start3A_41 : memref<128x128xf32, #tpu.memory_space<vmem_shared>>) target_semaphore(%run_scoped3A : memref<!tpu.dma_semaphore, #tpu.memory_space<semaphore_mem>>)
      %dma_wait3A = arith.constant 0 : i32
      %dma_wait3A_42 = tpu.memref_slice %arg10[%add3A_14, %dma_wait3A] : memref<10240x128xf32, #tpu.memory_space<vmem_shared>> -> memref<128x128xf32, #tpu.memory_space<vmem_shared>>
      %dma_wait3A_43 = arith.constant 0 : i32
      %dma_wait3A_44 = tpu.memref_slice %arg10[%add3A_14, %dma_wait3A_43] : memref<10240x128xf32, #tpu.memory_space<vmem_shared>> -> memref<128x128xf32, #tpu.memory_space<vmem_shared>>
      tpu.wait_dma2 semaphore(%run_scoped3A : memref<!tpu.dma_semaphore, #tpu.memory_space<semaphore_mem>>) src(%arg9 : memref<128x128xf32, #tpu.memory_space<vmem>>) dst(%dma_wait3A_44 : memref<128x128xf32, #tpu.memory_space<vmem_shared>>)
      tpu.yield
    }) : () -> ()
    %mul3A_15 = arith.constant 640 : i32
    %mul3A_16 = arith.muli %arg1, %mul3A_15 : i32
    %add3A_17 = arith.constant 256 : i32
    %add3A_18 = arith.addi %mul3A_16, %add3A_17 : i32
    "tpu.region"() ({
      %run_scoped3A = tpu.sem_alloc : memref<!tpu.dma_semaphore, #tpu.memory_space<semaphore_mem>>
      %dma_start3A = arith.constant 0 : i32
      %dma_start3A_39 = tpu.memref_slice %arg10[%add3A_18, %dma_start3A] : memref<10240x128xf32, #tpu.memory_space<vmem_shared>> -> memref<128x128xf32, #tpu.memory_space<vmem_shared>>
      %dma_start3A_40 = arith.constant 0 : i32
      %dma_start3A_41 = tpu.memref_slice %arg10[%add3A_18, %dma_start3A_40] : memref<10240x128xf32, #tpu.memory_space<vmem_shared>> -> memref<128x128xf32, #tpu.memory_space<vmem_shared>>
      tpu.enqueue_dma source(%arg9 : memref<128x128xf32, #tpu.memory_space<vmem>>) target(%dma_start3A_41 : memref<128x128xf32, #tpu.memory_space<vmem_shared>>) target_semaphore(%run_scoped3A : memref<!tpu.dma_semaphore, #tpu.memory_space<semaphore_mem>>)
      %dma_wait3A = arith.constant 0 : i32
      %dma_wait3A_42 = tpu.memref_slice %arg10[%add3A_18, %dma_wait3A] : memref<10240x128xf32, #tpu.memory_space<vmem_shared>> -> memref<128x128xf32, #tpu.memory_space<vmem_shared>>
      %dma_wait3A_43 = arith.constant 0 : i32
      %dma_wait3A_44 = tpu.memref_slice %arg10[%add3A_18, %dma_wait3A_43] : memref<10240x128xf32, #tpu.memory_space<vmem_shared>> -> memref<128x128xf32, #tpu.memory_space<vmem_shared>>
      tpu.wait_dma2 semaphore(%run_scoped3A : memref<!tpu.dma_semaphore, #tpu.memory_space<semaphore_mem>>) src(%arg9 : memref<128x128xf32, #tpu.memory_space<vmem>>) dst(%dma_wait3A_44 : memref<128x128xf32, #tpu.memory_space<vmem_shared>>)
      tpu.yield
    }) : () -> ()
    %mul3A_19 = arith.constant 640 : i32
    %mul3A_20 = arith.muli %arg1, %mul3A_19 : i32
    %add3A_21 = arith.constant 384 : i32
    %add3A_22 = arith.addi %mul3A_20, %add3A_21 : i32
    "tpu.region"() ({
      %run_scoped3A = tpu.sem_alloc : memref<!tpu.dma_semaphore, #tpu.memory_space<semaphore_mem>>
      %dma_start3A = arith.constant 0 : i32
      %dma_start3A_39 = tpu.memref_slice %arg10[%add3A_22, %dma_start3A] : memref<10240x128xf32, #tpu.memory_space<vmem_shared>> -> memref<128x128xf32, #tpu.memory_space<vmem_shared>>
      %dma_start3A_40 = arith.constant 0 : i32
      %dma_start3A_41 = tpu.memref_slice %arg10[%add3A_22, %dma_start3A_40] : memref<10240x128xf32, #tpu.memory_space<vmem_shared>> -> memref<128x128xf32, #tpu.memory_space<vmem_shared>>
      tpu.enqueue_dma source(%arg9 : memref<128x128xf32, #tpu.memory_space<vmem>>) target(%dma_start3A_41 : memref<128x128xf32, #tpu.memory_space<vmem_shared>>) target_semaphore(%run_scoped3A : memref<!tpu.dma_semaphore, #tpu.memory_space<semaphore_mem>>)
      %dma_wait3A = arith.constant 0 : i32
      %dma_wait3A_42 = tpu.memref_slice %arg10[%add3A_22, %dma_wait3A] : memref<10240x128xf32, #tpu.memory_space<vmem_shared>> -> memref<128x128xf32, #tpu.memory_space<vmem_shared>>
      %dma_wait3A_43 = arith.constant 0 : i32
      %dma_wait3A_44 = tpu.memref_slice %arg10[%add3A_22, %dma_wait3A_43] : memref<10240x128xf32, #tpu.memory_space<vmem_shared>> -> memref<128x128xf32, #tpu.memory_space<vmem_shared>>
      tpu.wait_dma2 semaphore(%run_scoped3A : memref<!tpu.dma_semaphore, #tpu.memory_space<semaphore_mem>>) src(%arg9 : memref<128x128xf32, #tpu.memory_space<vmem>>) dst(%dma_wait3A_44 : memref<128x128xf32, #tpu.memory_space<vmem_shared>>)
      tpu.yield
    }) : () -> ()
    %mul3A_23 = arith.constant 640 : i32
    %mul3A_24 = arith.muli %arg1, %mul3A_23 : i32
    %add3A_25 = arith.constant 512 : i32
    %add3A_26 = arith.addi %mul3A_24, %add3A_25 : i32
    "tpu.region"() ({
      %run_scoped3A = tpu.sem_alloc : memref<!tpu.dma_semaphore, #tpu.memory_space<semaphore_mem>>
      %dma_start3A = arith.constant 0 : i32
      %dma_start3A_39 = tpu.memref_slice %arg10[%add3A_26, %dma_start3A] : memref<10240x128xf32, #tpu.memory_space<vmem_shared>> -> memref<128x128xf32, #tpu.memory_space<vmem_shared>>
      %dma_start3A_40 = arith.constant 0 : i32
      %dma_start3A_41 = tpu.memref_slice %arg10[%add3A_26, %dma_start3A_40] : memref<10240x128xf32, #tpu.memory_space<vmem_shared>> -> memref<128x128xf32, #tpu.memory_space<vmem_shared>>
      tpu.enqueue_dma source(%arg9 : memref<128x128xf32, #tpu.memory_space<vmem>>) target(%dma_start3A_41 : memref<128x128xf32, #tpu.memory_space<vmem_shared>>) target_semaphore(%run_scoped3A : memref<!tpu.dma_semaphore, #tpu.memory_space<semaphore_mem>>)
      %dma_wait3A = arith.constant 0 : i32
      %dma_wait3A_42 = tpu.memref_slice %arg10[%add3A_26, %dma_wait3A] : memref<10240x128xf32, #tpu.memory_space<vmem_shared>> -> memref<128x128xf32, #tpu.memory_space<vmem_shared>>
      %dma_wait3A_43 = arith.constant 0 : i32
      %dma_wait3A_44 = tpu.memref_slice %arg10[%add3A_26, %dma_wait3A_43] : memref<10240x128xf32, #tpu.memory_space<vmem_shared>> -> memref<128x128xf32, #tpu.memory_space<vmem_shared>>
      tpu.wait_dma2 semaphore(%run_scoped3A : memref<!tpu.dma_semaphore, #tpu.memory_space<semaphore_mem>>) src(%arg9 : memref<128x128xf32, #tpu.memory_space<vmem>>) dst(%dma_wait3A_44 : memref<128x128xf32, #tpu.memory_space<vmem_shared>>)
      tpu.yield
    }) : () -> ()
    %barrier3A = arith.constant 0 : index
    tpu.barrier barrier_id(%barrier3A)
    %scan3A_27 = arith.constant 0 : i32
    %scan3A_28 = arith.constant 0 : i32
    %scan3A_29 = arith.constant 79 : i32
    %scan3A_30 = arith.addi %scan3A_28, %scan3A_29 : i32
    %scan3A_31 = arith.constant 1 : i32
    %scan3A_32 = scf.for %scan3A_39 = %scan3A_28 to %scan3A_30 step %scan3A_31 iter_args(%scan3A_40 = %scan3A_27) -> (i32)  : i32 {
      %mul3A_41 = arith.constant 10112 : i32
      %mul3A_42 = arith.muli %add3A, %mul3A_41 : i32
      %mul3A_43 = arith.constant 128 : i32
      %mul3A_44 = arith.muli %scan3A_39, %mul3A_43 : i32
      %add3A_45 = arith.addi %mul3A_42, %mul3A_44 : i32
      "tpu.region"() ({
        %run_scoped3A = tpu.sem_alloc : memref<!tpu.dma_semaphore, #tpu.memory_space<semaphore_mem>>
        %dma_start3A_51 = tpu.memref_slice %arg3[%add3A_45] : memref<323584xi32, #tpu.memory_space<hbm>> -> memref<128xi32, #tpu.memory_space<hbm>>
        %dma_start3A_52 = tpu.memref_slice %arg3[%add3A_45] : memref<323584xi32, #tpu.memory_space<hbm>> -> memref<128xi32, #tpu.memory_space<hbm>>
        tpu.enqueue_dma source(%dma_start3A_52 : memref<128xi32, #tpu.memory_space<hbm>>) target(%arg6 : memref<128xi32, #tpu.memory_space<vmem>>) target_semaphore(%run_scoped3A : memref<!tpu.dma_semaphore, #tpu.memory_space<semaphore_mem>>)
        %dma_wait3A_53 = tpu.memref_slice %arg3[%add3A_45] : memref<323584xi32, #tpu.memory_space<hbm>> -> memref<128xi32, #tpu.memory_space<hbm>>
        %dma_wait3A_54 = tpu.memref_slice %arg3[%add3A_45] : memref<323584xi32, #tpu.memory_space<hbm>> -> memref<128xi32, #tpu.memory_space<hbm>>
        tpu.wait_dma2 semaphore(%run_scoped3A : memref<!tpu.dma_semaphore, #tpu.memory_space<semaphore_mem>>) src(%dma_wait3A_54 : memref<128xi32, #tpu.memory_space<hbm>>) dst(%arg6 : memref<128xi32, #tpu.memory_space<vmem>>)
        tpu.yield
      }) : () -> ()
      "tpu.region"() ({
        %run_scoped3A = tpu.sem_alloc : memref<!tpu.dma_semaphore, #tpu.memory_space<semaphore_mem>>
        %dma_start3A_51 = tpu.memref_slice %arg4[%add3A_45] : memref<323584xi32, #tpu.memory_space<hbm>> -> memref<128xi32, #tpu.memory_space<hbm>>
        %dma_start3A_52 = tpu.memref_slice %arg4[%add3A_45] : memref<323584xi32, #tpu.memory_space<hbm>> -> memref<128xi32, #tpu.memory_space<hbm>>
        tpu.enqueue_dma source(%dma_start3A_52 : memref<128xi32, #tpu.memory_space<hbm>>) target(%arg7 : memref<128xi32, #tpu.memory_space<vmem>>) target_semaphore(%run_scoped3A : memref<!tpu.dma_semaphore, #tpu.memory_space<semaphore_mem>>)
        %dma_wait3A_53 = tpu.memref_slice %arg4[%add3A_45] : memref<323584xi32, #tpu.memory_space<hbm>> -> memref<128xi32, #tpu.memory_space<hbm>>
        %dma_wait3A_54 = tpu.memref_slice %arg4[%add3A_45] : memref<323584xi32, #tpu.memory_space<hbm>> -> memref<128xi32, #tpu.memory_space<hbm>>
        tpu.wait_dma2 semaphore(%run_scoped3A : memref<!tpu.dma_semaphore, #tpu.memory_space<semaphore_mem>>) src(%dma_wait3A_54 : memref<128xi32, #tpu.memory_space<hbm>>) dst(%arg7 : memref<128xi32, #tpu.memory_space<vmem>>)
        tpu.yield
      }) : () -> ()
      %dma_start3A = arith.constant 0 : i32
      %dma_start3A_46 = arith.constant 0 : i32
      %dma_start3A_47 = tpu.memref_slice %arg2[%dma_start3A, %dma_start3A_46] : memref<10000x128xf32, #tpu.memory_space<hbm>> -> memref<10000x128xf32, #tpu.memory_space<hbm>>
      tpu.enqueue_indirect_dma source(%dma_start3A_47 : memref<10000x128xf32, #tpu.memory_space<hbm>>) target(%arg8 : memref<128x128xf32, #tpu.memory_space<vmem>>) offsets(%arg6 : memref<128xi32, #tpu.memory_space<vmem>>) semaphore(%arg11 : memref<!tpu.dma_semaphore, #tpu.memory_space<semaphore_mem>>)
      %dma_wait3A = arith.constant 0 : i32
      %dma_wait3A_48 = arith.constant 0 : i32
      %dma_wait3A_49 = tpu.memref_slice %arg2[%dma_wait3A, %dma_wait3A_48] : memref<10000x128xf32, #tpu.memory_space<hbm>> -> memref<10000x128xf32, #tpu.memory_space<hbm>>
      tpu.wait_indirect_dma semaphore(%arg11 : memref<!tpu.dma_semaphore, #tpu.memory_space<semaphore_mem>>) src(%dma_wait3A_49 : memref<10000x128xf32, #tpu.memory_space<hbm>>) dst(%arg8 : memref<128x128xf32, #tpu.memory_space<vmem>>)
      "tpu.region"() ({
        %run_scoped3A = tpu.sem_alloc : memref<!tpu.dma_semaphore, #tpu.memory_space<semaphore_mem>>
        %dma_start3A_51 = arith.constant 0 : i32
        %dma_start3A_52 = arith.constant 0 : i32
        %dma_start3A_53 = tpu.memref_slice %arg10[%dma_start3A_51, %dma_start3A_52] : memref<10240x128xf32, #tpu.memory_space<vmem_shared>> -> memref<10240x128xf32, #tpu.memory_space<vmem_shared>>
        tpu.enqueue_indirect_dma source(%arg8 : memref<128x128xf32, #tpu.memory_space<vmem>>) target(%dma_start3A_53 : memref<10240x128xf32, #tpu.memory_space<vmem_shared>>) offsets(%arg7 : memref<128xi32, #tpu.memory_space<vmem>>) semaphore(%run_scoped3A : memref<!tpu.dma_semaphore, #tpu.memory_space<semaphore_mem>>) {add = true}
        %dma_wait3A_54 = arith.constant 0 : i32
        %dma_wait3A_55 = arith.constant 0 : i32
        %dma_wait3A_56 = tpu.memref_slice %arg10[%dma_wait3A_54, %dma_wait3A_55] : memref<10240x128xf32, #tpu.memory_space<vmem_shared>> -> memref<10240x128xf32, #tpu.memory_space<vmem_shared>>
        tpu.wait_indirect_dma semaphore(%run_scoped3A : memref<!tpu.dma_semaphore, #tpu.memory_space<semaphore_mem>>) src(%arg8 : memref<128x128xf32, #tpu.memory_space<vmem>>) dst(%dma_wait3A_56 : memref<10240x128xf32, #tpu.memory_space<vmem_shared>>)
        tpu.yield
      }) : () -> ()
      %scan3A_50 = arith.constant 0 : i32
      scf.yield %scan3A_50 : i32
    }
    %scan3A_33 = arith.constant 79 : i32
    %barrier3A_34 = arith.constant 0 : index
    tpu.barrier barrier_id(%barrier3A_34)
    %mul3A_35 = arith.constant 640 : i32
    %mul3A_36 = arith.muli %arg1, %mul3A_35 : i32
    %mul3A_37 = arith.constant 640 : i32
    %mul3A_38 = arith.muli %arg1, %mul3A_37 : i32
    "tpu.region"() ({
      %run_scoped3A = tpu.sem_alloc : memref<!tpu.dma_semaphore, #tpu.memory_space<semaphore_mem>>
      %dma_start3A = arith.constant 0 : i32
      %dma_start3A_39 = tpu.memref_slice %arg5[%arg0, %mul3A_38, %dma_start3A] : memref<2x10240x128xf32, #tpu.memory_space<hbm>> -> memref<1x640x128xf32, #tpu.memory_space<hbm>>
      %dma_start3A_40 = tpu.memref_squeeze %dma_start3A_39 : memref<1x640x128xf32, #tpu.memory_space<hbm>> -> memref<640x128xf32, #tpu.memory_space<hbm>>
      %dma_start3A_41 = arith.constant 0 : i32
      %dma_start3A_42 = tpu.memref_slice %arg10[%mul3A_36, %dma_start3A_41] : memref<10240x128xf32, #tpu.memory_space<vmem_shared>> -> memref<640x128xf32, #tpu.memory_space<vmem_shared>>
      tpu.enqueue_dma source(%dma_start3A_42 : memref<640x128xf32, #tpu.memory_space<vmem_shared>>) target(%dma_start3A_40 : memref<640x128xf32, #tpu.memory_space<hbm>>) target_semaphore(%run_scoped3A : memref<!tpu.dma_semaphore, #tpu.memory_space<semaphore_mem>>)
      %dma_wait3A = arith.constant 0 : i32
      %dma_wait3A_43 = tpu.memref_slice %arg5[%arg0, %mul3A_38, %dma_wait3A] : memref<2x10240x128xf32, #tpu.memory_space<hbm>> -> memref<1x640x128xf32, #tpu.memory_space<hbm>>
      %dma_wait3A_44 = tpu.memref_squeeze %dma_wait3A_43 : memref<1x640x128xf32, #tpu.memory_space<hbm>> -> memref<640x128xf32, #tpu.memory_space<hbm>>
      %dma_wait3A_45 = arith.constant 0 : i32
      %dma_wait3A_46 = tpu.memref_slice %arg10[%mul3A_36, %dma_wait3A_45] : memref<10240x128xf32, #tpu.memory_space<vmem_shared>> -> memref<640x128xf32, #tpu.memory_space<vmem_shared>>
      tpu.wait_dma2 semaphore(%run_scoped3A : memref<!tpu.dma_semaphore, #tpu.memory_space<semaphore_mem>>) src(%dma_wait3A_46 : memref<640x128xf32, #tpu.memory_space<vmem_shared>>) dst(%dma_wait3A_44 : memref<640x128xf32, #tpu.memory_space<hbm>>)
      tpu.yield
    }) : () -> ()
    return
  }
}

#map = affine_map<(d0, d1) -> (0, 0)>
#map1 = affine_map<(d0, d1) -> (0)>
#map2 = affine_map<(d0, d1) -> (0, 0, 0)>
module attributes {stable_mosaic.version = 14 : i64} {
  func.func @_spmm_kernel(%arg0: i32, %arg1: i32, %arg2: memref<10000x128xf32, #tpu.memory_space<hbm>>, %arg3: memref<323584xi32, #tpu.memory_space<hbm>>, %arg4: memref<323584xi32, #tpu.memory_space<hbm>>, %arg5: memref<2x10240x128xf32, #tpu.memory_space<hbm>>, %arg6: memref<128xi32, #tpu.memory_space<vmem>>, %arg7: memref<128xi32, #tpu.memory_space<vmem>>, %arg8: memref<128x128xf32, #tpu.memory_space<vmem>>, %arg9: memref<128x128xf32, #tpu.memory_space<vmem>>, %arg10: memref<10240x128xf32, #tpu.memory_space<vmem_shared>>, %arg11: memref<!tpu.dma_semaphore, #tpu.memory_space<semaphore_mem>>) attributes {dimension_semantics = [#tpu.dimension_semantics<core_parallel>, #tpu.dimension_semantics<subcore_parallel>], iteration_bounds = array<i64: 2, 16>, scalar_prefetch = 0 : i64, scratch_operands = 6 : i64, tpu.core_type = #tpu.core_type<sc_vector_subcore>, window_params = [{transform_indices = #map}, {transform_indices = #map1}, {transform_indices = #map1}, {transform_indices = #map2}]} {
    %mul3A = arith.constant 16 : i32
    %mul3A_0 = arith.muli %arg0, %mul3A : i32
    %add3A = arith.addi %mul3A_0, %arg1 : i32
    %scan3A = arith.constant 0 : i32
    %scan3A_1 = arith.constant 0 : i32
    %scan3A_2 = arith.constant 128 : i32
    %scan3A_3 = arith.addi %scan3A_1, %scan3A_2 : i32
    %scan3A_4 = arith.constant 1 : i32
    %scan3A_5 = scf.for %scan3A_39 = %scan3A_1 to %scan3A_3 step %scan3A_4 iter_args(%scan3A_40 = %scan3A) -> (i32)  : i32 {
      %broadcast_in_dim3A = arith.constant 0.000000e+00 : f32
      %broadcast_in_dim3A_41 = vector.broadcast %broadcast_in_dim3A : f32 to vector<16xf32>
      %swap3A = arith.index_cast %scan3A_39 : i32 to index
      %swap3A_42 = arith.constant 0 : index
      %swap3A_43 = tpu.vector_load %arg9[%swap3A, %swap3A_42] {strides = array<i32>} : memref<128x128xf32, #tpu.memory_space<vmem>>, vector<1x16xf32>,
      %swap3A_44 = vector.shape_cast %swap3A_43 : vector<1x16xf32> to vector<16xf32>
      %swap3A_45 = vector.shape_cast %broadcast_in_dim3A_41 : vector<16xf32> to vector<1x16xf32>
      tpu.vector_store %arg9[%swap3A, %swap3A_42], %swap3A_45 {strides = array<i32>} : memref<128x128xf32, #tpu.memory_space<vmem>>, vector<1x16xf32>,
      %broadcast_in_dim3A_46 = arith.constant 0.000000e+00 : f32
      %broadcast_in_dim3A_47 = vector.broadcast %broadcast_in_dim3A_46 : f32 to vector<16xf32>
      %swap3A_48 = arith.index_cast %scan3A_39 : i32 to index
      %swap3A_49 = arith.constant 16 : index
      %swap3A_50 = tpu.vector_load %arg9[%swap3A_48, %swap3A_49] {strides = array<i32>} : memref<128x128xf32, #tpu.memory_space<vmem>>, vector<1x16xf32>,
      %swap3A_51 = vector.shape_cast %swap3A_50 : vector<1x16xf32> to vector<16xf32>
      %swap3A_52 = vector.shape_cast %broadcast_in_dim3A_47 : vector<16xf32> to vector<1x16xf32>
      tpu.vector_store %arg9[%swap3A_48, %swap3A_49], %swap3A_52 {strides = array<i32>} : memref<128x128xf32, #tpu.memory_space<vmem>>, vector<1x16xf32>,
      %broadcast_in_dim3A_53 = arith.constant 0.000000e+00 : f32
      %broadcast_in_dim3A_54 = vector.broadcast %broadcast_in_dim3A_53 : f32 to vector<16xf32>
      %swap3A_55 = arith.index_cast %scan3A_39 : i32 to index
      %swap3A_56 = arith.constant 32 : index
      %swap3A_57 = tpu.vector_load %arg9[%swap3A_55, %swap3A_56] {strides = array<i32>} : memref<128x128xf32, #tpu.memory_space<vmem>>, vector<1x16xf32>,
      %swap3A_58 = vector.shape_cast %swap3A_57 : vector<1x16xf32> to vector<16xf32>
      %swap3A_59 = vector.shape_cast %broadcast_in_dim3A_54 : vector<16xf32> to vector<1x16xf32>
      tpu.vector_store %arg9[%swap3A_55, %swap3A_56], %swap3A_59 {strides = array<i32>} : memref<128x128xf32, #tpu.memory_space<vmem>>, vector<1x16xf32>,
      %broadcast_in_dim3A_60 = arith.constant 0.000000e+00 : f32
      %broadcast_in_dim3A_61 = vector.broadcast %broadcast_in_dim3A_60 : f32 to vector<16xf32>
      %swap3A_62 = arith.index_cast %scan3A_39 : i32 to index
      %swap3A_63 = arith.constant 48 : index
      %swap3A_64 = tpu.vector_load %arg9[%swap3A_62, %swap3A_63] {strides = array<i32>} : memref<128x128xf32, #tpu.memory_space<vmem>>, vector<1x16xf32>,
      %swap3A_65 = vector.shape_cast %swap3A_64 : vector<1x16xf32> to vector<16xf32>
      %swap3A_66 = vector.shape_cast %broadcast_in_dim3A_61 : vector<16xf32> to vector<1x16xf32>
      tpu.vector_store %arg9[%swap3A_62, %swap3A_63], %swap3A_66 {strides = array<i32>} : memref<128x128xf32, #tpu.memory_space<vmem>>, vector<1x16xf32>,
      %broadcast_in_dim3A_67 = arith.constant 0.000000e+00 : f32
      %broadcast_in_dim3A_68 = vector.broadcast %broadcast_in_dim3A_67 : f32 to vector<16xf32>
      %swap3A_69 = arith.index_cast %scan3A_39 : i32 to index
      %swap3A_70 = arith.constant 64 : index
      %swap3A_71 = tpu.vector_load %arg9[%swap3A_69, %swap3A_70] {strides = array<i32>} : memref<128x128xf32, #tpu.memory_space<vmem>>, vector<1x16xf32>,
      %swap3A_72 = vector.shape_cast %swap3A_71 : vector<1x16xf32> to vector<16xf32>
      %swap3A_73 = vector.shape_cast %broadcast_in_dim3A_68 : vector<16xf32> to vector<1x16xf32>
      tpu.vector_store %arg9[%swap3A_69, %swap3A_70], %swap3A_73 {strides = array<i32>} : memref<128x128xf32, #tpu.memory_space<vmem>>, vector<1x16xf32>,
      %broadcast_in_dim3A_74 = arith.constant 0.000000e+00 : f32
      %broadcast_in_dim3A_75 = vector.broadcast %broadcast_in_dim3A_74 : f32 to vector<16xf32>
      %swap3A_76 = arith.index_cast %scan3A_39 : i32 to index
      %swap3A_77 = arith.constant 80 : index
      %swap3A_78 = tpu.vector_load %arg9[%swap3A_76, %swap3A_77] {strides = array<i32>} : memref<128x128xf32, #tpu.memory_space<vmem>>, vector<1x16xf32>,
      %swap3A_79 = vector.shape_cast %swap3A_78 : vector<1x16xf32> to vector<16xf32>
      %swap3A_80 = vector.shape_cast %broadcast_in_dim3A_75 : vector<16xf32> to vector<1x16xf32>
      tpu.vector_store %arg9[%swap3A_76, %swap3A_77], %swap3A_80 {strides = array<i32>} : memref<128x128xf32, #tpu.memory_space<vmem>>, vector<1x16xf32>,
      %broadcast_in_dim3A_81 = arith.constant 0.000000e+00 : f32
      %broadcast_in_dim3A_82 = vector.broadcast %broadcast_in_dim3A_81 : f32 to vector<16xf32>
      %swap3A_83 = arith.index_cast %scan3A_39 : i32 to index
      %swap3A_84 = arith.constant 96 : index
      %swap3A_85 = tpu.vector_load %arg9[%swap3A_83, %swap3A_84] {strides = array<i32>} : memref<128x128xf32, #tpu.memory_space<vmem>>, vector<1x16xf32>,
      %swap3A_86 = vector.shape_cast %swap3A_85 : vector<1x16xf32> to vector<16xf32>
      %swap3A_87 = vector.shape_cast %broadcast_in_dim3A_82 : vector<16xf32> to vector<1x16xf32>
      tpu.vector_store %arg9[%swap3A_83, %swap3A_84], %swap3A_87 {strides = array<i32>} : memref<128x128xf32, #tpu.memory_space<vmem>>, vector<1x16xf32>,
      %broadcast_in_dim3A_88 = arith.constant 0.000000e+00 : f32
      %broadcast_in_dim3A_89 = vector.broadcast %broadcast_in_dim3A_88 : f32 to vector<16xf32>
      %swap3A_90 = arith.index_cast %scan3A_39 : i32 to index
      %swap3A_91 = arith.constant 112 : index
      %swap3A_92 = tpu.vector_load %arg9[%swap3A_90, %swap3A_91] {strides = array<i32>} : memref<128x128xf32, #tpu.memory_space<vmem>>, vector<1x16xf32>,
      %swap3A_93 = vector.shape_cast %swap3A_92 : vector<1x16xf32> to vector<16xf32>
      %swap3A_94 = vector.shape_cast %broadcast_in_dim3A_89 : vector<16xf32> to vector<1x16xf32>
      tpu.vector_store %arg9[%swap3A_90, %swap3A_91], %swap3A_94 {strides = array<i32>} : memref<128x128xf32, #tpu.memory_space<vmem>>, vector<1x16xf32>,
      %scan3A_95 = arith.constant 0 : i32
      scf.yield %scan3A_95 : i32
    }
    %scan3A_6 = arith.constant 128 : i32
    %mul3A_7 = arith.constant 640 : i32
    %mul3A_8 = arith.muli %arg1, %mul3A_7 : i32
    %add3A_9 = arith.constant 0 : i32
    %add3A_10 = arith.addi %mul3A_8, %add3A_9 : i32
    "tpu.region"() ({
      %run_scoped3A = tpu.sem_alloc : memref<!tpu.dma_semaphore, #tpu.memory_space<semaphore_mem>>
      %dma_start3A = arith.constant 0 : i32
      %dma_start3A_39 = tpu.memref_slice %arg10[%add3A_10, %dma_start3A] : memref<10240x128xf32, #tpu.memory_space<vmem_shared>> -> memref<128x128xf32, #tpu.memory_space<vmem_shared>>
      %dma_start3A_40 = arith.constant 0 : i32
      %dma_start3A_41 = tpu.memref_slice %arg10[%add3A_10, %dma_start3A_40] : memref<10240x128xf32, #tpu.memory_space<vmem_shared>> -> memref<128x128xf32, #tpu.memory_space<vmem_shared>>
      tpu.enqueue_dma source(%arg9 : memref<128x128xf32, #tpu.memory_space<vmem>>) target(%dma_start3A_41 : memref<128x128xf32, #tpu.memory_space<vmem_shared>>) target_semaphore(%run_scoped3A : memref<!tpu.dma_semaphore, #tpu.memory_space<semaphore_mem>>)
      %dma_wait3A = arith.constant 0 : i32
      %dma_wait3A_42 = tpu.memref_slice %arg10[%add3A_10, %dma_wait3A] : memref<10240x128xf32, #tpu.memory_space<vmem_shared>> -> memref<128x128xf32, #tpu.memory_space<vmem_shared>>
      %dma_wait3A_43 = arith.constant 0 : i32
      %dma_wait3A_44 = tpu.memref_slice %arg10[%add3A_10, %dma_wait3A_43] : memref<10240x128xf32, #tpu.memory_space<vmem_shared>> -> memref<128x128xf32, #tpu.memory_space<vmem_shared>>
      tpu.wait_dma2 semaphore(%run_scoped3A : memref<!tpu.dma_semaphore, #tpu.memory_space<semaphore_mem>>) src(%arg9 : memref<128x128xf32, #tpu.memory_space<vmem>>) dst(%dma_wait3A_44 : memref<128x128xf32, #tpu.memory_space<vmem_shared>>)
      tpu.yield
    }) : () -> ()
    %mul3A_11 = arith.constant 640 : i32
    %mul3A_12 = arith.muli %arg1, %mul3A_11 : i32
    %add3A_13 = arith.constant 128 : i32
    %add3A_14 = arith.addi %mul3A_12, %add3A_13 : i32
    "tpu.region"() ({
      %run_scoped3A = tpu.sem_alloc : memref<!tpu.dma_semaphore, #tpu.memory_space<semaphore_mem>>
      %dma_start3A = arith.constant 0 : i32
      %dma_start3A_39 = tpu.memref_slice %arg10[%add3A_14, %dma_start3A] : memref<10240x128xf32, #tpu.memory_space<vmem_shared>> -> memref<128x128xf32, #tpu.memory_space<vmem_shared>>
      %dma_start3A_40 = arith.constant 0 : i32
      %dma_start3A_41 = tpu.memref_slice %arg10[%add3A_14, %dma_start3A_40] : memref<10240x128xf32, #tpu.memory_space<vmem_shared>> -> memref<128x128xf32, #tpu.memory_space<vmem_shared>>
      tpu.enqueue_dma source(%arg9 : memref<128x128xf32, #tpu.memory_space<vmem>>) target(%dma_start3A_41 : memref<128x128xf32, #tpu.memory_space<vmem_shared>>) target_semaphore(%run_scoped3A : memref<!tpu.dma_semaphore, #tpu.memory_space<semaphore_mem>>)
      %dma_wait3A = arith.constant 0 : i32
      %dma_wait3A_42 = tpu.memref_slice %arg10[%add3A_14, %dma_wait3A] : memref<10240x128xf32, #tpu.memory_space<vmem_shared>> -> memref<128x128xf32, #tpu.memory_space<vmem_shared>>
      %dma_wait3A_43 = arith.constant 0 : i32
      %dma_wait3A_44 = tpu.memref_slice %arg10[%add3A_14, %dma_wait3A_43] : memref<10240x128xf32, #tpu.memory_space<vmem_shared>> -> memref<128x128xf32, #tpu.memory_space<vmem_shared>>
      tpu.wait_dma2 semaphore(%run_scoped3A : memref<!tpu.dma_semaphore, #tpu.memory_space<semaphore_mem>>) src(%arg9 : memref<128x128xf32, #tpu.memory_space<vmem>>) dst(%dma_wait3A_44 : memref<128x128xf32, #tpu.memory_space<vmem_shared>>)
      tpu.yield
    }) : () -> ()
    %mul3A_15 = arith.constant 640 : i32
    %mul3A_16 = arith.muli %arg1, %mul3A_15 : i32
    %add3A_17 = arith.constant 256 : i32
    %add3A_18 = arith.addi %mul3A_16, %add3A_17 : i32
    "tpu.region"() ({
      %run_scoped3A = tpu.sem_alloc : memref<!tpu.dma_semaphore, #tpu.memory_space<semaphore_mem>>
      %dma_start3A = arith.constant 0 : i32
      %dma_start3A_39 = tpu.memref_slice %arg10[%add3A_18, %dma_start3A] : memref<10240x128xf32, #tpu.memory_space<vmem_shared>> -> memref<128x128xf32, #tpu.memory_space<vmem_shared>>
      %dma_start3A_40 = arith.constant 0 : i32
      %dma_start3A_41 = tpu.memref_slice %arg10[%add3A_18, %dma_start3A_40] : memref<10240x128xf32, #tpu.memory_space<vmem_shared>> -> memref<128x128xf32, #tpu.memory_space<vmem_shared>>
      tpu.enqueue_dma source(%arg9 : memref<128x128xf32, #tpu.memory_space<vmem>>) target(%dma_start3A_41 : memref<128x128xf32, #tpu.memory_space<vmem_shared>>) target_semaphore(%run_scoped3A : memref<!tpu.dma_semaphore, #tpu.memory_space<semaphore_mem>>)
      %dma_wait3A = arith.constant 0 : i32
      %dma_wait3A_42 = tpu.memref_slice %arg10[%add3A_18, %dma_wait3A] : memref<10240x128xf32, #tpu.memory_space<vmem_shared>> -> memref<128x128xf32, #tpu.memory_space<vmem_shared>>
      %dma_wait3A_43 = arith.constant 0 : i32
      %dma_wait3A_44 = tpu.memref_slice %arg10[%add3A_18, %dma_wait3A_43] : memref<10240x128xf32, #tpu.memory_space<vmem_shared>> -> memref<128x128xf32, #tpu.memory_space<vmem_shared>>
      tpu.wait_dma2 semaphore(%run_scoped3A : memref<!tpu.dma_semaphore, #tpu.memory_space<semaphore_mem>>) src(%arg9 : memref<128x128xf32, #tpu.memory_space<vmem>>) dst(%dma_wait3A_44 : memref<128x128xf32, #tpu.memory_space<vmem_shared>>)
      tpu.yield
    }) : () -> ()
    %mul3A_19 = arith.constant 640 : i32
    %mul3A_20 = arith.muli %arg1, %mul3A_19 : i32
    %add3A_21 = arith.constant 384 : i32
    %add3A_22 = arith.addi %mul3A_20, %add3A_21 : i32
    "tpu.region"() ({
      %run_scoped3A = tpu.sem_alloc : memref<!tpu.dma_semaphore, #tpu.memory_space<semaphore_mem>>
      %dma_start3A = arith.constant 0 : i32
      %dma_start3A_39 = tpu.memref_slice %arg10[%add3A_22, %dma_start3A] : memref<10240x128xf32, #tpu.memory_space<vmem_shared>> -> memref<128x128xf32, #tpu.memory_space<vmem_shared>>
      %dma_start3A_40 = arith.constant 0 : i32
      %dma_start3A_41 = tpu.memref_slice %arg10[%add3A_22, %dma_start3A_40] : memref<10240x128xf32, #tpu.memory_space<vmem_shared>> -> memref<128x128xf32, #tpu.memory_space<vmem_shared>>
      tpu.enqueue_dma source(%arg9 : memref<128x128xf32, #tpu.memory_space<vmem>>) target(%dma_start3A_41 : memref<128x128xf32, #tpu.memory_space<vmem_shared>>) target_semaphore(%run_scoped3A : memref<!tpu.dma_semaphore, #tpu.memory_space<semaphore_mem>>)
      %dma_wait3A = arith.constant 0 : i32
      %dma_wait3A_42 = tpu.memref_slice %arg10[%add3A_22, %dma_wait3A] : memref<10240x128xf32, #tpu.memory_space<vmem_shared>> -> memref<128x128xf32, #tpu.memory_space<vmem_shared>>
      %dma_wait3A_43 = arith.constant 0 : i32
      %dma_wait3A_44 = tpu.memref_slice %arg10[%add3A_22, %dma_wait3A_43] : memref<10240x128xf32, #tpu.memory_space<vmem_shared>> -> memref<128x128xf32, #tpu.memory_space<vmem_shared>>
      tpu.wait_dma2 semaphore(%run_scoped3A : memref<!tpu.dma_semaphore, #tpu.memory_space<semaphore_mem>>) src(%arg9 : memref<128x128xf32, #tpu.memory_space<vmem>>) dst(%dma_wait3A_44 : memref<128x128xf32, #tpu.memory_space<vmem_shared>>)
      tpu.yield
    }) : () -> ()
    %mul3A_23 = arith.constant 640 : i32
    %mul3A_24 = arith.muli %arg1, %mul3A_23 : i32
    %add3A_25 = arith.constant 512 : i32
    %add3A_26 = arith.addi %mul3A_24, %add3A_25 : i32
    "tpu.region"() ({
      %run_scoped3A = tpu.sem_alloc : memref<!tpu.dma_semaphore, #tpu.memory_space<semaphore_mem>>
      %dma_start3A = arith.constant 0 : i32
      %dma_start3A_39 = tpu.memref_slice %arg10[%add3A_26, %dma_start3A] : memref<10240x128xf32, #tpu.memory_space<vmem_shared>> -> memref<128x128xf32, #tpu.memory_space<vmem_shared>>
      %dma_start3A_40 = arith.constant 0 : i32
      %dma_start3A_41 = tpu.memref_slice %arg10[%add3A_26, %dma_start3A_40] : memref<10240x128xf32, #tpu.memory_space<vmem_shared>> -> memref<128x128xf32, #tpu.memory_space<vmem_shared>>
      tpu.enqueue_dma source(%arg9 : memref<128x128xf32, #tpu.memory_space<vmem>>) target(%dma_start3A_41 : memref<128x128xf32, #tpu.memory_space<vmem_shared>>) target_semaphore(%run_scoped3A : memref<!tpu.dma_semaphore, #tpu.memory_space<semaphore_mem>>)
      %dma_wait3A = arith.constant 0 : i32
      %dma_wait3A_42 = tpu.memref_slice %arg10[%add3A_26, %dma_wait3A] : memref<10240x128xf32, #tpu.memory_space<vmem_shared>> -> memref<128x128xf32, #tpu.memory_space<vmem_shared>>
      %dma_wait3A_43 = arith.constant 0 : i32
      %dma_wait3A_44 = tpu.memref_slice %arg10[%add3A_26, %dma_wait3A_43] : memref<10240x128xf32, #tpu.memory_space<vmem_shared>> -> memref<128x128xf32, #tpu.memory_space<vmem_shared>>
      tpu.wait_dma2 semaphore(%run_scoped3A : memref<!tpu.dma_semaphore, #tpu.memory_space<semaphore_mem>>) src(%arg9 : memref<128x128xf32, #tpu.memory_space<vmem>>) dst(%dma_wait3A_44 : memref<128x128xf32, #tpu.memory_space<vmem_shared>>)
      tpu.yield
    }) : () -> ()
    %barrier3A = arith.constant 0 : index
    tpu.barrier barrier_id(%barrier3A)
    %scan3A_27 = arith.constant 0 : i32
    %scan3A_28 = arith.constant 0 : i32
    %scan3A_29 = arith.constant 79 : i32
    %scan3A_30 = arith.addi %scan3A_28, %scan3A_29 : i32
    %scan3A_31 = arith.constant 1 : i32
    %scan3A_32 = scf.for %scan3A_39 = %scan3A_28 to %scan3A_30 step %scan3A_31 iter_args(%scan3A_40 = %scan3A_27) -> (i32)  : i32 {
      %mul3A_41 = arith.constant 10112 : i32
      %mul3A_42 = arith.muli %add3A, %mul3A_41 : i32
      %mul3A_43 = arith.constant 128 : i32
      %mul3A_44 = arith.muli %scan3A_39, %mul3A_43 : i32
      %add3A_45 = arith.addi %mul3A_42, %mul3A_44 : i32
      "tpu.region"() ({
        %run_scoped3A = tpu.sem_alloc : memref<!tpu.dma_semaphore, #tpu.memory_space<semaphore_mem>>
        %dma_start3A_51 = tpu.memref_slice %arg3[%add3A_45] : memref<323584xi32, #tpu.memory_space<hbm>> -> memref<128xi32, #tpu.memory_space<hbm>>
        %dma_start3A_52 = tpu.memref_slice %arg3[%add3A_45] : memref<323584xi32, #tpu.memory_space<hbm>> -> memref<128xi32, #tpu.memory_space<hbm>>
        tpu.enqueue_dma source(%dma_start3A_52 : memref<128xi32, #tpu.memory_space<hbm>>) target(%arg6 : memref<128xi32, #tpu.memory_space<vmem>>) target_semaphore(%run_scoped3A : memref<!tpu.dma_semaphore, #tpu.memory_space<semaphore_mem>>)
        %dma_wait3A_53 = tpu.memref_slice %arg3[%add3A_45] : memref<323584xi32, #tpu.memory_space<hbm>> -> memref<128xi32, #tpu.memory_space<hbm>>
        %dma_wait3A_54 = tpu.memref_slice %arg3[%add3A_45] : memref<323584xi32, #tpu.memory_space<hbm>> -> memref<128xi32, #tpu.memory_space<hbm>>
        tpu.wait_dma2 semaphore(%run_scoped3A : memref<!tpu.dma_semaphore, #tpu.memory_space<semaphore_mem>>) src(%dma_wait3A_54 : memref<128xi32, #tpu.memory_space<hbm>>) dst(%arg6 : memref<128xi32, #tpu.memory_space<vmem>>)
        tpu.yield
      }) : () -> ()
      "tpu.region"() ({
        %run_scoped3A = tpu.sem_alloc : memref<!tpu.dma_semaphore, #tpu.memory_space<semaphore_mem>>
        %dma_start3A_51 = tpu.memref_slice %arg4[%add3A_45] : memref<323584xi32, #tpu.memory_space<hbm>> -> memref<128xi32, #tpu.memory_space<hbm>>
        %dma_start3A_52 = tpu.memref_slice %arg4[%add3A_45] : memref<323584xi32, #tpu.memory_space<hbm>> -> memref<128xi32, #tpu.memory_space<hbm>>
        tpu.enqueue_dma source(%dma_start3A_52 : memref<128xi32, #tpu.memory_space<hbm>>) target(%arg7 : memref<128xi32, #tpu.memory_space<vmem>>) target_semaphore(%run_scoped3A : memref<!tpu.dma_semaphore, #tpu.memory_space<semaphore_mem>>)
        %dma_wait3A_53 = tpu.memref_slice %arg4[%add3A_45] : memref<323584xi32, #tpu.memory_space<hbm>> -> memref<128xi32, #tpu.memory_space<hbm>>
        %dma_wait3A_54 = tpu.memref_slice %arg4[%add3A_45] : memref<323584xi32, #tpu.memory_space<hbm>> -> memref<128xi32, #tpu.memory_space<hbm>>
        tpu.wait_dma2 semaphore(%run_scoped3A : memref<!tpu.dma_semaphore, #tpu.memory_space<semaphore_mem>>) src(%dma_wait3A_54 : memref<128xi32, #tpu.memory_space<hbm>>) dst(%arg7 : memref<128xi32, #tpu.memory_space<vmem>>)
        tpu.yield
      }) : () -> ()
      %dma_start3A = arith.constant 0 : i32
      %dma_start3A_46 = arith.constant 0 : i32
      %dma_start3A_47 = tpu.memref_slice %arg2[%dma_start3A, %dma_start3A_46] : memref<10000x128xf32, #tpu.memory_space<hbm>> -> memref<10000x128xf32, #tpu.memory_space<hbm>>
      tpu.enqueue_indirect_dma source(%dma_start3A_47 : memref<10000x128xf32, #tpu.memory_space<hbm>>) target(%arg8 : memref<128x128xf32, #tpu.memory_space<vmem>>) offsets(%arg6 : memref<128xi32, #tpu.memory_space<vmem>>) semaphore(%arg11 : memref<!tpu.dma_semaphore, #tpu.memory_space<semaphore_mem>>)
      %dma_wait3A = arith.constant 0 : i32
      %dma_wait3A_48 = arith.constant 0 : i32
      %dma_wait3A_49 = tpu.memref_slice %arg2[%dma_wait3A, %dma_wait3A_48] : memref<10000x128xf32, #tpu.memory_space<hbm>> -> memref<10000x128xf32, #tpu.memory_space<hbm>>
      tpu.wait_indirect_dma semaphore(%arg11 : memref<!tpu.dma_semaphore, #tpu.memory_space<semaphore_mem>>) src(%dma_wait3A_49 : memref<10000x128xf32, #tpu.memory_space<hbm>>) dst(%arg8 : memref<128x128xf32, #tpu.memory_space<vmem>>)
      "tpu.region"() ({
        %run_scoped3A = tpu.sem_alloc : memref<!tpu.dma_semaphore, #tpu.memory_space<semaphore_mem>>
        %dma_start3A_51 = arith.constant 0 : i32
        %dma_start3A_52 = arith.constant 0 : i32
        %dma_start3A_53 = tpu.memref_slice %arg10[%dma_start3A_51, %dma_start3A_52] : memref<10240x128xf32, #tpu.memory_space<vmem_shared>> -> memref<10240x128xf32, #tpu.memory_space<vmem_shared>>
        tpu.enqueue_indirect_dma source(%arg8 : memref<128x128xf32, #tpu.memory_space<vmem>>) target(%dma_start3A_53 : memref<10240x128xf32, #tpu.memory_space<vmem_shared>>) offsets(%arg7 : memref<128xi32, #tpu.memory_space<vmem>>) semaphore(%run_scoped3A : memref<!tpu.dma_semaphore, #tpu.memory_space<semaphore_mem>>) {add = true}
        %dma_wait3A_54 = arith.constant 0 : i32
        %dma_wait3A_55 = arith.constant 0 : i32
        %dma_wait3A_56 = tpu.memref_slice %arg10[%dma_wait3A_54, %dma_wait3A_55] : memref<10240x128xf32, #tpu.memory_space<vmem_shared>> -> memref<10240x128xf32, #tpu.memory_space<vmem_shared>>
        tpu.wait_indirect_dma semaphore(%run_scoped3A : memref<!tpu.dma_semaphore, #tpu.memory_space<semaphore_mem>>) src(%arg8 : memref<128x128xf32, #tpu.memory_space<vmem>>) dst(%dma_wait3A_56 : memref<10240x128xf32, #tpu.memory_space<vmem_shared>>)
        tpu.yield
      }) : () -> ()
      %scan3A_50 = arith.constant 0 : i32
      scf.yield %scan3A_50 : i32
    }
    %scan3A_33 = arith.constant 79 : i32
    %barrier3A_34 = arith.constant 0 : index
    tpu.barrier barrier_id(%barrier3A_34)
    %mul3A_35 = arith.constant 640 : i32
    %mul3A_36 = arith.muli %arg1, %mul3A_35 : i32
    %mul3A_37 = arith.constant 640 : i32
    %mul3A_38 = arith.muli %arg1, %mul3A_37 : i32
    "tpu.region"() ({
      %run_scoped3A = tpu.sem_alloc : memref<!tpu.dma_semaphore, #tpu.memory_space<semaphore_mem>>
      %dma_start3A = arith.constant 0 : i32
      %dma_start3A_39 = tpu.memref_slice %arg5[%arg0, %mul3A_38, %dma_start3A] : memref<2x10240x128xf32, #tpu.memory_space<hbm>> -> memref<1x640x128xf32, #tpu.memory_space<hbm>>
      %dma_start3A_40 = tpu.memref_squeeze %dma_start3A_39 : memref<1x640x128xf32, #tpu.memory_space<hbm>> -> memref<640x128xf32, #tpu.memory_space<hbm>>
      %dma_start3A_41 = arith.constant 0 : i32
      %dma_start3A_42 = tpu.memref_slice %arg10[%mul3A_36, %dma_start3A_41] : memref<10240x128xf32, #tpu.memory_space<vmem_shared>> -> memref<640x128xf32, #tpu.memory_space<vmem_shared>>
      tpu.enqueue_dma source(%dma_start3A_42 : memref<640x128xf32, #tpu.memory_space<vmem_shared>>) target(%dma_start3A_40 : memref<640x128xf32, #tpu.memory_space<hbm>>) target_semaphore(%run_scoped3A : memref<!tpu.dma_semaphore, #tpu.memory_space<semaphore_mem>>)
      %dma_wait3A = arith.constant 0 : i32
      %dma_wait3A_43 = tpu.memref_slice %arg5[%arg0, %mul3A_38, %dma_wait3A] : memref<2x10240x128xf32, #tpu.memory_space<hbm>> -> memref<1x640x128xf32, #tpu.memory_space<hbm>>
      %dma_wait3A_44 = tpu.memref_squeeze %dma_wait3A_43 : memref<1x640x128xf32, #tpu.memory_space<hbm>> -> memref<640x128xf32, #tpu.memory_space<hbm>>
      %dma_wait3A_45 = arith.constant 0 : i32
      %dma_wait3A_46 = tpu.memref_slice %arg10[%mul3A_36, %dma_wait3A_45] : memref<10240x128xf32, #tpu.memory_space<vmem_shared>> -> memref<640x128xf32, #tpu.memory_space<vmem_shared>>
      tpu.wait_dma2 semaphore(%run_scoped3A : memref<!tpu.dma_semaphore, #tpu.memory_space<semaphore_mem>>) src(%dma_wait3A_46 : memref<640x128xf32, #tpu.memory_space<vmem_shared>>) dst(%dma_wait3A_44 : memref<640x128xf32, #tpu.memory_space<hbm>>)
      tpu.yield
    }) : () -> ()
    return
  }
}

#map = affine_map<(d0, d1) -> (0, 0)>
#map1 = affine_map<(d0, d1) -> (0)>
#map2 = affine_map<(d0, d1) -> (0, 0, 0)>
module attributes {stable_mosaic.version = 14 : i64} {
  func.func @_spmm_kernel(%arg0: i32, %arg1: i32, %arg2: memref<10000x128xf32, #tpu.memory_space<hbm>>, %arg3: memref<323584xi32, #tpu.memory_space<hbm>>, %arg4: memref<323584xi32, #tpu.memory_space<hbm>>, %arg5: memref<2x10240x128xf32, #tpu.memory_space<hbm>>, %arg6: memref<128xi32, #tpu.memory_space<vmem>>, %arg7: memref<128xi32, #tpu.memory_space<vmem>>, %arg8: memref<128x128xf32, #tpu.memory_space<vmem>>, %arg9: memref<128x128xf32, #tpu.memory_space<vmem>>, %arg10: memref<10240x128xf32, #tpu.memory_space<vmem_shared>>, %arg11: memref<!tpu.dma_semaphore, #tpu.memory_space<semaphore_mem>>) attributes {dimension_semantics = [#tpu.dimension_semantics<core_parallel>, #tpu.dimension_semantics<subcore_parallel>], iteration_bounds = array<i64: 2, 16>, scalar_prefetch = 0 : i64, scratch_operands = 6 : i64, tpu.core_type = #tpu.core_type<sc_vector_subcore>, window_params = [{transform_indices = #map}, {transform_indices = #map1}, {transform_indices = #map1}, {transform_indices = #map2}]} {
    %mul3A = arith.constant 16 : i32
    %mul3A_0 = arith.muli %arg0, %mul3A : i32
    %add3A = arith.addi %mul3A_0, %arg1 : i32
    %scan3A = arith.constant 0 : i32
    %scan3A_1 = arith.constant 0 : i32
    %scan3A_2 = arith.constant 128 : i32
    %scan3A_3 = arith.addi %scan3A_1, %scan3A_2 : i32
    %scan3A_4 = arith.constant 1 : i32
    %scan3A_5 = scf.for %scan3A_39 = %scan3A_1 to %scan3A_3 step %scan3A_4 iter_args(%scan3A_40 = %scan3A) -> (i32)  : i32 {
      %broadcast_in_dim3A = arith.constant 0.000000e+00 : f32
      %broadcast_in_dim3A_41 = vector.broadcast %broadcast_in_dim3A : f32 to vector<16xf32>
      %swap3A = arith.index_cast %scan3A_39 : i32 to index
      %swap3A_42 = arith.constant 0 : index
      %swap3A_43 = tpu.vector_load %arg9[%swap3A, %swap3A_42] {strides = array<i32>} : memref<128x128xf32, #tpu.memory_space<vmem>>, vector<1x16xf32>,
      %swap3A_44 = vector.shape_cast %swap3A_43 : vector<1x16xf32> to vector<16xf32>
      %swap3A_45 = vector.shape_cast %broadcast_in_dim3A_41 : vector<16xf32> to vector<1x16xf32>
      tpu.vector_store %arg9[%swap3A, %swap3A_42], %swap3A_45 {strides = array<i32>} : memref<128x128xf32, #tpu.memory_space<vmem>>, vector<1x16xf32>,
      %broadcast_in_dim3A_46 = arith.constant 0.000000e+00 : f32
      %broadcast_in_dim3A_47 = vector.broadcast %broadcast_in_dim3A_46 : f32 to vector<16xf32>
      %swap3A_48 = arith.index_cast %scan3A_39 : i32 to index
      %swap3A_49 = arith.constant 16 : index
      %swap3A_50 = tpu.vector_load %arg9[%swap3A_48, %swap3A_49] {strides = array<i32>} : memref<128x128xf32, #tpu.memory_space<vmem>>, vector<1x16xf32>,
      %swap3A_51 = vector.shape_cast %swap3A_50 : vector<1x16xf32> to vector<16xf32>
      %swap3A_52 = vector.shape_cast %broadcast_in_dim3A_47 : vector<16xf32> to vector<1x16xf32>
      tpu.vector_store %arg9[%swap3A_48, %swap3A_49], %swap3A_52 {strides = array<i32>} : memref<128x128xf32, #tpu.memory_space<vmem>>, vector<1x16xf32>,
      %broadcast_in_dim3A_53 = arith.constant 0.000000e+00 : f32
      %broadcast_in_dim3A_54 = vector.broadcast %broadcast_in_dim3A_53 : f32 to vector<16xf32>
      %swap3A_55 = arith.index_cast %scan3A_39 : i32 to index
      %swap3A_56 = arith.constant 32 : index
      %swap3A_57 = tpu.vector_load %arg9[%swap3A_55, %swap3A_56] {strides = array<i32>} : memref<128x128xf32, #tpu.memory_space<vmem>>, vector<1x16xf32>,
      %swap3A_58 = vector.shape_cast %swap3A_57 : vector<1x16xf32> to vector<16xf32>
      %swap3A_59 = vector.shape_cast %broadcast_in_dim3A_54 : vector<16xf32> to vector<1x16xf32>
      tpu.vector_store %arg9[%swap3A_55, %swap3A_56], %swap3A_59 {strides = array<i32>} : memref<128x128xf32, #tpu.memory_space<vmem>>, vector<1x16xf32>,
      %broadcast_in_dim3A_60 = arith.constant 0.000000e+00 : f32
      %broadcast_in_dim3A_61 = vector.broadcast %broadcast_in_dim3A_60 : f32 to vector<16xf32>
      %swap3A_62 = arith.index_cast %scan3A_39 : i32 to index
      %swap3A_63 = arith.constant 48 : index
      %swap3A_64 = tpu.vector_load %arg9[%swap3A_62, %swap3A_63] {strides = array<i32>} : memref<128x128xf32, #tpu.memory_space<vmem>>, vector<1x16xf32>,
      %swap3A_65 = vector.shape_cast %swap3A_64 : vector<1x16xf32> to vector<16xf32>
      %swap3A_66 = vector.shape_cast %broadcast_in_dim3A_61 : vector<16xf32> to vector<1x16xf32>
      tpu.vector_store %arg9[%swap3A_62, %swap3A_63], %swap3A_66 {strides = array<i32>} : memref<128x128xf32, #tpu.memory_space<vmem>>, vector<1x16xf32>,
      %broadcast_in_dim3A_67 = arith.constant 0.000000e+00 : f32
      %broadcast_in_dim3A_68 = vector.broadcast %broadcast_in_dim3A_67 : f32 to vector<16xf32>
      %swap3A_69 = arith.index_cast %scan3A_39 : i32 to index
      %swap3A_70 = arith.constant 64 : index
      %swap3A_71 = tpu.vector_load %arg9[%swap3A_69, %swap3A_70] {strides = array<i32>} : memref<128x128xf32, #tpu.memory_space<vmem>>, vector<1x16xf32>,
      %swap3A_72 = vector.shape_cast %swap3A_71 : vector<1x16xf32> to vector<16xf32>
      %swap3A_73 = vector.shape_cast %broadcast_in_dim3A_68 : vector<16xf32> to vector<1x16xf32>
      tpu.vector_store %arg9[%swap3A_69, %swap3A_70], %swap3A_73 {strides = array<i32>} : memref<128x128xf32, #tpu.memory_space<vmem>>, vector<1x16xf32>,
      %broadcast_in_dim3A_74 = arith.constant 0.000000e+00 : f32
      %broadcast_in_dim3A_75 = vector.broadcast %broadcast_in_dim3A_74 : f32 to vector<16xf32>
      %swap3A_76 = arith.index_cast %scan3A_39 : i32 to index
      %swap3A_77 = arith.constant 80 : index
      %swap3A_78 = tpu.vector_load %arg9[%swap3A_76, %swap3A_77] {strides = array<i32>} : memref<128x128xf32, #tpu.memory_space<vmem>>, vector<1x16xf32>,
      %swap3A_79 = vector.shape_cast %swap3A_78 : vector<1x16xf32> to vector<16xf32>
      %swap3A_80 = vector.shape_cast %broadcast_in_dim3A_75 : vector<16xf32> to vector<1x16xf32>
      tpu.vector_store %arg9[%swap3A_76, %swap3A_77], %swap3A_80 {strides = array<i32>} : memref<128x128xf32, #tpu.memory_space<vmem>>, vector<1x16xf32>,
      %broadcast_in_dim3A_81 = arith.constant 0.000000e+00 : f32
      %broadcast_in_dim3A_82 = vector.broadcast %broadcast_in_dim3A_81 : f32 to vector<16xf32>
      %swap3A_83 = arith.index_cast %scan3A_39 : i32 to index
      %swap3A_84 = arith.constant 96 : index
      %swap3A_85 = tpu.vector_load %arg9[%swap3A_83, %swap3A_84] {strides = array<i32>} : memref<128x128xf32, #tpu.memory_space<vmem>>, vector<1x16xf32>,
      %swap3A_86 = vector.shape_cast %swap3A_85 : vector<1x16xf32> to vector<16xf32>
      %swap3A_87 = vector.shape_cast %broadcast_in_dim3A_82 : vector<16xf32> to vector<1x16xf32>
      tpu.vector_store %arg9[%swap3A_83, %swap3A_84], %swap3A_87 {strides = array<i32>} : memref<128x128xf32, #tpu.memory_space<vmem>>, vector<1x16xf32>,
      %broadcast_in_dim3A_88 = arith.constant 0.000000e+00 : f32
      %broadcast_in_dim3A_89 = vector.broadcast %broadcast_in_dim3A_88 : f32 to vector<16xf32>
      %swap3A_90 = arith.index_cast %scan3A_39 : i32 to index
      %swap3A_91 = arith.constant 112 : index
      %swap3A_92 = tpu.vector_load %arg9[%swap3A_90, %swap3A_91] {strides = array<i32>} : memref<128x128xf32, #tpu.memory_space<vmem>>, vector<1x16xf32>,
      %swap3A_93 = vector.shape_cast %swap3A_92 : vector<1x16xf32> to vector<16xf32>
      %swap3A_94 = vector.shape_cast %broadcast_in_dim3A_89 : vector<16xf32> to vector<1x16xf32>
      tpu.vector_store %arg9[%swap3A_90, %swap3A_91], %swap3A_94 {strides = array<i32>} : memref<128x128xf32, #tpu.memory_space<vmem>>, vector<1x16xf32>,
      %scan3A_95 = arith.constant 0 : i32
      scf.yield %scan3A_95 : i32
    }
    %scan3A_6 = arith.constant 128 : i32
    %mul3A_7 = arith.constant 640 : i32
    %mul3A_8 = arith.muli %arg1, %mul3A_7 : i32
    %add3A_9 = arith.constant 0 : i32
    %add3A_10 = arith.addi %mul3A_8, %add3A_9 : i32
    "tpu.region"() ({
      %run_scoped3A = tpu.sem_alloc : memref<!tpu.dma_semaphore, #tpu.memory_space<semaphore_mem>>
      %dma_start3A = arith.constant 0 : i32
      %dma_start3A_39 = tpu.memref_slice %arg10[%add3A_10, %dma_start3A] : memref<10240x128xf32, #tpu.memory_space<vmem_shared>> -> memref<128x128xf32, #tpu.memory_space<vmem_shared>>
      %dma_start3A_40 = arith.constant 0 : i32
      %dma_start3A_41 = tpu.memref_slice %arg10[%add3A_10, %dma_start3A_40] : memref<10240x128xf32, #tpu.memory_space<vmem_shared>> -> memref<128x128xf32, #tpu.memory_space<vmem_shared>>
      tpu.enqueue_dma source(%arg9 : memref<128x128xf32, #tpu.memory_space<vmem>>) target(%dma_start3A_41 : memref<128x128xf32, #tpu.memory_space<vmem_shared>>) target_semaphore(%run_scoped3A : memref<!tpu.dma_semaphore, #tpu.memory_space<semaphore_mem>>)
      %dma_wait3A = arith.constant 0 : i32
      %dma_wait3A_42 = tpu.memref_slice %arg10[%add3A_10, %dma_wait3A] : memref<10240x128xf32, #tpu.memory_space<vmem_shared>> -> memref<128x128xf32, #tpu.memory_space<vmem_shared>>
      %dma_wait3A_43 = arith.constant 0 : i32
      %dma_wait3A_44 = tpu.memref_slice %arg10[%add3A_10, %dma_wait3A_43] : memref<10240x128xf32, #tpu.memory_space<vmem_shared>> -> memref<128x128xf32, #tpu.memory_space<vmem_shared>>
      tpu.wait_dma2 semaphore(%run_scoped3A : memref<!tpu.dma_semaphore, #tpu.memory_space<semaphore_mem>>) src(%arg9 : memref<128x128xf32, #tpu.memory_space<vmem>>) dst(%dma_wait3A_44 : memref<128x128xf32, #tpu.memory_space<vmem_shared>>)
      tpu.yield
    }) : () -> ()
    %mul3A_11 = arith.constant 640 : i32
    %mul3A_12 = arith.muli %arg1, %mul3A_11 : i32
    %add3A_13 = arith.constant 128 : i32
    %add3A_14 = arith.addi %mul3A_12, %add3A_13 : i32
    "tpu.region"() ({
      %run_scoped3A = tpu.sem_alloc : memref<!tpu.dma_semaphore, #tpu.memory_space<semaphore_mem>>
      %dma_start3A = arith.constant 0 : i32
      %dma_start3A_39 = tpu.memref_slice %arg10[%add3A_14, %dma_start3A] : memref<10240x128xf32, #tpu.memory_space<vmem_shared>> -> memref<128x128xf32, #tpu.memory_space<vmem_shared>>
      %dma_start3A_40 = arith.constant 0 : i32
      %dma_start3A_41 = tpu.memref_slice %arg10[%add3A_14, %dma_start3A_40] : memref<10240x128xf32, #tpu.memory_space<vmem_shared>> -> memref<128x128xf32, #tpu.memory_space<vmem_shared>>
      tpu.enqueue_dma source(%arg9 : memref<128x128xf32, #tpu.memory_space<vmem>>) target(%dma_start3A_41 : memref<128x128xf32, #tpu.memory_space<vmem_shared>>) target_semaphore(%run_scoped3A : memref<!tpu.dma_semaphore, #tpu.memory_space<semaphore_mem>>)
      %dma_wait3A = arith.constant 0 : i32
      %dma_wait3A_42 = tpu.memref_slice %arg10[%add3A_14, %dma_wait3A] : memref<10240x128xf32, #tpu.memory_space<vmem_shared>> -> memref<128x128xf32, #tpu.memory_space<vmem_shared>>
      %dma_wait3A_43 = arith.constant 0 : i32
      %dma_wait3A_44 = tpu.memref_slice %arg10[%add3A_14, %dma_wait3A_43] : memref<10240x128xf32, #tpu.memory_space<vmem_shared>> -> memref<128x128xf32, #tpu.memory_space<vmem_shared>>
      tpu.wait_dma2 semaphore(%run_scoped3A : memref<!tpu.dma_semaphore, #tpu.memory_space<semaphore_mem>>) src(%arg9 : memref<128x128xf32, #tpu.memory_space<vmem>>) dst(%dma_wait3A_44 : memref<128x128xf32, #tpu.memory_space<vmem_shared>>)
      tpu.yield
    }) : () -> ()
    %mul3A_15 = arith.constant 640 : i32
    %mul3A_16 = arith.muli %arg1, %mul3A_15 : i32
    %add3A_17 = arith.constant 256 : i32
    %add3A_18 = arith.addi %mul3A_16, %add3A_17 : i32
    "tpu.region"() ({
      %run_scoped3A = tpu.sem_alloc : memref<!tpu.dma_semaphore, #tpu.memory_space<semaphore_mem>>
      %dma_start3A = arith.constant 0 : i32
      %dma_start3A_39 = tpu.memref_slice %arg10[%add3A_18, %dma_start3A] : memref<10240x128xf32, #tpu.memory_space<vmem_shared>> -> memref<128x128xf32, #tpu.memory_space<vmem_shared>>
      %dma_start3A_40 = arith.constant 0 : i32
      %dma_start3A_41 = tpu.memref_slice %arg10[%add3A_18, %dma_start3A_40] : memref<10240x128xf32, #tpu.memory_space<vmem_shared>> -> memref<128x128xf32, #tpu.memory_space<vmem_shared>>
      tpu.enqueue_dma source(%arg9 : memref<128x128xf32, #tpu.memory_space<vmem>>) target(%dma_start3A_41 : memref<128x128xf32, #tpu.memory_space<vmem_shared>>) target_semaphore(%run_scoped3A : memref<!tpu.dma_semaphore, #tpu.memory_space<semaphore_mem>>)
      %dma_wait3A = arith.constant 0 : i32
      %dma_wait3A_42 = tpu.memref_slice %arg10[%add3A_18, %dma_wait3A] : memref<10240x128xf32, #tpu.memory_space<vmem_shared>> -> memref<128x128xf32, #tpu.memory_space<vmem_shared>>
      %dma_wait3A_43 = arith.constant 0 : i32
      %dma_wait3A_44 = tpu.memref_slice %arg10[%add3A_18, %dma_wait3A_43] : memref<10240x128xf32, #tpu.memory_space<vmem_shared>> -> memref<128x128xf32, #tpu.memory_space<vmem_shared>>
      tpu.wait_dma2 semaphore(%run_scoped3A : memref<!tpu.dma_semaphore, #tpu.memory_space<semaphore_mem>>) src(%arg9 : memref<128x128xf32, #tpu.memory_space<vmem>>) dst(%dma_wait3A_44 : memref<128x128xf32, #tpu.memory_space<vmem_shared>>)
      tpu.yield
    }) : () -> ()
    %mul3A_19 = arith.constant 640 : i32
    %mul3A_20 = arith.muli %arg1, %mul3A_19 : i32
    %add3A_21 = arith.constant 384 : i32
    %add3A_22 = arith.addi %mul3A_20, %add3A_21 : i32
    "tpu.region"() ({
      %run_scoped3A = tpu.sem_alloc : memref<!tpu.dma_semaphore, #tpu.memory_space<semaphore_mem>>
      %dma_start3A = arith.constant 0 : i32
      %dma_start3A_39 = tpu.memref_slice %arg10[%add3A_22, %dma_start3A] : memref<10240x128xf32, #tpu.memory_space<vmem_shared>> -> memref<128x128xf32, #tpu.memory_space<vmem_shared>>
      %dma_start3A_40 = arith.constant 0 : i32
      %dma_start3A_41 = tpu.memref_slice %arg10[%add3A_22, %dma_start3A_40] : memref<10240x128xf32, #tpu.memory_space<vmem_shared>> -> memref<128x128xf32, #tpu.memory_space<vmem_shared>>
      tpu.enqueue_dma source(%arg9 : memref<128x128xf32, #tpu.memory_space<vmem>>) target(%dma_start3A_41 : memref<128x128xf32, #tpu.memory_space<vmem_shared>>) target_semaphore(%run_scoped3A : memref<!tpu.dma_semaphore, #tpu.memory_space<semaphore_mem>>)
      %dma_wait3A = arith.constant 0 : i32
      %dma_wait3A_42 = tpu.memref_slice %arg10[%add3A_22, %dma_wait3A] : memref<10240x128xf32, #tpu.memory_space<vmem_shared>> -> memref<128x128xf32, #tpu.memory_space<vmem_shared>>
      %dma_wait3A_43 = arith.constant 0 : i32
      %dma_wait3A_44 = tpu.memref_slice %arg10[%add3A_22, %dma_wait3A_43] : memref<10240x128xf32, #tpu.memory_space<vmem_shared>> -> memref<128x128xf32, #tpu.memory_space<vmem_shared>>
      tpu.wait_dma2 semaphore(%run_scoped3A : memref<!tpu.dma_semaphore, #tpu.memory_space<semaphore_mem>>) src(%arg9 : memref<128x128xf32, #tpu.memory_space<vmem>>) dst(%dma_wait3A_44 : memref<128x128xf32, #tpu.memory_space<vmem_shared>>)
      tpu.yield
    }) : () -> ()
    %mul3A_23 = arith.constant 640 : i32
    %mul3A_24 = arith.muli %arg1, %mul3A_23 : i32
    %add3A_25 = arith.constant 512 : i32
    %add3A_26 = arith.addi %mul3A_24, %add3A_25 : i32
    "tpu.region"() ({
      %run_scoped3A = tpu.sem_alloc : memref<!tpu.dma_semaphore, #tpu.memory_space<semaphore_mem>>
      %dma_start3A = arith.constant 0 : i32
      %dma_start3A_39 = tpu.memref_slice %arg10[%add3A_26, %dma_start3A] : memref<10240x128xf32, #tpu.memory_space<vmem_shared>> -> memref<128x128xf32, #tpu.memory_space<vmem_shared>>
      %dma_start3A_40 = arith.constant 0 : i32
      %dma_start3A_41 = tpu.memref_slice %arg10[%add3A_26, %dma_start3A_40] : memref<10240x128xf32, #tpu.memory_space<vmem_shared>> -> memref<128x128xf32, #tpu.memory_space<vmem_shared>>
      tpu.enqueue_dma source(%arg9 : memref<128x128xf32, #tpu.memory_space<vmem>>) target(%dma_start3A_41 : memref<128x128xf32, #tpu.memory_space<vmem_shared>>) target_semaphore(%run_scoped3A : memref<!tpu.dma_semaphore, #tpu.memory_space<semaphore_mem>>)
      %dma_wait3A = arith.constant 0 : i32
      %dma_wait3A_42 = tpu.memref_slice %arg10[%add3A_26, %dma_wait3A] : memref<10240x128xf32, #tpu.memory_space<vmem_shared>> -> memref<128x128xf32, #tpu.memory_space<vmem_shared>>
      %dma_wait3A_43 = arith.constant 0 : i32
      %dma_wait3A_44 = tpu.memref_slice %arg10[%add3A_26, %dma_wait3A_43] : memref<10240x128xf32, #tpu.memory_space<vmem_shared>> -> memref<128x128xf32, #tpu.memory_space<vmem_shared>>
      tpu.wait_dma2 semaphore(%run_scoped3A : memref<!tpu.dma_semaphore, #tpu.memory_space<semaphore_mem>>) src(%arg9 : memref<128x128xf32, #tpu.memory_space<vmem>>) dst(%dma_wait3A_44 : memref<128x128xf32, #tpu.memory_space<vmem_shared>>)
      tpu.yield
    }) : () -> ()
    %barrier3A = arith.constant 0 : index
    tpu.barrier barrier_id(%barrier3A)
    %scan3A_27 = arith.constant 0 : i32
    %scan3A_28 = arith.constant 0 : i32
    %scan3A_29 = arith.constant 79 : i32
    %scan3A_30 = arith.addi %scan3A_28, %scan3A_29 : i32
    %scan3A_31 = arith.constant 1 : i32
    %scan3A_32 = scf.for %scan3A_39 = %scan3A_28 to %scan3A_30 step %scan3A_31 iter_args(%scan3A_40 = %scan3A_27) -> (i32)  : i32 {
      %mul3A_41 = arith.constant 10112 : i32
      %mul3A_42 = arith.muli %add3A, %mul3A_41 : i32
      %mul3A_43 = arith.constant 128 : i32
      %mul3A_44 = arith.muli %scan3A_39, %mul3A_43 : i32
      %add3A_45 = arith.addi %mul3A_42, %mul3A_44 : i32
      "tpu.region"() ({
        %run_scoped3A = tpu.sem_alloc : memref<!tpu.dma_semaphore, #tpu.memory_space<semaphore_mem>>
        %dma_start3A_51 = tpu.memref_slice %arg3[%add3A_45] : memref<323584xi32, #tpu.memory_space<hbm>> -> memref<128xi32, #tpu.memory_space<hbm>>
        %dma_start3A_52 = tpu.memref_slice %arg3[%add3A_45] : memref<323584xi32, #tpu.memory_space<hbm>> -> memref<128xi32, #tpu.memory_space<hbm>>
        tpu.enqueue_dma source(%dma_start3A_52 : memref<128xi32, #tpu.memory_space<hbm>>) target(%arg6 : memref<128xi32, #tpu.memory_space<vmem>>) target_semaphore(%run_scoped3A : memref<!tpu.dma_semaphore, #tpu.memory_space<semaphore_mem>>)
        %dma_wait3A_53 = tpu.memref_slice %arg3[%add3A_45] : memref<323584xi32, #tpu.memory_space<hbm>> -> memref<128xi32, #tpu.memory_space<hbm>>
        %dma_wait3A_54 = tpu.memref_slice %arg3[%add3A_45] : memref<323584xi32, #tpu.memory_space<hbm>> -> memref<128xi32, #tpu.memory_space<hbm>>
        tpu.wait_dma2 semaphore(%run_scoped3A : memref<!tpu.dma_semaphore, #tpu.memory_space<semaphore_mem>>) src(%dma_wait3A_54 : memref<128xi32, #tpu.memory_space<hbm>>) dst(%arg6 : memref<128xi32, #tpu.memory_space<vmem>>)
        tpu.yield
      }) : () -> ()
      "tpu.region"() ({
        %run_scoped3A = tpu.sem_alloc : memref<!tpu.dma_semaphore, #tpu.memory_space<semaphore_mem>>
        %dma_start3A_51 = tpu.memref_slice %arg4[%add3A_45] : memref<323584xi32, #tpu.memory_space<hbm>> -> memref<128xi32, #tpu.memory_space<hbm>>
        %dma_start3A_52 = tpu.memref_slice %arg4[%add3A_45] : memref<323584xi32, #tpu.memory_space<hbm>> -> memref<128xi32, #tpu.memory_space<hbm>>
        tpu.enqueue_dma source(%dma_start3A_52 : memref<128xi32, #tpu.memory_space<hbm>>) target(%arg7 : memref<128xi32, #tpu.memory_space<vmem>>) target_semaphore(%run_scoped3A : memref<!tpu.dma_semaphore, #tpu.memory_space<semaphore_mem>>)
        %dma_wait3A_53 = tpu.memref_slice %arg4[%add3A_45] : memref<323584xi32, #tpu.memory_space<hbm>> -> memref<128xi32, #tpu.memory_space<hbm>>
        %dma_wait3A_54 = tpu.memref_slice %arg4[%add3A_45] : memref<323584xi32, #tpu.memory_space<hbm>> -> memref<128xi32, #tpu.memory_space<hbm>>
        tpu.wait_dma2 semaphore(%run_scoped3A : memref<!tpu.dma_semaphore, #tpu.memory_space<semaphore_mem>>) src(%dma_wait3A_54 : memref<128xi32, #tpu.memory_space<hbm>>) dst(%arg7 : memref<128xi32, #tpu.memory_space<vmem>>)
        tpu.yield
      }) : () -> ()
      %dma_start3A = arith.constant 0 : i32
      %dma_start3A_46 = arith.constant 0 : i32
      %dma_start3A_47 = tpu.memref_slice %arg2[%dma_start3A, %dma_start3A_46] : memref<10000x128xf32, #tpu.memory_space<hbm>> -> memref<10000x128xf32, #tpu.memory_space<hbm>>
      tpu.enqueue_indirect_dma source(%dma_start3A_47 : memref<10000x128xf32, #tpu.memory_space<hbm>>) target(%arg8 : memref<128x128xf32, #tpu.memory_space<vmem>>) offsets(%arg6 : memref<128xi32, #tpu.memory_space<vmem>>) semaphore(%arg11 : memref<!tpu.dma_semaphore, #tpu.memory_space<semaphore_mem>>)
      %dma_wait3A = arith.constant 0 : i32
      %dma_wait3A_48 = arith.constant 0 : i32
      %dma_wait3A_49 = tpu.memref_slice %arg2[%dma_wait3A, %dma_wait3A_48] : memref<10000x128xf32, #tpu.memory_space<hbm>> -> memref<10000x128xf32, #tpu.memory_space<hbm>>
      tpu.wait_indirect_dma semaphore(%arg11 : memref<!tpu.dma_semaphore, #tpu.memory_space<semaphore_mem>>) src(%dma_wait3A_49 : memref<10000x128xf32, #tpu.memory_space<hbm>>) dst(%arg8 : memref<128x128xf32, #tpu.memory_space<vmem>>)
      "tpu.region"() ({
        %run_scoped3A = tpu.sem_alloc : memref<!tpu.dma_semaphore, #tpu.memory_space<semaphore_mem>>
        %dma_start3A_51 = arith.constant 0 : i32
        %dma_start3A_52 = arith.constant 0 : i32
        %dma_start3A_53 = tpu.memref_slice %arg10[%dma_start3A_51, %dma_start3A_52] : memref<10240x128xf32, #tpu.memory_space<vmem_shared>> -> memref<10240x128xf32, #tpu.memory_space<vmem_shared>>
        tpu.enqueue_indirect_dma source(%arg8 : memref<128x128xf32, #tpu.memory_space<vmem>>) target(%dma_start3A_53 : memref<10240x128xf32, #tpu.memory_space<vmem_shared>>) offsets(%arg7 : memref<128xi32, #tpu.memory_space<vmem>>) semaphore(%run_scoped3A : memref<!tpu.dma_semaphore, #tpu.memory_space<semaphore_mem>>) {add = true}
        %dma_wait3A_54 = arith.constant 0 : i32
        %dma_wait3A_55 = arith.constant 0 : i32
        %dma_wait3A_56 = tpu.memref_slice %arg10[%dma_wait3A_54, %dma_wait3A_55] : memref<10240x128xf32, #tpu.memory_space<vmem_shared>> -> memref<10240x128xf32, #tpu.memory_space<vmem_shared>>
        tpu.wait_indirect_dma semaphore(%run_scoped3A : memref<!tpu.dma_semaphore, #tpu.memory_space<semaphore_mem>>) src(%arg8 : memref<128x128xf32, #tpu.memory_space<vmem>>) dst(%dma_wait3A_56 : memref<10240x128xf32, #tpu.memory_space<vmem_shared>>)
        tpu.yield
      }) : () -> ()
      %scan3A_50 = arith.constant 0 : i32
      scf.yield %scan3A_50 : i32
    }
    %scan3A_33 = arith.constant 79 : i32
    %barrier3A_34 = arith.constant 0 : index
    tpu.barrier barrier_id(%barrier3A_34)
    %mul3A_35 = arith.constant 640 : i32
    %mul3A_36 = arith.muli %arg1, %mul3A_35 : i32
    %mul3A_37 = arith.constant 640 : i32
    %mul3A_38 = arith.muli %arg1, %mul3A_37 : i32
    "tpu.region"() ({
      %run_scoped3A = tpu.sem_alloc : memref<!tpu.dma_semaphore, #tpu.memory_space<semaphore_mem>>
      %dma_start3A = arith.constant 0 : i32
      %dma_start3A_39 = tpu.memref_slice %arg5[%arg0, %mul3A_38, %dma_start3A] : memref<2x10240x128xf32, #tpu.memory_space<hbm>> -> memref<1x640x128xf32, #tpu.memory_space<hbm>>
      %dma_start3A_40 = tpu.memref_squeeze %dma_start3A_39 : memref<1x640x128xf32, #tpu.memory_space<hbm>> -> memref<640x128xf32, #tpu.memory_space<hbm>>
      %dma_start3A_41 = arith.constant 0 : i32
      %dma_start3A_42 = tpu.memref_slice %arg10[%mul3A_36, %dma_start3A_41] : memref<10240x128xf32, #tpu.memory_space<vmem_shared>> -> memref<640x128xf32, #tpu.memory_space<vmem_shared>>
      tpu.enqueue_dma source(%dma_start3A_42 : memref<640x128xf32, #tpu.memory_space<vmem_shared>>) target(%dma_start3A_40 : memref<640x128xf32, #tpu.memory_space<hbm>>) target_semaphore(%run_scoped3A : memref<!tpu.dma_semaphore, #tpu.memory_space<semaphore_mem>>)
      %dma_wait3A = arith.constant 0 : i32
      %dma_wait3A_43 = tpu.memref_slice %arg5[%arg0, %mul3A_38, %dma_wait3A] : memref<2x10240x128xf32, #tpu.memory_space<hbm>> -> memref<1x640x128xf32, #tpu.memory_space<hbm>>
      %dma_wait3A_44 = tpu.memref_squeeze %dma_wait3A_43 : memref<1x640x128xf32, #tpu.memory_space<hbm>> -> memref<640x128xf32, #tpu.memory_space<hbm>>
      %dma_wait3A_45 = arith.constant 0 : i32
      %dma_wait3A_46 = tpu.memref_slice %arg10[%mul3A_36, %dma_wait3A_45] : memref<10240x128xf32, #tpu.memory_space<vmem_shared>> -> memref<640x128xf32, #tpu.memory_space<vmem_shared>>
      tpu.wait_dma2 semaphore(%run_scoped3A : memref<!tpu.dma_semaphore, #tpu.memory_space<semaphore_mem>>) src(%dma_wait3A_46 : memref<640x128xf32, #tpu.memory_space<vmem_shared>>) dst(%dma_wait3A_44 : memref<640x128xf32, #tpu.memory_space<hbm>>)
      tpu.yield
    }) : () -> ()
    return
  }
}

#map = affine_map<(d0, d1) -> (0, 0)>
#map1 = affine_map<(d0, d1) -> (0)>
#map2 = affine_map<(d0, d1) -> (0, 0, 0)>
module attributes {stable_mosaic.version = 14 : i64} {
  func.func @_spmm_kernel(%arg0: i32, %arg1: i32, %arg2: memref<10000x128xf32, #tpu.memory_space<hbm>>, %arg3: memref<323584xi32, #tpu.memory_space<hbm>>, %arg4: memref<323584xi32, #tpu.memory_space<hbm>>, %arg5: memref<2x10240x128xf32, #tpu.memory_space<hbm>>, %arg6: memref<128xi32, #tpu.memory_space<vmem>>, %arg7: memref<128xi32, #tpu.memory_space<vmem>>, %arg8: memref<128x128xf32, #tpu.memory_space<vmem>>, %arg9: memref<128x128xf32, #tpu.memory_space<vmem>>, %arg10: memref<10240x128xf32, #tpu.memory_space<vmem_shared>>, %arg11: memref<!tpu.dma_semaphore, #tpu.memory_space<semaphore_mem>>) attributes {dimension_semantics = [#tpu.dimension_semantics<core_parallel>, #tpu.dimension_semantics<subcore_parallel>], iteration_bounds = array<i64: 2, 16>, scalar_prefetch = 0 : i64, scratch_operands = 6 : i64, tpu.core_type = #tpu.core_type<sc_vector_subcore>, window_params = [{transform_indices = #map}, {transform_indices = #map1}, {transform_indices = #map1}, {transform_indices = #map2}]} {
    %mul3A = arith.constant 16 : i32
    %mul3A_0 = arith.muli %arg0, %mul3A : i32
    %add3A = arith.addi %mul3A_0, %arg1 : i32
    %scan3A = arith.constant 0 : i32
    %scan3A_1 = arith.constant 0 : i32
    %scan3A_2 = arith.constant 128 : i32
    %scan3A_3 = arith.addi %scan3A_1, %scan3A_2 : i32
    %scan3A_4 = arith.constant 1 : i32
    %scan3A_5 = scf.for %scan3A_39 = %scan3A_1 to %scan3A_3 step %scan3A_4 iter_args(%scan3A_40 = %scan3A) -> (i32)  : i32 {
      %broadcast_in_dim3A = arith.constant 0.000000e+00 : f32
      %broadcast_in_dim3A_41 = vector.broadcast %broadcast_in_dim3A : f32 to vector<16xf32>
      %swap3A = arith.index_cast %scan3A_39 : i32 to index
      %swap3A_42 = arith.constant 0 : index
      %swap3A_43 = tpu.vector_load %arg9[%swap3A, %swap3A_42] {strides = array<i32>} : memref<128x128xf32, #tpu.memory_space<vmem>>, vector<1x16xf32>,
      %swap3A_44 = vector.shape_cast %swap3A_43 : vector<1x16xf32> to vector<16xf32>
      %swap3A_45 = vector.shape_cast %broadcast_in_dim3A_41 : vector<16xf32> to vector<1x16xf32>
      tpu.vector_store %arg9[%swap3A, %swap3A_42], %swap3A_45 {strides = array<i32>} : memref<128x128xf32, #tpu.memory_space<vmem>>, vector<1x16xf32>,
      %broadcast_in_dim3A_46 = arith.constant 0.000000e+00 : f32
      %broadcast_in_dim3A_47 = vector.broadcast %broadcast_in_dim3A_46 : f32 to vector<16xf32>
      %swap3A_48 = arith.index_cast %scan3A_39 : i32 to index
      %swap3A_49 = arith.constant 16 : index
      %swap3A_50 = tpu.vector_load %arg9[%swap3A_48, %swap3A_49] {strides = array<i32>} : memref<128x128xf32, #tpu.memory_space<vmem>>, vector<1x16xf32>,
      %swap3A_51 = vector.shape_cast %swap3A_50 : vector<1x16xf32> to vector<16xf32>
      %swap3A_52 = vector.shape_cast %broadcast_in_dim3A_47 : vector<16xf32> to vector<1x16xf32>
      tpu.vector_store %arg9[%swap3A_48, %swap3A_49], %swap3A_52 {strides = array<i32>} : memref<128x128xf32, #tpu.memory_space<vmem>>, vector<1x16xf32>,
      %broadcast_in_dim3A_53 = arith.constant 0.000000e+00 : f32
      %broadcast_in_dim3A_54 = vector.broadcast %broadcast_in_dim3A_53 : f32 to vector<16xf32>
      %swap3A_55 = arith.index_cast %scan3A_39 : i32 to index
      %swap3A_56 = arith.constant 32 : index
      %swap3A_57 = tpu.vector_load %arg9[%swap3A_55, %swap3A_56] {strides = array<i32>} : memref<128x128xf32, #tpu.memory_space<vmem>>, vector<1x16xf32>,
      %swap3A_58 = vector.shape_cast %swap3A_57 : vector<1x16xf32> to vector<16xf32>
      %swap3A_59 = vector.shape_cast %broadcast_in_dim3A_54 : vector<16xf32> to vector<1x16xf32>
      tpu.vector_store %arg9[%swap3A_55, %swap3A_56], %swap3A_59 {strides = array<i32>} : memref<128x128xf32, #tpu.memory_space<vmem>>, vector<1x16xf32>,
      %broadcast_in_dim3A_60 = arith.constant 0.000000e+00 : f32
      %broadcast_in_dim3A_61 = vector.broadcast %broadcast_in_dim3A_60 : f32 to vector<16xf32>
      %swap3A_62 = arith.index_cast %scan3A_39 : i32 to index
      %swap3A_63 = arith.constant 48 : index
      %swap3A_64 = tpu.vector_load %arg9[%swap3A_62, %swap3A_63] {strides = array<i32>} : memref<128x128xf32, #tpu.memory_space<vmem>>, vector<1x16xf32>,
      %swap3A_65 = vector.shape_cast %swap3A_64 : vector<1x16xf32> to vector<16xf32>
      %swap3A_66 = vector.shape_cast %broadcast_in_dim3A_61 : vector<16xf32> to vector<1x16xf32>
      tpu.vector_store %arg9[%swap3A_62, %swap3A_63], %swap3A_66 {strides = array<i32>} : memref<128x128xf32, #tpu.memory_space<vmem>>, vector<1x16xf32>,
      %broadcast_in_dim3A_67 = arith.constant 0.000000e+00 : f32
      %broadcast_in_dim3A_68 = vector.broadcast %broadcast_in_dim3A_67 : f32 to vector<16xf32>
      %swap3A_69 = arith.index_cast %scan3A_39 : i32 to index
      %swap3A_70 = arith.constant 64 : index
      %swap3A_71 = tpu.vector_load %arg9[%swap3A_69, %swap3A_70] {strides = array<i32>} : memref<128x128xf32, #tpu.memory_space<vmem>>, vector<1x16xf32>,
      %swap3A_72 = vector.shape_cast %swap3A_71 : vector<1x16xf32> to vector<16xf32>
      %swap3A_73 = vector.shape_cast %broadcast_in_dim3A_68 : vector<16xf32> to vector<1x16xf32>
      tpu.vector_store %arg9[%swap3A_69, %swap3A_70], %swap3A_73 {strides = array<i32>} : memref<128x128xf32, #tpu.memory_space<vmem>>, vector<1x16xf32>,
      %broadcast_in_dim3A_74 = arith.constant 0.000000e+00 : f32
      %broadcast_in_dim3A_75 = vector.broadcast %broadcast_in_dim3A_74 : f32 to vector<16xf32>
      %swap3A_76 = arith.index_cast %scan3A_39 : i32 to index
      %swap3A_77 = arith.constant 80 : index
      %swap3A_78 = tpu.vector_load %arg9[%swap3A_76, %swap3A_77] {strides = array<i32>} : memref<128x128xf32, #tpu.memory_space<vmem>>, vector<1x16xf32>,
      %swap3A_79 = vector.shape_cast %swap3A_78 : vector<1x16xf32> to vector<16xf32>
      %swap3A_80 = vector.shape_cast %broadcast_in_dim3A_75 : vector<16xf32> to vector<1x16xf32>
      tpu.vector_store %arg9[%swap3A_76, %swap3A_77], %swap3A_80 {strides = array<i32>} : memref<128x128xf32, #tpu.memory_space<vmem>>, vector<1x16xf32>,
      %broadcast_in_dim3A_81 = arith.constant 0.000000e+00 : f32
      %broadcast_in_dim3A_82 = vector.broadcast %broadcast_in_dim3A_81 : f32 to vector<16xf32>
      %swap3A_83 = arith.index_cast %scan3A_39 : i32 to index
      %swap3A_84 = arith.constant 96 : index
      %swap3A_85 = tpu.vector_load %arg9[%swap3A_83, %swap3A_84] {strides = array<i32>} : memref<128x128xf32, #tpu.memory_space<vmem>>, vector<1x16xf32>,
      %swap3A_86 = vector.shape_cast %swap3A_85 : vector<1x16xf32> to vector<16xf32>
      %swap3A_87 = vector.shape_cast %broadcast_in_dim3A_82 : vector<16xf32> to vector<1x16xf32>
      tpu.vector_store %arg9[%swap3A_83, %swap3A_84], %swap3A_87 {strides = array<i32>} : memref<128x128xf32, #tpu.memory_space<vmem>>, vector<1x16xf32>,
      %broadcast_in_dim3A_88 = arith.constant 0.000000e+00 : f32
      %broadcast_in_dim3A_89 = vector.broadcast %broadcast_in_dim3A_88 : f32 to vector<16xf32>
      %swap3A_90 = arith.index_cast %scan3A_39 : i32 to index
      %swap3A_91 = arith.constant 112 : index
      %swap3A_92 = tpu.vector_load %arg9[%swap3A_90, %swap3A_91] {strides = array<i32>} : memref<128x128xf32, #tpu.memory_space<vmem>>, vector<1x16xf32>,
      %swap3A_93 = vector.shape_cast %swap3A_92 : vector<1x16xf32> to vector<16xf32>
      %swap3A_94 = vector.shape_cast %broadcast_in_dim3A_89 : vector<16xf32> to vector<1x16xf32>
      tpu.vector_store %arg9[%swap3A_90, %swap3A_91], %swap3A_94 {strides = array<i32>} : memref<128x128xf32, #tpu.memory_space<vmem>>, vector<1x16xf32>,
      %scan3A_95 = arith.constant 0 : i32
      scf.yield %scan3A_95 : i32
    }
    %scan3A_6 = arith.constant 128 : i32
    %mul3A_7 = arith.constant 640 : i32
    %mul3A_8 = arith.muli %arg1, %mul3A_7 : i32
    %add3A_9 = arith.constant 0 : i32
    %add3A_10 = arith.addi %mul3A_8, %add3A_9 : i32
    "tpu.region"() ({
      %run_scoped3A = tpu.sem_alloc : memref<!tpu.dma_semaphore, #tpu.memory_space<semaphore_mem>>
      %dma_start3A = arith.constant 0 : i32
      %dma_start3A_39 = tpu.memref_slice %arg10[%add3A_10, %dma_start3A] : memref<10240x128xf32, #tpu.memory_space<vmem_shared>> -> memref<128x128xf32, #tpu.memory_space<vmem_shared>>
      %dma_start3A_40 = arith.constant 0 : i32
      %dma_start3A_41 = tpu.memref_slice %arg10[%add3A_10, %dma_start3A_40] : memref<10240x128xf32, #tpu.memory_space<vmem_shared>> -> memref<128x128xf32, #tpu.memory_space<vmem_shared>>
      tpu.enqueue_dma source(%arg9 : memref<128x128xf32, #tpu.memory_space<vmem>>) target(%dma_start3A_41 : memref<128x128xf32, #tpu.memory_space<vmem_shared>>) target_semaphore(%run_scoped3A : memref<!tpu.dma_semaphore, #tpu.memory_space<semaphore_mem>>)
      %dma_wait3A = arith.constant 0 : i32
      %dma_wait3A_42 = tpu.memref_slice %arg10[%add3A_10, %dma_wait3A] : memref<10240x128xf32, #tpu.memory_space<vmem_shared>> -> memref<128x128xf32, #tpu.memory_space<vmem_shared>>
      %dma_wait3A_43 = arith.constant 0 : i32
      %dma_wait3A_44 = tpu.memref_slice %arg10[%add3A_10, %dma_wait3A_43] : memref<10240x128xf32, #tpu.memory_space<vmem_shared>> -> memref<128x128xf32, #tpu.memory_space<vmem_shared>>
      tpu.wait_dma2 semaphore(%run_scoped3A : memref<!tpu.dma_semaphore, #tpu.memory_space<semaphore_mem>>) src(%arg9 : memref<128x128xf32, #tpu.memory_space<vmem>>) dst(%dma_wait3A_44 : memref<128x128xf32, #tpu.memory_space<vmem_shared>>)
      tpu.yield
    }) : () -> ()
    %mul3A_11 = arith.constant 640 : i32
    %mul3A_12 = arith.muli %arg1, %mul3A_11 : i32
    %add3A_13 = arith.constant 128 : i32
    %add3A_14 = arith.addi %mul3A_12, %add3A_13 : i32
    "tpu.region"() ({
      %run_scoped3A = tpu.sem_alloc : memref<!tpu.dma_semaphore, #tpu.memory_space<semaphore_mem>>
      %dma_start3A = arith.constant 0 : i32
      %dma_start3A_39 = tpu.memref_slice %arg10[%add3A_14, %dma_start3A] : memref<10240x128xf32, #tpu.memory_space<vmem_shared>> -> memref<128x128xf32, #tpu.memory_space<vmem_shared>>
      %dma_start3A_40 = arith.constant 0 : i32
      %dma_start3A_41 = tpu.memref_slice %arg10[%add3A_14, %dma_start3A_40] : memref<10240x128xf32, #tpu.memory_space<vmem_shared>> -> memref<128x128xf32, #tpu.memory_space<vmem_shared>>
      tpu.enqueue_dma source(%arg9 : memref<128x128xf32, #tpu.memory_space<vmem>>) target(%dma_start3A_41 : memref<128x128xf32, #tpu.memory_space<vmem_shared>>) target_semaphore(%run_scoped3A : memref<!tpu.dma_semaphore, #tpu.memory_space<semaphore_mem>>)
      %dma_wait3A = arith.constant 0 : i32
      %dma_wait3A_42 = tpu.memref_slice %arg10[%add3A_14, %dma_wait3A] : memref<10240x128xf32, #tpu.memory_space<vmem_shared>> -> memref<128x128xf32, #tpu.memory_space<vmem_shared>>
      %dma_wait3A_43 = arith.constant 0 : i32
      %dma_wait3A_44 = tpu.memref_slice %arg10[%add3A_14, %dma_wait3A_43] : memref<10240x128xf32, #tpu.memory_space<vmem_shared>> -> memref<128x128xf32, #tpu.memory_space<vmem_shared>>
      tpu.wait_dma2 semaphore(%run_scoped3A : memref<!tpu.dma_semaphore, #tpu.memory_space<semaphore_mem>>) src(%arg9 : memref<128x128xf32, #tpu.memory_space<vmem>>) dst(%dma_wait3A_44 : memref<128x128xf32, #tpu.memory_space<vmem_shared>>)
      tpu.yield
    }) : () -> ()
    %mul3A_15 = arith.constant 640 : i32
    %mul3A_16 = arith.muli %arg1, %mul3A_15 : i32
    %add3A_17 = arith.constant 256 : i32
    %add3A_18 = arith.addi %mul3A_16, %add3A_17 : i32
    "tpu.region"() ({
      %run_scoped3A = tpu.sem_alloc : memref<!tpu.dma_semaphore, #tpu.memory_space<semaphore_mem>>
      %dma_start3A = arith.constant 0 : i32
      %dma_start3A_39 = tpu.memref_slice %arg10[%add3A_18, %dma_start3A] : memref<10240x128xf32, #tpu.memory_space<vmem_shared>> -> memref<128x128xf32, #tpu.memory_space<vmem_shared>>
      %dma_start3A_40 = arith.constant 0 : i32
      %dma_start3A_41 = tpu.memref_slice %arg10[%add3A_18, %dma_start3A_40] : memref<10240x128xf32, #tpu.memory_space<vmem_shared>> -> memref<128x128xf32, #tpu.memory_space<vmem_shared>>
      tpu.enqueue_dma source(%arg9 : memref<128x128xf32, #tpu.memory_space<vmem>>) target(%dma_start3A_41 : memref<128x128xf32, #tpu.memory_space<vmem_shared>>) target_semaphore(%run_scoped3A : memref<!tpu.dma_semaphore, #tpu.memory_space<semaphore_mem>>)
      %dma_wait3A = arith.constant 0 : i32
      %dma_wait3A_42 = tpu.memref_slice %arg10[%add3A_18, %dma_wait3A] : memref<10240x128xf32, #tpu.memory_space<vmem_shared>> -> memref<128x128xf32, #tpu.memory_space<vmem_shared>>
      %dma_wait3A_43 = arith.constant 0 : i32
      %dma_wait3A_44 = tpu.memref_slice %arg10[%add3A_18, %dma_wait3A_43] : memref<10240x128xf32, #tpu.memory_space<vmem_shared>> -> memref<128x128xf32, #tpu.memory_space<vmem_shared>>
      tpu.wait_dma2 semaphore(%run_scoped3A : memref<!tpu.dma_semaphore, #tpu.memory_space<semaphore_mem>>) src(%arg9 : memref<128x128xf32, #tpu.memory_space<vmem>>) dst(%dma_wait3A_44 : memref<128x128xf32, #tpu.memory_space<vmem_shared>>)
      tpu.yield
    }) : () -> ()
    %mul3A_19 = arith.constant 640 : i32
    %mul3A_20 = arith.muli %arg1, %mul3A_19 : i32
    %add3A_21 = arith.constant 384 : i32
    %add3A_22 = arith.addi %mul3A_20, %add3A_21 : i32
    "tpu.region"() ({
      %run_scoped3A = tpu.sem_alloc : memref<!tpu.dma_semaphore, #tpu.memory_space<semaphore_mem>>
      %dma_start3A = arith.constant 0 : i32
      %dma_start3A_39 = tpu.memref_slice %arg10[%add3A_22, %dma_start3A] : memref<10240x128xf32, #tpu.memory_space<vmem_shared>> -> memref<128x128xf32, #tpu.memory_space<vmem_shared>>
      %dma_start3A_40 = arith.constant 0 : i32
      %dma_start3A_41 = tpu.memref_slice %arg10[%add3A_22, %dma_start3A_40] : memref<10240x128xf32, #tpu.memory_space<vmem_shared>> -> memref<128x128xf32, #tpu.memory_space<vmem_shared>>
      tpu.enqueue_dma source(%arg9 : memref<128x128xf32, #tpu.memory_space<vmem>>) target(%dma_start3A_41 : memref<128x128xf32, #tpu.memory_space<vmem_shared>>) target_semaphore(%run_scoped3A : memref<!tpu.dma_semaphore, #tpu.memory_space<semaphore_mem>>)
      %dma_wait3A = arith.constant 0 : i32
      %dma_wait3A_42 = tpu.memref_slice %arg10[%add3A_22, %dma_wait3A] : memref<10240x128xf32, #tpu.memory_space<vmem_shared>> -> memref<128x128xf32, #tpu.memory_space<vmem_shared>>
      %dma_wait3A_43 = arith.constant 0 : i32
      %dma_wait3A_44 = tpu.memref_slice %arg10[%add3A_22, %dma_wait3A_43] : memref<10240x128xf32, #tpu.memory_space<vmem_shared>> -> memref<128x128xf32, #tpu.memory_space<vmem_shared>>
      tpu.wait_dma2 semaphore(%run_scoped3A : memref<!tpu.dma_semaphore, #tpu.memory_space<semaphore_mem>>) src(%arg9 : memref<128x128xf32, #tpu.memory_space<vmem>>) dst(%dma_wait3A_44 : memref<128x128xf32, #tpu.memory_space<vmem_shared>>)
      tpu.yield
    }) : () -> ()
    %mul3A_23 = arith.constant 640 : i32
    %mul3A_24 = arith.muli %arg1, %mul3A_23 : i32
    %add3A_25 = arith.constant 512 : i32
    %add3A_26 = arith.addi %mul3A_24, %add3A_25 : i32
    "tpu.region"() ({
      %run_scoped3A = tpu.sem_alloc : memref<!tpu.dma_semaphore, #tpu.memory_space<semaphore_mem>>
      %dma_start3A = arith.constant 0 : i32
      %dma_start3A_39 = tpu.memref_slice %arg10[%add3A_26, %dma_start3A] : memref<10240x128xf32, #tpu.memory_space<vmem_shared>> -> memref<128x128xf32, #tpu.memory_space<vmem_shared>>
      %dma_start3A_40 = arith.constant 0 : i32
      %dma_start3A_41 = tpu.memref_slice %arg10[%add3A_26, %dma_start3A_40] : memref<10240x128xf32, #tpu.memory_space<vmem_shared>> -> memref<128x128xf32, #tpu.memory_space<vmem_shared>>
      tpu.enqueue_dma source(%arg9 : memref<128x128xf32, #tpu.memory_space<vmem>>) target(%dma_start3A_41 : memref<128x128xf32, #tpu.memory_space<vmem_shared>>) target_semaphore(%run_scoped3A : memref<!tpu.dma_semaphore, #tpu.memory_space<semaphore_mem>>)
      %dma_wait3A = arith.constant 0 : i32
      %dma_wait3A_42 = tpu.memref_slice %arg10[%add3A_26, %dma_wait3A] : memref<10240x128xf32, #tpu.memory_space<vmem_shared>> -> memref<128x128xf32, #tpu.memory_space<vmem_shared>>
      %dma_wait3A_43 = arith.constant 0 : i32
      %dma_wait3A_44 = tpu.memref_slice %arg10[%add3A_26, %dma_wait3A_43] : memref<10240x128xf32, #tpu.memory_space<vmem_shared>> -> memref<128x128xf32, #tpu.memory_space<vmem_shared>>
      tpu.wait_dma2 semaphore(%run_scoped3A : memref<!tpu.dma_semaphore, #tpu.memory_space<semaphore_mem>>) src(%arg9 : memref<128x128xf32, #tpu.memory_space<vmem>>) dst(%dma_wait3A_44 : memref<128x128xf32, #tpu.memory_space<vmem_shared>>)
      tpu.yield
    }) : () -> ()
    %barrier3A = arith.constant 0 : index
    tpu.barrier barrier_id(%barrier3A)
    %scan3A_27 = arith.constant 0 : i32
    %scan3A_28 = arith.constant 0 : i32
    %scan3A_29 = arith.constant 79 : i32
    %scan3A_30 = arith.addi %scan3A_28, %scan3A_29 : i32
    %scan3A_31 = arith.constant 1 : i32
    %scan3A_32 = scf.for %scan3A_39 = %scan3A_28 to %scan3A_30 step %scan3A_31 iter_args(%scan3A_40 = %scan3A_27) -> (i32)  : i32 {
      %mul3A_41 = arith.constant 10112 : i32
      %mul3A_42 = arith.muli %add3A, %mul3A_41 : i32
      %mul3A_43 = arith.constant 128 : i32
      %mul3A_44 = arith.muli %scan3A_39, %mul3A_43 : i32
      %add3A_45 = arith.addi %mul3A_42, %mul3A_44 : i32
      "tpu.region"() ({
        %run_scoped3A = tpu.sem_alloc : memref<!tpu.dma_semaphore, #tpu.memory_space<semaphore_mem>>
        %dma_start3A_51 = tpu.memref_slice %arg3[%add3A_45] : memref<323584xi32, #tpu.memory_space<hbm>> -> memref<128xi32, #tpu.memory_space<hbm>>
        %dma_start3A_52 = tpu.memref_slice %arg3[%add3A_45] : memref<323584xi32, #tpu.memory_space<hbm>> -> memref<128xi32, #tpu.memory_space<hbm>>
        tpu.enqueue_dma source(%dma_start3A_52 : memref<128xi32, #tpu.memory_space<hbm>>) target(%arg6 : memref<128xi32, #tpu.memory_space<vmem>>) target_semaphore(%run_scoped3A : memref<!tpu.dma_semaphore, #tpu.memory_space<semaphore_mem>>)
        %dma_wait3A_53 = tpu.memref_slice %arg3[%add3A_45] : memref<323584xi32, #tpu.memory_space<hbm>> -> memref<128xi32, #tpu.memory_space<hbm>>
        %dma_wait3A_54 = tpu.memref_slice %arg3[%add3A_45] : memref<323584xi32, #tpu.memory_space<hbm>> -> memref<128xi32, #tpu.memory_space<hbm>>
        tpu.wait_dma2 semaphore(%run_scoped3A : memref<!tpu.dma_semaphore, #tpu.memory_space<semaphore_mem>>) src(%dma_wait3A_54 : memref<128xi32, #tpu.memory_space<hbm>>) dst(%arg6 : memref<128xi32, #tpu.memory_space<vmem>>)
        tpu.yield
      }) : () -> ()
      "tpu.region"() ({
        %run_scoped3A = tpu.sem_alloc : memref<!tpu.dma_semaphore, #tpu.memory_space<semaphore_mem>>
        %dma_start3A_51 = tpu.memref_slice %arg4[%add3A_45] : memref<323584xi32, #tpu.memory_space<hbm>> -> memref<128xi32, #tpu.memory_space<hbm>>
        %dma_start3A_52 = tpu.memref_slice %arg4[%add3A_45] : memref<323584xi32, #tpu.memory_space<hbm>> -> memref<128xi32, #tpu.memory_space<hbm>>
        tpu.enqueue_dma source(%dma_start3A_52 : memref<128xi32, #tpu.memory_space<hbm>>) target(%arg7 : memref<128xi32, #tpu.memory_space<vmem>>) target_semaphore(%run_scoped3A : memref<!tpu.dma_semaphore, #tpu.memory_space<semaphore_mem>>)
        %dma_wait3A_53 = tpu.memref_slice %arg4[%add3A_45] : memref<323584xi32, #tpu.memory_space<hbm>> -> memref<128xi32, #tpu.memory_space<hbm>>
        %dma_wait3A_54 = tpu.memref_slice %arg4[%add3A_45] : memref<323584xi32, #tpu.memory_space<hbm>> -> memref<128xi32, #tpu.memory_space<hbm>>
        tpu.wait_dma2 semaphore(%run_scoped3A : memref<!tpu.dma_semaphore, #tpu.memory_space<semaphore_mem>>) src(%dma_wait3A_54 : memref<128xi32, #tpu.memory_space<hbm>>) dst(%arg7 : memref<128xi32, #tpu.memory_space<vmem>>)
        tpu.yield
      }) : () -> ()
      %dma_start3A = arith.constant 0 : i32
      %dma_start3A_46 = arith.constant 0 : i32
      %dma_start3A_47 = tpu.memref_slice %arg2[%dma_start3A, %dma_start3A_46] : memref<10000x128xf32, #tpu.memory_space<hbm>> -> memref<10000x128xf32, #tpu.memory_space<hbm>>
      tpu.enqueue_indirect_dma source(%dma_start3A_47 : memref<10000x128xf32, #tpu.memory_space<hbm>>) target(%arg8 : memref<128x128xf32, #tpu.memory_space<vmem>>) offsets(%arg6 : memref<128xi32, #tpu.memory_space<vmem>>) semaphore(%arg11 : memref<!tpu.dma_semaphore, #tpu.memory_space<semaphore_mem>>)
      %dma_wait3A = arith.constant 0 : i32
      %dma_wait3A_48 = arith.constant 0 : i32
      %dma_wait3A_49 = tpu.memref_slice %arg2[%dma_wait3A, %dma_wait3A_48] : memref<10000x128xf32, #tpu.memory_space<hbm>> -> memref<10000x128xf32, #tpu.memory_space<hbm>>
      tpu.wait_indirect_dma semaphore(%arg11 : memref<!tpu.dma_semaphore, #tpu.memory_space<semaphore_mem>>) src(%dma_wait3A_49 : memref<10000x128xf32, #tpu.memory_space<hbm>>) dst(%arg8 : memref<128x128xf32, #tpu.memory_space<vmem>>)
      "tpu.region"() ({
        %run_scoped3A = tpu.sem_alloc : memref<!tpu.dma_semaphore, #tpu.memory_space<semaphore_mem>>
        %dma_start3A_51 = arith.constant 0 : i32
        %dma_start3A_52 = arith.constant 0 : i32
        %dma_start3A_53 = tpu.memref_slice %arg10[%dma_start3A_51, %dma_start3A_52] : memref<10240x128xf32, #tpu.memory_space<vmem_shared>> -> memref<10240x128xf32, #tpu.memory_space<vmem_shared>>
        tpu.enqueue_indirect_dma source(%arg8 : memref<128x128xf32, #tpu.memory_space<vmem>>) target(%dma_start3A_53 : memref<10240x128xf32, #tpu.memory_space<vmem_shared>>) offsets(%arg7 : memref<128xi32, #tpu.memory_space<vmem>>) semaphore(%run_scoped3A : memref<!tpu.dma_semaphore, #tpu.memory_space<semaphore_mem>>) {add = true}
        %dma_wait3A_54 = arith.constant 0 : i32
        %dma_wait3A_55 = arith.constant 0 : i32
        %dma_wait3A_56 = tpu.memref_slice %arg10[%dma_wait3A_54, %dma_wait3A_55] : memref<10240x128xf32, #tpu.memory_space<vmem_shared>> -> memref<10240x128xf32, #tpu.memory_space<vmem_shared>>
        tpu.wait_indirect_dma semaphore(%run_scoped3A : memref<!tpu.dma_semaphore, #tpu.memory_space<semaphore_mem>>) src(%arg8 : memref<128x128xf32, #tpu.memory_space<vmem>>) dst(%dma_wait3A_56 : memref<10240x128xf32, #tpu.memory_space<vmem_shared>>)
        tpu.yield
      }) : () -> ()
      %scan3A_50 = arith.constant 0 : i32
      scf.yield %scan3A_50 : i32
    }
    %scan3A_33 = arith.constant 79 : i32
    %barrier3A_34 = arith.constant 0 : index
    tpu.barrier barrier_id(%barrier3A_34)
    %mul3A_35 = arith.constant 640 : i32
    %mul3A_36 = arith.muli %arg1, %mul3A_35 : i32
    %mul3A_37 = arith.constant 640 : i32
    %mul3A_38 = arith.muli %arg1, %mul3A_37 : i32
    "tpu.region"() ({
      %run_scoped3A = tpu.sem_alloc : memref<!tpu.dma_semaphore, #tpu.memory_space<semaphore_mem>>
      %dma_start3A = arith.constant 0 : i32
      %dma_start3A_39 = tpu.memref_slice %arg5[%arg0, %mul3A_38, %dma_start3A] : memref<2x10240x128xf32, #tpu.memory_space<hbm>> -> memref<1x640x128xf32, #tpu.memory_space<hbm>>
      %dma_start3A_40 = tpu.memref_squeeze %dma_start3A_39 : memref<1x640x128xf32, #tpu.memory_space<hbm>> -> memref<640x128xf32, #tpu.memory_space<hbm>>
      %dma_start3A_41 = arith.constant 0 : i32
      %dma_start3A_42 = tpu.memref_slice %arg10[%mul3A_36, %dma_start3A_41] : memref<10240x128xf32, #tpu.memory_space<vmem_shared>> -> memref<640x128xf32, #tpu.memory_space<vmem_shared>>
      tpu.enqueue_dma source(%dma_start3A_42 : memref<640x128xf32, #tpu.memory_space<vmem_shared>>) target(%dma_start3A_40 : memref<640x128xf32, #tpu.memory_space<hbm>>) target_semaphore(%run_scoped3A : memref<!tpu.dma_semaphore, #tpu.memory_space<semaphore_mem>>)
      %dma_wait3A = arith.constant 0 : i32
      %dma_wait3A_43 = tpu.memref_slice %arg5[%arg0, %mul3A_38, %dma_wait3A] : memref<2x10240x128xf32, #tpu.memory_space<hbm>> -> memref<1x640x128xf32, #tpu.memory_space<hbm>>
      %dma_wait3A_44 = tpu.memref_squeeze %dma_wait3A_43 : memref<1x640x128xf32, #tpu.memory_space<hbm>> -> memref<640x128xf32, #tpu.memory_space<hbm>>
      %dma_wait3A_45 = arith.constant 0 : i32
      %dma_wait3A_46 = tpu.memref_slice %arg10[%mul3A_36, %dma_wait3A_45] : memref<10240x128xf32, #tpu.memory_space<vmem_shared>> -> memref<640x128xf32, #tpu.memory_space<vmem_shared>>
      tpu.wait_dma2 semaphore(%run_scoped3A : memref<!tpu.dma_semaphore, #tpu.memory_space<semaphore_mem>>) src(%dma_wait3A_46 : memref<640x128xf32, #tpu.memory_space<vmem_shared>>) dst(%dma_wait3A_44 : memref<640x128xf32, #tpu.memory_space<hbm>>)
      tpu.yield
    }) : () -> ()
    return
  }
}

module attributes {stable_mosaic.version = 14 : i64} {
  func.func @_pre_body(%arg0: i32, %arg1: memref<2000x128xf32, #tpu.memory_space<vmem>>, %arg2: memref<128x128xf32, #tpu.memory_space<vmem>>, %arg3: memref<1x128xf32, #tpu.memory_space<vmem>>, %arg4: memref<2x2000x16xf32, #tpu.memory_space<vmem>>, %arg5: memref<2000x128xf32, #tpu.memory_space<vmem>>, %arg6: memref<2000x128xf32, #tpu.memory_space<vmem>>) attributes {dimension_semantics = [#tpu.dimension_semantics<arbitrary>], iteration_bounds = array<i64: 5>, scalar_prefetch = 0 : i64, scratch_operands = 0 : i64, tpu.core_type = #tpu.core_type<tc>, window_params = [{transform_indices = @transform_0, window_bounds = array<i64: 2000, 128>}, {pipeline_mode = #tpu.pipeline_mode<synchronous>, transform_indices = @transform_1, window_bounds = array<i64: 128, 128>}, {pipeline_mode = #tpu.pipeline_mode<synchronous>, transform_indices = @transform_2, window_bounds = array<i64: 1, 128>}, {transform_indices = @transform_3, window_bounds = array<i64: 2, 2000, 16>}, {transform_indices = @transform_4, window_bounds = array<i64: 2000, 128>}, {transform_indices = @transform_5, window_bounds = array<i64: 2000, 128>}]} {
    %get3A = arith.constant 0 : index
    %get3A_0 = arith.constant 0 : index
    %get3A_1 = vector.load %arg1[%get3A, %get3A_0] : memref<2000x128xf32, #tpu.memory_space<vmem>>, vector<2000x128xf32>
    %get3A_2 = arith.constant 0 : index
    %get3A_3 = arith.constant 0 : index
    %get3A_4 = vector.load %arg2[%get3A_2, %get3A_3] : memref<128x128xf32, #tpu.memory_space<vmem>>, vector<128x128xf32>
    %dot_general3A = arith.constant dense<0.000000e+00> : vector<2000x128xf32>
    %dot_general3A_5 = tpu.matmul %get3A_1, %get3A_4, %dot_general3A {dimension_numbers = #tpu.dot_dimension_numbers<[1], [0], [0], [1], [0, 0, 1, 1], [], []>, transpose_lhs_hint = false} : vector<2000x128xf32>, vector<128x128xf32>, vector<2000x128xf32> -> vector<2000x128xf32>
    %get3A_6 = arith.constant 0 : index
    %get3A_7 = arith.constant 0 : index
    %get3A_8 = vector.load %arg3[%get3A_6, %get3A_7] : memref<1x128xf32, #tpu.memory_space<vmem>>, vector<1x128xf32>
    %add3A = vector.broadcast %get3A_8 : vector<1x128xf32> to vector<2000x128xf32>
    %add3A_9 = arith.addf %dot_general3A_5, %add3A : vector<2000x128xf32>
    %max3A = arith.constant 0.000000e+00 : f32
    %max3A_10 = vector.broadcast %max3A : f32 to vector<2000x128xf32>
    %max3A_11 = arith.maximumf %add3A_9, %max3A_10 : vector<2000x128xf32>
    %get3A_12 = arith.constant 0 : index
    %get3A_13 = arith.constant 0 : index
    %get3A_14 = arith.constant 0 : index
    %get3A_15 = vector.load %arg4[%get3A_12, %get3A_13, %get3A_14] : memref<2x2000x16xf32, #tpu.memory_space<vmem>>, vector<1x2000x1xf32>
    %get3A_16 = vector.shape_cast %get3A_15 : vector<1x2000x1xf32> to vector<2000x1xf32>
    %get3A_17 = arith.constant 1 : index
    %get3A_18 = arith.constant 0 : index
    %get3A_19 = arith.constant 0 : index
    %get3A_20 = vector.load %arg4[%get3A_17, %get3A_18, %get3A_19] : memref<2x2000x16xf32, #tpu.memory_space<vmem>>, vector<1x2000x1xf32>
    %get3A_21 = vector.shape_cast %get3A_20 : vector<1x2000x1xf32> to vector<2000x1xf32>
    %add3A_22 = arith.addf %get3A_16, %get3A_21 : vector<2000x1xf32>
    %add3A_23 = arith.constant 1.000000e+00 : f32
    %add3A_24 = vector.broadcast %add3A_23 : f32 to vector<2000x1xf32>
    %add3A_25 = arith.addf %add3A_22, %add3A_24 : vector<2000x1xf32>
    %rsqrt3A = math.rsqrt %add3A_25 : vector<2000x1xf32>
    %swap3A = arith.constant 0 : index
    %swap3A_26 = arith.constant 0 : index
    %swap3A_27 = vector.load %arg5[%swap3A, %swap3A_26] : memref<2000x128xf32, #tpu.memory_space<vmem>>, vector<2000x128xf32>
    tpu.vector_store %arg5[%swap3A, %swap3A_26], %max3A_11 {strides = array<i32>} : memref<2000x128xf32, #tpu.memory_space<vmem>>, vector<2000x128xf32>,
    %mul3A = vector.broadcast %rsqrt3A : vector<2000x1xf32> to vector<2000x128xf32>
    %mul3A_28 = arith.mulf %max3A_11, %mul3A : vector<2000x128xf32>
    %swap3A_29 = arith.constant 0 : index
    %swap3A_30 = arith.constant 0 : index
    %swap3A_31 = vector.load %arg6[%swap3A_29, %swap3A_30] : memref<2000x128xf32, #tpu.memory_space<vmem>>, vector<2000x128xf32>
    tpu.vector_store %arg6[%swap3A_29, %swap3A_30], %mul3A_28 {strides = array<i32>} : memref<2000x128xf32, #tpu.memory_space<vmem>>, vector<2000x128xf32>,
    return
  }
  func.func @transform_0(%arg0: i32) -> (i32, i32) {
    %c0_i32 = arith.constant 0 : i32
    %c0_i32_0 = arith.constant 0 : i32
    return %arg0, %c0_i32 : i32, i32
  }
  func.func @transform_1(%arg0: i32) -> (i32, i32) {
    %c0_i32 = arith.constant 0 : i32
    %c0_i32_0 = arith.constant 0 : i32
    %c0_i32_1 = arith.constant 0 : i32
    return %c0_i32, %c0_i32_0 : i32, i32
  }
  func.func @transform_2(%arg0: i32) -> (i32, i32) {
    %c0_i32 = arith.constant 0 : i32
    %c0_i32_0 = arith.constant 0 : i32
    %c0_i32_1 = arith.constant 0 : i32
    return %c0_i32, %c0_i32_0 : i32, i32
  }
  func.func @transform_3(%arg0: i32) -> (i32, i32, i32) {
    %c0_i32 = arith.constant 0 : i32
    %c0_i32_0 = arith.constant 0 : i32
    %c0_i32_1 = arith.constant 0 : i32
    return %c0_i32, %arg0, %c0_i32_0 : i32, i32, i32
  }
  func.func @transform_4(%arg0: i32) -> (i32, i32) {
    %c0_i32 = arith.constant 0 : i32
    %c0_i32_0 = arith.constant 0 : i32
    return %arg0, %c0_i32 : i32, i32
  }
  func.func @transform_5(%arg0: i32) -> (i32, i32) {
    %c0_i32 = arith.constant 0 : i32
    %c0_i32_0 = arith.constant 0 : i32
    return %arg0, %c0_i32 : i32, i32
  }
}

module attributes {stable_mosaic.version = 14 : i64} {
  func.func @_layer_body(%arg0: i32, %arg1: memref<2x2000x128xf32, #tpu.memory_space<vmem>>, %arg2: memref<2000x128xf32, #tpu.memory_space<vmem>>, %arg3: memref<2000x128xf32, #tpu.memory_space<vmem>>, %arg4: memref<2x2000x16xf32, #tpu.memory_space<vmem>>, %arg5: memref<128x128xf32, #tpu.memory_space<vmem>>, %arg6: memref<1x128xf32, #tpu.memory_space<vmem>>, %arg7: memref<2000x128xf32, #tpu.memory_space<vmem>>, %arg8: memref<2000x128xf32, #tpu.memory_space<vmem>>) attributes {dimension_semantics = [#tpu.dimension_semantics<arbitrary>], iteration_bounds = array<i64: 5>, scalar_prefetch = 0 : i64, scratch_operands = 0 : i64, tpu.core_type = #tpu.core_type<tc>, window_params = [{transform_indices = @transform_0, window_bounds = array<i64: 2, 2000, 128>}, {transform_indices = @transform_1, window_bounds = array<i64: 2000, 128>}, {transform_indices = @transform_2, window_bounds = array<i64: 2000, 128>}, {transform_indices = @transform_3, window_bounds = array<i64: 2, 2000, 16>}, {pipeline_mode = #tpu.pipeline_mode<synchronous>, transform_indices = @transform_4, window_bounds = array<i64: 128, 128>}, {pipeline_mode = #tpu.pipeline_mode<synchronous>, transform_indices = @transform_5, window_bounds = array<i64: 1, 128>}, {transform_indices = @transform_6, window_bounds = array<i64: 2000, 128>}, {transform_indices = @transform_7, window_bounds = array<i64: 2000, 128>}]} {
    %get3A = arith.constant 0 : index
    %get3A_0 = arith.constant 0 : index
    %get3A_1 = arith.constant 0 : index
    %get3A_2 = vector.load %arg4[%get3A, %get3A_0, %get3A_1] : memref<2x2000x16xf32, #tpu.memory_space<vmem>>, vector<1x2000x1xf32>
    %get3A_3 = vector.shape_cast %get3A_2 : vector<1x2000x1xf32> to vector<2000x1xf32>
    %get3A_4 = arith.constant 1 : index
    %get3A_5 = arith.constant 0 : index
    %get3A_6 = arith.constant 0 : index
    %get3A_7 = vector.load %arg4[%get3A_4, %get3A_5, %get3A_6] : memref<2x2000x16xf32, #tpu.memory_space<vmem>>, vector<1x2000x1xf32>
    %get3A_8 = vector.shape_cast %get3A_7 : vector<1x2000x1xf32> to vector<2000x1xf32>
    %add3A = arith.addf %get3A_3, %get3A_8 : vector<2000x1xf32>
    %add3A_9 = arith.constant 1.000000e+00 : f32
    %add3A_10 = vector.broadcast %add3A_9 : f32 to vector<2000x1xf32>
    %add3A_11 = arith.addf %add3A, %add3A_10 : vector<2000x1xf32>
    %rsqrt3A = math.rsqrt %add3A_11 : vector<2000x1xf32>
    %get3A_12 = arith.constant 0 : index
    %get3A_13 = arith.constant 0 : index
    %get3A_14 = arith.constant 0 : index
    %get3A_15 = vector.load %arg1[%get3A_12, %get3A_13, %get3A_14] : memref<2x2000x128xf32, #tpu.memory_space<vmem>>, vector<1x2000x128xf32>
    %get3A_16 = vector.shape_cast %get3A_15 : vector<1x2000x128xf32> to vector<2000x128xf32>
    %get3A_17 = arith.constant 1 : index
    %get3A_18 = arith.constant 0 : index
    %get3A_19 = arith.constant 0 : index
    %get3A_20 = vector.load %arg1[%get3A_17, %get3A_18, %get3A_19] : memref<2x2000x128xf32, #tpu.memory_space<vmem>>, vector<1x2000x128xf32>
    %get3A_21 = vector.shape_cast %get3A_20 : vector<1x2000x128xf32> to vector<2000x128xf32>
    %add3A_22 = arith.addf %get3A_16, %get3A_21 : vector<2000x128xf32>
    %get3A_23 = arith.constant 0 : index
    %get3A_24 = arith.constant 0 : index
    %get3A_25 = vector.load %arg2[%get3A_23, %get3A_24] : memref<2000x128xf32, #tpu.memory_space<vmem>>, vector<2000x128xf32>
    %add3A_26 = arith.addf %add3A_22, %get3A_25 : vector<2000x128xf32>
    %mul3A = vector.broadcast %rsqrt3A : vector<2000x1xf32> to vector<2000x128xf32>
    %mul3A_27 = arith.mulf %mul3A, %add3A_26 : vector<2000x128xf32>
    %mul3A_28 = arith.constant 0.899999976 : f32
    %mul3A_29 = vector.broadcast %mul3A_28 : f32 to vector<2000x128xf32>
    %mul3A_30 = arith.mulf %mul3A_29, %mul3A_27 : vector<2000x128xf32>
    %get3A_31 = arith.constant 0 : index
    %get3A_32 = arith.constant 0 : index
    %get3A_33 = vector.load %arg3[%get3A_31, %get3A_32] : memref<2000x128xf32, #tpu.memory_space<vmem>>, vector<2000x128xf32>
    %mul3A_34 = arith.constant 1.000000e-01 : f32
    %mul3A_35 = vector.broadcast %mul3A_34 : f32 to vector<2000x128xf32>
    %mul3A_36 = arith.mulf %mul3A_35, %get3A_33 : vector<2000x128xf32>
    %add3A_37 = arith.addf %mul3A_30, %mul3A_36 : vector<2000x128xf32>
    %get3A_38 = arith.constant 0 : index
    %get3A_39 = arith.constant 0 : index
    %get3A_40 = vector.load %arg5[%get3A_38, %get3A_39] : memref<128x128xf32, #tpu.memory_space<vmem>>, vector<128x128xf32>
    %dot_general3A = arith.constant dense<0.000000e+00> : vector<2000x128xf32>
    %dot_general3A_41 = tpu.matmul %add3A_37, %get3A_40, %dot_general3A {dimension_numbers = #tpu.dot_dimension_numbers<[1], [0], [0], [1], [0, 0, 1, 1], [], []>, transpose_lhs_hint = false} : vector<2000x128xf32>, vector<128x128xf32>, vector<2000x128xf32> -> vector<2000x128xf32>
    %mul3A_42 = arith.constant 0.223143548 : f32
    %mul3A_43 = vector.broadcast %mul3A_42 : f32 to vector<2000x128xf32>
    %mul3A_44 = arith.mulf %mul3A_43, %dot_general3A_41 : vector<2000x128xf32>
    %mul3A_45 = arith.constant 0.776856422 : f32
    %mul3A_46 = vector.broadcast %mul3A_45 : f32 to vector<2000x128xf32>
    %mul3A_47 = arith.mulf %mul3A_46, %add3A_37 : vector<2000x128xf32>
    %add3A_48 = arith.addf %mul3A_44, %mul3A_47 : vector<2000x128xf32>
    %get3A_49 = arith.constant 0 : index
    %get3A_50 = arith.constant 0 : index
    %get3A_51 = vector.load %arg6[%get3A_49, %get3A_50] : memref<1x128xf32, #tpu.memory_space<vmem>>, vector<1x128xf32>
    %add3A_52 = vector.broadcast %get3A_51 : vector<1x128xf32> to vector<2000x128xf32>
    %add3A_53 = arith.addf %add3A_48, %add3A_52 : vector<2000x128xf32>
    %max3A = arith.constant 0.000000e+00 : f32
    %max3A_54 = vector.broadcast %max3A : f32 to vector<2000x128xf32>
    %max3A_55 = arith.maximumf %add3A_53, %max3A_54 : vector<2000x128xf32>
    %swap3A = arith.constant 0 : index
    %swap3A_56 = arith.constant 0 : index
    %swap3A_57 = vector.load %arg7[%swap3A, %swap3A_56] : memref<2000x128xf32, #tpu.memory_space<vmem>>, vector<2000x128xf32>
    tpu.vector_store %arg7[%swap3A, %swap3A_56], %max3A_55 {strides = array<i32>} : memref<2000x128xf32, #tpu.memory_space<vmem>>, vector<2000x128xf32>,
    %mul3A_58 = vector.broadcast %rsqrt3A : vector<2000x1xf32> to vector<2000x128xf32>
    %mul3A_59 = arith.mulf %max3A_55, %mul3A_58 : vector<2000x128xf32>
    %swap3A_60 = arith.constant 0 : index
    %swap3A_61 = arith.constant 0 : index
    %swap3A_62 = vector.load %arg8[%swap3A_60, %swap3A_61] : memref<2000x128xf32, #tpu.memory_space<vmem>>, vector<2000x128xf32>
    tpu.vector_store %arg8[%swap3A_60, %swap3A_61], %mul3A_59 {strides = array<i32>} : memref<2000x128xf32, #tpu.memory_space<vmem>>, vector<2000x128xf32>,
    return
  }
  func.func @transform_0(%arg0: i32) -> (i32, i32, i32) {
    %c0_i32 = arith.constant 0 : i32
    %c0_i32_0 = arith.constant 0 : i32
    %c0_i32_1 = arith.constant 0 : i32
    return %c0_i32, %arg0, %c0_i32_0 : i32, i32, i32
  }
  func.func @transform_1(%arg0: i32) -> (i32, i32) {
    %c0_i32 = arith.constant 0 : i32
    %c0_i32_0 = arith.constant 0 : i32
    return %arg0, %c0_i32 : i32, i32
  }
  func.func @transform_2(%arg0: i32) -> (i32, i32) {
    %c0_i32 = arith.constant 0 : i32
    %c0_i32_0 = arith.constant 0 : i32
    return %arg0, %c0_i32 : i32, i32
  }
  func.func @transform_3(%arg0: i32) -> (i32, i32, i32) {
    %c0_i32 = arith.constant 0 : i32
    %c0_i32_0 = arith.constant 0 : i32
    %c0_i32_1 = arith.constant 0 : i32
    return %c0_i32, %arg0, %c0_i32_0 : i32, i32, i32
  }
  func.func @transform_4(%arg0: i32) -> (i32, i32) {
    %c0_i32 = arith.constant 0 : i32
    %c0_i32_0 = arith.constant 0 : i32
    %c0_i32_1 = arith.constant 0 : i32
    return %c0_i32, %c0_i32_0 : i32, i32
  }
  func.func @transform_5(%arg0: i32) -> (i32, i32) {
    %c0_i32 = arith.constant 0 : i32
    %c0_i32_0 = arith.constant 0 : i32
    %c0_i32_1 = arith.constant 0 : i32
    return %c0_i32, %c0_i32_0 : i32, i32
  }
  func.func @transform_6(%arg0: i32) -> (i32, i32) {
    %c0_i32 = arith.constant 0 : i32
    %c0_i32_0 = arith.constant 0 : i32
    return %arg0, %c0_i32 : i32, i32
  }
  func.func @transform_7(%arg0: i32) -> (i32, i32) {
    %c0_i32 = arith.constant 0 : i32
    %c0_i32_0 = arith.constant 0 : i32
    return %arg0, %c0_i32 : i32, i32
  }
}

module attributes {stable_mosaic.version = 14 : i64} {
  func.func @_layer_body(%arg0: i32, %arg1: memref<2x2000x128xf32, #tpu.memory_space<vmem>>, %arg2: memref<2000x128xf32, #tpu.memory_space<vmem>>, %arg3: memref<2000x128xf32, #tpu.memory_space<vmem>>, %arg4: memref<2x2000x16xf32, #tpu.memory_space<vmem>>, %arg5: memref<128x128xf32, #tpu.memory_space<vmem>>, %arg6: memref<1x128xf32, #tpu.memory_space<vmem>>, %arg7: memref<2000x128xf32, #tpu.memory_space<vmem>>, %arg8: memref<2000x128xf32, #tpu.memory_space<vmem>>) attributes {dimension_semantics = [#tpu.dimension_semantics<arbitrary>], iteration_bounds = array<i64: 5>, scalar_prefetch = 0 : i64, scratch_operands = 0 : i64, tpu.core_type = #tpu.core_type<tc>, window_params = [{transform_indices = @transform_0, window_bounds = array<i64: 2, 2000, 128>}, {transform_indices = @transform_1, window_bounds = array<i64: 2000, 128>}, {transform_indices = @transform_2, window_bounds = array<i64: 2000, 128>}, {transform_indices = @transform_3, window_bounds = array<i64: 2, 2000, 16>}, {pipeline_mode = #tpu.pipeline_mode<synchronous>, transform_indices = @transform_4, window_bounds = array<i64: 128, 128>}, {pipeline_mode = #tpu.pipeline_mode<synchronous>, transform_indices = @transform_5, window_bounds = array<i64: 1, 128>}, {transform_indices = @transform_6, window_bounds = array<i64: 2000, 128>}, {transform_indices = @transform_7, window_bounds = array<i64: 2000, 128>}]} {
    %get3A = arith.constant 0 : index
    %get3A_0 = arith.constant 0 : index
    %get3A_1 = arith.constant 0 : index
    %get3A_2 = vector.load %arg4[%get3A, %get3A_0, %get3A_1] : memref<2x2000x16xf32, #tpu.memory_space<vmem>>, vector<1x2000x1xf32>
    %get3A_3 = vector.shape_cast %get3A_2 : vector<1x2000x1xf32> to vector<2000x1xf32>
    %get3A_4 = arith.constant 1 : index
    %get3A_5 = arith.constant 0 : index
    %get3A_6 = arith.constant 0 : index
    %get3A_7 = vector.load %arg4[%get3A_4, %get3A_5, %get3A_6] : memref<2x2000x16xf32, #tpu.memory_space<vmem>>, vector<1x2000x1xf32>
    %get3A_8 = vector.shape_cast %get3A_7 : vector<1x2000x1xf32> to vector<2000x1xf32>
    %add3A = arith.addf %get3A_3, %get3A_8 : vector<2000x1xf32>
    %add3A_9 = arith.constant 1.000000e+00 : f32
    %add3A_10 = vector.broadcast %add3A_9 : f32 to vector<2000x1xf32>
    %add3A_11 = arith.addf %add3A, %add3A_10 : vector<2000x1xf32>
    %rsqrt3A = math.rsqrt %add3A_11 : vector<2000x1xf32>
    %get3A_12 = arith.constant 0 : index
    %get3A_13 = arith.constant 0 : index
    %get3A_14 = arith.constant 0 : index
    %get3A_15 = vector.load %arg1[%get3A_12, %get3A_13, %get3A_14] : memref<2x2000x128xf32, #tpu.memory_space<vmem>>, vector<1x2000x128xf32>
    %get3A_16 = vector.shape_cast %get3A_15 : vector<1x2000x128xf32> to vector<2000x128xf32>
    %get3A_17 = arith.constant 1 : index
    %get3A_18 = arith.constant 0 : index
    %get3A_19 = arith.constant 0 : index
    %get3A_20 = vector.load %arg1[%get3A_17, %get3A_18, %get3A_19] : memref<2x2000x128xf32, #tpu.memory_space<vmem>>, vector<1x2000x128xf32>
    %get3A_21 = vector.shape_cast %get3A_20 : vector<1x2000x128xf32> to vector<2000x128xf32>
    %add3A_22 = arith.addf %get3A_16, %get3A_21 : vector<2000x128xf32>
    %get3A_23 = arith.constant 0 : index
    %get3A_24 = arith.constant 0 : index
    %get3A_25 = vector.load %arg2[%get3A_23, %get3A_24] : memref<2000x128xf32, #tpu.memory_space<vmem>>, vector<2000x128xf32>
    %add3A_26 = arith.addf %add3A_22, %get3A_25 : vector<2000x128xf32>
    %mul3A = vector.broadcast %rsqrt3A : vector<2000x1xf32> to vector<2000x128xf32>
    %mul3A_27 = arith.mulf %mul3A, %add3A_26 : vector<2000x128xf32>
    %mul3A_28 = arith.constant 0.899999976 : f32
    %mul3A_29 = vector.broadcast %mul3A_28 : f32 to vector<2000x128xf32>
    %mul3A_30 = arith.mulf %mul3A_29, %mul3A_27 : vector<2000x128xf32>
    %get3A_31 = arith.constant 0 : index
    %get3A_32 = arith.constant 0 : index
    %get3A_33 = vector.load %arg3[%get3A_31, %get3A_32] : memref<2000x128xf32, #tpu.memory_space<vmem>>, vector<2000x128xf32>
    %mul3A_34 = arith.constant 1.000000e-01 : f32
    %mul3A_35 = vector.broadcast %mul3A_34 : f32 to vector<2000x128xf32>
    %mul3A_36 = arith.mulf %mul3A_35, %get3A_33 : vector<2000x128xf32>
    %add3A_37 = arith.addf %mul3A_30, %mul3A_36 : vector<2000x128xf32>
    %get3A_38 = arith.constant 0 : index
    %get3A_39 = arith.constant 0 : index
    %get3A_40 = vector.load %arg5[%get3A_38, %get3A_39] : memref<128x128xf32, #tpu.memory_space<vmem>>, vector<128x128xf32>
    %dot_general3A = arith.constant dense<0.000000e+00> : vector<2000x128xf32>
    %dot_general3A_41 = tpu.matmul %add3A_37, %get3A_40, %dot_general3A {dimension_numbers = #tpu.dot_dimension_numbers<[1], [0], [0], [1], [0, 0, 1, 1], [], []>, transpose_lhs_hint = false} : vector<2000x128xf32>, vector<128x128xf32>, vector<2000x128xf32> -> vector<2000x128xf32>
    %mul3A_42 = arith.constant 0.405465096 : f32
    %mul3A_43 = vector.broadcast %mul3A_42 : f32 to vector<2000x128xf32>
    %mul3A_44 = arith.mulf %mul3A_43, %dot_general3A_41 : vector<2000x128xf32>
    %mul3A_45 = arith.constant 0.594534874 : f32
    %mul3A_46 = vector.broadcast %mul3A_45 : f32 to vector<2000x128xf32>
    %mul3A_47 = arith.mulf %mul3A_46, %add3A_37 : vector<2000x128xf32>
    %add3A_48 = arith.addf %mul3A_44, %mul3A_47 : vector<2000x128xf32>
    %get3A_49 = arith.constant 0 : index
    %get3A_50 = arith.constant 0 : index
    %get3A_51 = vector.load %arg6[%get3A_49, %get3A_50] : memref<1x128xf32, #tpu.memory_space<vmem>>, vector<1x128xf32>
    %add3A_52 = vector.broadcast %get3A_51 : vector<1x128xf32> to vector<2000x128xf32>
    %add3A_53 = arith.addf %add3A_48, %add3A_52 : vector<2000x128xf32>
    %max3A = arith.constant 0.000000e+00 : f32
    %max3A_54 = vector.broadcast %max3A : f32 to vector<2000x128xf32>
    %max3A_55 = arith.maximumf %add3A_53, %max3A_54 : vector<2000x128xf32>
    %swap3A = arith.constant 0 : index
    %swap3A_56 = arith.constant 0 : index
    %swap3A_57 = vector.load %arg7[%swap3A, %swap3A_56] : memref<2000x128xf32, #tpu.memory_space<vmem>>, vector<2000x128xf32>
    tpu.vector_store %arg7[%swap3A, %swap3A_56], %max3A_55 {strides = array<i32>} : memref<2000x128xf32, #tpu.memory_space<vmem>>, vector<2000x128xf32>,
    %mul3A_58 = vector.broadcast %rsqrt3A : vector<2000x1xf32> to vector<2000x128xf32>
    %mul3A_59 = arith.mulf %max3A_55, %mul3A_58 : vector<2000x128xf32>
    %swap3A_60 = arith.constant 0 : index
    %swap3A_61 = arith.constant 0 : index
    %swap3A_62 = vector.load %arg8[%swap3A_60, %swap3A_61] : memref<2000x128xf32, #tpu.memory_space<vmem>>, vector<2000x128xf32>
    tpu.vector_store %arg8[%swap3A_60, %swap3A_61], %mul3A_59 {strides = array<i32>} : memref<2000x128xf32, #tpu.memory_space<vmem>>, vector<2000x128xf32>,
    return
  }
  func.func @transform_0(%arg0: i32) -> (i32, i32, i32) {
    %c0_i32 = arith.constant 0 : i32
    %c0_i32_0 = arith.constant 0 : i32
    %c0_i32_1 = arith.constant 0 : i32
    return %c0_i32, %arg0, %c0_i32_0 : i32, i32, i32
  }
  func.func @transform_1(%arg0: i32) -> (i32, i32) {
    %c0_i32 = arith.constant 0 : i32
    %c0_i32_0 = arith.constant 0 : i32
    return %arg0, %c0_i32 : i32, i32
  }
  func.func @transform_2(%arg0: i32) -> (i32, i32) {
    %c0_i32 = arith.constant 0 : i32
    %c0_i32_0 = arith.constant 0 : i32
    return %arg0, %c0_i32 : i32, i32
  }
  func.func @transform_3(%arg0: i32) -> (i32, i32, i32) {
    %c0_i32 = arith.constant 0 : i32
    %c0_i32_0 = arith.constant 0 : i32
    %c0_i32_1 = arith.constant 0 : i32
    return %c0_i32, %arg0, %c0_i32_0 : i32, i32, i32
  }
  func.func @transform_4(%arg0: i32) -> (i32, i32) {
    %c0_i32 = arith.constant 0 : i32
    %c0_i32_0 = arith.constant 0 : i32
    %c0_i32_1 = arith.constant 0 : i32
    return %c0_i32, %c0_i32_0 : i32, i32
  }
  func.func @transform_5(%arg0: i32) -> (i32, i32) {
    %c0_i32 = arith.constant 0 : i32
    %c0_i32_0 = arith.constant 0 : i32
    %c0_i32_1 = arith.constant 0 : i32
    return %c0_i32, %c0_i32_0 : i32, i32
  }
  func.func @transform_6(%arg0: i32) -> (i32, i32) {
    %c0_i32 = arith.constant 0 : i32
    %c0_i32_0 = arith.constant 0 : i32
    return %arg0, %c0_i32 : i32, i32
  }
  func.func @transform_7(%arg0: i32) -> (i32, i32) {
    %c0_i32 = arith.constant 0 : i32
    %c0_i32_0 = arith.constant 0 : i32
    return %arg0, %c0_i32 : i32, i32
  }
}

module attributes {stable_mosaic.version = 14 : i64} {
  func.func @_layer_body(%arg0: i32, %arg1: memref<2x2000x128xf32, #tpu.memory_space<vmem>>, %arg2: memref<2000x128xf32, #tpu.memory_space<vmem>>, %arg3: memref<2000x128xf32, #tpu.memory_space<vmem>>, %arg4: memref<2x2000x16xf32, #tpu.memory_space<vmem>>, %arg5: memref<128x128xf32, #tpu.memory_space<vmem>>, %arg6: memref<1x128xf32, #tpu.memory_space<vmem>>, %arg7: memref<2000x128xf32, #tpu.memory_space<vmem>>, %arg8: memref<2000x128xf32, #tpu.memory_space<vmem>>) attributes {dimension_semantics = [#tpu.dimension_semantics<arbitrary>], iteration_bounds = array<i64: 5>, scalar_prefetch = 0 : i64, scratch_operands = 0 : i64, tpu.core_type = #tpu.core_type<tc>, window_params = [{transform_indices = @transform_0, window_bounds = array<i64: 2, 2000, 128>}, {transform_indices = @transform_1, window_bounds = array<i64: 2000, 128>}, {transform_indices = @transform_2, window_bounds = array<i64: 2000, 128>}, {transform_indices = @transform_3, window_bounds = array<i64: 2, 2000, 16>}, {pipeline_mode = #tpu.pipeline_mode<synchronous>, transform_indices = @transform_4, window_bounds = array<i64: 128, 128>}, {pipeline_mode = #tpu.pipeline_mode<synchronous>, transform_indices = @transform_5, window_bounds = array<i64: 1, 128>}, {transform_indices = @transform_6, window_bounds = array<i64: 2000, 128>}, {transform_indices = @transform_7, window_bounds = array<i64: 2000, 128>}]} {
    %get3A = arith.constant 0 : index
    %get3A_0 = arith.constant 0 : index
    %get3A_1 = arith.constant 0 : index
    %get3A_2 = vector.load %arg4[%get3A, %get3A_0, %get3A_1] : memref<2x2000x16xf32, #tpu.memory_space<vmem>>, vector<1x2000x1xf32>
    %get3A_3 = vector.shape_cast %get3A_2 : vector<1x2000x1xf32> to vector<2000x1xf32>
    %get3A_4 = arith.constant 1 : index
    %get3A_5 = arith.constant 0 : index
    %get3A_6 = arith.constant 0 : index
    %get3A_7 = vector.load %arg4[%get3A_4, %get3A_5, %get3A_6] : memref<2x2000x16xf32, #tpu.memory_space<vmem>>, vector<1x2000x1xf32>
    %get3A_8 = vector.shape_cast %get3A_7 : vector<1x2000x1xf32> to vector<2000x1xf32>
    %add3A = arith.addf %get3A_3, %get3A_8 : vector<2000x1xf32>
    %add3A_9 = arith.constant 1.000000e+00 : f32
    %add3A_10 = vector.broadcast %add3A_9 : f32 to vector<2000x1xf32>
    %add3A_11 = arith.addf %add3A, %add3A_10 : vector<2000x1xf32>
    %rsqrt3A = math.rsqrt %add3A_11 : vector<2000x1xf32>
    %get3A_12 = arith.constant 0 : index
    %get3A_13 = arith.constant 0 : index
    %get3A_14 = arith.constant 0 : index
    %get3A_15 = vector.load %arg1[%get3A_12, %get3A_13, %get3A_14] : memref<2x2000x128xf32, #tpu.memory_space<vmem>>, vector<1x2000x128xf32>
    %get3A_16 = vector.shape_cast %get3A_15 : vector<1x2000x128xf32> to vector<2000x128xf32>
    %get3A_17 = arith.constant 1 : index
    %get3A_18 = arith.constant 0 : index
    %get3A_19 = arith.constant 0 : index
    %get3A_20 = vector.load %arg1[%get3A_17, %get3A_18, %get3A_19] : memref<2x2000x128xf32, #tpu.memory_space<vmem>>, vector<1x2000x128xf32>
    %get3A_21 = vector.shape_cast %get3A_20 : vector<1x2000x128xf32> to vector<2000x128xf32>
    %add3A_22 = arith.addf %get3A_16, %get3A_21 : vector<2000x128xf32>
    %get3A_23 = arith.constant 0 : index
    %get3A_24 = arith.constant 0 : index
    %get3A_25 = vector.load %arg2[%get3A_23, %get3A_24] : memref<2000x128xf32, #tpu.memory_space<vmem>>, vector<2000x128xf32>
    %add3A_26 = arith.addf %add3A_22, %get3A_25 : vector<2000x128xf32>
    %mul3A = vector.broadcast %rsqrt3A : vector<2000x1xf32> to vector<2000x128xf32>
    %mul3A_27 = arith.mulf %mul3A, %add3A_26 : vector<2000x128xf32>
    %mul3A_28 = arith.constant 0.899999976 : f32
    %mul3A_29 = vector.broadcast %mul3A_28 : f32 to vector<2000x128xf32>
    %mul3A_30 = arith.mulf %mul3A_29, %mul3A_27 : vector<2000x128xf32>
    %get3A_31 = arith.constant 0 : index
    %get3A_32 = arith.constant 0 : index
    %get3A_33 = vector.load %arg3[%get3A_31, %get3A_32] : memref<2000x128xf32, #tpu.memory_space<vmem>>, vector<2000x128xf32>
    %mul3A_34 = arith.constant 1.000000e-01 : f32
    %mul3A_35 = vector.broadcast %mul3A_34 : f32 to vector<2000x128xf32>
    %mul3A_36 = arith.mulf %mul3A_35, %get3A_33 : vector<2000x128xf32>
    %add3A_37 = arith.addf %mul3A_30, %mul3A_36 : vector<2000x128xf32>
    %get3A_38 = arith.constant 0 : index
    %get3A_39 = arith.constant 0 : index
    %get3A_40 = vector.load %arg5[%get3A_38, %get3A_39] : memref<128x128xf32, #tpu.memory_space<vmem>>, vector<128x128xf32>
    %dot_general3A = arith.constant dense<0.000000e+00> : vector<2000x128xf32>
    %dot_general3A_41 = tpu.matmul %add3A_37, %get3A_40, %dot_general3A {dimension_numbers = #tpu.dot_dimension_numbers<[1], [0], [0], [1], [0, 0, 1, 1], [], []>, transpose_lhs_hint = false} : vector<2000x128xf32>, vector<128x128xf32>, vector<2000x128xf32> -> vector<2000x128xf32>
    %mul3A_42 = arith.constant 0.15415068 : f32
    %mul3A_43 = vector.broadcast %mul3A_42 : f32 to vector<2000x128xf32>
    %mul3A_44 = arith.mulf %mul3A_43, %dot_general3A_41 : vector<2000x128xf32>
    %mul3A_45 = arith.constant 0.845849335 : f32
    %mul3A_46 = vector.broadcast %mul3A_45 : f32 to vector<2000x128xf32>
    %mul3A_47 = arith.mulf %mul3A_46, %add3A_37 : vector<2000x128xf32>
    %add3A_48 = arith.addf %mul3A_44, %mul3A_47 : vector<2000x128xf32>
    %get3A_49 = arith.constant 0 : index
    %get3A_50 = arith.constant 0 : index
    %get3A_51 = vector.load %arg6[%get3A_49, %get3A_50] : memref<1x128xf32, #tpu.memory_space<vmem>>, vector<1x128xf32>
    %add3A_52 = vector.broadcast %get3A_51 : vector<1x128xf32> to vector<2000x128xf32>
    %add3A_53 = arith.addf %add3A_48, %add3A_52 : vector<2000x128xf32>
    %max3A = arith.constant 0.000000e+00 : f32
    %max3A_54 = vector.broadcast %max3A : f32 to vector<2000x128xf32>
    %max3A_55 = arith.maximumf %add3A_53, %max3A_54 : vector<2000x128xf32>
    %swap3A = arith.constant 0 : index
    %swap3A_56 = arith.constant 0 : index
    %swap3A_57 = vector.load %arg7[%swap3A, %swap3A_56] : memref<2000x128xf32, #tpu.memory_space<vmem>>, vector<2000x128xf32>
    tpu.vector_store %arg7[%swap3A, %swap3A_56], %max3A_55 {strides = array<i32>} : memref<2000x128xf32, #tpu.memory_space<vmem>>, vector<2000x128xf32>,
    %mul3A_58 = vector.broadcast %rsqrt3A : vector<2000x1xf32> to vector<2000x128xf32>
    %mul3A_59 = arith.mulf %max3A_55, %mul3A_58 : vector<2000x128xf32>
    %swap3A_60 = arith.constant 0 : index
    %swap3A_61 = arith.constant 0 : index
    %swap3A_62 = vector.load %arg8[%swap3A_60, %swap3A_61] : memref<2000x128xf32, #tpu.memory_space<vmem>>, vector<2000x128xf32>
    tpu.vector_store %arg8[%swap3A_60, %swap3A_61], %mul3A_59 {strides = array<i32>} : memref<2000x128xf32, #tpu.memory_space<vmem>>, vector<2000x128xf32>,
    return
  }
  func.func @transform_0(%arg0: i32) -> (i32, i32, i32) {
    %c0_i32 = arith.constant 0 : i32
    %c0_i32_0 = arith.constant 0 : i32
    %c0_i32_1 = arith.constant 0 : i32
    return %c0_i32, %arg0, %c0_i32_0 : i32, i32, i32
  }
  func.func @transform_1(%arg0: i32) -> (i32, i32) {
    %c0_i32 = arith.constant 0 : i32
    %c0_i32_0 = arith.constant 0 : i32
    return %arg0, %c0_i32 : i32, i32
  }
  func.func @transform_2(%arg0: i32) -> (i32, i32) {
    %c0_i32 = arith.constant 0 : i32
    %c0_i32_0 = arith.constant 0 : i32
    return %arg0, %c0_i32 : i32, i32
  }
  func.func @transform_3(%arg0: i32) -> (i32, i32, i32) {
    %c0_i32 = arith.constant 0 : i32
    %c0_i32_0 = arith.constant 0 : i32
    %c0_i32_1 = arith.constant 0 : i32
    return %c0_i32, %arg0, %c0_i32_0 : i32, i32, i32
  }
  func.func @transform_4(%arg0: i32) -> (i32, i32) {
    %c0_i32 = arith.constant 0 : i32
    %c0_i32_0 = arith.constant 0 : i32
    %c0_i32_1 = arith.constant 0 : i32
    return %c0_i32, %c0_i32_0 : i32, i32
  }
  func.func @transform_5(%arg0: i32) -> (i32, i32) {
    %c0_i32 = arith.constant 0 : i32
    %c0_i32_0 = arith.constant 0 : i32
    %c0_i32_1 = arith.constant 0 : i32
    return %c0_i32, %c0_i32_0 : i32, i32
  }
  func.func @transform_6(%arg0: i32) -> (i32, i32) {
    %c0_i32 = arith.constant 0 : i32
    %c0_i32_0 = arith.constant 0 : i32
    return %arg0, %c0_i32 : i32, i32
  }
  func.func @transform_7(%arg0: i32) -> (i32, i32) {
    %c0_i32 = arith.constant 0 : i32
    %c0_i32_0 = arith.constant 0 : i32
    return %arg0, %c0_i32 : i32, i32
  }
}

module attributes {stable_mosaic.version = 14 : i64} {
  func.func @_layer_body(%arg0: i32, %arg1: memref<2x2000x128xf32, #tpu.memory_space<vmem>>, %arg2: memref<2000x128xf32, #tpu.memory_space<vmem>>, %arg3: memref<2000x128xf32, #tpu.memory_space<vmem>>, %arg4: memref<2x2000x16xf32, #tpu.memory_space<vmem>>, %arg5: memref<128x128xf32, #tpu.memory_space<vmem>>, %arg6: memref<1x128xf32, #tpu.memory_space<vmem>>, %arg7: memref<2000x128xf32, #tpu.memory_space<vmem>>, %arg8: memref<2000x128xf32, #tpu.memory_space<vmem>>) attributes {dimension_semantics = [#tpu.dimension_semantics<arbitrary>], iteration_bounds = array<i64: 5>, scalar_prefetch = 0 : i64, scratch_operands = 0 : i64, tpu.core_type = #tpu.core_type<tc>, window_params = [{transform_indices = @transform_0, window_bounds = array<i64: 2, 2000, 128>}, {transform_indices = @transform_1, window_bounds = array<i64: 2000, 128>}, {transform_indices = @transform_2, window_bounds = array<i64: 2000, 128>}, {transform_indices = @transform_3, window_bounds = array<i64: 2, 2000, 16>}, {pipeline_mode = #tpu.pipeline_mode<synchronous>, transform_indices = @transform_4, window_bounds = array<i64: 128, 128>}, {pipeline_mode = #tpu.pipeline_mode<synchronous>, transform_indices = @transform_5, window_bounds = array<i64: 1, 128>}, {transform_indices = @transform_6, window_bounds = array<i64: 2000, 128>}, {transform_indices = @transform_7, window_bounds = array<i64: 2000, 128>}]} {
    %get3A = arith.constant 0 : index
    %get3A_0 = arith.constant 0 : index
    %get3A_1 = arith.constant 0 : index
    %get3A_2 = vector.load %arg4[%get3A, %get3A_0, %get3A_1] : memref<2x2000x16xf32, #tpu.memory_space<vmem>>, vector<1x2000x1xf32>
    %get3A_3 = vector.shape_cast %get3A_2 : vector<1x2000x1xf32> to vector<2000x1xf32>
    %get3A_4 = arith.constant 1 : index
    %get3A_5 = arith.constant 0 : index
    %get3A_6 = arith.constant 0 : index
    %get3A_7 = vector.load %arg4[%get3A_4, %get3A_5, %get3A_6] : memref<2x2000x16xf32, #tpu.memory_space<vmem>>, vector<1x2000x1xf32>
    %get3A_8 = vector.shape_cast %get3A_7 : vector<1x2000x1xf32> to vector<2000x1xf32>
    %add3A = arith.addf %get3A_3, %get3A_8 : vector<2000x1xf32>
    %add3A_9 = arith.constant 1.000000e+00 : f32
    %add3A_10 = vector.broadcast %add3A_9 : f32 to vector<2000x1xf32>
    %add3A_11 = arith.addf %add3A, %add3A_10 : vector<2000x1xf32>
    %rsqrt3A = math.rsqrt %add3A_11 : vector<2000x1xf32>
    %get3A_12 = arith.constant 0 : index
    %get3A_13 = arith.constant 0 : index
    %get3A_14 = arith.constant 0 : index
    %get3A_15 = vector.load %arg1[%get3A_12, %get3A_13, %get3A_14] : memref<2x2000x128xf32, #tpu.memory_space<vmem>>, vector<1x2000x128xf32>
    %get3A_16 = vector.shape_cast %get3A_15 : vector<1x2000x128xf32> to vector<2000x128xf32>
    %get3A_17 = arith.constant 1 : index
    %get3A_18 = arith.constant 0 : index
    %get3A_19 = arith.constant 0 : index
    %get3A_20 = vector.load %arg1[%get3A_17, %get3A_18, %get3A_19] : memref<2x2000x128xf32, #tpu.memory_space<vmem>>, vector<1x2000x128xf32>
    %get3A_21 = vector.shape_cast %get3A_20 : vector<1x2000x128xf32> to vector<2000x128xf32>
    %add3A_22 = arith.addf %get3A_16, %get3A_21 : vector<2000x128xf32>
    %get3A_23 = arith.constant 0 : index
    %get3A_24 = arith.constant 0 : index
    %get3A_25 = vector.load %arg2[%get3A_23, %get3A_24] : memref<2000x128xf32, #tpu.memory_space<vmem>>, vector<2000x128xf32>
    %add3A_26 = arith.addf %add3A_22, %get3A_25 : vector<2000x128xf32>
    %mul3A = vector.broadcast %rsqrt3A : vector<2000x1xf32> to vector<2000x128xf32>
    %mul3A_27 = arith.mulf %mul3A, %add3A_26 : vector<2000x128xf32>
    %mul3A_28 = arith.constant 0.899999976 : f32
    %mul3A_29 = vector.broadcast %mul3A_28 : f32 to vector<2000x128xf32>
    %mul3A_30 = arith.mulf %mul3A_29, %mul3A_27 : vector<2000x128xf32>
    %get3A_31 = arith.constant 0 : index
    %get3A_32 = arith.constant 0 : index
    %get3A_33 = vector.load %arg3[%get3A_31, %get3A_32] : memref<2000x128xf32, #tpu.memory_space<vmem>>, vector<2000x128xf32>
    %mul3A_34 = arith.constant 1.000000e-01 : f32
    %mul3A_35 = vector.broadcast %mul3A_34 : f32 to vector<2000x128xf32>
    %mul3A_36 = arith.mulf %mul3A_35, %get3A_33 : vector<2000x128xf32>
    %add3A_37 = arith.addf %mul3A_30, %mul3A_36 : vector<2000x128xf32>
    %get3A_38 = arith.constant 0 : index
    %get3A_39 = arith.constant 0 : index
    %get3A_40 = vector.load %arg5[%get3A_38, %get3A_39] : memref<128x128xf32, #tpu.memory_space<vmem>>, vector<128x128xf32>
    %dot_general3A = arith.constant dense<0.000000e+00> : vector<2000x128xf32>
    %dot_general3A_41 = tpu.matmul %add3A_37, %get3A_40, %dot_general3A {dimension_numbers = #tpu.dot_dimension_numbers<[1], [0], [0], [1], [0, 0, 1, 1], [], []>, transpose_lhs_hint = false} : vector<2000x128xf32>, vector<128x128xf32>, vector<2000x128xf32> -> vector<2000x128xf32>
    %mul3A_42 = arith.constant 0.117783032 : f32
    %mul3A_43 = vector.broadcast %mul3A_42 : f32 to vector<2000x128xf32>
    %mul3A_44 = arith.mulf %mul3A_43, %dot_general3A_41 : vector<2000x128xf32>
    %mul3A_45 = arith.constant 0.882216989 : f32
    %mul3A_46 = vector.broadcast %mul3A_45 : f32 to vector<2000x128xf32>
    %mul3A_47 = arith.mulf %mul3A_46, %add3A_37 : vector<2000x128xf32>
    %add3A_48 = arith.addf %mul3A_44, %mul3A_47 : vector<2000x128xf32>
    %get3A_49 = arith.constant 0 : index
    %get3A_50 = arith.constant 0 : index
    %get3A_51 = vector.load %arg6[%get3A_49, %get3A_50] : memref<1x128xf32, #tpu.memory_space<vmem>>, vector<1x128xf32>
    %add3A_52 = vector.broadcast %get3A_51 : vector<1x128xf32> to vector<2000x128xf32>
    %add3A_53 = arith.addf %add3A_48, %add3A_52 : vector<2000x128xf32>
    %max3A = arith.constant 0.000000e+00 : f32
    %max3A_54 = vector.broadcast %max3A : f32 to vector<2000x128xf32>
    %max3A_55 = arith.maximumf %add3A_53, %max3A_54 : vector<2000x128xf32>
    %swap3A = arith.constant 0 : index
    %swap3A_56 = arith.constant 0 : index
    %swap3A_57 = vector.load %arg7[%swap3A, %swap3A_56] : memref<2000x128xf32, #tpu.memory_space<vmem>>, vector<2000x128xf32>
    tpu.vector_store %arg7[%swap3A, %swap3A_56], %max3A_55 {strides = array<i32>} : memref<2000x128xf32, #tpu.memory_space<vmem>>, vector<2000x128xf32>,
    %mul3A_58 = vector.broadcast %rsqrt3A : vector<2000x1xf32> to vector<2000x128xf32>
    %mul3A_59 = arith.mulf %max3A_55, %mul3A_58 : vector<2000x128xf32>
    %swap3A_60 = arith.constant 0 : index
    %swap3A_61 = arith.constant 0 : index
    %swap3A_62 = vector.load %arg8[%swap3A_60, %swap3A_61] : memref<2000x128xf32, #tpu.memory_space<vmem>>, vector<2000x128xf32>
    tpu.vector_store %arg8[%swap3A_60, %swap3A_61], %mul3A_59 {strides = array<i32>} : memref<2000x128xf32, #tpu.memory_space<vmem>>, vector<2000x128xf32>,
    return
  }
  func.func @transform_0(%arg0: i32) -> (i32, i32, i32) {
    %c0_i32 = arith.constant 0 : i32
    %c0_i32_0 = arith.constant 0 : i32
    %c0_i32_1 = arith.constant 0 : i32
    return %c0_i32, %arg0, %c0_i32_0 : i32, i32, i32
  }
  func.func @transform_1(%arg0: i32) -> (i32, i32) {
    %c0_i32 = arith.constant 0 : i32
    %c0_i32_0 = arith.constant 0 : i32
    return %arg0, %c0_i32 : i32, i32
  }
  func.func @transform_2(%arg0: i32) -> (i32, i32) {
    %c0_i32 = arith.constant 0 : i32
    %c0_i32_0 = arith.constant 0 : i32
    return %arg0, %c0_i32 : i32, i32
  }
  func.func @transform_3(%arg0: i32) -> (i32, i32, i32) {
    %c0_i32 = arith.constant 0 : i32
    %c0_i32_0 = arith.constant 0 : i32
    %c0_i32_1 = arith.constant 0 : i32
    return %c0_i32, %arg0, %c0_i32_0 : i32, i32, i32
  }
  func.func @transform_4(%arg0: i32) -> (i32, i32) {
    %c0_i32 = arith.constant 0 : i32
    %c0_i32_0 = arith.constant 0 : i32
    %c0_i32_1 = arith.constant 0 : i32
    return %c0_i32, %c0_i32_0 : i32, i32
  }
  func.func @transform_5(%arg0: i32) -> (i32, i32) {
    %c0_i32 = arith.constant 0 : i32
    %c0_i32_0 = arith.constant 0 : i32
    %c0_i32_1 = arith.constant 0 : i32
    return %c0_i32, %c0_i32_0 : i32, i32
  }
  func.func @transform_6(%arg0: i32) -> (i32, i32) {
    %c0_i32 = arith.constant 0 : i32
    %c0_i32_0 = arith.constant 0 : i32
    return %arg0, %c0_i32 : i32, i32
  }
  func.func @transform_7(%arg0: i32) -> (i32, i32) {
    %c0_i32 = arith.constant 0 : i32
    %c0_i32_0 = arith.constant 0 : i32
    return %arg0, %c0_i32 : i32, i32
  }
}

module attributes {stable_mosaic.version = 14 : i64} {
  func.func @_layer_body(%arg0: i32, %arg1: memref<2x2000x128xf32, #tpu.memory_space<vmem>>, %arg2: memref<2000x128xf32, #tpu.memory_space<vmem>>, %arg3: memref<2000x128xf32, #tpu.memory_space<vmem>>, %arg4: memref<2x2000x16xf32, #tpu.memory_space<vmem>>, %arg5: memref<128x128xf32, #tpu.memory_space<vmem>>, %arg6: memref<1x128xf32, #tpu.memory_space<vmem>>, %arg7: memref<2000x128xf32, #tpu.memory_space<vmem>>, %arg8: memref<2000x128xf32, #tpu.memory_space<vmem>>) attributes {dimension_semantics = [#tpu.dimension_semantics<arbitrary>], iteration_bounds = array<i64: 5>, scalar_prefetch = 0 : i64, scratch_operands = 0 : i64, tpu.core_type = #tpu.core_type<tc>, window_params = [{transform_indices = @transform_0, window_bounds = array<i64: 2, 2000, 128>}, {transform_indices = @transform_1, window_bounds = array<i64: 2000, 128>}, {transform_indices = @transform_2, window_bounds = array<i64: 2000, 128>}, {transform_indices = @transform_3, window_bounds = array<i64: 2, 2000, 16>}, {pipeline_mode = #tpu.pipeline_mode<synchronous>, transform_indices = @transform_4, window_bounds = array<i64: 128, 128>}, {pipeline_mode = #tpu.pipeline_mode<synchronous>, transform_indices = @transform_5, window_bounds = array<i64: 1, 128>}, {transform_indices = @transform_6, window_bounds = array<i64: 2000, 128>}, {transform_indices = @transform_7, window_bounds = array<i64: 2000, 128>}]} {
    %get3A = arith.constant 0 : index
    %get3A_0 = arith.constant 0 : index
    %get3A_1 = arith.constant 0 : index
    %get3A_2 = vector.load %arg4[%get3A, %get3A_0, %get3A_1] : memref<2x2000x16xf32, #tpu.memory_space<vmem>>, vector<1x2000x1xf32>
    %get3A_3 = vector.shape_cast %get3A_2 : vector<1x2000x1xf32> to vector<2000x1xf32>
    %get3A_4 = arith.constant 1 : index
    %get3A_5 = arith.constant 0 : index
    %get3A_6 = arith.constant 0 : index
    %get3A_7 = vector.load %arg4[%get3A_4, %get3A_5, %get3A_6] : memref<2x2000x16xf32, #tpu.memory_space<vmem>>, vector<1x2000x1xf32>
    %get3A_8 = vector.shape_cast %get3A_7 : vector<1x2000x1xf32> to vector<2000x1xf32>
    %add3A = arith.addf %get3A_3, %get3A_8 : vector<2000x1xf32>
    %add3A_9 = arith.constant 1.000000e+00 : f32
    %add3A_10 = vector.broadcast %add3A_9 : f32 to vector<2000x1xf32>
    %add3A_11 = arith.addf %add3A, %add3A_10 : vector<2000x1xf32>
    %rsqrt3A = math.rsqrt %add3A_11 : vector<2000x1xf32>
    %get3A_12 = arith.constant 0 : index
    %get3A_13 = arith.constant 0 : index
    %get3A_14 = arith.constant 0 : index
    %get3A_15 = vector.load %arg1[%get3A_12, %get3A_13, %get3A_14] : memref<2x2000x128xf32, #tpu.memory_space<vmem>>, vector<1x2000x128xf32>
    %get3A_16 = vector.shape_cast %get3A_15 : vector<1x2000x128xf32> to vector<2000x128xf32>
    %get3A_17 = arith.constant 1 : index
    %get3A_18 = arith.constant 0 : index
    %get3A_19 = arith.constant 0 : index
    %get3A_20 = vector.load %arg1[%get3A_17, %get3A_18, %get3A_19] : memref<2x2000x128xf32, #tpu.memory_space<vmem>>, vector<1x2000x128xf32>
    %get3A_21 = vector.shape_cast %get3A_20 : vector<1x2000x128xf32> to vector<2000x128xf32>
    %add3A_22 = arith.addf %get3A_16, %get3A_21 : vector<2000x128xf32>
    %get3A_23 = arith.constant 0 : index
    %get3A_24 = arith.constant 0 : index
    %get3A_25 = vector.load %arg2[%get3A_23, %get3A_24] : memref<2000x128xf32, #tpu.memory_space<vmem>>, vector<2000x128xf32>
    %add3A_26 = arith.addf %add3A_22, %get3A_25 : vector<2000x128xf32>
    %mul3A = vector.broadcast %rsqrt3A : vector<2000x1xf32> to vector<2000x128xf32>
    %mul3A_27 = arith.mulf %mul3A, %add3A_26 : vector<2000x128xf32>
    %mul3A_28 = arith.constant 0.899999976 : f32
    %mul3A_29 = vector.broadcast %mul3A_28 : f32 to vector<2000x128xf32>
    %mul3A_30 = arith.mulf %mul3A_29, %mul3A_27 : vector<2000x128xf32>
    %get3A_31 = arith.constant 0 : index
    %get3A_32 = arith.constant 0 : index
    %get3A_33 = vector.load %arg3[%get3A_31, %get3A_32] : memref<2000x128xf32, #tpu.memory_space<vmem>>, vector<2000x128xf32>
    %mul3A_34 = arith.constant 1.000000e-01 : f32
    %mul3A_35 = vector.broadcast %mul3A_34 : f32 to vector<2000x128xf32>
    %mul3A_36 = arith.mulf %mul3A_35, %get3A_33 : vector<2000x128xf32>
    %add3A_37 = arith.addf %mul3A_30, %mul3A_36 : vector<2000x128xf32>
    %get3A_38 = arith.constant 0 : index
    %get3A_39 = arith.constant 0 : index
    %get3A_40 = vector.load %arg5[%get3A_38, %get3A_39] : memref<128x128xf32, #tpu.memory_space<vmem>>, vector<128x128xf32>
    %dot_general3A = arith.constant dense<0.000000e+00> : vector<2000x128xf32>
    %dot_general3A_41 = tpu.matmul %add3A_37, %get3A_40, %dot_general3A {dimension_numbers = #tpu.dot_dimension_numbers<[1], [0], [0], [1], [0, 0, 1, 1], [], []>, transpose_lhs_hint = false} : vector<2000x128xf32>, vector<128x128xf32>, vector<2000x128xf32> -> vector<2000x128xf32>
    %mul3A_42 = arith.constant 0.0953101813 : f32
    %mul3A_43 = vector.broadcast %mul3A_42 : f32 to vector<2000x128xf32>
    %mul3A_44 = arith.mulf %mul3A_43, %dot_general3A_41 : vector<2000x128xf32>
    %mul3A_45 = arith.constant 0.904689848 : f32
    %mul3A_46 = vector.broadcast %mul3A_45 : f32 to vector<2000x128xf32>
    %mul3A_47 = arith.mulf %mul3A_46, %add3A_37 : vector<2000x128xf32>
    %add3A_48 = arith.addf %mul3A_44, %mul3A_47 : vector<2000x128xf32>
    %get3A_49 = arith.constant 0 : index
    %get3A_50 = arith.constant 0 : index
    %get3A_51 = vector.load %arg6[%get3A_49, %get3A_50] : memref<1x128xf32, #tpu.memory_space<vmem>>, vector<1x128xf32>
    %add3A_52 = vector.broadcast %get3A_51 : vector<1x128xf32> to vector<2000x128xf32>
    %add3A_53 = arith.addf %add3A_48, %add3A_52 : vector<2000x128xf32>
    %max3A = arith.constant 0.000000e+00 : f32
    %max3A_54 = vector.broadcast %max3A : f32 to vector<2000x128xf32>
    %max3A_55 = arith.maximumf %add3A_53, %max3A_54 : vector<2000x128xf32>
    %swap3A = arith.constant 0 : index
    %swap3A_56 = arith.constant 0 : index
    %swap3A_57 = vector.load %arg7[%swap3A, %swap3A_56] : memref<2000x128xf32, #tpu.memory_space<vmem>>, vector<2000x128xf32>
    tpu.vector_store %arg7[%swap3A, %swap3A_56], %max3A_55 {strides = array<i32>} : memref<2000x128xf32, #tpu.memory_space<vmem>>, vector<2000x128xf32>,
    %mul3A_58 = vector.broadcast %rsqrt3A : vector<2000x1xf32> to vector<2000x128xf32>
    %mul3A_59 = arith.mulf %max3A_55, %mul3A_58 : vector<2000x128xf32>
    %swap3A_60 = arith.constant 0 : index
    %swap3A_61 = arith.constant 0 : index
    %swap3A_62 = vector.load %arg8[%swap3A_60, %swap3A_61] : memref<2000x128xf32, #tpu.memory_space<vmem>>, vector<2000x128xf32>
    tpu.vector_store %arg8[%swap3A_60, %swap3A_61], %mul3A_59 {strides = array<i32>} : memref<2000x128xf32, #tpu.memory_space<vmem>>, vector<2000x128xf32>,
    return
  }
  func.func @transform_0(%arg0: i32) -> (i32, i32, i32) {
    %c0_i32 = arith.constant 0 : i32
    %c0_i32_0 = arith.constant 0 : i32
    %c0_i32_1 = arith.constant 0 : i32
    return %c0_i32, %arg0, %c0_i32_0 : i32, i32, i32
  }
  func.func @transform_1(%arg0: i32) -> (i32, i32) {
    %c0_i32 = arith.constant 0 : i32
    %c0_i32_0 = arith.constant 0 : i32
    return %arg0, %c0_i32 : i32, i32
  }
  func.func @transform_2(%arg0: i32) -> (i32, i32) {
    %c0_i32 = arith.constant 0 : i32
    %c0_i32_0 = arith.constant 0 : i32
    return %arg0, %c0_i32 : i32, i32
  }
  func.func @transform_3(%arg0: i32) -> (i32, i32, i32) {
    %c0_i32 = arith.constant 0 : i32
    %c0_i32_0 = arith.constant 0 : i32
    %c0_i32_1 = arith.constant 0 : i32
    return %c0_i32, %arg0, %c0_i32_0 : i32, i32, i32
  }
  func.func @transform_4(%arg0: i32) -> (i32, i32) {
    %c0_i32 = arith.constant 0 : i32
    %c0_i32_0 = arith.constant 0 : i32
    %c0_i32_1 = arith.constant 0 : i32
    return %c0_i32, %c0_i32_0 : i32, i32
  }
  func.func @transform_5(%arg0: i32) -> (i32, i32) {
    %c0_i32 = arith.constant 0 : i32
    %c0_i32_0 = arith.constant 0 : i32
    %c0_i32_1 = arith.constant 0 : i32
    return %c0_i32, %c0_i32_0 : i32, i32
  }
  func.func @transform_6(%arg0: i32) -> (i32, i32) {
    %c0_i32 = arith.constant 0 : i32
    %c0_i32_0 = arith.constant 0 : i32
    return %arg0, %c0_i32 : i32, i32
  }
  func.func @transform_7(%arg0: i32) -> (i32, i32) {
    %c0_i32 = arith.constant 0 : i32
    %c0_i32_0 = arith.constant 0 : i32
    return %arg0, %c0_i32 : i32, i32
  }
}

module attributes {stable_mosaic.version = 14 : i64} {
  func.func @_layer_body(%arg0: i32, %arg1: memref<2x2000x128xf32, #tpu.memory_space<vmem>>, %arg2: memref<2000x128xf32, #tpu.memory_space<vmem>>, %arg3: memref<2000x128xf32, #tpu.memory_space<vmem>>, %arg4: memref<2x2000x16xf32, #tpu.memory_space<vmem>>, %arg5: memref<128x128xf32, #tpu.memory_space<vmem>>, %arg6: memref<1x128xf32, #tpu.memory_space<vmem>>, %arg7: memref<2000x128xf32, #tpu.memory_space<vmem>>, %arg8: memref<2000x128xf32, #tpu.memory_space<vmem>>) attributes {dimension_semantics = [#tpu.dimension_semantics<arbitrary>], iteration_bounds = array<i64: 5>, scalar_prefetch = 0 : i64, scratch_operands = 0 : i64, tpu.core_type = #tpu.core_type<tc>, window_params = [{transform_indices = @transform_0, window_bounds = array<i64: 2, 2000, 128>}, {transform_indices = @transform_1, window_bounds = array<i64: 2000, 128>}, {transform_indices = @transform_2, window_bounds = array<i64: 2000, 128>}, {transform_indices = @transform_3, window_bounds = array<i64: 2, 2000, 16>}, {pipeline_mode = #tpu.pipeline_mode<synchronous>, transform_indices = @transform_4, window_bounds = array<i64: 128, 128>}, {pipeline_mode = #tpu.pipeline_mode<synchronous>, transform_indices = @transform_5, window_bounds = array<i64: 1, 128>}, {transform_indices = @transform_6, window_bounds = array<i64: 2000, 128>}, {transform_indices = @transform_7, window_bounds = array<i64: 2000, 128>}]} {
    %get3A = arith.constant 0 : index
    %get3A_0 = arith.constant 0 : index
    %get3A_1 = arith.constant 0 : index
    %get3A_2 = vector.load %arg4[%get3A, %get3A_0, %get3A_1] : memref<2x2000x16xf32, #tpu.memory_space<vmem>>, vector<1x2000x1xf32>
    %get3A_3 = vector.shape_cast %get3A_2 : vector<1x2000x1xf32> to vector<2000x1xf32>
    %get3A_4 = arith.constant 1 : index
    %get3A_5 = arith.constant 0 : index
    %get3A_6 = arith.constant 0 : index
    %get3A_7 = vector.load %arg4[%get3A_4, %get3A_5, %get3A_6] : memref<2x2000x16xf32, #tpu.memory_space<vmem>>, vector<1x2000x1xf32>
    %get3A_8 = vector.shape_cast %get3A_7 : vector<1x2000x1xf32> to vector<2000x1xf32>
    %add3A = arith.addf %get3A_3, %get3A_8 : vector<2000x1xf32>
    %add3A_9 = arith.constant 1.000000e+00 : f32
    %add3A_10 = vector.broadcast %add3A_9 : f32 to vector<2000x1xf32>
    %add3A_11 = arith.addf %add3A, %add3A_10 : vector<2000x1xf32>
    %rsqrt3A = math.rsqrt %add3A_11 : vector<2000x1xf32>
    %get3A_12 = arith.constant 0 : index
    %get3A_13 = arith.constant 0 : index
    %get3A_14 = arith.constant 0 : index
    %get3A_15 = vector.load %arg1[%get3A_12, %get3A_13, %get3A_14] : memref<2x2000x128xf32, #tpu.memory_space<vmem>>, vector<1x2000x128xf32>
    %get3A_16 = vector.shape_cast %get3A_15 : vector<1x2000x128xf32> to vector<2000x128xf32>
    %get3A_17 = arith.constant 1 : index
    %get3A_18 = arith.constant 0 : index
    %get3A_19 = arith.constant 0 : index
    %get3A_20 = vector.load %arg1[%get3A_17, %get3A_18, %get3A_19] : memref<2x2000x128xf32, #tpu.memory_space<vmem>>, vector<1x2000x128xf32>
    %get3A_21 = vector.shape_cast %get3A_20 : vector<1x2000x128xf32> to vector<2000x128xf32>
    %add3A_22 = arith.addf %get3A_16, %get3A_21 : vector<2000x128xf32>
    %get3A_23 = arith.constant 0 : index
    %get3A_24 = arith.constant 0 : index
    %get3A_25 = vector.load %arg2[%get3A_23, %get3A_24] : memref<2000x128xf32, #tpu.memory_space<vmem>>, vector<2000x128xf32>
    %add3A_26 = arith.addf %add3A_22, %get3A_25 : vector<2000x128xf32>
    %mul3A = vector.broadcast %rsqrt3A : vector<2000x1xf32> to vector<2000x128xf32>
    %mul3A_27 = arith.mulf %mul3A, %add3A_26 : vector<2000x128xf32>
    %mul3A_28 = arith.constant 0.899999976 : f32
    %mul3A_29 = vector.broadcast %mul3A_28 : f32 to vector<2000x128xf32>
    %mul3A_30 = arith.mulf %mul3A_29, %mul3A_27 : vector<2000x128xf32>
    %get3A_31 = arith.constant 0 : index
    %get3A_32 = arith.constant 0 : index
    %get3A_33 = vector.load %arg3[%get3A_31, %get3A_32] : memref<2000x128xf32, #tpu.memory_space<vmem>>, vector<2000x128xf32>
    %mul3A_34 = arith.constant 1.000000e-01 : f32
    %mul3A_35 = vector.broadcast %mul3A_34 : f32 to vector<2000x128xf32>
    %mul3A_36 = arith.mulf %mul3A_35, %get3A_33 : vector<2000x128xf32>
    %add3A_37 = arith.addf %mul3A_30, %mul3A_36 : vector<2000x128xf32>
    %get3A_38 = arith.constant 0 : index
    %get3A_39 = arith.constant 0 : index
    %get3A_40 = vector.load %arg5[%get3A_38, %get3A_39] : memref<128x128xf32, #tpu.memory_space<vmem>>, vector<128x128xf32>
    %dot_general3A = arith.constant dense<0.000000e+00> : vector<2000x128xf32>
    %dot_general3A_41 = tpu.matmul %add3A_37, %get3A_40, %dot_general3A {dimension_numbers = #tpu.dot_dimension_numbers<[1], [0], [0], [1], [0, 0, 1, 1], [], []>, transpose_lhs_hint = false} : vector<2000x128xf32>, vector<128x128xf32>, vector<2000x128xf32> -> vector<2000x128xf32>
    %mul3A_42 = arith.constant 0.0800427049 : f32
    %mul3A_43 = vector.broadcast %mul3A_42 : f32 to vector<2000x128xf32>
    %mul3A_44 = arith.mulf %mul3A_43, %dot_general3A_41 : vector<2000x128xf32>
    %mul3A_45 = arith.constant 0.91995728 : f32
    %mul3A_46 = vector.broadcast %mul3A_45 : f32 to vector<2000x128xf32>
    %mul3A_47 = arith.mulf %mul3A_46, %add3A_37 : vector<2000x128xf32>
    %add3A_48 = arith.addf %mul3A_44, %mul3A_47 : vector<2000x128xf32>
    %get3A_49 = arith.constant 0 : index
    %get3A_50 = arith.constant 0 : index
    %get3A_51 = vector.load %arg6[%get3A_49, %get3A_50] : memref<1x128xf32, #tpu.memory_space<vmem>>, vector<1x128xf32>
    %add3A_52 = vector.broadcast %get3A_51 : vector<1x128xf32> to vector<2000x128xf32>
    %add3A_53 = arith.addf %add3A_48, %add3A_52 : vector<2000x128xf32>
    %max3A = arith.constant 0.000000e+00 : f32
    %max3A_54 = vector.broadcast %max3A : f32 to vector<2000x128xf32>
    %max3A_55 = arith.maximumf %add3A_53, %max3A_54 : vector<2000x128xf32>
    %swap3A = arith.constant 0 : index
    %swap3A_56 = arith.constant 0 : index
    %swap3A_57 = vector.load %arg7[%swap3A, %swap3A_56] : memref<2000x128xf32, #tpu.memory_space<vmem>>, vector<2000x128xf32>
    tpu.vector_store %arg7[%swap3A, %swap3A_56], %max3A_55 {strides = array<i32>} : memref<2000x128xf32, #tpu.memory_space<vmem>>, vector<2000x128xf32>,
    %mul3A_58 = vector.broadcast %rsqrt3A : vector<2000x1xf32> to vector<2000x128xf32>
    %mul3A_59 = arith.mulf %max3A_55, %mul3A_58 : vector<2000x128xf32>
    %swap3A_60 = arith.constant 0 : index
    %swap3A_61 = arith.constant 0 : index
    %swap3A_62 = vector.load %arg8[%swap3A_60, %swap3A_61] : memref<2000x128xf32, #tpu.memory_space<vmem>>, vector<2000x128xf32>
    tpu.vector_store %arg8[%swap3A_60, %swap3A_61], %mul3A_59 {strides = array<i32>} : memref<2000x128xf32, #tpu.memory_space<vmem>>, vector<2000x128xf32>,
    return
  }
  func.func @transform_0(%arg0: i32) -> (i32, i32, i32) {
    %c0_i32 = arith.constant 0 : i32
    %c0_i32_0 = arith.constant 0 : i32
    %c0_i32_1 = arith.constant 0 : i32
    return %c0_i32, %arg0, %c0_i32_0 : i32, i32, i32
  }
  func.func @transform_1(%arg0: i32) -> (i32, i32) {
    %c0_i32 = arith.constant 0 : i32
    %c0_i32_0 = arith.constant 0 : i32
    return %arg0, %c0_i32 : i32, i32
  }
  func.func @transform_2(%arg0: i32) -> (i32, i32) {
    %c0_i32 = arith.constant 0 : i32
    %c0_i32_0 = arith.constant 0 : i32
    return %arg0, %c0_i32 : i32, i32
  }
  func.func @transform_3(%arg0: i32) -> (i32, i32, i32) {
    %c0_i32 = arith.constant 0 : i32
    %c0_i32_0 = arith.constant 0 : i32
    %c0_i32_1 = arith.constant 0 : i32
    return %c0_i32, %arg0, %c0_i32_0 : i32, i32, i32
  }
  func.func @transform_4(%arg0: i32) -> (i32, i32) {
    %c0_i32 = arith.constant 0 : i32
    %c0_i32_0 = arith.constant 0 : i32
    %c0_i32_1 = arith.constant 0 : i32
    return %c0_i32, %c0_i32_0 : i32, i32
  }
  func.func @transform_5(%arg0: i32) -> (i32, i32) {
    %c0_i32 = arith.constant 0 : i32
    %c0_i32_0 = arith.constant 0 : i32
    %c0_i32_1 = arith.constant 0 : i32
    return %c0_i32, %c0_i32_0 : i32, i32
  }
  func.func @transform_6(%arg0: i32) -> (i32, i32) {
    %c0_i32 = arith.constant 0 : i32
    %c0_i32_0 = arith.constant 0 : i32
    return %arg0, %c0_i32 : i32, i32
  }
  func.func @transform_7(%arg0: i32) -> (i32, i32) {
    %c0_i32 = arith.constant 0 : i32
    %c0_i32_0 = arith.constant 0 : i32
    return %arg0, %c0_i32 : i32, i32
  }
}

module attributes {stable_mosaic.version = 14 : i64} {
  func.func @_layer_body(%arg0: i32, %arg1: memref<2x2000x128xf32, #tpu.memory_space<vmem>>, %arg2: memref<2000x128xf32, #tpu.memory_space<vmem>>, %arg3: memref<2000x128xf32, #tpu.memory_space<vmem>>, %arg4: memref<2x2000x16xf32, #tpu.memory_space<vmem>>, %arg5: memref<128x128xf32, #tpu.memory_space<vmem>>, %arg6: memref<1x128xf32, #tpu.memory_space<vmem>>, %arg7: memref<2000x128xf32, #tpu.memory_space<vmem>>, %arg8: memref<2000x128xf32, #tpu.memory_space<vmem>>) attributes {dimension_semantics = [#tpu.dimension_semantics<arbitrary>], iteration_bounds = array<i64: 5>, scalar_prefetch = 0 : i64, scratch_operands = 0 : i64, tpu.core_type = #tpu.core_type<tc>, window_params = [{transform_indices = @transform_0, window_bounds = array<i64: 2, 2000, 128>}, {transform_indices = @transform_1, window_bounds = array<i64: 2000, 128>}, {transform_indices = @transform_2, window_bounds = array<i64: 2000, 128>}, {transform_indices = @transform_3, window_bounds = array<i64: 2, 2000, 16>}, {pipeline_mode = #tpu.pipeline_mode<synchronous>, transform_indices = @transform_4, window_bounds = array<i64: 128, 128>}, {pipeline_mode = #tpu.pipeline_mode<synchronous>, transform_indices = @transform_5, window_bounds = array<i64: 1, 128>}, {transform_indices = @transform_6, window_bounds = array<i64: 2000, 128>}, {transform_indices = @transform_7, window_bounds = array<i64: 2000, 128>}]} {
    %get3A = arith.constant 0 : index
    %get3A_0 = arith.constant 0 : index
    %get3A_1 = arith.constant 0 : index
    %get3A_2 = vector.load %arg4[%get3A, %get3A_0, %get3A_1] : memref<2x2000x16xf32, #tpu.memory_space<vmem>>, vector<1x2000x1xf32>
    %get3A_3 = vector.shape_cast %get3A_2 : vector<1x2000x1xf32> to vector<2000x1xf32>
    %get3A_4 = arith.constant 1 : index
    %get3A_5 = arith.constant 0 : index
    %get3A_6 = arith.constant 0 : index
    %get3A_7 = vector.load %arg4[%get3A_4, %get3A_5, %get3A_6] : memref<2x2000x16xf32, #tpu.memory_space<vmem>>, vector<1x2000x1xf32>
    %get3A_8 = vector.shape_cast %get3A_7 : vector<1x2000x1xf32> to vector<2000x1xf32>
    %add3A = arith.addf %get3A_3, %get3A_8 : vector<2000x1xf32>
    %add3A_9 = arith.constant 1.000000e+00 : f32
    %add3A_10 = vector.broadcast %add3A_9 : f32 to vector<2000x1xf32>
    %add3A_11 = arith.addf %add3A, %add3A_10 : vector<2000x1xf32>
    %rsqrt3A = math.rsqrt %add3A_11 : vector<2000x1xf32>
    %get3A_12 = arith.constant 0 : index
    %get3A_13 = arith.constant 0 : index
    %get3A_14 = arith.constant 0 : index
    %get3A_15 = vector.load %arg1[%get3A_12, %get3A_13, %get3A_14] : memref<2x2000x128xf32, #tpu.memory_space<vmem>>, vector<1x2000x128xf32>
    %get3A_16 = vector.shape_cast %get3A_15 : vector<1x2000x128xf32> to vector<2000x128xf32>
    %get3A_17 = arith.constant 1 : index
    %get3A_18 = arith.constant 0 : index
    %get3A_19 = arith.constant 0 : index
    %get3A_20 = vector.load %arg1[%get3A_17, %get3A_18, %get3A_19] : memref<2x2000x128xf32, #tpu.memory_space<vmem>>, vector<1x2000x128xf32>
    %get3A_21 = vector.shape_cast %get3A_20 : vector<1x2000x128xf32> to vector<2000x128xf32>
    %add3A_22 = arith.addf %get3A_16, %get3A_21 : vector<2000x128xf32>
    %get3A_23 = arith.constant 0 : index
    %get3A_24 = arith.constant 0 : index
    %get3A_25 = vector.load %arg2[%get3A_23, %get3A_24] : memref<2000x128xf32, #tpu.memory_space<vmem>>, vector<2000x128xf32>
    %add3A_26 = arith.addf %add3A_22, %get3A_25 : vector<2000x128xf32>
    %mul3A = vector.broadcast %rsqrt3A : vector<2000x1xf32> to vector<2000x128xf32>
    %mul3A_27 = arith.mulf %mul3A, %add3A_26 : vector<2000x128xf32>
    %mul3A_28 = arith.constant 0.899999976 : f32
    %mul3A_29 = vector.broadcast %mul3A_28 : f32 to vector<2000x128xf32>
    %mul3A_30 = arith.mulf %mul3A_29, %mul3A_27 : vector<2000x128xf32>
    %get3A_31 = arith.constant 0 : index
    %get3A_32 = arith.constant 0 : index
    %get3A_33 = vector.load %arg3[%get3A_31, %get3A_32] : memref<2000x128xf32, #tpu.memory_space<vmem>>, vector<2000x128xf32>
    %mul3A_34 = arith.constant 1.000000e-01 : f32
    %mul3A_35 = vector.broadcast %mul3A_34 : f32 to vector<2000x128xf32>
    %mul3A_36 = arith.mulf %mul3A_35, %get3A_33 : vector<2000x128xf32>
    %add3A_37 = arith.addf %mul3A_30, %mul3A_36 : vector<2000x128xf32>
    %get3A_38 = arith.constant 0 : index
    %get3A_39 = arith.constant 0 : index
    %get3A_40 = vector.load %arg5[%get3A_38, %get3A_39] : memref<128x128xf32, #tpu.memory_space<vmem>>, vector<128x128xf32>
    %dot_general3A = arith.constant dense<0.000000e+00> : vector<2000x128xf32>
    %dot_general3A_41 = tpu.matmul %add3A_37, %get3A_40, %dot_general3A {dimension_numbers = #tpu.dot_dimension_numbers<[1], [0], [0], [1], [0, 0, 1, 1], [], []>, transpose_lhs_hint = false} : vector<2000x128xf32>, vector<128x128xf32>, vector<2000x128xf32> -> vector<2000x128xf32>
    %mul3A_42 = arith.constant 0.0689928681 : f32
    %mul3A_43 = vector.broadcast %mul3A_42 : f32 to vector<2000x128xf32>
    %mul3A_44 = arith.mulf %mul3A_43, %dot_general3A_41 : vector<2000x128xf32>
    %mul3A_45 = arith.constant 0.931007147 : f32
    %mul3A_46 = vector.broadcast %mul3A_45 : f32 to vector<2000x128xf32>
    %mul3A_47 = arith.mulf %mul3A_46, %add3A_37 : vector<2000x128xf32>
    %add3A_48 = arith.addf %mul3A_44, %mul3A_47 : vector<2000x128xf32>
    %get3A_49 = arith.constant 0 : index
    %get3A_50 = arith.constant 0 : index
    %get3A_51 = vector.load %arg6[%get3A_49, %get3A_50] : memref<1x128xf32, #tpu.memory_space<vmem>>, vector<1x128xf32>
    %add3A_52 = vector.broadcast %get3A_51 : vector<1x128xf32> to vector<2000x128xf32>
    %add3A_53 = arith.addf %add3A_48, %add3A_52 : vector<2000x128xf32>
    %max3A = arith.constant 0.000000e+00 : f32
    %max3A_54 = vector.broadcast %max3A : f32 to vector<2000x128xf32>
    %max3A_55 = arith.maximumf %add3A_53, %max3A_54 : vector<2000x128xf32>
    %swap3A = arith.constant 0 : index
    %swap3A_56 = arith.constant 0 : index
    %swap3A_57 = vector.load %arg7[%swap3A, %swap3A_56] : memref<2000x128xf32, #tpu.memory_space<vmem>>, vector<2000x128xf32>
    tpu.vector_store %arg7[%swap3A, %swap3A_56], %max3A_55 {strides = array<i32>} : memref<2000x128xf32, #tpu.memory_space<vmem>>, vector<2000x128xf32>,
    %mul3A_58 = vector.broadcast %rsqrt3A : vector<2000x1xf32> to vector<2000x128xf32>
    %mul3A_59 = arith.mulf %max3A_55, %mul3A_58 : vector<2000x128xf32>
    %swap3A_60 = arith.constant 0 : index
    %swap3A_61 = arith.constant 0 : index
    %swap3A_62 = vector.load %arg8[%swap3A_60, %swap3A_61] : memref<2000x128xf32, #tpu.memory_space<vmem>>, vector<2000x128xf32>
    tpu.vector_store %arg8[%swap3A_60, %swap3A_61], %mul3A_59 {strides = array<i32>} : memref<2000x128xf32, #tpu.memory_space<vmem>>, vector<2000x128xf32>,
    return
  }
  func.func @transform_0(%arg0: i32) -> (i32, i32, i32) {
    %c0_i32 = arith.constant 0 : i32
    %c0_i32_0 = arith.constant 0 : i32
    %c0_i32_1 = arith.constant 0 : i32
    return %c0_i32, %arg0, %c0_i32_0 : i32, i32, i32
  }
  func.func @transform_1(%arg0: i32) -> (i32, i32) {
    %c0_i32 = arith.constant 0 : i32
    %c0_i32_0 = arith.constant 0 : i32
    return %arg0, %c0_i32 : i32, i32
  }
  func.func @transform_2(%arg0: i32) -> (i32, i32) {
    %c0_i32 = arith.constant 0 : i32
    %c0_i32_0 = arith.constant 0 : i32
    return %arg0, %c0_i32 : i32, i32
  }
  func.func @transform_3(%arg0: i32) -> (i32, i32, i32) {
    %c0_i32 = arith.constant 0 : i32
    %c0_i32_0 = arith.constant 0 : i32
    %c0_i32_1 = arith.constant 0 : i32
    return %c0_i32, %arg0, %c0_i32_0 : i32, i32, i32
  }
  func.func @transform_4(%arg0: i32) -> (i32, i32) {
    %c0_i32 = arith.constant 0 : i32
    %c0_i32_0 = arith.constant 0 : i32
    %c0_i32_1 = arith.constant 0 : i32
    return %c0_i32, %c0_i32_0 : i32, i32
  }
  func.func @transform_5(%arg0: i32) -> (i32, i32) {
    %c0_i32 = arith.constant 0 : i32
    %c0_i32_0 = arith.constant 0 : i32
    %c0_i32_1 = arith.constant 0 : i32
    return %c0_i32, %c0_i32_0 : i32, i32
  }
  func.func @transform_6(%arg0: i32) -> (i32, i32) {
    %c0_i32 = arith.constant 0 : i32
    %c0_i32_0 = arith.constant 0 : i32
    return %arg0, %c0_i32 : i32, i32
  }
  func.func @transform_7(%arg0: i32) -> (i32, i32) {
    %c0_i32 = arith.constant 0 : i32
    %c0_i32_0 = arith.constant 0 : i32
    return %arg0, %c0_i32 : i32, i32
  }
}

module attributes {stable_mosaic.version = 14 : i64} {
  func.func @_layer_body(%arg0: i32, %arg1: memref<2x2000x128xf32, #tpu.memory_space<vmem>>, %arg2: memref<2000x128xf32, #tpu.memory_space<vmem>>, %arg3: memref<2000x128xf32, #tpu.memory_space<vmem>>, %arg4: memref<2x2000x16xf32, #tpu.memory_space<vmem>>, %arg5: memref<128x128xf32, #tpu.memory_space<vmem>>, %arg6: memref<1x128xf32, #tpu.memory_space<vmem>>, %arg7: memref<2000x128xf32, #tpu.memory_space<vmem>>, %arg8: memref<2000x128xf32, #tpu.memory_space<vmem>>) attributes {dimension_semantics = [#tpu.dimension_semantics<arbitrary>], iteration_bounds = array<i64: 5>, scalar_prefetch = 0 : i64, scratch_operands = 0 : i64, tpu.core_type = #tpu.core_type<tc>, window_params = [{transform_indices = @transform_0, window_bounds = array<i64: 2, 2000, 128>}, {transform_indices = @transform_1, window_bounds = array<i64: 2000, 128>}, {transform_indices = @transform_2, window_bounds = array<i64: 2000, 128>}, {transform_indices = @transform_3, window_bounds = array<i64: 2, 2000, 16>}, {pipeline_mode = #tpu.pipeline_mode<synchronous>, transform_indices = @transform_4, window_bounds = array<i64: 128, 128>}, {pipeline_mode = #tpu.pipeline_mode<synchronous>, transform_indices = @transform_5, window_bounds = array<i64: 1, 128>}, {transform_indices = @transform_6, window_bounds = array<i64: 2000, 128>}, {transform_indices = @transform_7, window_bounds = array<i64: 2000, 128>}]} {
    %get3A = arith.constant 0 : index
    %get3A_0 = arith.constant 0 : index
    %get3A_1 = arith.constant 0 : index
    %get3A_2 = vector.load %arg4[%get3A, %get3A_0, %get3A_1] : memref<2x2000x16xf32, #tpu.memory_space<vmem>>, vector<1x2000x1xf32>
    %get3A_3 = vector.shape_cast %get3A_2 : vector<1x2000x1xf32> to vector<2000x1xf32>
    %get3A_4 = arith.constant 1 : index
    %get3A_5 = arith.constant 0 : index
    %get3A_6 = arith.constant 0 : index
    %get3A_7 = vector.load %arg4[%get3A_4, %get3A_5, %get3A_6] : memref<2x2000x16xf32, #tpu.memory_space<vmem>>, vector<1x2000x1xf32>
    %get3A_8 = vector.shape_cast %get3A_7 : vector<1x2000x1xf32> to vector<2000x1xf32>
    %add3A = arith.addf %get3A_3, %get3A_8 : vector<2000x1xf32>
    %add3A_9 = arith.constant 1.000000e+00 : f32
    %add3A_10 = vector.broadcast %add3A_9 : f32 to vector<2000x1xf32>
    %add3A_11 = arith.addf %add3A, %add3A_10 : vector<2000x1xf32>
    %rsqrt3A = math.rsqrt %add3A_11 : vector<2000x1xf32>
    %get3A_12 = arith.constant 0 : index
    %get3A_13 = arith.constant 0 : index
    %get3A_14 = arith.constant 0 : index
    %get3A_15 = vector.load %arg1[%get3A_12, %get3A_13, %get3A_14] : memref<2x2000x128xf32, #tpu.memory_space<vmem>>, vector<1x2000x128xf32>
    %get3A_16 = vector.shape_cast %get3A_15 : vector<1x2000x128xf32> to vector<2000x128xf32>
    %get3A_17 = arith.constant 1 : index
    %get3A_18 = arith.constant 0 : index
    %get3A_19 = arith.constant 0 : index
    %get3A_20 = vector.load %arg1[%get3A_17, %get3A_18, %get3A_19] : memref<2x2000x128xf32, #tpu.memory_space<vmem>>, vector<1x2000x128xf32>
    %get3A_21 = vector.shape_cast %get3A_20 : vector<1x2000x128xf32> to vector<2000x128xf32>
    %add3A_22 = arith.addf %get3A_16, %get3A_21 : vector<2000x128xf32>
    %get3A_23 = arith.constant 0 : index
    %get3A_24 = arith.constant 0 : index
    %get3A_25 = vector.load %arg2[%get3A_23, %get3A_24] : memref<2000x128xf32, #tpu.memory_space<vmem>>, vector<2000x128xf32>
    %add3A_26 = arith.addf %add3A_22, %get3A_25 : vector<2000x128xf32>
    %mul3A = vector.broadcast %rsqrt3A : vector<2000x1xf32> to vector<2000x128xf32>
    %mul3A_27 = arith.mulf %mul3A, %add3A_26 : vector<2000x128xf32>
    %mul3A_28 = arith.constant 0.899999976 : f32
    %mul3A_29 = vector.broadcast %mul3A_28 : f32 to vector<2000x128xf32>
    %mul3A_30 = arith.mulf %mul3A_29, %mul3A_27 : vector<2000x128xf32>
    %get3A_31 = arith.constant 0 : index
    %get3A_32 = arith.constant 0 : index
    %get3A_33 = vector.load %arg3[%get3A_31, %get3A_32] : memref<2000x128xf32, #tpu.memory_space<vmem>>, vector<2000x128xf32>
    %mul3A_34 = arith.constant 1.000000e-01 : f32
    %mul3A_35 = vector.broadcast %mul3A_34 : f32 to vector<2000x128xf32>
    %mul3A_36 = arith.mulf %mul3A_35, %get3A_33 : vector<2000x128xf32>
    %add3A_37 = arith.addf %mul3A_30, %mul3A_36 : vector<2000x128xf32>
    %get3A_38 = arith.constant 0 : index
    %get3A_39 = arith.constant 0 : index
    %get3A_40 = vector.load %arg5[%get3A_38, %get3A_39] : memref<128x128xf32, #tpu.memory_space<vmem>>, vector<128x128xf32>
    %dot_general3A = arith.constant dense<0.000000e+00> : vector<2000x128xf32>
    %dot_general3A_41 = tpu.matmul %add3A_37, %get3A_40, %dot_general3A {dimension_numbers = #tpu.dot_dimension_numbers<[1], [0], [0], [1], [0, 0, 1, 1], [], []>, transpose_lhs_hint = false} : vector<2000x128xf32>, vector<128x128xf32>, vector<2000x128xf32> -> vector<2000x128xf32>
    %mul3A_42 = arith.constant 0.0606246218 : f32
    %mul3A_43 = vector.broadcast %mul3A_42 : f32 to vector<2000x128xf32>
    %mul3A_44 = arith.mulf %mul3A_43, %dot_general3A_41 : vector<2000x128xf32>
    %mul3A_45 = arith.constant 0.9393754 : f32
    %mul3A_46 = vector.broadcast %mul3A_45 : f32 to vector<2000x128xf32>
    %mul3A_47 = arith.mulf %mul3A_46, %add3A_37 : vector<2000x128xf32>
    %add3A_48 = arith.addf %mul3A_44, %mul3A_47 : vector<2000x128xf32>
    %get3A_49 = arith.constant 0 : index
    %get3A_50 = arith.constant 0 : index
    %get3A_51 = vector.load %arg6[%get3A_49, %get3A_50] : memref<1x128xf32, #tpu.memory_space<vmem>>, vector<1x128xf32>
    %add3A_52 = vector.broadcast %get3A_51 : vector<1x128xf32> to vector<2000x128xf32>
    %add3A_53 = arith.addf %add3A_48, %add3A_52 : vector<2000x128xf32>
    %max3A = arith.constant 0.000000e+00 : f32
    %max3A_54 = vector.broadcast %max3A : f32 to vector<2000x128xf32>
    %max3A_55 = arith.maximumf %add3A_53, %max3A_54 : vector<2000x128xf32>
    %swap3A = arith.constant 0 : index
    %swap3A_56 = arith.constant 0 : index
    %swap3A_57 = vector.load %arg7[%swap3A, %swap3A_56] : memref<2000x128xf32, #tpu.memory_space<vmem>>, vector<2000x128xf32>
    tpu.vector_store %arg7[%swap3A, %swap3A_56], %max3A_55 {strides = array<i32>} : memref<2000x128xf32, #tpu.memory_space<vmem>>, vector<2000x128xf32>,
    %mul3A_58 = vector.broadcast %rsqrt3A : vector<2000x1xf32> to vector<2000x128xf32>
    %mul3A_59 = arith.mulf %max3A_55, %mul3A_58 : vector<2000x128xf32>
    %swap3A_60 = arith.constant 0 : index
    %swap3A_61 = arith.constant 0 : index
    %swap3A_62 = vector.load %arg8[%swap3A_60, %swap3A_61] : memref<2000x128xf32, #tpu.memory_space<vmem>>, vector<2000x128xf32>
    tpu.vector_store %arg8[%swap3A_60, %swap3A_61], %mul3A_59 {strides = array<i32>} : memref<2000x128xf32, #tpu.memory_space<vmem>>, vector<2000x128xf32>,
    return
  }
  func.func @transform_0(%arg0: i32) -> (i32, i32, i32) {
    %c0_i32 = arith.constant 0 : i32
    %c0_i32_0 = arith.constant 0 : i32
    %c0_i32_1 = arith.constant 0 : i32
    return %c0_i32, %arg0, %c0_i32_0 : i32, i32, i32
  }
  func.func @transform_1(%arg0: i32) -> (i32, i32) {
    %c0_i32 = arith.constant 0 : i32
    %c0_i32_0 = arith.constant 0 : i32
    return %arg0, %c0_i32 : i32, i32
  }
  func.func @transform_2(%arg0: i32) -> (i32, i32) {
    %c0_i32 = arith.constant 0 : i32
    %c0_i32_0 = arith.constant 0 : i32
    return %arg0, %c0_i32 : i32, i32
  }
  func.func @transform_3(%arg0: i32) -> (i32, i32, i32) {
    %c0_i32 = arith.constant 0 : i32
    %c0_i32_0 = arith.constant 0 : i32
    %c0_i32_1 = arith.constant 0 : i32
    return %c0_i32, %arg0, %c0_i32_0 : i32, i32, i32
  }
  func.func @transform_4(%arg0: i32) -> (i32, i32) {
    %c0_i32 = arith.constant 0 : i32
    %c0_i32_0 = arith.constant 0 : i32
    %c0_i32_1 = arith.constant 0 : i32
    return %c0_i32, %c0_i32_0 : i32, i32
  }
  func.func @transform_5(%arg0: i32) -> (i32, i32) {
    %c0_i32 = arith.constant 0 : i32
    %c0_i32_0 = arith.constant 0 : i32
    %c0_i32_1 = arith.constant 0 : i32
    return %c0_i32, %c0_i32_0 : i32, i32
  }
  func.func @transform_6(%arg0: i32) -> (i32, i32) {
    %c0_i32 = arith.constant 0 : i32
    %c0_i32_0 = arith.constant 0 : i32
    return %arg0, %c0_i32 : i32, i32
  }
  func.func @transform_7(%arg0: i32) -> (i32, i32) {
    %c0_i32 = arith.constant 0 : i32
    %c0_i32_0 = arith.constant 0 : i32
    return %arg0, %c0_i32 : i32, i32
  }
}

module attributes {stable_mosaic.version = 14 : i64} {
  func.func @_out_body(%arg0: i32, %arg1: memref<2000x128xf32, #tpu.memory_space<vmem>>, %arg2: memref<128x128xf32, #tpu.memory_space<vmem>>, %arg3: memref<1x128xf32, #tpu.memory_space<vmem>>, %arg4: memref<2000x128xf32, #tpu.memory_space<vmem>>) attributes {dimension_semantics = [#tpu.dimension_semantics<arbitrary>], iteration_bounds = array<i64: 5>, scalar_prefetch = 0 : i64, scratch_operands = 0 : i64, tpu.core_type = #tpu.core_type<tc>, window_params = [{transform_indices = @transform_0, window_bounds = array<i64: 2000, 128>}, {pipeline_mode = #tpu.pipeline_mode<synchronous>, transform_indices = @transform_1, window_bounds = array<i64: 128, 128>}, {pipeline_mode = #tpu.pipeline_mode<synchronous>, transform_indices = @transform_2, window_bounds = array<i64: 1, 128>}, {transform_indices = @transform_3, window_bounds = array<i64: 2000, 128>}]} {
    %get3A = arith.constant 0 : index
    %get3A_0 = arith.constant 0 : index
    %get3A_1 = vector.load %arg1[%get3A, %get3A_0] : memref<2000x128xf32, #tpu.memory_space<vmem>>, vector<2000x128xf32>
    %get3A_2 = arith.constant 0 : index
    %get3A_3 = arith.constant 0 : index
    %get3A_4 = vector.load %arg2[%get3A_2, %get3A_3] : memref<128x128xf32, #tpu.memory_space<vmem>>, vector<128x128xf32>
    %dot_general3A = arith.constant dense<0.000000e+00> : vector<2000x128xf32>
    %dot_general3A_5 = tpu.matmul %get3A_1, %get3A_4, %dot_general3A {dimension_numbers = #tpu.dot_dimension_numbers<[1], [0], [0], [1], [0, 0, 1, 1], [], []>, transpose_lhs_hint = false} : vector<2000x128xf32>, vector<128x128xf32>, vector<2000x128xf32> -> vector<2000x128xf32>
    %get3A_6 = arith.constant 0 : index
    %get3A_7 = arith.constant 0 : index
    %get3A_8 = vector.load %arg3[%get3A_6, %get3A_7] : memref<1x128xf32, #tpu.memory_space<vmem>>, vector<1x128xf32>
    %add3A = vector.broadcast %get3A_8 : vector<1x128xf32> to vector<2000x128xf32>
    %add3A_9 = arith.addf %dot_general3A_5, %add3A : vector<2000x128xf32>
    %swap3A = arith.constant 0 : index
    %swap3A_10 = arith.constant 0 : index
    %swap3A_11 = vector.load %arg4[%swap3A, %swap3A_10] : memref<2000x128xf32, #tpu.memory_space<vmem>>, vector<2000x128xf32>
    tpu.vector_store %arg4[%swap3A, %swap3A_10], %add3A_9 {strides = array<i32>} : memref<2000x128xf32, #tpu.memory_space<vmem>>, vector<2000x128xf32>,
    return
  }
  func.func @transform_0(%arg0: i32) -> (i32, i32) {
    %c0_i32 = arith.constant 0 : i32
    %c0_i32_0 = arith.constant 0 : i32
    return %arg0, %c0_i32 : i32, i32
  }
  func.func @transform_1(%arg0: i32) -> (i32, i32) {
    %c0_i32 = arith.constant 0 : i32
    %c0_i32_0 = arith.constant 0 : i32
    %c0_i32_1 = arith.constant 0 : i32
    return %c0_i32, %c0_i32_0 : i32, i32
  }
  func.func @transform_2(%arg0: i32) -> (i32, i32) {
    %c0_i32 = arith.constant 0 : i32
    %c0_i32_0 = arith.constant 0 : i32
    %c0_i32_1 = arith.constant 0 : i32
    return %c0_i32, %c0_i32_0 : i32, i32
  }
  func.func @transform_3(%arg0: i32) -> (i32, i32) {
    %c0_i32 = arith.constant 0 : i32
    %c0_i32_0 = arith.constant 0 : i32
    return %arg0, %c0_i32 : i32, i32
  }
}

</mosaic_0001>

<sc_bundles>
// kernel: kernel.21.cloned.1.call-start
scs
__scs_entry_jumppad:
0x0: {  	(pc) =	sbr.rel $0x88, $3  }
0x1: {  	(tag) =	ssettag $0x0;
	lr =	simm.s32 $0x1  }
0x2: {  	[smem:$0x3F99] =	sst lr;
	_ =	strace $0xD0000000  }
0x3: {  	_ = 	snop  }
0x4: {  	_ = 	snop  }
0x5: {  	_ = 	snop  }
0x6: {  	_ = 	snop  }
0x7: {  	_ = 	snop  }
__scs_overlays_trampoline_lowered:
0x8: {  	[smem:$0x3FA8] =	sst s0  }
0x9: {  	[smem:$0x3FA9] =	sst s1  }
0xa: {  	[smem:$0x3FAA] =	sst s2  }
0xb: {  	[smem:$0x3FAB] =	sst s3  }
0xc: {  	[smem:$0x3FAC] =	sst s4  }
0xd: {  	[smem:$0x3FAD] =	sst s5  }
0xe: {  	[smem:$0x3FAE] =	sst s6  }
0xf: {  	[smem:$0x3FAF] =	sst s7  }
0x10: {  	[smem:$0x3FB0] =	sst s8  }
0x11: {  	[smem:$0x3FB1] =	sst s9;
	s0 =	simm.s32 @!p0 $0x0  }
0x12: {  	s1 =	sld [smem:$0x3F97];
	s0 =	simm.s32 @p0 $0x1  }
0x13: {  	[smem:$0x3FB2] =	sst s0;
	s0 =	simm.s32 @!p1 $0x0  }
0x14: {  	s2 =	sld [smem:$0x3F96];
	s0 =	simm.s32 @p1 $0x1  }
0x15: {  	[smem:$0x3FB3] =	sst s0;
	s0 =	simm.s32 @!p2 $0x0  }
0x16: {  	s3 =	sld [smem:$0x3FDB];
	s0 =	simm.s32 @p2 $0x1  }
0x17: {  	s4 =	simm.s32 $0x1BF5;
	[smem:$0x3FB5] =	sst s0  }
0x18: {  	s0 =	sld [smem:$0x3F98];
	_ =	swait.ge [sflag:s4], $0x0  }
0x19: {  	s7 =	sld [smem:$0x3F99]  }
0x1a: {  	s8 =	sadd.s32 $0xFFFFE003, lr  }
0x1b: {  	s9 =	sadd.s32 $0xFFFFFEF7, lr;
	s5 =	simm.s32 $0xFFFFFFFF;
	p2 =	slt.u32 s8, $0xFFFFF086  }
0x1c: {  	p1 =	slt.u32 s9, $0xF7A;
	s5 =	simm.s32 @!p2 $0x0  }
0x1d: {  	s5 =	simm.s32 @p1 $0x1;
	p0 =	seq.s32 s7, s2  }
0x1e: {  	s7 =	smul.u32 @!p0 $0xF7A, s2;
	p2 =	seq.s32 @!p0 s5, $0x0  }
0x1f: {  	s9 =	smul.u32 $0xF7A, s1;
	s8 =	simm.s32 @!p0 $0x1BF5;
	p2 =	por !p2, p0  }
0x20: {  	[sflag:s8] =	ssyncset.s32 @!p0 $0xFFFFF086;
	s6 =	sadd.s32 @!p0 s3, s7;
	s7 =	simm.s32 @!p0 $0x108  }
0x21: {  	s3 =	sadd.s32 s3, s9;
	s6 =	sadd.s32 @!p0 $0x88, s6;
	s7 =	simm.s32 @p2 $0x1082  }
0x22: {  	[simem:s7], [sflag:s8] =	dma.local @!p0 [hbm:s6], $0xF7A  }
0x23: {  	s9 =	sor.u32 $0xD0000000, s2;
	s6 =	simm.s32 $0x108;
	_ =	swait.ge @!p0 [sflag:s8], $0x0  }
0x24: {  	s3 =	sadd.s32 $0x88, s3;
	s6 =	simm.s32 @!p1 $0x1082;
	[sflag:s4] =	ssyncset.s32 $0xFFFFF086  }
0x25: {  	[simem:s6], [sflag:s4] =	dma.local [hbm:s3], $0xF7A  }
0x26: {  	[smem:$0x3F99] =	sst s1;
	(tag) =	ssettag s2;
	_ =	strace s9  }
0x27: {  	s1 =	sld [smem:$0x3FA9]  }
0x28: {  	s2 =	sld [smem:$0x3FAA]  }
0x29: {  	s4 =	sld [smem:$0x3FAC]  }
0x2a: {  	p0 =	seq.s32 s5, $0x0;
	s5 =	sld [smem:$0x3FAD]  }
0x2b: {  	s6 =	sld [smem:$0x3FAE]  }
0x2c: {  	s7 =	sld [smem:$0x3FAF]  }
0x2d: {  	s3 =	simm.s32 $0x108;
	s8 =	sld [smem:$0x3FB0]  }
0x2e: {  	s3 =	simm.s32 @!p0 $0x1082;
	s9 =	sld [smem:$0x3FB1]  }
0x2f: {  	lr =	sadd.s32 s0, s3;
	s0 =	sld [smem:$0x3FA8]  }
0x30: {  	s3 =	sld [smem:$0x3FAB]  }
0x31: {  	[smem:$0x3FB4] =	sst s10  }
0x32: {  	s10 =	sld [smem:$0x3FB2];
	_ =	sdelay $0x3  }
0x33: {  	p0 =	seq.s32 s10, $0x1;
	s10 =	sld [smem:$0x3FB4];
	_ =	sdelay $0x3  }
0x34: {  	[smem:$0x3FB4] =	sst s10  }
0x35: {  	s10 =	sld [smem:$0x3FB3];
	_ =	sdelay $0x3  }
0x36: {  	p1 =	seq.s32 s10, $0x1;
	s10 =	sld [smem:$0x3FB4];
	_ =	sdelay $0x3  }
0x37: {  	[smem:$0x3FB4] =	sst s10  }
0x38: {  	s10 =	sld [smem:$0x3FB5]  }
0x39: {  	_ = 	snop;
	(pc) =	sbr.ind lr, $3  }
0x3a: {  	_ = 	snop  }
0x3b: {  	_ = 	snop  }
0x3c: {  	p2 =	seq.s32 s10, $0x1;
	s10 =	sld [smem:$0x3FB4]  }
0x3d: {  	_ =	shalt  }
0x3e: {  	_ =	shalt  }
0x3f: {  	_ =	shalt  }
0x40: {  	_ =	shalt  }
0x41: {  	_ =	shalt  }
0x42: {  	_ =	shalt  }
0x43: {  	_ =	shalt  }
0x44: {  	_ =	shalt  }
0x45: {  	_ =	shalt  }
0x46: {  	_ =	shalt  }
0x47: {  	_ =	shalt  }
0x48: {  	_ =	shalt  }
0x49: {  	_ =	shalt  }
0x4a: {  	_ =	shalt  }
0x4b: {  	_ =	shalt  }
0x4c: {  	_ =	shalt  }
0x4d: {  	_ =	shalt  }
0x4e: {  	_ =	shalt  }
0x4f: {  	_ =	shalt  }
0x50: {  	_ =	shalt  }
0x51: {  	_ =	shalt  }
0x52: {  	_ =	shalt  }
0x53: {  	_ =	shalt  }
0x54: {  	_ =	shalt  }
0x55: {  	_ =	shalt  }
0x56: {  	_ =	shalt  }
0x57: {  	_ =	shalt  }
0x58: {  	_ =	shalt  }
0x59: {  	_ =	shalt  }
0x5a: {  	_ =	shalt  }
0x5b: {  	_ =	shalt  }
0x5c: {  	_ =	shalt  }
0x5d: {  	_ =	shalt  }
0x5e: {  	_ =	shalt  }
0x5f: {  	_ =	shalt  }
0x60: {  	_ =	shalt  }
0x61: {  	_ =	shalt  }
0x62: {  	_ =	shalt  }
0x63: {  	_ =	shalt  }
0x64: {  	_ =	shalt  }
0x65: {  	_ =	shalt  }
0x66: {  	_ =	shalt  }
0x67: {  	_ =	shalt  }
0x68: {  	_ =	shalt  }
0x69: {  	_ =	shalt  }
0x6a: {  	_ =	shalt  }
0x6b: {  	_ =	shalt  }
0x6c: {  	_ =	shalt  }
0x6d: {  	_ =	shalt  }
0x6e: {  	_ =	shalt  }
0x6f: {  	_ =	shalt  }
0x70: {  	_ =	shalt  }
0x71: {  	_ =	shalt  }
0x72: {  	_ =	shalt  }
0x73: {  	_ =	shalt  }
0x74: {  	_ =	shalt  }
0x75: {  	_ =	shalt  }
0x76: {  	_ =	shalt  }
0x77: {  	_ =	shalt  }
0x78: {  	_ =	shalt  }
0x79: {  	_ =	shalt  }
0x7a: {  	_ =	shalt  }
0x7b: {  	_ =	shalt  }
0x7c: {  	_ =	shalt  }
0x7d: {  	_ =	shalt  }
0x7e: {  	_ =	shalt  }
0x7f: {  	_ =	shalt  }
0x80: {  	_ =	shalt  }
0x81: {  	_ =	shalt  }
0x82: {  	_ =	shalt  }
0x83: {  	_ =	shalt  }
0x84: {  	_ =	shalt  }
0x85: {  	_ =	shalt  }
0x86: {  	_ =	shalt  }
0x87: {  	_ =	shalt  }
.Lfunc_end0:
.L_simem_size_0:
called_computation_lowered:
.L_overlay_start_0:
0x88: {  	s2 =	sld [smem:$0x3FD9]  }
0x89: {  	s3 =	sld [smem:$0x3FFE];
	_ =	sdelay $0x1  }
0x8a: {  	s1 =	srdreg.scid  }
0x8b: {  	s0 =	sand.u32 $0x1, s1  }
0x8c: {  	s16 =	sshll.u32 s0, $0xA;
	s2 =	sadd.s32 s3, s2  }
0x8d: {  	s2 =	sadd.s32 s2, s16  }
0x8e: {  	[smem:$0x3FC0] =	sst s2  }
0x8f: {  	_ = 	snop  }
0x90: {  	(tm) =	ssettm $0x1  }
0x91: {  	s17 =	sld [smem:$0x3FFB];
	_ =	sdelay $0x3  }
0x92: {  	_ =	strace s17  }
0x93: {  	s2 =	sld [smem:$0x3FFC];
	_ =	sdelay $0x3  }
0x94: {  	_ =	strace s2  }
0x95: {  	s2 =	sld [smem:$0x3FFD];
	_ =	sdelay $0x3  }
0x96: {  	_ =	strace s2  }
0x97: {  	_ =	strace $0x8FFFFFFF  }
0x98: {  	s18 =	sld [smem:$0x3FDB];
	_ =	sdelay $0x1  }
0x99: {  	s19 =	simm.s32 $_scs_section_size  }
0x9a: {  	s4 =	simm.s32 $_size__tile_overlayer_lowered;
	s5 =	simm.s32 $_tile_overlayer_lowered  }
0x9b: {  	s22 =	simm.s32 $0x1BFF;
	s21 =	sshll.u32 s5, $0x1;
	s2 =	sadd.s32 s19, s18  }
0x9c: {  	s6 =	simm.s32 $0x0;
	s20 =	sshll.u32 s4, $0x1;
	s4 =	sadd.s32 s21, s2  }
0x9d: {  	[timem:s6], [sflag:s22] =	dma.local [hbm:s4], s20  }
0x9e: {  	_ =	swait.ge [sflag:s22], s20  }
0x9f: {  	s3 =	ssub.s32 $0x0, s20;
	[sflag:s22] =	ssyncset.done $0x0  }
0xa0: {  	[sflag:s22] =	ssyncadd.s32 s3;
	_ =	sdelay $0x1  }
0xa1: {  	s23 =	simm.s32 $0x1B8B  }
0xa2: {  	_ =	swait.ge [sflag:s23], $0x1  }
0xa3: {  	[sflag:s23] =	ssyncset.done $0x0  }
0xa4: {  	s25 =	simm.s32 $0x1B8E;
	s24 =	sld [smem:$0x3FFE];
	[sflag:s23] =	ssyncadd.s32 $0xFFFFFFFF  }
0xa5: {  	s26 =	simm.s32 $execute0_lowered;
	[smem:$0x3FD2] =	sst s25  }
0xa6: {  	s4 =	sshll.u32 s26, $0x1;
	_ =	strace $0x80000046;
	[dreg:$0x1] =	wrdreg $0xFFFFFFFF  }
0xa7: {  	s28 =	simm.s32 $_size_execute0_lowered;
	s2 =	sadd.s32 s2, s4;
	[dreg:$0x0] =	wrdreg $0x0  }
0xa8: {  	s4 =	sshll.u32 s28, $0x1;
	[dreg:$0x2] =	wrdreg s2  }
0xa9: {  	[dreg:$0x3] =	wrdreg s4  }
0xaa: {  	[dreg:$0x4] =	wrdreg $0xC0  }
0xab: {  	_ =	task [dreg:s6], $0x5FFFF  }
0xac: {  	[dreg:$0x1] =	wrdreg $0xFFFFFFFF  }
0xad: {  	[dreg:$0x0] =	wrdreg $0x60  }
0xae: {  	[dreg:$0x2] =	wrdreg s24  }
0xaf: {  	[dreg:$0x3] =	wrdreg $0x80800  }
0xb0: {  	[dreg:$0x4] =	wrdreg $0x9  }
0xb1: {  	_ =	task.clear_ibuf [dreg:s6], $0x5FFFF;
	_ =	strace $0x90000046  }
0xb2: {  	s29 =	simm.s32 $0x9;
	_ =	strace $0x80000048  }
0xb3: {  	_ =	swait.ge [sflag:s29], $0x1  }
0xb4: {  	[sflag:s29] =	ssyncadd.s32 $0xFFFFFFFF  }
0xb5: {  	_ =	strace $0x90000048  }
0xb6: {  	_ =	sfence  }
0xb7: {  	s30 =	sld [smem:$0x0];
	_ =	sdelay $0x2  }
0xb8: {  	s31 =	sshll.u32 s1, $0xD;
	s1 =	sshrl.u32 s1, $0x2  }
0xb9: {  	s3 =	sand.u32 $0x4000, s31;
	s1 =	sadd.s32 s1, s30  }
0xba: {  	s0 =	sor.u32 s3, s0;
	s1 =	sshll.u32 s1, $0x11  }
0xbb: {  	s0 =	sor.u32 s1, s0  }
0xbc: {  	s0 =	sadd.s32 $0x8F2B, s0  }
0xbd: {  	[sflag:s0] =	ssyncadd.remote.s32 $0x1  }
0xbe: {  	_ =	sfence.sel $0xFFFF  }
0xbf: {  	[dreg:$0x0] =	wrdreg $0xFFFFFFFF;
	(pc) =	sbr.abs _section_cstart, $3  }
0xc0: {  	[dreg:$0x1] =	wrdreg $0xFFFFFFFF  }
0xc1: {  	_ =	task.clear_ibuf [dreg:s6], $0x2FFFF;
	_ =	strace $0x9FFFFFFF  }
0xc2: {  	(tm) =	ssettm $0x7FFFFFFF  }
0xc3: {  	_ =	shalt  }
tec
execute0_lowered:
.L_overlay_start_1:
0x0: {  	(tag) =	ssettag $0x1  }
0x1: {  	s4 =	rddreg [dreg:$0x0]  }
0x2: {  	s0 =	srdreg.scid;
	s1 =	stileid.u32  }
0x3: {  	s2 =	rddreg [dreg:$0x1];
	s7 =	smul.u32 $0x14000, s1  }
0x4: {  	s3 =	simm.s32 $0x0;
	s13 =	simm.s32 $0x1;
	s29 =	smul.u32 $0x50000, s1  }
0x5: {  	s14 =	simm.s32 $0x80;
	s5 =	sand.u32 $0x1, s0;
	s12 =	smul.u32 $0x4F0, s1  }
0x6: {  	s17 =	simm.s32 $0x0;
	s0 =	rddreg [dreg:$0x2];
	s6 =	smul.u32 $0x140000, s5  }
0x7: {  	[smem:$0x7FF] =	sst s3;
	s15 =	sshll.u32 s1, $0x6;
	s8 =	smul.u32 $0x4F00, s5  }
0x8: {  	_ =	strace $0x80000047;
	s5 =	ssub.s32 $0x2, s5;
	s15 =	sor.u32 $0x1C01, s15  }
0x9: {  	s30 =	sshrl.u32 s5, $0x1;
	s31 =	sshrl.u32 s29, $0x2;
	s6 =	sadd.s32 s7, s6  }
0xa: {  	s10 =	sadd.s32 s8, s4;
	s11 =	ssub.s32 s5, s30;
	s6 =	sshrl.u32 s6, $0x3  }
0xb: {  	s12 =	sadd.s32 s12, s10;
	s10 =	smax.u32 s11, $0x1;
	s9 =	sadd.s32 s6, s4  }
0xc: {  	s4 =	sadd.s32 s31, s2;
	s11 =	sadd.s32 $0x7000, s12;
	s12 =	simm.s32 $0x4080  }
0xd: {  	s5 =	sadd.s32 $0x4000, s4;
	s6 =	sadd.s32 $0x8000, s4;
	s7 =	sadd.s32 $0xC000, s4  }
0xe: {  	v0 =	vimm.f32 $0.0e+00;
	v1 =	vimm.f32 $1.000000000e+00;
	s8 =	sadd.s32 $0x10000, s4;
	s9 =	sadd.s32 $0x10E00, s9;
	s16 =	sshrl.u32 s4, $0x3  }
.LBB2_1:
0xf: {  	s18 =	simm.s32 $0x200;
	s19 =	simm.s32 $0x0  }
.LBB2_2:
0x10: {  	p0 =	sne.s32 s18, $0xFE00;
	[tilespmem:s19+$0x4080] =	vst v0;
	s20 =	smov.u32 s18;
	s18 =	sadd.s32 $0x200, s18  }
.Ltmp0:
0x11: {  	[tilespmem:s19+$0x80] =	vst v1;
	(pc) =	sbr.rel @p0 .LBB2_2-.Ltmp0, $2  }
0x12: {  	_ =	sdelay $0x2  }
0x13: {  	s19 =	sshra.s32 s20, $0x2  }
0x14: {  	[tilespmem:s19+$0x4080] =	vst v0  }
0x15: {  	[tilespmem:s19+$0x80] =	vst v1  }
0x16: {  	[spmem:s4] =	stream.linear.scatter [tilespmem:s12], [sflag:$0x1], $0x4000, $0x38;
	[tilespmem:$0xA880] =	vst v63  }
0x17: {  	_ =	swait.ge [sflag:s13], $0x4000  }
0x18: {  	[sflag:s13] =	ssyncset.done $0x0  }
0x19: {  	[sflag:s13] =	ssyncadd.s32 $0xFFFFC000  }
0x1a: {  	[spmem:s5] =	stream.linear.scatter [tilespmem:s12], [sflag:$0x1], $0x4000, $0x38;
	[tilespmem:$0xA880] =	vst v63  }
0x1b: {  	_ =	swait.ge [sflag:s13], $0x4000  }
0x1c: {  	[sflag:s13] =	ssyncset.done $0x0  }
0x1d: {  	[sflag:s13] =	ssyncadd.s32 $0xFFFFC000  }
0x1e: {  	[spmem:s6] =	stream.linear.scatter [tilespmem:s12], [sflag:$0x1], $0x4000, $0x38;
	[tilespmem:$0xA880] =	vst v63  }
0x1f: {  	_ =	swait.ge [sflag:s13], $0x4000  }
0x20: {  	[sflag:s13] =	ssyncset.done $0x0  }
0x21: {  	[sflag:s13] =	ssyncadd.s32 $0xFFFFC000  }
0x22: {  	[spmem:s7] =	stream.linear.scatter [tilespmem:s12], [sflag:$0x1], $0x4000, $0x38;
	[tilespmem:$0xA880] =	vst v63  }
0x23: {  	_ =	swait.ge [sflag:s13], $0x4000  }
0x24: {  	[sflag:s13] =	ssyncset.done $0x0  }
0x25: {  	[sflag:s13] =	ssyncadd.s32 $0xFFFFC000  }
0x26: {  	[spmem:s8] =	stream.linear.scatter [tilespmem:s12], [sflag:$0x1], $0x4000, $0x38;
	[tilespmem:$0xA880] =	vst v63  }
0x27: {  	_ =	swait.ge [sflag:s13], $0x4000  }
0x28: {  	[sflag:s13] =	ssyncset.done $0x0  }
0x29: {  	[sflag:s13] =	ssyncadd.s32 $0xFFFFC000  }
0x2a: {  	s18 =	sadd.s32 $0x0, s11;
	[bflag:$0x0] =	sbarrier.arrive $0xFFFF  }
0x2b: {  	[tilespmem:s3], [sflag:$0x1] =	stream.linear.gather [hbm4b:s18+s3], $0x80, $0x38;
	[tilespmem:$0xA880] =	vst v63  }
0x2c: {  	_ =	swait.ge [sflag:s13], $0x80  }
0x2d: {  	[sflag:s13] =	ssyncset.done $0x0  }
0x2e: {  	[sflag:s13] =	ssyncadd.s32 $0xFFFFFF80  }
0x2f: {  	[spmem:s2] =	stream.indirect.scatter.add.f32 [tilespmem:s14], [sflag:$0x1], $0x10, s3, s14, $0xb8;
	[tilespmem:$0xA880] =	vst v63  }
0x30: {  	_ =	swait.ge [sflag:s13], $0x800  }
0x31: {  	s19 =	simm.s32 $0x20;
	s18 =	simm.s32 $0x10;
	[sflag:s13] =	ssyncset.done $0x0  }
.LBB2_4:
0x32: {  	s20 =	sadd.s32 s18, s11  }
0x33: {  	[sflag:s13] =	ssyncadd.s32 $0xFFFFF800;
	s18 =	smov.u32 s19;
	s21 =	sadd.s32 $0x10, s19  }
0x34: {  	[tilespmem:s3], [sflag:$0x1] =	stream.linear.gather [hbm4b:s20+s3], $0x80, $0x38;
	[tilespmem:$0xA880] =	vst v63  }
0x35: {  	p0 =	sne.s32 s19, $0x4E0;
	_ =	swait.ge [sflag:s13], $0x80  }
.Ltmp1:
0x36: {  	[sflag:s13] =	ssyncset.done $0x0;
	(pc) =	sbr.rel @p0 .LBB2_4-.Ltmp1, $4  }
0x37: {  	[sflag:s13] =	ssyncadd.s32 $0xFFFFFF80  }
0x38: {  	[spmem:s2] =	stream.indirect.scatter.add.f32 [tilespmem:s14], [sflag:$0x1], $0x10, s3, s14, $0xb8;
	[tilespmem:$0xA880] =	vst v63  }
0x39: {  	_ =	swait.ge [sflag:s13], $0x800  }
0x3a: {  	s19 =	smov.u32 s21;
	[sflag:s13] =	ssyncset.done $0x0  }
0x3b: {  	s18 =	sadd.s32 s18, s11;
	[sflag:s13] =	ssyncadd.s32 $0xFFFFF800  }
0x3c: {  	[tilespmem:s3], [sflag:$0x1] =	stream.linear.gather [hbm4b:s18+s3], $0x80, $0x38;
	[tilespmem:$0xA880] =	vst v63  }
0x3d: {  	_ =	swait.ge [sflag:s13], $0x80  }
0x3e: {  	[sflag:s13] =	ssyncset.done $0x0  }
0x3f: {  	[sflag:s13] =	ssyncadd.s32 $0xFFFFFF80  }
0x40: {  	[spmem:s2] =	stream.indirect.scatter.add.f32 [tilespmem:s14], [sflag:$0x1], $0x10, s3, s14, $0xb8;
	[tilespmem:$0xA880] =	vst v63  }
0x41: {  	_ =	swait.ge [sflag:s13], $0x800  }
0x42: {  	s17 =	sadd.s32 $0x1, s17;
	[sflag:s13] =	ssyncset.done $0x0  }
0x43: {  	p0 =	sne.s32 s17, s10;
	[sflag:s13] =	ssyncadd.s32 $0xFFFFF800  }
.Ltmp2:
0x44: {  	[bflag:$0x0] =	sbarrier.arrive $0xFFFF;
	(pc) =	sbr.rel @p0 .LBB2_1-.Ltmp2, $4  }
0x45: {  	[hbm:s9], [sflag:s15] =	dma.local [spmem:s16], $0x2800  }
0x46: {  	_ =	swait.ge [sflag:s13], $0x2800  }
0x47: {  	[sflag:s13] =	ssyncset.done $0x0  }
0x48: {  	[sflag:s13] =	ssyncadd.s32 $0xFFFFD800  }
0x49: {  	_ =	sfence.sel $0x180000  }
0x4a: {  	[bflag:$0x0] =	sbarrier.arrive $0xFFFF  }
0x4b: {  	p0 =	sne.s32 s1, $0x0;
	_ =	strace $0x90000047  }
0x4c: {  	s0 =	sadd.s32 @!p0 $0x100000, s0;
	[bflag:$0x2] =	sbarrier.arrive $0xFFFF  }
0x4d: {  	[sflag:s0] =	ssyncadd.tile.s32 @!p0 $0x1;
	_ =	shalt  }
.Lfunc_end2:
_tile_overlayer_lowered:
.L_overlay_start_2:
0x4e: {  	(tag) =	ssettag $0x2  }
0x4f: {  	s0 =	rddreg [dreg:$0x0];
	s2 =	stileid.u32  }
0x50: {  	s1 =	rddreg [dreg:$0x1];
	p0 =	sne.s32 s2, $0x0  }
0x51: {  	s3 =	rddreg [dreg:$0x2];
	[bflag:$0x3] =	sbarrier.arrive $0xFFFF;
	s2 =	simm.s32 @!p0 $0x1C01  }
0x52: {  	[timem:s3], [sflag:s2] =	dma.local @!p0 [hbm:s0], s1  }
0x53: {  	s0 =	simm.s32 @!p0 $0x1  }
0x54: {  	_ =	swait.ge @!p0 [sflag:s0], s1  }
0x55: {  	s1 =	ssub.s32 @!p0 $0x0, s1;
	[sflag:s0] =	ssyncset.done @!p0 $0x0  }
0x56: {  	[sflag:s0] =	ssyncadd.s32 @!p0 s1  }
0x57: {  	[bflag:$0x3] =	sbarrier.arrive $0xFFFF  }
0x58: {  	_ =	shalt  }

// kernel: kernel.24.cloned.1.call-start
scs
__scs_entry_jumppad:
0x0: {  	(pc) =	sbr.rel $0x88, $3  }
0x1: {  	(tag) =	ssettag $0x0;
	lr =	simm.s32 $0x1  }
0x2: {  	[smem:$0x3F99] =	sst lr;
	_ =	strace $0xD0000000  }
0x3: {  	_ = 	snop  }
0x4: {  	_ = 	snop  }
0x5: {  	_ = 	snop  }
0x6: {  	_ = 	snop  }
0x7: {  	_ = 	snop  }
__scs_overlays_trampoline_lowered:
0x8: {  	[smem:$0x3FA8] =	sst s0  }
0x9: {  	[smem:$0x3FA9] =	sst s1  }
0xa: {  	[smem:$0x3FAA] =	sst s2  }
0xb: {  	[smem:$0x3FAB] =	sst s3  }
0xc: {  	[smem:$0x3FAC] =	sst s4  }
0xd: {  	[smem:$0x3FAD] =	sst s5  }
0xe: {  	[smem:$0x3FAE] =	sst s6  }
0xf: {  	[smem:$0x3FAF] =	sst s7  }
0x10: {  	[smem:$0x3FB0] =	sst s8  }
0x11: {  	[smem:$0x3FB1] =	sst s9;
	s0 =	simm.s32 @!p0 $0x0  }
0x12: {  	s1 =	sld [smem:$0x3F97];
	s0 =	simm.s32 @p0 $0x1  }
0x13: {  	[smem:$0x3FB2] =	sst s0;
	s0 =	simm.s32 @!p1 $0x0  }
0x14: {  	s2 =	sld [smem:$0x3F96];
	s0 =	simm.s32 @p1 $0x1  }
0x15: {  	[smem:$0x3FB3] =	sst s0;
	s0 =	simm.s32 @!p2 $0x0  }
0x16: {  	s3 =	sld [smem:$0x3FDB];
	s0 =	simm.s32 @p2 $0x1  }
0x17: {  	s4 =	simm.s32 $0x1BF5;
	[smem:$0x3FB5] =	sst s0  }
0x18: {  	s0 =	sld [smem:$0x3F98];
	_ =	swait.ge [sflag:s4], $0x0  }
0x19: {  	s7 =	sld [smem:$0x3F99]  }
0x1a: {  	s8 =	sadd.s32 $0xFFFFE003, lr  }
0x1b: {  	s9 =	sadd.s32 $0xFFFFFEF7, lr;
	s5 =	simm.s32 $0xFFFFFFFF;
	p2 =	slt.u32 s8, $0xFFFFF086  }
0x1c: {  	p1 =	slt.u32 s9, $0xF7A;
	s5 =	simm.s32 @!p2 $0x0  }
0x1d: {  	s5 =	simm.s32 @p1 $0x1;
	p0 =	seq.s32 s7, s2  }
0x1e: {  	s7 =	smul.u32 @!p0 $0xF7A, s2;
	p2 =	seq.s32 @!p0 s5, $0x0  }
0x1f: {  	s9 =	smul.u32 $0xF7A, s1;
	s8 =	simm.s32 @!p0 $0x1BF5;
	p2 =	por !p2, p0  }
0x20: {  	[sflag:s8] =	ssyncset.s32 @!p0 $0xFFFFF086;
	s6 =	sadd.s32 @!p0 s3, s7;
	s7 =	simm.s32 @!p0 $0x108  }
0x21: {  	s3 =	sadd.s32 s3, s9;
	s6 =	sadd.s32 @!p0 $0x88, s6;
	s7 =	simm.s32 @p2 $0x1082  }
0x22: {  	[simem:s7], [sflag:s8] =	dma.local @!p0 [hbm:s6], $0xF7A  }
0x23: {  	s9 =	sor.u32 $0xD0000000, s2;
	s6 =	simm.s32 $0x108;
	_ =	swait.ge @!p0 [sflag:s8], $0x0  }
0x24: {  	s3 =	sadd.s32 $0x88, s3;
	s6 =	simm.s32 @!p1 $0x1082;
	[sflag:s4] =	ssyncset.s32 $0xFFFFF086  }
0x25: {  	[simem:s6], [sflag:s4] =	dma.local [hbm:s3], $0xF7A  }
0x26: {  	[smem:$0x3F99] =	sst s1;
	(tag) =	ssettag s2;
	_ =	strace s9  }
0x27: {  	s1 =	sld [smem:$0x3FA9]  }
0x28: {  	s2 =	sld [smem:$0x3FAA]  }
0x29: {  	s4 =	sld [smem:$0x3FAC]  }
0x2a: {  	p0 =	seq.s32 s5, $0x0;
	s5 =	sld [smem:$0x3FAD]  }
0x2b: {  	s6 =	sld [smem:$0x3FAE]  }
0x2c: {  	s7 =	sld [smem:$0x3FAF]  }
0x2d: {  	s3 =	simm.s32 $0x108;
	s8 =	sld [smem:$0x3FB0]  }
0x2e: {  	s3 =	simm.s32 @!p0 $0x1082;
	s9 =	sld [smem:$0x3FB1]  }
0x2f: {  	lr =	sadd.s32 s0, s3;
	s0 =	sld [smem:$0x3FA8]  }
0x30: {  	s3 =	sld [smem:$0x3FAB]  }
0x31: {  	[smem:$0x3FB4] =	sst s10  }
0x32: {  	s10 =	sld [smem:$0x3FB2];
	_ =	sdelay $0x3  }
0x33: {  	p0 =	seq.s32 s10, $0x1;
	s10 =	sld [smem:$0x3FB4];
	_ =	sdelay $0x3  }
0x34: {  	[smem:$0x3FB4] =	sst s10  }
0x35: {  	s10 =	sld [smem:$0x3FB3];
	_ =	sdelay $0x3  }
0x36: {  	p1 =	seq.s32 s10, $0x1;
	s10 =	sld [smem:$0x3FB4];
	_ =	sdelay $0x3  }
0x37: {  	[smem:$0x3FB4] =	sst s10  }
0x38: {  	s10 =	sld [smem:$0x3FB5]  }
0x39: {  	_ = 	snop;
	(pc) =	sbr.ind lr, $3  }
0x3a: {  	_ = 	snop  }
0x3b: {  	_ = 	snop  }
0x3c: {  	p2 =	seq.s32 s10, $0x1;
	s10 =	sld [smem:$0x3FB4]  }
0x3d: {  	_ =	shalt  }
0x3e: {  	_ =	shalt  }
0x3f: {  	_ =	shalt  }
0x40: {  	_ =	shalt  }
0x41: {  	_ =	shalt  }
0x42: {  	_ =	shalt  }
0x43: {  	_ =	shalt  }
0x44: {  	_ =	shalt  }
0x45: {  	_ =	shalt  }
0x46: {  	_ =	shalt  }
0x47: {  	_ =	shalt  }
0x48: {  	_ =	shalt  }
0x49: {  	_ =	shalt  }
0x4a: {  	_ =	shalt  }
0x4b: {  	_ =	shalt  }
0x4c: {  	_ =	shalt  }
0x4d: {  	_ =	shalt  }
0x4e: {  	_ =	shalt  }
0x4f: {  	_ =	shalt  }
0x50: {  	_ =	shalt  }
0x51: {  	_ =	shalt  }
0x52: {  	_ =	shalt  }
0x53: {  	_ =	shalt  }
0x54: {  	_ =	shalt  }
0x55: {  	_ =	shalt  }
0x56: {  	_ =	shalt  }
0x57: {  	_ =	shalt  }
0x58: {  	_ =	shalt  }
0x59: {  	_ =	shalt  }
0x5a: {  	_ =	shalt  }
0x5b: {  	_ =	shalt  }
0x5c: {  	_ =	shalt  }
0x5d: {  	_ =	shalt  }
0x5e: {  	_ =	shalt  }
0x5f: {  	_ =	shalt  }
0x60: {  	_ =	shalt  }
0x61: {  	_ =	shalt  }
0x62: {  	_ =	shalt  }
0x63: {  	_ =	shalt  }
0x64: {  	_ =	shalt  }
0x65: {  	_ =	shalt  }
0x66: {  	_ =	shalt  }
0x67: {  	_ =	shalt  }
0x68: {  	_ =	shalt  }
0x69: {  	_ =	shalt  }
0x6a: {  	_ =	shalt  }
0x6b: {  	_ =	shalt  }
0x6c: {  	_ =	shalt  }
0x6d: {  	_ =	shalt  }
0x6e: {  	_ =	shalt  }
0x6f: {  	_ =	shalt  }
0x70: {  	_ =	shalt  }
0x71: {  	_ =	shalt  }
0x72: {  	_ =	shalt  }
0x73: {  	_ =	shalt  }
0x74: {  	_ =	shalt  }
0x75: {  	_ =	shalt  }
0x76: {  	_ =	shalt  }
0x77: {  	_ =	shalt  }
0x78: {  	_ =	shalt  }
0x79: {  	_ =	shalt  }
0x7a: {  	_ =	shalt  }
0x7b: {  	_ =	shalt  }
0x7c: {  	_ =	shalt  }
0x7d: {  	_ =	shalt  }
0x7e: {  	_ =	shalt  }
0x7f: {  	_ =	shalt  }
0x80: {  	_ =	shalt  }
0x81: {  	_ =	shalt  }
0x82: {  	_ =	shalt  }
0x83: {  	_ =	shalt  }
0x84: {  	_ =	shalt  }
0x85: {  	_ =	shalt  }
0x86: {  	_ =	shalt  }
0x87: {  	_ =	shalt  }
.Lfunc_end0:
.L_simem_size_0:
called_computation.1_lowered:
.L_overlay_start_0:
0x88: {  	s2 =	sld [smem:$0x3FD9]  }
0x89: {  	s3 =	sld [smem:$0x3FFE];
	_ =	sdelay $0x1  }
0x8a: {  	s1 =	srdreg.scid  }
0x8b: {  	s0 =	sand.u32 $0x1, s1  }
0x8c: {  	s17 =	sshll.u32 s0, $0xA;
	s2 =	sadd.s32 s3, s2  }
0x8d: {  	s2 =	sadd.s32 s2, s17  }
0x8e: {  	[smem:$0x3FC0] =	sst s2  }
0x8f: {  	_ = 	snop  }
0x90: {  	s2 =	sld [smem:$0x3FD0];
	(tm) =	ssettm $0x1  }
0x91: {  	s18 =	sld [smem:$0x3FFB];
	_ =	sdelay $0x3  }
0x92: {  	_ =	strace s18  }
0x93: {  	s3 =	sld [smem:$0x3FFC];
	_ =	sdelay $0x3  }
0x94: {  	_ =	strace s3  }
0x95: {  	s3 =	sld [smem:$0x3FFD];
	_ =	sdelay $0x3  }
0x96: {  	_ =	strace s3  }
0x97: {  	_ =	strace $0x8FFFFFFF  }
0x98: {  	s19 =	sld [smem:$0x3FDB];
	_ =	sdelay $0x1  }
0x99: {  	s4 =	simm.s32 $_scs_section_size  }
0x9a: {  	s5 =	simm.s32 $_size__tile_overlayer_lowered;
	s6 =	simm.s32 $_tile_overlayer_lowered  }
0x9b: {  	s22 =	simm.s32 $0x1BFF;
	s21 =	sshll.u32 s6, $0x1;
	s3 =	sadd.s32 s4, s19  }
0x9c: {  	s7 =	simm.s32 $0x0;
	s20 =	sshll.u32 s5, $0x1;
	s5 =	sadd.s32 s21, s3  }
0x9d: {  	[timem:s7], [sflag:s22] =	dma.local [hbm:s5], s20  }
0x9e: {  	_ =	swait.ge [sflag:s22], s20  }
0x9f: {  	s4 =	ssub.s32 $0x0, s20;
	[sflag:s22] =	ssyncset.done $0x0  }
0xa0: {  	[sflag:s22] =	ssyncadd.s32 s4;
	_ =	sdelay $0x1  }
0xa1: {  	s23 =	simm.s32 $0x1B8B  }
0xa2: {  	_ =	swait.ge [sflag:s23], $0x1  }
0xa3: {  	[sflag:s23] =	ssyncset.done $0x0  }
0xa4: {  	s25 =	simm.s32 $0x1B8E;
	s24 =	sld [smem:$0x3FFE];
	[sflag:s23] =	ssyncadd.s32 $0xFFFFFFFF  }
0xa5: {  	s26 =	simm.s32 $execute0_lowered;
	[smem:$0x3FD2] =	sst s25  }
0xa6: {  	s5 =	sshll.u32 s26, $0x1;
	_ =	strace $0x80000049;
	[dreg:$0x1] =	wrdreg $0xFFFFFFFF  }
0xa7: {  	s28 =	simm.s32 $_size_execute0_lowered;
	s3 =	sadd.s32 s3, s5;
	[dreg:$0x0] =	wrdreg $0x0  }
0xa8: {  	s5 =	sshll.u32 s28, $0x1;
	[dreg:$0x2] =	wrdreg s3  }
0xa9: {  	[dreg:$0x3] =	wrdreg s5  }
0xaa: {  	[dreg:$0x4] =	wrdreg $0xC0  }
0xab: {  	_ =	task [dreg:s7], $0x5FFFF  }
0xac: {  	[dreg:$0x1] =	wrdreg $0xFFFFFFFF  }
0xad: {  	[dreg:$0x0] =	wrdreg $0x60  }
0xae: {  	[dreg:$0x2] =	wrdreg s24  }
0xaf: {  	[dreg:$0x3] =	wrdreg s2  }
0xb0: {  	[dreg:$0x4] =	wrdreg $0x81000  }
0xb1: {  	[dreg:$0x5] =	wrdreg $0x9  }
0xb2: {  	_ =	task.clear_ibuf [dreg:s7], $0x6FFFF;
	_ =	strace $0x90000049  }
0xb3: {  	s29 =	simm.s32 $0x9;
	_ =	strace $0x8000004B  }
0xb4: {  	_ =	swait.ge [sflag:s29], $0x1  }
0xb5: {  	[sflag:s29] =	ssyncadd.s32 $0xFFFFFFFF  }
0xb6: {  	_ =	strace $0x9000004B  }
0xb7: {  	_ =	sfence  }
0xb8: {  	s30 =	sld [smem:$0x0];
	_ =	sdelay $0x2  }
0xb9: {  	s31 =	sshll.u32 s1, $0xD;
	s1 =	sshrl.u32 s1, $0x2  }
0xba: {  	s3 =	sand.u32 $0x4000, s31;
	s1 =	sadd.s32 s1, s30  }
0xbb: {  	s0 =	sor.u32 s3, s0;
	s1 =	sshll.u32 s1, $0x11  }
0xbc: {  	s0 =	sor.u32 s1, s0  }
0xbd: {  	s0 =	sadd.s32 $0x8F2B, s0  }
0xbe: {  	[sflag:s0] =	ssyncadd.remote.s32 $0x1  }
0xbf: {  	_ =	sfence.sel $0xFFFF  }
0xc0: {  	[dreg:$0x0] =	wrdreg $0xFFFFFFFF;
	(pc) =	sbr.abs _section_cstart, $3  }
0xc1: {  	[dreg:$0x1] =	wrdreg $0xFFFFFFFF  }
0xc2: {  	_ =	task.clear_ibuf [dreg:s7], $0x2FFFF;
	_ =	strace $0x9FFFFFFF  }
0xc3: {  	(tm) =	ssettm $0x7FFFFFFF  }
tec
execute0_lowered:
.L_overlay_start_1:
0x0: {  	(tag) =	ssettag $0x1  }
0x1: {  	s5 =	rddreg [dreg:$0x0]  }
0x2: {  	s11 =	rddreg [dreg:$0x1];
	s0 =	srdreg.scid  }
0x3: {  	s1 =	rddreg [dreg:$0x2];
	s2 =	stileid.u32  }
0x4: {  	s3 =	simm.s32 $0x0;
	s17 =	simm.s32 $0x100;
	s8 =	smul.u32 $0x14000, s2  }
0x5: {  	s18 =	simm.s32 $0x1;
	s21 =	simm.s32 $0x0;
	s9 =	smul.u32 $0x50000, s2  }
0x6: {  	s6 =	sand.u32 $0x1, s0;
	s0 =	rddreg [dreg:$0x3];
	s15 =	smul.u32 $0x4F0, s2  }
0x7: {  	[smem:$0x7FF] =	sst s3;
	s4 =	sadd.s32 $0x6AC00, s5;
	s12 =	smul.u32 $0x4F00, s6  }
0x8: {  	s19 =	sshll.u32 s2, $0x6;
	s7 =	smul.u32 $0x140000, s6;
	_ =	strace $0x8000004A  }
0x9: {  	s6 =	ssub.s32 $0x2, s6;
	s19 =	sor.u32 $0x1C02, s19;
	s30 =	sshrl.u32 s9, $0x2  }
0xa: {  	s31 =	sshrl.u32 s6, $0x1;
	s13 =	sadd.s32 s12, s5;
	s7 =	sadd.s32 s8, s7  }
0xb: {  	s14 =	ssub.s32 s6, s31;
	s16 =	sadd.s32 s12, s11;
	s7 =	sshrl.u32 s7, $0x3  }
0xc: {  	s13 =	sadd.s32 s15, s13;
	s11 =	smax.u32 s14, $0x1;
	s14 =	simm.s32 $0x4100  }
0xd: {  	s10 =	sadd.s32 s7, s5;
	s5 =	sadd.s32 s30, s1;
	s12 =	sadd.s32 $0x60E00, s13  }
0xe: {  	s13 =	sadd.s32 s15, s16;
	s15 =	simm.s32 $0x2;
	s16 =	simm.s32 $0x80  }
0xf: {  	s6 =	sadd.s32 $0x4000, s5;
	s7 =	sadd.s32 $0x8000, s5;
	s8 =	sadd.s32 $0xC000, s5  }
0x10: {  	v0 =	vimm.f32 $0.0e+00;
	s9 =	sadd.s32 $0x10000, s5;
	s10 =	sadd.s32 $0x91E00, s10;
	s20 =	sshrl.u32 s5, $0x3  }
.LBB2_1:
0x11: {  	s22 =	simm.s32 $0x0;
	s23 =	simm.s32 $0x200  }
.LBB2_2:
0x12: {  	p0 =	sne.s32 s23, $0xFE00;
	[tilespmem:s22+$0x4170] =	vst v0  }
0x13: {  	[tilespmem:s22+$0x4100] =	vst v0  }
0x14: {  	[tilespmem:s22+$0x4110] =	vst v0  }
.Ltmp0:
0x15: {  	[tilespmem:s22+$0x4120] =	vst v0;
	(pc) =	sbr.rel @p0 .LBB2_2-.Ltmp0, $4  }
0x16: {  	[tilespmem:s22+$0x4130] =	vst v0  }
0x17: {  	[tilespmem:s22+$0x4140] =	vst v0  }
0x18: {  	[tilespmem:s22+$0x4150] =	vst v0  }
0x19: {  	[tilespmem:s22+$0x4160] =	vst v0;
	s22 =	sshra.s32 s23, $0x2;
	s23 =	sadd.s32 $0x200, s23  }
0x1a: {  	[tilespmem:s22+$0x4170] =	vst v0  }
0x1b: {  	[tilespmem:s22+$0x4100] =	vst v0  }
0x1c: {  	[tilespmem:s22+$0x4110] =	vst v0  }
0x1d: {  	[tilespmem:s22+$0x4120] =	vst v0  }
0x1e: {  	[tilespmem:s22+$0x4130] =	vst v0  }
0x1f: {  	[tilespmem:s22+$0x4140] =	vst v0  }
0x20: {  	[tilespmem:s22+$0x4150] =	vst v0  }
0x21: {  	[tilespmem:s22+$0x4160] =	vst v0  }
0x22: {  	[spmem:s5] =	stream.linear.scatter [tilespmem:s14], [sflag:$0x2], $0x4000, $0x38;
	[tilespmem:$0x1C100] =	vst v63  }
0x23: {  	_ =	swait.ge [sflag:s15], $0x4000  }
0x24: {  	[sflag:s15] =	ssyncset.done $0x0  }
0x25: {  	[sflag:s15] =	ssyncadd.s32 $0xFFFFC000  }
0x26: {  	[spmem:s6] =	stream.linear.scatter [tilespmem:s14], [sflag:$0x2], $0x4000, $0x38;
	[tilespmem:$0x1C100] =	vst v63  }
0x27: {  	_ =	swait.ge [sflag:s15], $0x4000  }
0x28: {  	[sflag:s15] =	ssyncset.done $0x0  }
0x29: {  	[sflag:s15] =	ssyncadd.s32 $0xFFFFC000  }
0x2a: {  	[spmem:s7] =	stream.linear.scatter [tilespmem:s14], [sflag:$0x2], $0x4000, $0x38;
	[tilespmem:$0x1C100] =	vst v63  }
0x2b: {  	_ =	swait.ge [sflag:s15], $0x4000  }
0x2c: {  	[sflag:s15] =	ssyncset.done $0x0  }
0x2d: {  	[sflag:s15] =	ssyncadd.s32 $0xFFFFC000  }
0x2e: {  	[spmem:s8] =	stream.linear.scatter [tilespmem:s14], [sflag:$0x2], $0x4000, $0x38;
	[tilespmem:$0x1C100] =	vst v63  }
0x2f: {  	_ =	swait.ge [sflag:s15], $0x4000  }
0x30: {  	[sflag:s15] =	ssyncset.done $0x0  }
0x31: {  	[sflag:s15] =	ssyncadd.s32 $0xFFFFC000  }
0x32: {  	[spmem:s9] =	stream.linear.scatter [tilespmem:s14], [sflag:$0x2], $0x4000, $0x38;
	[tilespmem:$0x1C100] =	vst v63  }
0x33: {  	_ =	swait.ge [sflag:s15], $0x4000  }
0x34: {  	[sflag:s15] =	ssyncset.done $0x0  }
0x35: {  	[sflag:s15] =	ssyncadd.s32 $0xFFFFC000  }
0x36: {  	s30 =	sadd.s32 $0x0, s13;
	[bflag:$0x0] =	sbarrier.arrive $0xFFFF  }
0x37: {  	[tilespmem:s3], [sflag:$0x2] =	stream.linear.gather [hbm4b:s30+s3], $0x80, $0x38;
	[tilespmem:$0x1C100] =	vst v63  }
0x38: {  	_ =	swait.ge [sflag:s15], $0x80  }
0x39: {  	[sflag:s15] =	ssyncset.done $0x0  }
0x3a: {  	s31 =	sadd.s32 $0x0, s12;
	[sflag:s15] =	ssyncadd.s32 $0xFFFFFF80  }
0x3b: {  	[tilespmem:s16], [sflag:$0x2] =	stream.linear.gather [hbm4b:s31+s3], $0x80, $0x38;
	[tilespmem:$0x1C100] =	vst v63  }
0x3c: {  	_ =	swait.ge [sflag:s15], $0x80  }
0x3d: {  	[sflag:s15] =	ssyncset.done $0x0  }
0x3e: {  	[sflag:s15] =	ssyncadd.s32 $0xFFFFFF80  }
0x3f: {  	[tilespmem:s17], [sflag:$0x1] =	stream.indirect.gather [hbm4b:s4+s16], $0x80, s3, s16, $0xb8;
	[tilespmem:$0x1C100] =	vst v63  }
0x40: {  	_ =	swait.ge [sflag:s18], $0x4000  }
0x41: {  	[sflag:s18] =	ssyncset.done $0x0  }
0x42: {  	[sflag:s18] =	ssyncadd.s32 $0xFFFFC000  }
0x43: {  	[spmem:s1] =	stream.indirect.scatter.add.f32 [tilespmem:s17], [sflag:$0x2], $0x80, s16, s16, $0xb8;
	[tilespmem:$0x1C100] =	vst v63  }
0x44: {  	_ =	swait.ge [sflag:s15], $0x4000  }
0x45: {  	s22 =	simm.s32 $0x10;
	s23 =	simm.s32 $0x20;
	[sflag:s15] =	ssyncset.done $0x0  }
.LBB2_4:
0x46: {  	s24 =	sadd.s32 s22, s13  }
0x47: {  	[sflag:s15] =	ssyncadd.s32 $0xFFFFC000;
	s25 =	smov.u32 s23;
	s26 =	sadd.s32 $0x10, s23  }
0x48: {  	[tilespmem:s3], [sflag:$0x2] =	stream.linear.gather [hbm4b:s24+s3], $0x80, $0x38;
	[tilespmem:$0x1C100] =	vst v63  }
0x49: {  	p0 =	sne.s32 s23, $0x4E0;
	_ =	swait.ge [sflag:s15], $0x80  }
0x4a: {  	[sflag:s15] =	ssyncset.done $0x0  }
0x4b: {  	s23 =	sadd.s32 s22, s12;
	s22 =	smov.u32 s25;
	[sflag:s15] =	ssyncadd.s32 $0xFFFFFF80  }
0x4c: {  	[tilespmem:s16], [sflag:$0x2] =	stream.linear.gather [hbm4b:s23+s3], $0x80, $0x38;
	[tilespmem:$0x1C100] =	vst v63  }
0x4d: {  	_ =	swait.ge [sflag:s15], $0x80  }
0x4e: {  	[sflag:s15] =	ssyncset.done $0x0  }
0x4f: {  	[sflag:s15] =	ssyncadd.s32 $0xFFFFFF80  }
0x50: {  	[tilespmem:s17], [sflag:$0x1] =	stream.indirect.gather [hbm4b:s4+s16], $0x80, s3, s16, $0xb8;
	[tilespmem:$0x1C100] =	vst v63  }
0x51: {  	_ =	swait.ge [sflag:s18], $0x4000  }
.Ltmp1:
0x52: {  	[sflag:s18] =	ssyncset.done $0x0;
	(pc) =	sbr.rel @p0 .LBB2_4-.Ltmp1, $4  }
0x53: {  	[sflag:s18] =	ssyncadd.s32 $0xFFFFC000  }
0x54: {  	[spmem:s1] =	stream.indirect.scatter.add.f32 [tilespmem:s17], [sflag:$0x2], $0x80, s16, s16, $0xb8;
	[tilespmem:$0x1C100] =	vst v63  }
0x55: {  	_ =	swait.ge [sflag:s15], $0x4000  }
0x56: {  	s23 =	smov.u32 s26;
	[sflag:s15] =	ssyncset.done $0x0  }
0x57: {  	s23 =	sadd.s32 s22, s13;
	[sflag:s15] =	ssyncadd.s32 $0xFFFFC000  }
0x58: {  	[tilespmem:s3], [sflag:$0x2] =	stream.linear.gather [hbm4b:s23+s3], $0x80, $0x38;
	[tilespmem:$0x1C100] =	vst v63  }
0x59: {  	_ =	swait.ge [sflag:s15], $0x80  }
0x5a: {  	[sflag:s15] =	ssyncset.done $0x0  }
0x5b: {  	s31 =	sadd.s32 s22, s12;
	[sflag:s15] =	ssyncadd.s32 $0xFFFFFF80  }
0x5c: {  	[tilespmem:s16], [sflag:$0x2] =	stream.linear.gather [hbm4b:s31+s3], $0x80, $0x38;
	[tilespmem:$0x1C100] =	vst v63  }
0x5d: {  	_ =	swait.ge [sflag:s15], $0x80  }
0x5e: {  	[sflag:s15] =	ssyncset.done $0x0  }
0x5f: {  	[sflag:s15] =	ssyncadd.s32 $0xFFFFFF80  }
0x60: {  	[tilespmem:s17], [sflag:$0x1] =	stream.indirect.gather [hbm4b:s4+s16], $0x80, s3, s16, $0xb8;
	[tilespmem:$0x1C100] =	vst v63  }
0x61: {  	_ =	swait.ge [sflag:s18], $0x4000  }
0x62: {  	[sflag:s18] =	ssyncset.done $0x0  }
0x63: {  	[sflag:s18] =	ssyncadd.s32 $0xFFFFC000  }
0x64: {  	[spmem:s1] =	stream.indirect.scatter.add.f32 [tilespmem:s17], [sflag:$0x2], $0x80, s16, s16, $0xb8;
	[tilespmem:$0x1C100] =	vst v63  }
0x65: {  	_ =	swait.ge [sflag:s15], $0x4000  }
0x66: {  	s21 =	sadd.s32 $0x1, s21;
	[sflag:s15] =	ssyncset.done $0x0  }
0x67: {  	p0 =	sne.s32 s21, s11;
	[sflag:s15] =	ssyncadd.s32 $0xFFFFC000  }
.Ltmp2:
0x68: {  	[bflag:$0x0] =	sbarrier.arrive $0xFFFF;
	(pc) =	sbr.rel @p0 .LBB2_1-.Ltmp2, $4  }
0x69: {  	[hbm:s10], [sflag:s19] =	dma.local [spmem:s20], $0x2800  }
0x6a: {  	_ =	swait.ge [sflag:s15], $0x2800  }
0x6b: {  	[sflag:s15] =	ssyncset.done $0x0  }
0x6c: {  	[sflag:s15] =	ssyncadd.s32 $0xFFFFD800  }
0x6d: {  	_ =	sfence.sel $0x180000  }
0x6e: {  	[bflag:$0x0] =	sbarrier.arrive $0xFFFF  }
0x6f: {  	p0 =	sne.s32 s2, $0x0;
	_ =	strace $0x9000004A  }
0x70: {  	s0 =	sadd.s32 @!p0 $0x100000, s0;
	[bflag:$0x2] =	sbarrier.arrive $0xFFFF  }
0x71: {  	[sflag:s0] =	ssyncadd.tile.s32 @!p0 $0x1;
	_ =	shalt  }
.Lfunc_end2:
_tile_overlayer_lowered:
.L_overlay_start_2:
0x72: {  	(tag) =	ssettag $0x2  }
0x73: {  	s0 =	rddreg [dreg:$0x0];
	s2 =	stileid.u32  }
0x74: {  	s1 =	rddreg [dreg:$0x1];
	p0 =	sne.s32 s2, $0x0  }
0x75: {  	s3 =	rddreg [dreg:$0x2];
	[bflag:$0x3] =	sbarrier.arrive $0xFFFF;
	s2 =	simm.s32 @!p0 $0x1C02  }
0x76: {  	[timem:s3], [sflag:s2] =	dma.local @!p0 [hbm:s0], s1  }
0x77: {  	s0 =	simm.s32 @!p0 $0x2  }
0x78: {  	_ =	swait.ge @!p0 [sflag:s0], s1  }
0x79: {  	s1 =	ssub.s32 @!p0 $0x0, s1;
	[sflag:s0] =	ssyncset.done @!p0 $0x0  }
0x7a: {  	[sflag:s0] =	ssyncadd.s32 @!p0 s1  }
0x7b: {  	[bflag:$0x3] =	sbarrier.arrive $0xFFFF  }
0x7c: {  	_ =	shalt  }

// kernel: kernel.27.cloned.1.call-start
scs
__scs_entry_jumppad:
0x0: {  	(pc) =	sbr.rel $0x88, $3  }
0x1: {  	(tag) =	ssettag $0x0;
	lr =	simm.s32 $0x1  }
0x2: {  	[smem:$0x3F99] =	sst lr;
	_ =	strace $0xD0000000  }
0x3: {  	_ = 	snop  }
0x4: {  	_ = 	snop  }
0x5: {  	_ = 	snop  }
0x6: {  	_ = 	snop  }
0x7: {  	_ = 	snop  }
__scs_overlays_trampoline_lowered:
0x8: {  	[smem:$0x3FA8] =	sst s0  }
0x9: {  	[smem:$0x3FA9] =	sst s1  }
0xa: {  	[smem:$0x3FAA] =	sst s2  }
0xb: {  	[smem:$0x3FAB] =	sst s3  }
0xc: {  	[smem:$0x3FAC] =	sst s4  }
0xd: {  	[smem:$0x3FAD] =	sst s5  }
0xe: {  	[smem:$0x3FAE] =	sst s6  }
0xf: {  	[smem:$0x3FAF] =	sst s7  }
0x10: {  	[smem:$0x3FB0] =	sst s8  }
0x11: {  	[smem:$0x3FB1] =	sst s9;
	s0 =	simm.s32 @!p0 $0x0  }
0x12: {  	s1 =	sld [smem:$0x3F97];
	s0 =	simm.s32 @p0 $0x1  }
0x13: {  	[smem:$0x3FB2] =	sst s0;
	s0 =	simm.s32 @!p1 $0x0  }
0x14: {  	s2 =	sld [smem:$0x3F96];
	s0 =	simm.s32 @p1 $0x1  }
0x15: {  	[smem:$0x3FB3] =	sst s0;
	s0 =	simm.s32 @!p2 $0x0  }
0x16: {  	s3 =	sld [smem:$0x3FDB];
	s0 =	simm.s32 @p2 $0x1  }
0x17: {  	s4 =	simm.s32 $0x1BF5;
	[smem:$0x3FB5] =	sst s0  }
0x18: {  	s0 =	sld [smem:$0x3F98];
	_ =	swait.ge [sflag:s4], $0x0  }
0x19: {  	s7 =	sld [smem:$0x3F99]  }
0x1a: {  	s8 =	sadd.s32 $0xFFFFE003, lr  }
0x1b: {  	s9 =	sadd.s32 $0xFFFFFEF7, lr;
	s5 =	simm.s32 $0xFFFFFFFF;
	p2 =	slt.u32 s8, $0xFFFFF086  }
0x1c: {  	p1 =	slt.u32 s9, $0xF7A;
	s5 =	simm.s32 @!p2 $0x0  }
0x1d: {  	s5 =	simm.s32 @p1 $0x1;
	p0 =	seq.s32 s7, s2  }
0x1e: {  	s7 =	smul.u32 @!p0 $0xF7A, s2;
	p2 =	seq.s32 @!p0 s5, $0x0  }
0x1f: {  	s9 =	smul.u32 $0xF7A, s1;
	s8 =	simm.s32 @!p0 $0x1BF5;
	p2 =	por !p2, p0  }
0x20: {  	[sflag:s8] =	ssyncset.s32 @!p0 $0xFFFFF086;
	s6 =	sadd.s32 @!p0 s3, s7;
	s7 =	simm.s32 @!p0 $0x108  }
0x21: {  	s3 =	sadd.s32 s3, s9;
	s6 =	sadd.s32 @!p0 $0x88, s6;
	s7 =	simm.s32 @p2 $0x1082  }
0x22: {  	[simem:s7], [sflag:s8] =	dma.local @!p0 [hbm:s6], $0xF7A  }
0x23: {  	s9 =	sor.u32 $0xD0000000, s2;
	s6 =	simm.s32 $0x108;
	_ =	swait.ge @!p0 [sflag:s8], $0x0  }
0x24: {  	s3 =	sadd.s32 $0x88, s3;
	s6 =	simm.s32 @!p1 $0x1082;
	[sflag:s4] =	ssyncset.s32 $0xFFFFF086  }
0x25: {  	[simem:s6], [sflag:s4] =	dma.local [hbm:s3], $0xF7A  }
0x26: {  	[smem:$0x3F99] =	sst s1;
	(tag) =	ssettag s2;
	_ =	strace s9  }
0x27: {  	s1 =	sld [smem:$0x3FA9]  }
0x28: {  	s2 =	sld [smem:$0x3FAA]  }
0x29: {  	s4 =	sld [smem:$0x3FAC]  }
0x2a: {  	p0 =	seq.s32 s5, $0x0;
	s5 =	sld [smem:$0x3FAD]  }
0x2b: {  	s6 =	sld [smem:$0x3FAE]  }
0x2c: {  	s7 =	sld [smem:$0x3FAF]  }
0x2d: {  	s3 =	simm.s32 $0x108;
	s8 =	sld [smem:$0x3FB0]  }
0x2e: {  	s3 =	simm.s32 @!p0 $0x1082;
	s9 =	sld [smem:$0x3FB1]  }
0x2f: {  	lr =	sadd.s32 s0, s3;
	s0 =	sld [smem:$0x3FA8]  }
0x30: {  	s3 =	sld [smem:$0x3FAB]  }
0x31: {  	[smem:$0x3FB4] =	sst s10  }
0x32: {  	s10 =	sld [smem:$0x3FB2];
	_ =	sdelay $0x3  }
0x33: {  	p0 =	seq.s32 s10, $0x1;
	s10 =	sld [smem:$0x3FB4];
	_ =	sdelay $0x3  }
0x34: {  	[smem:$0x3FB4] =	sst s10  }
0x35: {  	s10 =	sld [smem:$0x3FB3];
	_ =	sdelay $0x3  }
0x36: {  	p1 =	seq.s32 s10, $0x1;
	s10 =	sld [smem:$0x3FB4];
	_ =	sdelay $0x3  }
0x37: {  	[smem:$0x3FB4] =	sst s10  }
0x38: {  	s10 =	sld [smem:$0x3FB5]  }
0x39: {  	_ = 	snop;
	(pc) =	sbr.ind lr, $3  }
0x3a: {  	_ = 	snop  }
0x3b: {  	_ = 	snop  }
0x3c: {  	p2 =	seq.s32 s10, $0x1;
	s10 =	sld [smem:$0x3FB4]  }
0x3d: {  	_ =	shalt  }
0x3e: {  	_ =	shalt  }
0x3f: {  	_ =	shalt  }
0x40: {  	_ =	shalt  }
0x41: {  	_ =	shalt  }
0x42: {  	_ =	shalt  }
0x43: {  	_ =	shalt  }
0x44: {  	_ =	shalt  }
0x45: {  	_ =	shalt  }
0x46: {  	_ =	shalt  }
0x47: {  	_ =	shalt  }
0x48: {  	_ =	shalt  }
0x49: {  	_ =	shalt  }
0x4a: {  	_ =	shalt  }
0x4b: {  	_ =	shalt  }
0x4c: {  	_ =	shalt  }
0x4d: {  	_ =	shalt  }
0x4e: {  	_ =	shalt  }
0x4f: {  	_ =	shalt  }
0x50: {  	_ =	shalt  }
0x51: {  	_ =	shalt  }
0x52: {  	_ =	shalt  }
0x53: {  	_ =	shalt  }
0x54: {  	_ =	shalt  }
0x55: {  	_ =	shalt  }
0x56: {  	_ =	shalt  }
0x57: {  	_ =	shalt  }
0x58: {  	_ =	shalt  }
0x59: {  	_ =	shalt  }
0x5a: {  	_ =	shalt  }
0x5b: {  	_ =	shalt  }
0x5c: {  	_ =	shalt  }
0x5d: {  	_ =	shalt  }
0x5e: {  	_ =	shalt  }
0x5f: {  	_ =	shalt  }
0x60: {  	_ =	shalt  }
0x61: {  	_ =	shalt  }
0x62: {  	_ =	shalt  }
0x63: {  	_ =	shalt  }
0x64: {  	_ =	shalt  }
0x65: {  	_ =	shalt  }
0x66: {  	_ =	shalt  }
0x67: {  	_ =	shalt  }
0x68: {  	_ =	shalt  }
0x69: {  	_ =	shalt  }
0x6a: {  	_ =	shalt  }
0x6b: {  	_ =	shalt  }
0x6c: {  	_ =	shalt  }
0x6d: {  	_ =	shalt  }
0x6e: {  	_ =	shalt  }
0x6f: {  	_ =	shalt  }
0x70: {  	_ =	shalt  }
0x71: {  	_ =	shalt  }
0x72: {  	_ =	shalt  }
0x73: {  	_ =	shalt  }
0x74: {  	_ =	shalt  }
0x75: {  	_ =	shalt  }
0x76: {  	_ =	shalt  }
0x77: {  	_ =	shalt  }
0x78: {  	_ =	shalt  }
0x79: {  	_ =	shalt  }
0x7a: {  	_ =	shalt  }
0x7b: {  	_ =	shalt  }
0x7c: {  	_ =	shalt  }
0x7d: {  	_ =	shalt  }
0x7e: {  	_ =	shalt  }
0x7f: {  	_ =	shalt  }
0x80: {  	_ =	shalt  }
0x81: {  	_ =	shalt  }
0x82: {  	_ =	shalt  }
0x83: {  	_ =	shalt  }
0x84: {  	_ =	shalt  }
0x85: {  	_ =	shalt  }
0x86: {  	_ =	shalt  }
0x87: {  	_ =	shalt  }
.Lfunc_end0:
.L_simem_size_0:
called_computation.2_lowered:
.L_overlay_start_0:
0x88: {  	s2 =	sld [smem:$0x3FD9]  }
0x89: {  	s3 =	sld [smem:$0x3FFE];
	_ =	sdelay $0x1  }
0x8a: {  	s1 =	srdreg.scid  }
0x8b: {  	s0 =	sand.u32 $0x1, s1  }
0x8c: {  	s17 =	sshll.u32 s0, $0xA;
	s2 =	sadd.s32 s3, s2  }
0x8d: {  	s2 =	sadd.s32 s2, s17  }
0x8e: {  	[smem:$0x3FC0] =	sst s2  }
0x8f: {  	_ = 	snop  }
0x90: {  	s2 =	sld [smem:$0x3FD0];
	(tm) =	ssettm $0x1  }
0x91: {  	s18 =	sld [smem:$0x3FFB];
	_ =	sdelay $0x3  }
0x92: {  	_ =	strace s18  }
0x93: {  	s3 =	sld [smem:$0x3FFC];
	_ =	sdelay $0x3  }
0x94: {  	_ =	strace s3  }
0x95: {  	s3 =	sld [smem:$0x3FFD];
	_ =	sdelay $0x3  }
0x96: {  	_ =	strace s3  }
0x97: {  	_ =	strace $0x8FFFFFFF  }
0x98: {  	s19 =	sld [smem:$0x3FDB];
	_ =	sdelay $0x1  }
0x99: {  	s4 =	simm.s32 $_scs_section_size  }
0x9a: {  	s5 =	simm.s32 $_size__tile_overlayer_lowered;
	s6 =	simm.s32 $_tile_overlayer_lowered  }
0x9b: {  	s22 =	simm.s32 $0x1BFF;
	s21 =	sshll.u32 s6, $0x1;
	s3 =	sadd.s32 s4, s19  }
0x9c: {  	s7 =	simm.s32 $0x0;
	s20 =	sshll.u32 s5, $0x1;
	s5 =	sadd.s32 s21, s3  }
0x9d: {  	[timem:s7], [sflag:s22] =	dma.local [hbm:s5], s20  }
0x9e: {  	_ =	swait.ge [sflag:s22], s20  }
0x9f: {  	s4 =	ssub.s32 $0x0, s20;
	[sflag:s22] =	ssyncset.done $0x0  }
0xa0: {  	[sflag:s22] =	ssyncadd.s32 s4;
	_ =	sdelay $0x1  }
0xa1: {  	s23 =	simm.s32 $0x1B8B  }
0xa2: {  	_ =	swait.ge [sflag:s23], $0x1  }
0xa3: {  	[sflag:s23] =	ssyncset.done $0x0  }
0xa4: {  	s25 =	simm.s32 $0x1B8E;
	s24 =	sld [smem:$0x3FFE];
	[sflag:s23] =	ssyncadd.s32 $0xFFFFFFFF  }
0xa5: {  	s26 =	simm.s32 $execute0_lowered;
	[smem:$0x3FD2] =	sst s25  }
0xa6: {  	s5 =	sshll.u32 s26, $0x1;
	_ =	strace $0x8000004C;
	[dreg:$0x1] =	wrdreg $0xFFFFFFFF  }
0xa7: {  	s28 =	simm.s32 $_size_execute0_lowered;
	s3 =	sadd.s32 s3, s5;
	[dreg:$0x0] =	wrdreg $0x0  }
0xa8: {  	s5 =	sshll.u32 s28, $0x1;
	[dreg:$0x2] =	wrdreg s3  }
0xa9: {  	[dreg:$0x3] =	wrdreg s5  }
0xaa: {  	[dreg:$0x4] =	wrdreg $0xC0  }
0xab: {  	_ =	task [dreg:s7], $0x5FFFF  }
0xac: {  	[dreg:$0x1] =	wrdreg $0xFFFFFFFF  }
0xad: {  	[dreg:$0x0] =	wrdreg $0x60  }
0xae: {  	[dreg:$0x2] =	wrdreg s24  }
0xaf: {  	[dreg:$0x3] =	wrdreg s2  }
0xb0: {  	[dreg:$0x4] =	wrdreg $0x81000  }
0xb1: {  	[dreg:$0x5] =	wrdreg $0x9  }
0xb2: {  	_ =	task.clear_ibuf [dreg:s7], $0x6FFFF;
	_ =	strace $0x9000004C  }
0xb3: {  	s29 =	simm.s32 $0x9;
	_ =	strace $0x8000004E  }
0xb4: {  	_ =	swait.ge [sflag:s29], $0x1  }
0xb5: {  	[sflag:s29] =	ssyncadd.s32 $0xFFFFFFFF  }
0xb6: {  	_ =	strace $0x9000004E  }
0xb7: {  	_ =	sfence  }
0xb8: {  	s30 =	sld [smem:$0x0];
	_ =	sdelay $0x2  }
0xb9: {  	s31 =	sshll.u32 s1, $0xD;
	s1 =	sshrl.u32 s1, $0x2  }
0xba: {  	s3 =	sand.u32 $0x4000, s31;
	s1 =	sadd.s32 s1, s30  }
0xbb: {  	s0 =	sor.u32 s3, s0;
	s1 =	sshll.u32 s1, $0x11  }
0xbc: {  	s0 =	sor.u32 s1, s0  }
0xbd: {  	s0 =	sadd.s32 $0x8F2B, s0  }
0xbe: {  	[sflag:s0] =	ssyncadd.remote.s32 $0x1  }
0xbf: {  	_ =	sfence.sel $0xFFFF  }
0xc0: {  	[dreg:$0x0] =	wrdreg $0xFFFFFFFF;
	(pc) =	sbr.abs _section_cstart, $3  }
0xc1: {  	[dreg:$0x1] =	wrdreg $0xFFFFFFFF  }
0xc2: {  	_ =	task.clear_ibuf [dreg:s7], $0x2FFFF;
	_ =	strace $0x9FFFFFFF  }
0xc3: {  	(tm) =	ssettm $0x7FFFFFFF  }
tec
execute0_lowered:
.L_overlay_start_1:
0x0: {  	(tag) =	ssettag $0x1  }
0x1: {  	s5 =	rddreg [dreg:$0x0]  }
0x2: {  	s11 =	rddreg [dreg:$0x1];
	s0 =	srdreg.scid  }
0x3: {  	s1 =	rddreg [dreg:$0x2];
	s2 =	stileid.u32  }
0x4: {  	s3 =	simm.s32 $0x0;
	s17 =	simm.s32 $0x100;
	s8 =	smul.u32 $0x14000, s2  }
0x5: {  	s18 =	simm.s32 $0x1;
	s21 =	simm.s32 $0x0;
	s9 =	smul.u32 $0x50000, s2  }
0x6: {  	s6 =	sand.u32 $0x1, s0;
	s0 =	rddreg [dreg:$0x3];
	s15 =	smul.u32 $0x4F0, s2  }
0x7: {  	[smem:$0x7FF] =	sst s3;
	s4 =	sadd.s32 $0x6AC00, s5;
	s12 =	smul.u32 $0x4F00, s6  }
0x8: {  	s19 =	sshll.u32 s2, $0x6;
	s7 =	smul.u32 $0x140000, s6;
	_ =	strace $0x8000004D  }
0x9: {  	s6 =	ssub.s32 $0x2, s6;
	s19 =	sor.u32 $0x1C02, s19;
	s30 =	sshrl.u32 s9, $0x2  }
0xa: {  	s31 =	sshrl.u32 s6, $0x1;
	s13 =	sadd.s32 s12, s5;
	s7 =	sadd.s32 s8, s7  }
0xb: {  	s14 =	ssub.s32 s6, s31;
	s16 =	sadd.s32 s12, s11;
	s7 =	sshrl.u32 s7, $0x3  }
0xc: {  	s13 =	sadd.s32 s15, s13;
	s11 =	smax.u32 s14, $0x1;
	s14 =	simm.s32 $0x4100  }
0xd: {  	s10 =	sadd.s32 s7, s5;
	s5 =	sadd.s32 s30, s1;
	s12 =	sadd.s32 $0x60E00, s13  }
0xe: {  	s13 =	sadd.s32 s15, s16;
	s15 =	simm.s32 $0x2;
	s16 =	simm.s32 $0x80  }
0xf: {  	s6 =	sadd.s32 $0x4000, s5;
	s7 =	sadd.s32 $0x8000, s5;
	s8 =	sadd.s32 $0xC000, s5  }
0x10: {  	v0 =	vimm.f32 $0.0e+00;
	s9 =	sadd.s32 $0x10000, s5;
	s10 =	sadd.s32 $0x91E00, s10;
	s20 =	sshrl.u32 s5, $0x3  }
.LBB2_1:
0x11: {  	s22 =	simm.s32 $0x0;
	s23 =	simm.s32 $0x200  }
.LBB2_2:
0x12: {  	p0 =	sne.s32 s23, $0xFE00;
	[tilespmem:s22+$0x4170] =	vst v0  }
0x13: {  	[tilespmem:s22+$0x4100] =	vst v0  }
0x14: {  	[tilespmem:s22+$0x4110] =	vst v0  }
.Ltmp0:
0x15: {  	[tilespmem:s22+$0x4120] =	vst v0;
	(pc) =	sbr.rel @p0 .LBB2_2-.Ltmp0, $4  }
0x16: {  	[tilespmem:s22+$0x4130] =	vst v0  }
0x17: {  	[tilespmem:s22+$0x4140] =	vst v0  }
0x18: {  	[tilespmem:s22+$0x4150] =	vst v0  }
0x19: {  	[tilespmem:s22+$0x4160] =	vst v0;
	s22 =	sshra.s32 s23, $0x2;
	s23 =	sadd.s32 $0x200, s23  }
0x1a: {  	[tilespmem:s22+$0x4170] =	vst v0  }
0x1b: {  	[tilespmem:s22+$0x4100] =	vst v0  }
0x1c: {  	[tilespmem:s22+$0x4110] =	vst v0  }
0x1d: {  	[tilespmem:s22+$0x4120] =	vst v0  }
0x1e: {  	[tilespmem:s22+$0x4130] =	vst v0  }
0x1f: {  	[tilespmem:s22+$0x4140] =	vst v0  }
0x20: {  	[tilespmem:s22+$0x4150] =	vst v0  }
0x21: {  	[tilespmem:s22+$0x4160] =	vst v0  }
0x22: {  	[spmem:s5] =	stream.linear.scatter [tilespmem:s14], [sflag:$0x2], $0x4000, $0x38;
	[tilespmem:$0x1C100] =	vst v63  }
0x23: {  	_ =	swait.ge [sflag:s15], $0x4000  }
0x24: {  	[sflag:s15] =	ssyncset.done $0x0  }
0x25: {  	[sflag:s15] =	ssyncadd.s32 $0xFFFFC000  }
0x26: {  	[spmem:s6] =	stream.linear.scatter [tilespmem:s14], [sflag:$0x2], $0x4000, $0x38;
	[tilespmem:$0x1C100] =	vst v63  }
0x27: {  	_ =	swait.ge [sflag:s15], $0x4000  }
0x28: {  	[sflag:s15] =	ssyncset.done $0x0  }
0x29: {  	[sflag:s15] =	ssyncadd.s32 $0xFFFFC000  }
0x2a: {  	[spmem:s7] =	stream.linear.scatter [tilespmem:s14], [sflag:$0x2], $0x4000, $0x38;
	[tilespmem:$0x1C100] =	vst v63  }
0x2b: {  	_ =	swait.ge [sflag:s15], $0x4000  }
0x2c: {  	[sflag:s15] =	ssyncset.done $0x0  }
0x2d: {  	[sflag:s15] =	ssyncadd.s32 $0xFFFFC000  }
0x2e: {  	[spmem:s8] =	stream.linear.scatter [tilespmem:s14], [sflag:$0x2], $0x4000, $0x38;
	[tilespmem:$0x1C100] =	vst v63  }
0x2f: {  	_ =	swait.ge [sflag:s15], $0x4000  }
0x30: {  	[sflag:s15] =	ssyncset.done $0x0  }
0x31: {  	[sflag:s15] =	ssyncadd.s32 $0xFFFFC000  }
0x32: {  	[spmem:s9] =	stream.linear.scatter [tilespmem:s14], [sflag:$0x2], $0x4000, $0x38;
	[tilespmem:$0x1C100] =	vst v63  }
0x33: {  	_ =	swait.ge [sflag:s15], $0x4000  }
0x34: {  	[sflag:s15] =	ssyncset.done $0x0  }
0x35: {  	[sflag:s15] =	ssyncadd.s32 $0xFFFFC000  }
0x36: {  	s30 =	sadd.s32 $0x0, s13;
	[bflag:$0x0] =	sbarrier.arrive $0xFFFF  }
0x37: {  	[tilespmem:s3], [sflag:$0x2] =	stream.linear.gather [hbm4b:s30+s3], $0x80, $0x38;
	[tilespmem:$0x1C100] =	vst v63  }
0x38: {  	_ =	swait.ge [sflag:s15], $0x80  }
0x39: {  	[sflag:s15] =	ssyncset.done $0x0  }
0x3a: {  	s31 =	sadd.s32 $0x0, s12;
	[sflag:s15] =	ssyncadd.s32 $0xFFFFFF80  }
0x3b: {  	[tilespmem:s16], [sflag:$0x2] =	stream.linear.gather [hbm4b:s31+s3], $0x80, $0x38;
	[tilespmem:$0x1C100] =	vst v63  }
0x3c: {  	_ =	swait.ge [sflag:s15], $0x80  }
0x3d: {  	[sflag:s15] =	ssyncset.done $0x0  }
0x3e: {  	[sflag:s15] =	ssyncadd.s32 $0xFFFFFF80  }
0x3f: {  	[tilespmem:s17], [sflag:$0x1] =	stream.indirect.gather [hbm4b:s4+s16], $0x80, s3, s16, $0xb8;
	[tilespmem:$0x1C100] =	vst v63  }
0x40: {  	_ =	swait.ge [sflag:s18], $0x4000  }
0x41: {  	[sflag:s18] =	ssyncset.done $0x0  }
0x42: {  	[sflag:s18] =	ssyncadd.s32 $0xFFFFC000  }
0x43: {  	[spmem:s1] =	stream.indirect.scatter.add.f32 [tilespmem:s17], [sflag:$0x2], $0x80, s16, s16, $0xb8;
	[tilespmem:$0x1C100] =	vst v63  }
0x44: {  	_ =	swait.ge [sflag:s15], $0x4000  }
0x45: {  	s22 =	simm.s32 $0x10;
	s23 =	simm.s32 $0x20;
	[sflag:s15] =	ssyncset.done $0x0  }
.LBB2_4:
0x46: {  	s24 =	sadd.s32 s22, s13  }
0x47: {  	[sflag:s15] =	ssyncadd.s32 $0xFFFFC000;
	s25 =	smov.u32 s23;
	s26 =	sadd.s32 $0x10, s23  }
0x48: {  	[tilespmem:s3], [sflag:$0x2] =	stream.linear.gather [hbm4b:s24+s3], $0x80, $0x38;
	[tilespmem:$0x1C100] =	vst v63  }
0x49: {  	p0 =	sne.s32 s23, $0x4E0;
	_ =	swait.ge [sflag:s15], $0x80  }
0x4a: {  	[sflag:s15] =	ssyncset.done $0x0  }
0x4b: {  	s23 =	sadd.s32 s22, s12;
	s22 =	smov.u32 s25;
	[sflag:s15] =	ssyncadd.s32 $0xFFFFFF80  }
0x4c: {  	[tilespmem:s16], [sflag:$0x2] =	stream.linear.gather [hbm4b:s23+s3], $0x80, $0x38;
	[tilespmem:$0x1C100] =	vst v63  }
0x4d: {  	_ =	swait.ge [sflag:s15], $0x80  }
0x4e: {  	[sflag:s15] =	ssyncset.done $0x0  }
0x4f: {  	[sflag:s15] =	ssyncadd.s32 $0xFFFFFF80  }
0x50: {  	[tilespmem:s17], [sflag:$0x1] =	stream.indirect.gather [hbm4b:s4+s16], $0x80, s3, s16, $0xb8;
	[tilespmem:$0x1C100] =	vst v63  }
0x51: {  	_ =	swait.ge [sflag:s18], $0x4000  }
.Ltmp1:
0x52: {  	[sflag:s18] =	ssyncset.done $0x0;
	(pc) =	sbr.rel @p0 .LBB2_4-.Ltmp1, $4  }
0x53: {  	[sflag:s18] =	ssyncadd.s32 $0xFFFFC000  }
0x54: {  	[spmem:s1] =	stream.indirect.scatter.add.f32 [tilespmem:s17], [sflag:$0x2], $0x80, s16, s16, $0xb8;
	[tilespmem:$0x1C100] =	vst v63  }
0x55: {  	_ =	swait.ge [sflag:s15], $0x4000  }
0x56: {  	s23 =	smov.u32 s26;
	[sflag:s15] =	ssyncset.done $0x0  }
0x57: {  	s23 =	sadd.s32 s22, s13;
	[sflag:s15] =	ssyncadd.s32 $0xFFFFC000  }
0x58: {  	[tilespmem:s3], [sflag:$0x2] =	stream.linear.gather [hbm4b:s23+s3], $0x80, $0x38;
	[tilespmem:$0x1C100] =	vst v63  }
0x59: {  	_ =	swait.ge [sflag:s15], $0x80  }
0x5a: {  	[sflag:s15] =	ssyncset.done $0x0  }
0x5b: {  	s31 =	sadd.s32 s22, s12;
	[sflag:s15] =	ssyncadd.s32 $0xFFFFFF80  }
0x5c: {  	[tilespmem:s16], [sflag:$0x2] =	stream.linear.gather [hbm4b:s31+s3], $0x80, $0x38;
	[tilespmem:$0x1C100] =	vst v63  }
0x5d: {  	_ =	swait.ge [sflag:s15], $0x80  }
0x5e: {  	[sflag:s15] =	ssyncset.done $0x0  }
0x5f: {  	[sflag:s15] =	ssyncadd.s32 $0xFFFFFF80  }
0x60: {  	[tilespmem:s17], [sflag:$0x1] =	stream.indirect.gather [hbm4b:s4+s16], $0x80, s3, s16, $0xb8;
	[tilespmem:$0x1C100] =	vst v63  }
0x61: {  	_ =	swait.ge [sflag:s18], $0x4000  }
0x62: {  	[sflag:s18] =	ssyncset.done $0x0  }
0x63: {  	[sflag:s18] =	ssyncadd.s32 $0xFFFFC000  }
0x64: {  	[spmem:s1] =	stream.indirect.scatter.add.f32 [tilespmem:s17], [sflag:$0x2], $0x80, s16, s16, $0xb8;
	[tilespmem:$0x1C100] =	vst v63  }
0x65: {  	_ =	swait.ge [sflag:s15], $0x4000  }
0x66: {  	s21 =	sadd.s32 $0x1, s21;
	[sflag:s15] =	ssyncset.done $0x0  }
0x67: {  	p0 =	sne.s32 s21, s11;
	[sflag:s15] =	ssyncadd.s32 $0xFFFFC000  }
.Ltmp2:
0x68: {  	[bflag:$0x0] =	sbarrier.arrive $0xFFFF;
	(pc) =	sbr.rel @p0 .LBB2_1-.Ltmp2, $4  }
0x69: {  	[hbm:s10], [sflag:s19] =	dma.local [spmem:s20], $0x2800  }
0x6a: {  	_ =	swait.ge [sflag:s15], $0x2800  }
0x6b: {  	[sflag:s15] =	ssyncset.done $0x0  }
0x6c: {  	[sflag:s15] =	ssyncadd.s32 $0xFFFFD800  }
0x6d: {  	_ =	sfence.sel $0x180000  }
0x6e: {  	[bflag:$0x0] =	sbarrier.arrive $0xFFFF  }
0x6f: {  	p0 =	sne.s32 s2, $0x0;
	_ =	strace $0x9000004D  }
0x70: {  	s0 =	sadd.s32 @!p0 $0x100000, s0;
	[bflag:$0x2] =	sbarrier.arrive $0xFFFF  }
0x71: {  	[sflag:s0] =	ssyncadd.tile.s32 @!p0 $0x1;
	_ =	shalt  }
.Lfunc_end2:
_tile_overlayer_lowered:
.L_overlay_start_2:
0x72: {  	(tag) =	ssettag $0x2  }
0x73: {  	s0 =	rddreg [dreg:$0x0];
	s2 =	stileid.u32  }
0x74: {  	s1 =	rddreg [dreg:$0x1];
	p0 =	sne.s32 s2, $0x0  }
0x75: {  	s3 =	rddreg [dreg:$0x2];
	[bflag:$0x3] =	sbarrier.arrive $0xFFFF;
	s2 =	simm.s32 @!p0 $0x1C02  }
0x76: {  	[timem:s3], [sflag:s2] =	dma.local @!p0 [hbm:s0], s1  }
0x77: {  	s0 =	simm.s32 @!p0 $0x2  }
0x78: {  	_ =	swait.ge @!p0 [sflag:s0], s1  }
0x79: {  	s1 =	ssub.s32 @!p0 $0x0, s1;
	[sflag:s0] =	ssyncset.done @!p0 $0x0  }
0x7a: {  	[sflag:s0] =	ssyncadd.s32 @!p0 s1  }
0x7b: {  	[bflag:$0x3] =	sbarrier.arrive $0xFFFF  }
0x7c: {  	_ =	shalt  }

// kernel: kernel.30.cloned.1.call-start
scs
__scs_entry_jumppad:
0x0: {  	(pc) =	sbr.rel $0x88, $3  }
0x1: {  	(tag) =	ssettag $0x0;
	lr =	simm.s32 $0x1  }
0x2: {  	[smem:$0x3F99] =	sst lr;
	_ =	strace $0xD0000000  }
0x3: {  	_ = 	snop  }
0x4: {  	_ = 	snop  }
0x5: {  	_ = 	snop  }
0x6: {  	_ = 	snop  }
0x7: {  	_ = 	snop  }
__scs_overlays_trampoline_lowered:
0x8: {  	[smem:$0x3FA8] =	sst s0  }
0x9: {  	[smem:$0x3FA9] =	sst s1  }
0xa: {  	[smem:$0x3FAA] =	sst s2  }
0xb: {  	[smem:$0x3FAB] =	sst s3  }
0xc: {  	[smem:$0x3FAC] =	sst s4  }
0xd: {  	[smem:$0x3FAD] =	sst s5  }
0xe: {  	[smem:$0x3FAE] =	sst s6  }
0xf: {  	[smem:$0x3FAF] =	sst s7  }
0x10: {  	[smem:$0x3FB0] =	sst s8  }
0x11: {  	[smem:$0x3FB1] =	sst s9;
	s0 =	simm.s32 @!p0 $0x0  }
0x12: {  	s1 =	sld [smem:$0x3F97];
	s0 =	simm.s32 @p0 $0x1  }
0x13: {  	[smem:$0x3FB2] =	sst s0;
	s0 =	simm.s32 @!p1 $0x0  }
0x14: {  	s2 =	sld [smem:$0x3F96];
	s0 =	simm.s32 @p1 $0x1  }
0x15: {  	[smem:$0x3FB3] =	sst s0;
	s0 =	simm.s32 @!p2 $0x0  }
0x16: {  	s3 =	sld [smem:$0x3FDB];
	s0 =	simm.s32 @p2 $0x1  }
0x17: {  	s4 =	simm.s32 $0x1BF5;
	[smem:$0x3FB5] =	sst s0  }
0x18: {  	s0 =	sld [smem:$0x3F98];
	_ =	swait.ge [sflag:s4], $0x0  }
0x19: {  	s7 =	sld [smem:$0x3F99]  }
0x1a: {  	s8 =	sadd.s32 $0xFFFFE003, lr  }
0x1b: {  	s9 =	sadd.s32 $0xFFFFFEF7, lr;
	s5 =	simm.s32 $0xFFFFFFFF;
	p2 =	slt.u32 s8, $0xFFFFF086  }
0x1c: {  	p1 =	slt.u32 s9, $0xF7A;
	s5 =	simm.s32 @!p2 $0x0  }
0x1d: {  	s5 =	simm.s32 @p1 $0x1;
	p0 =	seq.s32 s7, s2  }
0x1e: {  	s7 =	smul.u32 @!p0 $0xF7A, s2;
	p2 =	seq.s32 @!p0 s5, $0x0  }
0x1f: {  	s9 =	smul.u32 $0xF7A, s1;
	s8 =	simm.s32 @!p0 $0x1BF5;
	p2 =	por !p2, p0  }
0x20: {  	[sflag:s8] =	ssyncset.s32 @!p0 $0xFFFFF086;
	s6 =	sadd.s32 @!p0 s3, s7;
	s7 =	simm.s32 @!p0 $0x108  }
0x21: {  	s3 =	sadd.s32 s3, s9;
	s6 =	sadd.s32 @!p0 $0x88, s6;
	s7 =	simm.s32 @p2 $0x1082  }
0x22: {  	[simem:s7], [sflag:s8] =	dma.local @!p0 [hbm:s6], $0xF7A  }
0x23: {  	s9 =	sor.u32 $0xD0000000, s2;
	s6 =	simm.s32 $0x108;
	_ =	swait.ge @!p0 [sflag:s8], $0x0  }
0x24: {  	s3 =	sadd.s32 $0x88, s3;
	s6 =	simm.s32 @!p1 $0x1082;
	[sflag:s4] =	ssyncset.s32 $0xFFFFF086  }
0x25: {  	[simem:s6], [sflag:s4] =	dma.local [hbm:s3], $0xF7A  }
0x26: {  	[smem:$0x3F99] =	sst s1;
	(tag) =	ssettag s2;
	_ =	strace s9  }
0x27: {  	s1 =	sld [smem:$0x3FA9]  }
0x28: {  	s2 =	sld [smem:$0x3FAA]  }
0x29: {  	s4 =	sld [smem:$0x3FAC]  }
0x2a: {  	p0 =	seq.s32 s5, $0x0;
	s5 =	sld [smem:$0x3FAD]  }
0x2b: {  	s6 =	sld [smem:$0x3FAE]  }
0x2c: {  	s7 =	sld [smem:$0x3FAF]  }
0x2d: {  	s3 =	simm.s32 $0x108;
	s8 =	sld [smem:$0x3FB0]  }
0x2e: {  	s3 =	simm.s32 @!p0 $0x1082;
	s9 =	sld [smem:$0x3FB1]  }
0x2f: {  	lr =	sadd.s32 s0, s3;
	s0 =	sld [smem:$0x3FA8]  }
0x30: {  	s3 =	sld [smem:$0x3FAB]  }
0x31: {  	[smem:$0x3FB4] =	sst s10  }
0x32: {  	s10 =	sld [smem:$0x3FB2];
	_ =	sdelay $0x3  }
0x33: {  	p0 =	seq.s32 s10, $0x1;
	s10 =	sld [smem:$0x3FB4];
	_ =	sdelay $0x3  }
0x34: {  	[smem:$0x3FB4] =	sst s10  }
0x35: {  	s10 =	sld [smem:$0x3FB3];
	_ =	sdelay $0x3  }
0x36: {  	p1 =	seq.s32 s10, $0x1;
	s10 =	sld [smem:$0x3FB4];
	_ =	sdelay $0x3  }
0x37: {  	[smem:$0x3FB4] =	sst s10  }
0x38: {  	s10 =	sld [smem:$0x3FB5]  }
0x39: {  	_ = 	snop;
	(pc) =	sbr.ind lr, $3  }
0x3a: {  	_ = 	snop  }
0x3b: {  	_ = 	snop  }
0x3c: {  	p2 =	seq.s32 s10, $0x1;
	s10 =	sld [smem:$0x3FB4]  }
0x3d: {  	_ =	shalt  }
0x3e: {  	_ =	shalt  }
0x3f: {  	_ =	shalt  }
0x40: {  	_ =	shalt  }
0x41: {  	_ =	shalt  }
0x42: {  	_ =	shalt  }
0x43: {  	_ =	shalt  }
0x44: {  	_ =	shalt  }
0x45: {  	_ =	shalt  }
0x46: {  	_ =	shalt  }
0x47: {  	_ =	shalt  }
0x48: {  	_ =	shalt  }
0x49: {  	_ =	shalt  }
0x4a: {  	_ =	shalt  }
0x4b: {  	_ =	shalt  }
0x4c: {  	_ =	shalt  }
0x4d: {  	_ =	shalt  }
0x4e: {  	_ =	shalt  }
0x4f: {  	_ =	shalt  }
0x50: {  	_ =	shalt  }
0x51: {  	_ =	shalt  }
0x52: {  	_ =	shalt  }
0x53: {  	_ =	shalt  }
0x54: {  	_ =	shalt  }
0x55: {  	_ =	shalt  }
0x56: {  	_ =	shalt  }
0x57: {  	_ =	shalt  }
0x58: {  	_ =	shalt  }
0x59: {  	_ =	shalt  }
0x5a: {  	_ =	shalt  }
0x5b: {  	_ =	shalt  }
0x5c: {  	_ =	shalt  }
0x5d: {  	_ =	shalt  }
0x5e: {  	_ =	shalt  }
0x5f: {  	_ =	shalt  }
0x60: {  	_ =	shalt  }
0x61: {  	_ =	shalt  }
0x62: {  	_ =	shalt  }
0x63: {  	_ =	shalt  }
0x64: {  	_ =	shalt  }
0x65: {  	_ =	shalt  }
0x66: {  	_ =	shalt  }
0x67: {  	_ =	shalt  }
0x68: {  	_ =	shalt  }
0x69: {  	_ =	shalt  }
0x6a: {  	_ =	shalt  }
0x6b: {  	_ =	shalt  }
0x6c: {  	_ =	shalt  }
0x6d: {  	_ =	shalt  }
0x6e: {  	_ =	shalt  }
0x6f: {  	_ =	shalt  }
0x70: {  	_ =	shalt  }
0x71: {  	_ =	shalt  }
0x72: {  	_ =	shalt  }
0x73: {  	_ =	shalt  }
0x74: {  	_ =	shalt  }
0x75: {  	_ =	shalt  }
0x76: {  	_ =	shalt  }
0x77: {  	_ =	shalt  }
0x78: {  	_ =	shalt  }
0x79: {  	_ =	shalt  }
0x7a: {  	_ =	shalt  }
0x7b: {  	_ =	shalt  }
0x7c: {  	_ =	shalt  }
0x7d: {  	_ =	shalt  }
0x7e: {  	_ =	shalt  }
0x7f: {  	_ =	shalt  }
0x80: {  	_ =	shalt  }
0x81: {  	_ =	shalt  }
0x82: {  	_ =	shalt  }
0x83: {  	_ =	shalt  }
0x84: {  	_ =	shalt  }
0x85: {  	_ =	shalt  }
0x86: {  	_ =	shalt  }
0x87: {  	_ =	shalt  }
.Lfunc_end0:
.L_simem_size_0:
called_computation.3_lowered:
.L_overlay_start_0:
0x88: {  	s2 =	sld [smem:$0x3FD9]  }
0x89: {  	s3 =	sld [smem:$0x3FFE];
	_ =	sdelay $0x1  }
0x8a: {  	s1 =	srdreg.scid  }
0x8b: {  	s0 =	sand.u32 $0x1, s1  }
0x8c: {  	s17 =	sshll.u32 s0, $0xA;
	s2 =	sadd.s32 s3, s2  }
0x8d: {  	s2 =	sadd.s32 s2, s17  }
0x8e: {  	[smem:$0x3FC0] =	sst s2  }
0x8f: {  	_ = 	snop  }
0x90: {  	s2 =	sld [smem:$0x3FD0];
	(tm) =	ssettm $0x1  }
0x91: {  	s18 =	sld [smem:$0x3FFB];
	_ =	sdelay $0x3  }
0x92: {  	_ =	strace s18  }
0x93: {  	s3 =	sld [smem:$0x3FFC];
	_ =	sdelay $0x3  }
0x94: {  	_ =	strace s3  }
0x95: {  	s3 =	sld [smem:$0x3FFD];
	_ =	sdelay $0x3  }
0x96: {  	_ =	strace s3  }
0x97: {  	_ =	strace $0x8FFFFFFF  }
0x98: {  	s19 =	sld [smem:$0x3FDB];
	_ =	sdelay $0x1  }
0x99: {  	s4 =	simm.s32 $_scs_section_size  }
0x9a: {  	s5 =	simm.s32 $_size__tile_overlayer_lowered;
	s6 =	simm.s32 $_tile_overlayer_lowered  }
0x9b: {  	s22 =	simm.s32 $0x1BFF;
	s21 =	sshll.u32 s6, $0x1;
	s3 =	sadd.s32 s4, s19  }
0x9c: {  	s7 =	simm.s32 $0x0;
	s20 =	sshll.u32 s5, $0x1;
	s5 =	sadd.s32 s21, s3  }
0x9d: {  	[timem:s7], [sflag:s22] =	dma.local [hbm:s5], s20  }
0x9e: {  	_ =	swait.ge [sflag:s22], s20  }
0x9f: {  	s4 =	ssub.s32 $0x0, s20;
	[sflag:s22] =	ssyncset.done $0x0  }
0xa0: {  	[sflag:s22] =	ssyncadd.s32 s4;
	_ =	sdelay $0x1  }
0xa1: {  	s23 =	simm.s32 $0x1B8B  }
0xa2: {  	_ =	swait.ge [sflag:s23], $0x1  }
0xa3: {  	[sflag:s23] =	ssyncset.done $0x0  }
0xa4: {  	s25 =	simm.s32 $0x1B8E;
	s24 =	sld [smem:$0x3FFE];
	[sflag:s23] =	ssyncadd.s32 $0xFFFFFFFF  }
0xa5: {  	s26 =	simm.s32 $execute0_lowered;
	[smem:$0x3FD2] =	sst s25  }
0xa6: {  	s5 =	sshll.u32 s26, $0x1;
	_ =	strace $0x8000004F;
	[dreg:$0x1] =	wrdreg $0xFFFFFFFF  }
0xa7: {  	s28 =	simm.s32 $_size_execute0_lowered;
	s3 =	sadd.s32 s3, s5;
	[dreg:$0x0] =	wrdreg $0x0  }
0xa8: {  	s5 =	sshll.u32 s28, $0x1;
	[dreg:$0x2] =	wrdreg s3  }
0xa9: {  	[dreg:$0x3] =	wrdreg s5  }
0xaa: {  	[dreg:$0x4] =	wrdreg $0xC0  }
0xab: {  	_ =	task [dreg:s7], $0x5FFFF  }
0xac: {  	[dreg:$0x1] =	wrdreg $0xFFFFFFFF  }
0xad: {  	[dreg:$0x0] =	wrdreg $0x60  }
0xae: {  	[dreg:$0x2] =	wrdreg s24  }
0xaf: {  	[dreg:$0x3] =	wrdreg s2  }
0xb0: {  	[dreg:$0x4] =	wrdreg $0x81000  }
0xb1: {  	[dreg:$0x5] =	wrdreg $0x9  }
0xb2: {  	_ =	task.clear_ibuf [dreg:s7], $0x6FFFF;
	_ =	strace $0x9000004F  }
0xb3: {  	s29 =	simm.s32 $0x9;
	_ =	strace $0x80000051  }
0xb4: {  	_ =	swait.ge [sflag:s29], $0x1  }
0xb5: {  	[sflag:s29] =	ssyncadd.s32 $0xFFFFFFFF  }
0xb6: {  	_ =	strace $0x90000051  }
0xb7: {  	_ =	sfence  }
0xb8: {  	s30 =	sld [smem:$0x0];
	_ =	sdelay $0x2  }
0xb9: {  	s31 =	sshll.u32 s1, $0xD;
	s1 =	sshrl.u32 s1, $0x2  }
0xba: {  	s3 =	sand.u32 $0x4000, s31;
	s1 =	sadd.s32 s1, s30  }
0xbb: {  	s0 =	sor.u32 s3, s0;
	s1 =	sshll.u32 s1, $0x11  }
0xbc: {  	s0 =	sor.u32 s1, s0  }
0xbd: {  	s0 =	sadd.s32 $0x8F2B, s0  }
0xbe: {  	[sflag:s0] =	ssyncadd.remote.s32 $0x1  }
0xbf: {  	_ =	sfence.sel $0xFFFF  }
0xc0: {  	[dreg:$0x0] =	wrdreg $0xFFFFFFFF;
	(pc) =	sbr.abs _section_cstart, $3  }
0xc1: {  	[dreg:$0x1] =	wrdreg $0xFFFFFFFF  }
0xc2: {  	_ =	task.clear_ibuf [dreg:s7], $0x2FFFF;
	_ =	strace $0x9FFFFFFF  }
0xc3: {  	(tm) =	ssettm $0x7FFFFFFF  }
tec
execute0_lowered:
.L_overlay_start_1:
0x0: {  	(tag) =	ssettag $0x1  }
0x1: {  	s5 =	rddreg [dreg:$0x0]  }
0x2: {  	s11 =	rddreg [dreg:$0x1];
	s0 =	srdreg.scid  }
0x3: {  	s1 =	rddreg [dreg:$0x2];
	s2 =	stileid.u32  }
0x4: {  	s3 =	simm.s32 $0x0;
	s17 =	simm.s32 $0x100;
	s8 =	smul.u32 $0x14000, s2  }
0x5: {  	s18 =	simm.s32 $0x1;
	s21 =	simm.s32 $0x0;
	s9 =	smul.u32 $0x50000, s2  }
0x6: {  	s6 =	sand.u32 $0x1, s0;
	s0 =	rddreg [dreg:$0x3];
	s15 =	smul.u32 $0x4F0, s2  }
0x7: {  	[smem:$0x7FF] =	sst s3;
	s4 =	sadd.s32 $0x6AC00, s5;
	s12 =	smul.u32 $0x4F00, s6  }
0x8: {  	s19 =	sshll.u32 s2, $0x6;
	s7 =	smul.u32 $0x140000, s6;
	_ =	strace $0x80000050  }
0x9: {  	s6 =	ssub.s32 $0x2, s6;
	s19 =	sor.u32 $0x1C02, s19;
	s30 =	sshrl.u32 s9, $0x2  }
0xa: {  	s31 =	sshrl.u32 s6, $0x1;
	s13 =	sadd.s32 s12, s5;
	s7 =	sadd.s32 s8, s7  }
0xb: {  	s14 =	ssub.s32 s6, s31;
	s16 =	sadd.s32 s12, s11;
	s7 =	sshrl.u32 s7, $0x3  }
0xc: {  	s13 =	sadd.s32 s15, s13;
	s11 =	smax.u32 s14, $0x1;
	s14 =	simm.s32 $0x4100  }
0xd: {  	s10 =	sadd.s32 s7, s5;
	s5 =	sadd.s32 s30, s1;
	s12 =	sadd.s32 $0x60E00, s13  }
0xe: {  	s13 =	sadd.s32 s15, s16;
	s15 =	simm.s32 $0x2;
	s16 =	simm.s32 $0x80  }
0xf: {  	s6 =	sadd.s32 $0x4000, s5;
	s7 =	sadd.s32 $0x8000, s5;
	s8 =	sadd.s32 $0xC000, s5  }
0x10: {  	v0 =	vimm.f32 $0.0e+00;
	s9 =	sadd.s32 $0x10000, s5;
	s10 =	sadd.s32 $0x91E00, s10;
	s20 =	sshrl.u32 s5, $0x3  }
.LBB2_1:
0x11: {  	s22 =	simm.s32 $0x0;
	s23 =	simm.s32 $0x200  }
.LBB2_2:
0x12: {  	p0 =	sne.s32 s23, $0xFE00;
	[tilespmem:s22+$0x4170] =	vst v0  }
0x13: {  	[tilespmem:s22+$0x4100] =	vst v0  }
0x14: {  	[tilespmem:s22+$0x4110] =	vst v0  }
.Ltmp0:
0x15: {  	[tilespmem:s22+$0x4120] =	vst v0;
	(pc) =	sbr.rel @p0 .LBB2_2-.Ltmp0, $4  }
0x16: {  	[tilespmem:s22+$0x4130] =	vst v0  }
0x17: {  	[tilespmem:s22+$0x4140] =	vst v0  }
0x18: {  	[tilespmem:s22+$0x4150] =	vst v0  }
0x19: {  	[tilespmem:s22+$0x4160] =	vst v0;
	s22 =	sshra.s32 s23, $0x2;
	s23 =	sadd.s32 $0x200, s23  }
0x1a: {  	[tilespmem:s22+$0x4170] =	vst v0  }
0x1b: {  	[tilespmem:s22+$0x4100] =	vst v0  }
0x1c: {  	[tilespmem:s22+$0x4110] =	vst v0  }
0x1d: {  	[tilespmem:s22+$0x4120] =	vst v0  }
0x1e: {  	[tilespmem:s22+$0x4130] =	vst v0  }
0x1f: {  	[tilespmem:s22+$0x4140] =	vst v0  }
0x20: {  	[tilespmem:s22+$0x4150] =	vst v0  }
0x21: {  	[tilespmem:s22+$0x4160] =	vst v0  }
0x22: {  	[spmem:s5] =	stream.linear.scatter [tilespmem:s14], [sflag:$0x2], $0x4000, $0x38;
	[tilespmem:$0x1C100] =	vst v63  }
0x23: {  	_ =	swait.ge [sflag:s15], $0x4000  }
0x24: {  	[sflag:s15] =	ssyncset.done $0x0  }
0x25: {  	[sflag:s15] =	ssyncadd.s32 $0xFFFFC000  }
0x26: {  	[spmem:s6] =	stream.linear.scatter [tilespmem:s14], [sflag:$0x2], $0x4000, $0x38;
	[tilespmem:$0x1C100] =	vst v63  }
0x27: {  	_ =	swait.ge [sflag:s15], $0x4000  }
0x28: {  	[sflag:s15] =	ssyncset.done $0x0  }
0x29: {  	[sflag:s15] =	ssyncadd.s32 $0xFFFFC000  }
0x2a: {  	[spmem:s7] =	stream.linear.scatter [tilespmem:s14], [sflag:$0x2], $0x4000, $0x38;
	[tilespmem:$0x1C100] =	vst v63  }
0x2b: {  	_ =	swait.ge [sflag:s15], $0x4000  }
0x2c: {  	[sflag:s15] =	ssyncset.done $0x0  }
0x2d: {  	[sflag:s15] =	ssyncadd.s32 $0xFFFFC000  }
0x2e: {  	[spmem:s8] =	stream.linear.scatter [tilespmem:s14], [sflag:$0x2], $0x4000, $0x38;
	[tilespmem:$0x1C100] =	vst v63  }
0x2f: {  	_ =	swait.ge [sflag:s15], $0x4000  }
0x30: {  	[sflag:s15] =	ssyncset.done $0x0  }
0x31: {  	[sflag:s15] =	ssyncadd.s32 $0xFFFFC000  }
0x32: {  	[spmem:s9] =	stream.linear.scatter [tilespmem:s14], [sflag:$0x2], $0x4000, $0x38;
	[tilespmem:$0x1C100] =	vst v63  }
0x33: {  	_ =	swait.ge [sflag:s15], $0x4000  }
0x34: {  	[sflag:s15] =	ssyncset.done $0x0  }
0x35: {  	[sflag:s15] =	ssyncadd.s32 $0xFFFFC000  }
0x36: {  	s30 =	sadd.s32 $0x0, s13;
	[bflag:$0x0] =	sbarrier.arrive $0xFFFF  }
0x37: {  	[tilespmem:s3], [sflag:$0x2] =	stream.linear.gather [hbm4b:s30+s3], $0x80, $0x38;
	[tilespmem:$0x1C100] =	vst v63  }
0x38: {  	_ =	swait.ge [sflag:s15], $0x80  }
0x39: {  	[sflag:s15] =	ssyncset.done $0x0  }
0x3a: {  	s31 =	sadd.s32 $0x0, s12;
	[sflag:s15] =	ssyncadd.s32 $0xFFFFFF80  }
0x3b: {  	[tilespmem:s16], [sflag:$0x2] =	stream.linear.gather [hbm4b:s31+s3], $0x80, $0x38;
	[tilespmem:$0x1C100] =	vst v63  }
0x3c: {  	_ =	swait.ge [sflag:s15], $0x80  }
0x3d: {  	[sflag:s15] =	ssyncset.done $0x0  }
0x3e: {  	[sflag:s15] =	ssyncadd.s32 $0xFFFFFF80  }
0x3f: {  	[tilespmem:s17], [sflag:$0x1] =	stream.indirect.gather [hbm4b:s4+s16], $0x80, s3, s16, $0xb8;
	[tilespmem:$0x1C100] =	vst v63  }
0x40: {  	_ =	swait.ge [sflag:s18], $0x4000  }
0x41: {  	[sflag:s18] =	ssyncset.done $0x0  }
0x42: {  	[sflag:s18] =	ssyncadd.s32 $0xFFFFC000  }
0x43: {  	[spmem:s1] =	stream.indirect.scatter.add.f32 [tilespmem:s17], [sflag:$0x2], $0x80, s16, s16, $0xb8;
	[tilespmem:$0x1C100] =	vst v63  }
0x44: {  	_ =	swait.ge [sflag:s15], $0x4000  }
0x45: {  	s22 =	simm.s32 $0x10;
	s23 =	simm.s32 $0x20;
	[sflag:s15] =	ssyncset.done $0x0  }
.LBB2_4:
0x46: {  	s24 =	sadd.s32 s22, s13  }
0x47: {  	[sflag:s15] =	ssyncadd.s32 $0xFFFFC000;
	s25 =	smov.u32 s23;
	s26 =	sadd.s32 $0x10, s23  }
0x48: {  	[tilespmem:s3], [sflag:$0x2] =	stream.linear.gather [hbm4b:s24+s3], $0x80, $0x38;
	[tilespmem:$0x1C100] =	vst v63  }
0x49: {  	p0 =	sne.s32 s23, $0x4E0;
	_ =	swait.ge [sflag:s15], $0x80  }
0x4a: {  	[sflag:s15] =	ssyncset.done $0x0  }
0x4b: {  	s23 =	sadd.s32 s22, s12;
	s22 =	smov.u32 s25;
	[sflag:s15] =	ssyncadd.s32 $0xFFFFFF80  }
0x4c: {  	[tilespmem:s16], [sflag:$0x2] =	stream.linear.gather [hbm4b:s23+s3], $0x80, $0x38;
	[tilespmem:$0x1C100] =	vst v63  }
0x4d: {  	_ =	swait.ge [sflag:s15], $0x80  }
0x4e: {  	[sflag:s15] =	ssyncset.done $0x0  }
0x4f: {  	[sflag:s15] =	ssyncadd.s32 $0xFFFFFF80  }
0x50: {  	[tilespmem:s17], [sflag:$0x1] =	stream.indirect.gather [hbm4b:s4+s16], $0x80, s3, s16, $0xb8;
	[tilespmem:$0x1C100] =	vst v63  }
0x51: {  	_ =	swait.ge [sflag:s18], $0x4000  }
.Ltmp1:
0x52: {  	[sflag:s18] =	ssyncset.done $0x0;
	(pc) =	sbr.rel @p0 .LBB2_4-.Ltmp1, $4  }
0x53: {  	[sflag:s18] =	ssyncadd.s32 $0xFFFFC000  }
0x54: {  	[spmem:s1] =	stream.indirect.scatter.add.f32 [tilespmem:s17], [sflag:$0x2], $0x80, s16, s16, $0xb8;
	[tilespmem:$0x1C100] =	vst v63  }
0x55: {  	_ =	swait.ge [sflag:s15], $0x4000  }
0x56: {  	s23 =	smov.u32 s26;
	[sflag:s15] =	ssyncset.done $0x0  }
0x57: {  	s23 =	sadd.s32 s22, s13;
	[sflag:s15] =	ssyncadd.s32 $0xFFFFC000  }
0x58: {  	[tilespmem:s3], [sflag:$0x2] =	stream.linear.gather [hbm4b:s23+s3], $0x80, $0x38;
	[tilespmem:$0x1C100] =	vst v63  }
0x59: {  	_ =	swait.ge [sflag:s15], $0x80  }
0x5a: {  	[sflag:s15] =	ssyncset.done $0x0  }
0x5b: {  	s31 =	sadd.s32 s22, s12;
	[sflag:s15] =	ssyncadd.s32 $0xFFFFFF80  }
0x5c: {  	[tilespmem:s16], [sflag:$0x2] =	stream.linear.gather [hbm4b:s31+s3], $0x80, $0x38;
	[tilespmem:$0x1C100] =	vst v63  }
0x5d: {  	_ =	swait.ge [sflag:s15], $0x80  }
0x5e: {  	[sflag:s15] =	ssyncset.done $0x0  }
0x5f: {  	[sflag:s15] =	ssyncadd.s32 $0xFFFFFF80  }
0x60: {  	[tilespmem:s17], [sflag:$0x1] =	stream.indirect.gather [hbm4b:s4+s16], $0x80, s3, s16, $0xb8;
	[tilespmem:$0x1C100] =	vst v63  }
0x61: {  	_ =	swait.ge [sflag:s18], $0x4000  }
0x62: {  	[sflag:s18] =	ssyncset.done $0x0  }
0x63: {  	[sflag:s18] =	ssyncadd.s32 $0xFFFFC000  }
0x64: {  	[spmem:s1] =	stream.indirect.scatter.add.f32 [tilespmem:s17], [sflag:$0x2], $0x80, s16, s16, $0xb8;
	[tilespmem:$0x1C100] =	vst v63  }
0x65: {  	_ =	swait.ge [sflag:s15], $0x4000  }
0x66: {  	s21 =	sadd.s32 $0x1, s21;
	[sflag:s15] =	ssyncset.done $0x0  }
0x67: {  	p0 =	sne.s32 s21, s11;
	[sflag:s15] =	ssyncadd.s32 $0xFFFFC000  }
.Ltmp2:
0x68: {  	[bflag:$0x0] =	sbarrier.arrive $0xFFFF;
	(pc) =	sbr.rel @p0 .LBB2_1-.Ltmp2, $4  }
0x69: {  	[hbm:s10], [sflag:s19] =	dma.local [spmem:s20], $0x2800  }
0x6a: {  	_ =	swait.ge [sflag:s15], $0x2800  }
0x6b: {  	[sflag:s15] =	ssyncset.done $0x0  }
0x6c: {  	[sflag:s15] =	ssyncadd.s32 $0xFFFFD800  }
0x6d: {  	_ =	sfence.sel $0x180000  }
0x6e: {  	[bflag:$0x0] =	sbarrier.arrive $0xFFFF  }
0x6f: {  	p0 =	sne.s32 s2, $0x0;
	_ =	strace $0x90000050  }
0x70: {  	s0 =	sadd.s32 @!p0 $0x100000, s0;
	[bflag:$0x2] =	sbarrier.arrive $0xFFFF  }
0x71: {  	[sflag:s0] =	ssyncadd.tile.s32 @!p0 $0x1;
	_ =	shalt  }
.Lfunc_end2:
_tile_overlayer_lowered:
.L_overlay_start_2:
0x72: {  	(tag) =	ssettag $0x2  }
0x73: {  	s0 =	rddreg [dreg:$0x0];
	s2 =	stileid.u32  }
0x74: {  	s1 =	rddreg [dreg:$0x1];
	p0 =	sne.s32 s2, $0x0  }
0x75: {  	s3 =	rddreg [dreg:$0x2];
	[bflag:$0x3] =	sbarrier.arrive $0xFFFF;
	s2 =	simm.s32 @!p0 $0x1C02  }
0x76: {  	[timem:s3], [sflag:s2] =	dma.local @!p0 [hbm:s0], s1  }
0x77: {  	s0 =	simm.s32 @!p0 $0x2  }
0x78: {  	_ =	swait.ge @!p0 [sflag:s0], s1  }
0x79: {  	s1 =	ssub.s32 @!p0 $0x0, s1;
	[sflag:s0] =	ssyncset.done @!p0 $0x0  }
0x7a: {  	[sflag:s0] =	ssyncadd.s32 @!p0 s1  }
0x7b: {  	[bflag:$0x3] =	sbarrier.arrive $0xFFFF  }
0x7c: {  	_ =	shalt  }

// kernel: kernel.33.cloned.1.call-start
scs
__scs_entry_jumppad:
0x0: {  	(pc) =	sbr.rel $0x88, $3  }
0x1: {  	(tag) =	ssettag $0x0;
	lr =	simm.s32 $0x1  }
0x2: {  	[smem:$0x3F99] =	sst lr;
	_ =	strace $0xD0000000  }
0x3: {  	_ = 	snop  }
0x4: {  	_ = 	snop  }
0x5: {  	_ = 	snop  }
0x6: {  	_ = 	snop  }
0x7: {  	_ = 	snop  }
__scs_overlays_trampoline_lowered:
0x8: {  	[smem:$0x3FA8] =	sst s0  }
0x9: {  	[smem:$0x3FA9] =	sst s1  }
0xa: {  	[smem:$0x3FAA] =	sst s2  }
0xb: {  	[smem:$0x3FAB] =	sst s3  }
0xc: {  	[smem:$0x3FAC] =	sst s4  }
0xd: {  	[smem:$0x3FAD] =	sst s5  }
0xe: {  	[smem:$0x3FAE] =	sst s6  }
0xf: {  	[smem:$0x3FAF] =	sst s7  }
0x10: {  	[smem:$0x3FB0] =	sst s8  }
0x11: {  	[smem:$0x3FB1] =	sst s9;
	s0 =	simm.s32 @!p0 $0x0  }
0x12: {  	s1 =	sld [smem:$0x3F97];
	s0 =	simm.s32 @p0 $0x1  }
0x13: {  	[smem:$0x3FB2] =	sst s0;
	s0 =	simm.s32 @!p1 $0x0  }
0x14: {  	s2 =	sld [smem:$0x3F96];
	s0 =	simm.s32 @p1 $0x1  }
0x15: {  	[smem:$0x3FB3] =	sst s0;
	s0 =	simm.s32 @!p2 $0x0  }
0x16: {  	s3 =	sld [smem:$0x3FDB];
	s0 =	simm.s32 @p2 $0x1  }
0x17: {  	s4 =	simm.s32 $0x1BF5;
	[smem:$0x3FB5] =	sst s0  }
0x18: {  	s0 =	sld [smem:$0x3F98];
	_ =	swait.ge [sflag:s4], $0x0  }
0x19: {  	s7 =	sld [smem:$0x3F99]  }
0x1a: {  	s8 =	sadd.s32 $0xFFFFE003, lr  }
0x1b: {  	s9 =	sadd.s32 $0xFFFFFEF7, lr;
	s5 =	simm.s32 $0xFFFFFFFF;
	p2 =	slt.u32 s8, $0xFFFFF086  }
0x1c: {  	p1 =	slt.u32 s9, $0xF7A;
	s5 =	simm.s32 @!p2 $0x0  }
0x1d: {  	s5 =	simm.s32 @p1 $0x1;
	p0 =	seq.s32 s7, s2  }
0x1e: {  	s7 =	smul.u32 @!p0 $0xF7A, s2;
	p2 =	seq.s32 @!p0 s5, $0x0  }
0x1f: {  	s9 =	smul.u32 $0xF7A, s1;
	s8 =	simm.s32 @!p0 $0x1BF5;
	p2 =	por !p2, p0  }
0x20: {  	[sflag:s8] =	ssyncset.s32 @!p0 $0xFFFFF086;
	s6 =	sadd.s32 @!p0 s3, s7;
	s7 =	simm.s32 @!p0 $0x108  }
0x21: {  	s3 =	sadd.s32 s3, s9;
	s6 =	sadd.s32 @!p0 $0x88, s6;
	s7 =	simm.s32 @p2 $0x1082  }
0x22: {  	[simem:s7], [sflag:s8] =	dma.local @!p0 [hbm:s6], $0xF7A  }
0x23: {  	s9 =	sor.u32 $0xD0000000, s2;
	s6 =	simm.s32 $0x108;
	_ =	swait.ge @!p0 [sflag:s8], $0x0  }
0x24: {  	s3 =	sadd.s32 $0x88, s3;
	s6 =	simm.s32 @!p1 $0x1082;
	[sflag:s4] =	ssyncset.s32 $0xFFFFF086  }
0x25: {  	[simem:s6], [sflag:s4] =	dma.local [hbm:s3], $0xF7A  }
0x26: {  	[smem:$0x3F99] =	sst s1;
	(tag) =	ssettag s2;
	_ =	strace s9  }
0x27: {  	s1 =	sld [smem:$0x3FA9]  }
0x28: {  	s2 =	sld [smem:$0x3FAA]  }
0x29: {  	s4 =	sld [smem:$0x3FAC]  }
0x2a: {  	p0 =	seq.s32 s5, $0x0;
	s5 =	sld [smem:$0x3FAD]  }
0x2b: {  	s6 =	sld [smem:$0x3FAE]  }
0x2c: {  	s7 =	sld [smem:$0x3FAF]  }
0x2d: {  	s3 =	simm.s32 $0x108;
	s8 =	sld [smem:$0x3FB0]  }
0x2e: {  	s3 =	simm.s32 @!p0 $0x1082;
	s9 =	sld [smem:$0x3FB1]  }
0x2f: {  	lr =	sadd.s32 s0, s3;
	s0 =	sld [smem:$0x3FA8]  }
0x30: {  	s3 =	sld [smem:$0x3FAB]  }
0x31: {  	[smem:$0x3FB4] =	sst s10  }
0x32: {  	s10 =	sld [smem:$0x3FB2];
	_ =	sdelay $0x3  }
0x33: {  	p0 =	seq.s32 s10, $0x1;
	s10 =	sld [smem:$0x3FB4];
	_ =	sdelay $0x3  }
0x34: {  	[smem:$0x3FB4] =	sst s10  }
0x35: {  	s10 =	sld [smem:$0x3FB3];
	_ =	sdelay $0x3  }
0x36: {  	p1 =	seq.s32 s10, $0x1;
	s10 =	sld [smem:$0x3FB4];
	_ =	sdelay $0x3  }
0x37: {  	[smem:$0x3FB4] =	sst s10  }
0x38: {  	s10 =	sld [smem:$0x3FB5]  }
0x39: {  	_ = 	snop;
	(pc) =	sbr.ind lr, $3  }
0x3a: {  	_ = 	snop  }
0x3b: {  	_ = 	snop  }
0x3c: {  	p2 =	seq.s32 s10, $0x1;
	s10 =	sld [smem:$0x3FB4]  }
0x3d: {  	_ =	shalt  }
0x3e: {  	_ =	shalt  }
0x3f: {  	_ =	shalt  }
0x40: {  	_ =	shalt  }
0x41: {  	_ =	shalt  }
0x42: {  	_ =	shalt  }
0x43: {  	_ =	shalt  }
0x44: {  	_ =	shalt  }
0x45: {  	_ =	shalt  }
0x46: {  	_ =	shalt  }
0x47: {  	_ =	shalt  }
0x48: {  	_ =	shalt  }
0x49: {  	_ =	shalt  }
0x4a: {  	_ =	shalt  }
0x4b: {  	_ =	shalt  }
0x4c: {  	_ =	shalt  }
0x4d: {  	_ =	shalt  }
0x4e: {  	_ =	shalt  }
0x4f: {  	_ =	shalt  }
0x50: {  	_ =	shalt  }
0x51: {  	_ =	shalt  }
0x52: {  	_ =	shalt  }
0x53: {  	_ =	shalt  }
0x54: {  	_ =	shalt  }
0x55: {  	_ =	shalt  }
0x56: {  	_ =	shalt  }
0x57: {  	_ =	shalt  }
0x58: {  	_ =	shalt  }
0x59: {  	_ =	shalt  }
0x5a: {  	_ =	shalt  }
0x5b: {  	_ =	shalt  }
0x5c: {  	_ =	shalt  }
0x5d: {  	_ =	shalt  }
0x5e: {  	_ =	shalt  }
0x5f: {  	_ =	shalt  }
0x60: {  	_ =	shalt  }
0x61: {  	_ =	shalt  }
0x62: {  	_ =	shalt  }
0x63: {  	_ =	shalt  }
0x64: {  	_ =	shalt  }
0x65: {  	_ =	shalt  }
0x66: {  	_ =	shalt  }
0x67: {  	_ =	shalt  }
0x68: {  	_ =	shalt  }
0x69: {  	_ =	shalt  }
0x6a: {  	_ =	shalt  }
0x6b: {  	_ =	shalt  }
0x6c: {  	_ =	shalt  }
0x6d: {  	_ =	shalt  }
0x6e: {  	_ =	shalt  }
0x6f: {  	_ =	shalt  }
0x70: {  	_ =	shalt  }
0x71: {  	_ =	shalt  }
0x72: {  	_ =	shalt  }
0x73: {  	_ =	shalt  }
0x74: {  	_ =	shalt  }
0x75: {  	_ =	shalt  }
0x76: {  	_ =	shalt  }
0x77: {  	_ =	shalt  }
0x78: {  	_ =	shalt  }
0x79: {  	_ =	shalt  }
0x7a: {  	_ =	shalt  }
0x7b: {  	_ =	shalt  }
0x7c: {  	_ =	shalt  }
0x7d: {  	_ =	shalt  }
0x7e: {  	_ =	shalt  }
0x7f: {  	_ =	shalt  }
0x80: {  	_ =	shalt  }
0x81: {  	_ =	shalt  }
0x82: {  	_ =	shalt  }
0x83: {  	_ =	shalt  }
0x84: {  	_ =	shalt  }
0x85: {  	_ =	shalt  }
0x86: {  	_ =	shalt  }
0x87: {  	_ =	shalt  }
.Lfunc_end0:
.L_simem_size_0:
called_computation.4_lowered:
.L_overlay_start_0:
0x88: {  	s2 =	sld [smem:$0x3FD9]  }
0x89: {  	s3 =	sld [smem:$0x3FFE];
	_ =	sdelay $0x1  }
0x8a: {  	s1 =	srdreg.scid  }
0x8b: {  	s0 =	sand.u32 $0x1, s1  }
0x8c: {  	s17 =	sshll.u32 s0, $0xA;
	s2 =	sadd.s32 s3, s2  }
0x8d: {  	s2 =	sadd.s32 s2, s17  }
0x8e: {  	[smem:$0x3FC0] =	sst s2  }
0x8f: {  	_ = 	snop  }
0x90: {  	s2 =	sld [smem:$0x3FD0];
	(tm) =	ssettm $0x1  }
0x91: {  	s18 =	sld [smem:$0x3FFB];
	_ =	sdelay $0x3  }
0x92: {  	_ =	strace s18  }
0x93: {  	s3 =	sld [smem:$0x3FFC];
	_ =	sdelay $0x3  }
0x94: {  	_ =	strace s3  }
0x95: {  	s3 =	sld [smem:$0x3FFD];
	_ =	sdelay $0x3  }
0x96: {  	_ =	strace s3  }
0x97: {  	_ =	strace $0x8FFFFFFF  }
0x98: {  	s19 =	sld [smem:$0x3FDB];
	_ =	sdelay $0x1  }
0x99: {  	s4 =	simm.s32 $_scs_section_size  }
0x9a: {  	s5 =	simm.s32 $_size__tile_overlayer_lowered;
	s6 =	simm.s32 $_tile_overlayer_lowered  }
0x9b: {  	s22 =	simm.s32 $0x1BFF;
	s21 =	sshll.u32 s6, $0x1;
	s3 =	sadd.s32 s4, s19  }
0x9c: {  	s7 =	simm.s32 $0x0;
	s20 =	sshll.u32 s5, $0x1;
	s5 =	sadd.s32 s21, s3  }
0x9d: {  	[timem:s7], [sflag:s22] =	dma.local [hbm:s5], s20  }
0x9e: {  	_ =	swait.ge [sflag:s22], s20  }
0x9f: {  	s4 =	ssub.s32 $0x0, s20;
	[sflag:s22] =	ssyncset.done $0x0  }
0xa0: {  	[sflag:s22] =	ssyncadd.s32 s4;
	_ =	sdelay $0x1  }
0xa1: {  	s23 =	simm.s32 $0x1B8B  }
0xa2: {  	_ =	swait.ge [sflag:s23], $0x1  }
0xa3: {  	[sflag:s23] =	ssyncset.done $0x0  }
0xa4: {  	s25 =	simm.s32 $0x1B8E;
	s24 =	sld [smem:$0x3FFE];
	[sflag:s23] =	ssyncadd.s32 $0xFFFFFFFF  }
0xa5: {  	s26 =	simm.s32 $execute0_lowered;
	[smem:$0x3FD2] =	sst s25  }
0xa6: {  	s5 =	sshll.u32 s26, $0x1;
	_ =	strace $0x80000052;
	[dreg:$0x1] =	wrdreg $0xFFFFFFFF  }
0xa7: {  	s28 =	simm.s32 $_size_execute0_lowered;
	s3 =	sadd.s32 s3, s5;
	[dreg:$0x0] =	wrdreg $0x0  }
0xa8: {  	s5 =	sshll.u32 s28, $0x1;
	[dreg:$0x2] =	wrdreg s3  }
0xa9: {  	[dreg:$0x3] =	wrdreg s5  }
0xaa: {  	[dreg:$0x4] =	wrdreg $0xC0  }
0xab: {  	_ =	task [dreg:s7], $0x5FFFF  }
0xac: {  	[dreg:$0x1] =	wrdreg $0xFFFFFFFF  }
0xad: {  	[dreg:$0x0] =	wrdreg $0x60  }
0xae: {  	[dreg:$0x2] =	wrdreg s24  }
0xaf: {  	[dreg:$0x3] =	wrdreg s2  }
0xb0: {  	[dreg:$0x4] =	wrdreg $0x81000  }
0xb1: {  	[dreg:$0x5] =	wrdreg $0x9  }
0xb2: {  	_ =	task.clear_ibuf [dreg:s7], $0x6FFFF;
	_ =	strace $0x90000052  }
0xb3: {  	s29 =	simm.s32 $0x9;
	_ =	strace $0x80000054  }
0xb4: {  	_ =	swait.ge [sflag:s29], $0x1  }
0xb5: {  	[sflag:s29] =	ssyncadd.s32 $0xFFFFFFFF  }
0xb6: {  	_ =	strace $0x90000054  }
0xb7: {  	_ =	sfence  }
0xb8: {  	s30 =	sld [smem:$0x0];
	_ =	sdelay $0x2  }
0xb9: {  	s31 =	sshll.u32 s1, $0xD;
	s1 =	sshrl.u32 s1, $0x2  }
0xba: {  	s3 =	sand.u32 $0x4000, s31;
	s1 =	sadd.s32 s1, s30  }
0xbb: {  	s0 =	sor.u32 s3, s0;
	s1 =	sshll.u32 s1, $0x11  }
0xbc: {  	s0 =	sor.u32 s1, s0  }
0xbd: {  	s0 =	sadd.s32 $0x8F2B, s0  }
0xbe: {  	[sflag:s0] =	ssyncadd.remote.s32 $0x1  }
0xbf: {  	_ =	sfence.sel $0xFFFF  }
0xc0: {  	[dreg:$0x0] =	wrdreg $0xFFFFFFFF;
	(pc) =	sbr.abs _section_cstart, $3  }
0xc1: {  	[dreg:$0x1] =	wrdreg $0xFFFFFFFF  }
0xc2: {  	_ =	task.clear_ibuf [dreg:s7], $0x2FFFF;
	_ =	strace $0x9FFFFFFF  }
0xc3: {  	(tm) =	ssettm $0x7FFFFFFF  }
tec
execute0_lowered:
.L_overlay_start_1:
0x0: {  	(tag) =	ssettag $0x1  }
0x1: {  	s5 =	rddreg [dreg:$0x0]  }
0x2: {  	s11 =	rddreg [dreg:$0x1];
	s0 =	srdreg.scid  }
0x3: {  	s1 =	rddreg [dreg:$0x2];
	s2 =	stileid.u32  }
0x4: {  	s3 =	simm.s32 $0x0;
	s17 =	simm.s32 $0x100;
	s8 =	smul.u32 $0x14000, s2  }
0x5: {  	s18 =	simm.s32 $0x1;
	s21 =	simm.s32 $0x0;
	s9 =	smul.u32 $0x50000, s2  }
0x6: {  	s6 =	sand.u32 $0x1, s0;
	s0 =	rddreg [dreg:$0x3];
	s15 =	smul.u32 $0x4F0, s2  }
0x7: {  	[smem:$0x7FF] =	sst s3;
	s4 =	sadd.s32 $0x6AC00, s5;
	s12 =	smul.u32 $0x4F00, s6  }
0x8: {  	s19 =	sshll.u32 s2, $0x6;
	s7 =	smul.u32 $0x140000, s6;
	_ =	strace $0x80000053  }
0x9: {  	s6 =	ssub.s32 $0x2, s6;
	s19 =	sor.u32 $0x1C02, s19;
	s30 =	sshrl.u32 s9, $0x2  }
0xa: {  	s31 =	sshrl.u32 s6, $0x1;
	s13 =	sadd.s32 s12, s5;
	s7 =	sadd.s32 s8, s7  }
0xb: {  	s14 =	ssub.s32 s6, s31;
	s16 =	sadd.s32 s12, s11;
	s7 =	sshrl.u32 s7, $0x3  }
0xc: {  	s13 =	sadd.s32 s15, s13;
	s11 =	smax.u32 s14, $0x1;
	s14 =	simm.s32 $0x4100  }
0xd: {  	s10 =	sadd.s32 s7, s5;
	s5 =	sadd.s32 s30, s1;
	s12 =	sadd.s32 $0x60E00, s13  }
0xe: {  	s13 =	sadd.s32 s15, s16;
	s15 =	simm.s32 $0x2;
	s16 =	simm.s32 $0x80  }
0xf: {  	s6 =	sadd.s32 $0x4000, s5;
	s7 =	sadd.s32 $0x8000, s5;
	s8 =	sadd.s32 $0xC000, s5  }
0x10: {  	v0 =	vimm.f32 $0.0e+00;
	s9 =	sadd.s32 $0x10000, s5;
	s10 =	sadd.s32 $0x91E00, s10;
	s20 =	sshrl.u32 s5, $0x3  }
.LBB2_1:
0x11: {  	s22 =	simm.s32 $0x0;
	s23 =	simm.s32 $0x200  }
.LBB2_2:
0x12: {  	p0 =	sne.s32 s23, $0xFE00;
	[tilespmem:s22+$0x4170] =	vst v0  }
0x13: {  	[tilespmem:s22+$0x4100] =	vst v0  }
0x14: {  	[tilespmem:s22+$0x4110] =	vst v0  }
.Ltmp0:
0x15: {  	[tilespmem:s22+$0x4120] =	vst v0;
	(pc) =	sbr.rel @p0 .LBB2_2-.Ltmp0, $4  }
0x16: {  	[tilespmem:s22+$0x4130] =	vst v0  }
0x17: {  	[tilespmem:s22+$0x4140] =	vst v0  }
0x18: {  	[tilespmem:s22+$0x4150] =	vst v0  }
0x19: {  	[tilespmem:s22+$0x4160] =	vst v0;
	s22 =	sshra.s32 s23, $0x2;
	s23 =	sadd.s32 $0x200, s23  }
0x1a: {  	[tilespmem:s22+$0x4170] =	vst v0  }
0x1b: {  	[tilespmem:s22+$0x4100] =	vst v0  }
0x1c: {  	[tilespmem:s22+$0x4110] =	vst v0  }
0x1d: {  	[tilespmem:s22+$0x4120] =	vst v0  }
0x1e: {  	[tilespmem:s22+$0x4130] =	vst v0  }
0x1f: {  	[tilespmem:s22+$0x4140] =	vst v0  }
0x20: {  	[tilespmem:s22+$0x4150] =	vst v0  }
0x21: {  	[tilespmem:s22+$0x4160] =	vst v0  }
0x22: {  	[spmem:s5] =	stream.linear.scatter [tilespmem:s14], [sflag:$0x2], $0x4000, $0x38;
	[tilespmem:$0x1C100] =	vst v63  }
0x23: {  	_ =	swait.ge [sflag:s15], $0x4000  }
0x24: {  	[sflag:s15] =	ssyncset.done $0x0  }
0x25: {  	[sflag:s15] =	ssyncadd.s32 $0xFFFFC000  }
0x26: {  	[spmem:s6] =	stream.linear.scatter [tilespmem:s14], [sflag:$0x2], $0x4000, $0x38;
	[tilespmem:$0x1C100] =	vst v63  }
0x27: {  	_ =	swait.ge [sflag:s15], $0x4000  }
0x28: {  	[sflag:s15] =	ssyncset.done $0x0  }
0x29: {  	[sflag:s15] =	ssyncadd.s32 $0xFFFFC000  }
0x2a: {  	[spmem:s7] =	stream.linear.scatter [tilespmem:s14], [sflag:$0x2], $0x4000, $0x38;
	[tilespmem:$0x1C100] =	vst v63  }
0x2b: {  	_ =	swait.ge [sflag:s15], $0x4000  }
0x2c: {  	[sflag:s15] =	ssyncset.done $0x0  }
0x2d: {  	[sflag:s15] =	ssyncadd.s32 $0xFFFFC000  }
0x2e: {  	[spmem:s8] =	stream.linear.scatter [tilespmem:s14], [sflag:$0x2], $0x4000, $0x38;
	[tilespmem:$0x1C100] =	vst v63  }
0x2f: {  	_ =	swait.ge [sflag:s15], $0x4000  }
0x30: {  	[sflag:s15] =	ssyncset.done $0x0  }
0x31: {  	[sflag:s15] =	ssyncadd.s32 $0xFFFFC000  }
0x32: {  	[spmem:s9] =	stream.linear.scatter [tilespmem:s14], [sflag:$0x2], $0x4000, $0x38;
	[tilespmem:$0x1C100] =	vst v63  }
0x33: {  	_ =	swait.ge [sflag:s15], $0x4000  }
0x34: {  	[sflag:s15] =	ssyncset.done $0x0  }
0x35: {  	[sflag:s15] =	ssyncadd.s32 $0xFFFFC000  }
0x36: {  	s30 =	sadd.s32 $0x0, s13;
	[bflag:$0x0] =	sbarrier.arrive $0xFFFF  }
0x37: {  	[tilespmem:s3], [sflag:$0x2] =	stream.linear.gather [hbm4b:s30+s3], $0x80, $0x38;
	[tilespmem:$0x1C100] =	vst v63  }
0x38: {  	_ =	swait.ge [sflag:s15], $0x80  }
0x39: {  	[sflag:s15] =	ssyncset.done $0x0  }
0x3a: {  	s31 =	sadd.s32 $0x0, s12;
	[sflag:s15] =	ssyncadd.s32 $0xFFFFFF80  }
0x3b: {  	[tilespmem:s16], [sflag:$0x2] =	stream.linear.gather [hbm4b:s31+s3], $0x80, $0x38;
	[tilespmem:$0x1C100] =	vst v63  }
0x3c: {  	_ =	swait.ge [sflag:s15], $0x80  }
0x3d: {  	[sflag:s15] =	ssyncset.done $0x0  }
0x3e: {  	[sflag:s15] =	ssyncadd.s32 $0xFFFFFF80  }
0x3f: {  	[tilespmem:s17], [sflag:$0x1] =	stream.indirect.gather [hbm4b:s4+s16], $0x80, s3, s16, $0xb8;
	[tilespmem:$0x1C100] =	vst v63  }
0x40: {  	_ =	swait.ge [sflag:s18], $0x4000  }
0x41: {  	[sflag:s18] =	ssyncset.done $0x0  }
0x42: {  	[sflag:s18] =	ssyncadd.s32 $0xFFFFC000  }
0x43: {  	[spmem:s1] =	stream.indirect.scatter.add.f32 [tilespmem:s17], [sflag:$0x2], $0x80, s16, s16, $0xb8;
	[tilespmem:$0x1C100] =	vst v63  }
0x44: {  	_ =	swait.ge [sflag:s15], $0x4000  }
0x45: {  	s22 =	simm.s32 $0x10;
	s23 =	simm.s32 $0x20;
	[sflag:s15] =	ssyncset.done $0x0  }
.LBB2_4:
0x46: {  	s24 =	sadd.s32 s22, s13  }
0x47: {  	[sflag:s15] =	ssyncadd.s32 $0xFFFFC000;
	s25 =	smov.u32 s23;
	s26 =	sadd.s32 $0x10, s23  }
0x48: {  	[tilespmem:s3], [sflag:$0x2] =	stream.linear.gather [hbm4b:s24+s3], $0x80, $0x38;
	[tilespmem:$0x1C100] =	vst v63  }
0x49: {  	p0 =	sne.s32 s23, $0x4E0;
	_ =	swait.ge [sflag:s15], $0x80  }
0x4a: {  	[sflag:s15] =	ssyncset.done $0x0  }
0x4b: {  	s23 =	sadd.s32 s22, s12;
	s22 =	smov.u32 s25;
	[sflag:s15] =	ssyncadd.s32 $0xFFFFFF80  }
0x4c: {  	[tilespmem:s16], [sflag:$0x2] =	stream.linear.gather [hbm4b:s23+s3], $0x80, $0x38;
	[tilespmem:$0x1C100] =	vst v63  }
0x4d: {  	_ =	swait.ge [sflag:s15], $0x80  }
0x4e: {  	[sflag:s15] =	ssyncset.done $0x0  }
0x4f: {  	[sflag:s15] =	ssyncadd.s32 $0xFFFFFF80  }
0x50: {  	[tilespmem:s17], [sflag:$0x1] =	stream.indirect.gather [hbm4b:s4+s16], $0x80, s3, s16, $0xb8;
	[tilespmem:$0x1C100] =	vst v63  }
0x51: {  	_ =	swait.ge [sflag:s18], $0x4000  }
.Ltmp1:
0x52: {  	[sflag:s18] =	ssyncset.done $0x0;
	(pc) =	sbr.rel @p0 .LBB2_4-.Ltmp1, $4  }
0x53: {  	[sflag:s18] =	ssyncadd.s32 $0xFFFFC000  }
0x54: {  	[spmem:s1] =	stream.indirect.scatter.add.f32 [tilespmem:s17], [sflag:$0x2], $0x80, s16, s16, $0xb8;
	[tilespmem:$0x1C100] =	vst v63  }
0x55: {  	_ =	swait.ge [sflag:s15], $0x4000  }
0x56: {  	s23 =	smov.u32 s26;
	[sflag:s15] =	ssyncset.done $0x0  }
0x57: {  	s23 =	sadd.s32 s22, s13;
	[sflag:s15] =	ssyncadd.s32 $0xFFFFC000  }
0x58: {  	[tilespmem:s3], [sflag:$0x2] =	stream.linear.gather [hbm4b:s23+s3], $0x80, $0x38;
	[tilespmem:$0x1C100] =	vst v63  }
0x59: {  	_ =	swait.ge [sflag:s15], $0x80  }
0x5a: {  	[sflag:s15] =	ssyncset.done $0x0  }
0x5b: {  	s31 =	sadd.s32 s22, s12;
	[sflag:s15] =	ssyncadd.s32 $0xFFFFFF80  }
0x5c: {  	[tilespmem:s16], [sflag:$0x2] =	stream.linear.gather [hbm4b:s31+s3], $0x80, $0x38;
	[tilespmem:$0x1C100] =	vst v63  }
0x5d: {  	_ =	swait.ge [sflag:s15], $0x80  }
0x5e: {  	[sflag:s15] =	ssyncset.done $0x0  }
0x5f: {  	[sflag:s15] =	ssyncadd.s32 $0xFFFFFF80  }
0x60: {  	[tilespmem:s17], [sflag:$0x1] =	stream.indirect.gather [hbm4b:s4+s16], $0x80, s3, s16, $0xb8;
	[tilespmem:$0x1C100] =	vst v63  }
0x61: {  	_ =	swait.ge [sflag:s18], $0x4000  }
0x62: {  	[sflag:s18] =	ssyncset.done $0x0  }
0x63: {  	[sflag:s18] =	ssyncadd.s32 $0xFFFFC000  }
0x64: {  	[spmem:s1] =	stream.indirect.scatter.add.f32 [tilespmem:s17], [sflag:$0x2], $0x80, s16, s16, $0xb8;
	[tilespmem:$0x1C100] =	vst v63  }
0x65: {  	_ =	swait.ge [sflag:s15], $0x4000  }
0x66: {  	s21 =	sadd.s32 $0x1, s21;
	[sflag:s15] =	ssyncset.done $0x0  }
0x67: {  	p0 =	sne.s32 s21, s11;
	[sflag:s15] =	ssyncadd.s32 $0xFFFFC000  }
.Ltmp2:
0x68: {  	[bflag:$0x0] =	sbarrier.arrive $0xFFFF;
	(pc) =	sbr.rel @p0 .LBB2_1-.Ltmp2, $4  }
0x69: {  	[hbm:s10], [sflag:s19] =	dma.local [spmem:s20], $0x2800  }
0x6a: {  	_ =	swait.ge [sflag:s15], $0x2800  }
0x6b: {  	[sflag:s15] =	ssyncset.done $0x0  }
0x6c: {  	[sflag:s15] =	ssyncadd.s32 $0xFFFFD800  }
0x6d: {  	_ =	sfence.sel $0x180000  }
0x6e: {  	[bflag:$0x0] =	sbarrier.arrive $0xFFFF  }
0x6f: {  	p0 =	sne.s32 s2, $0x0;
	_ =	strace $0x90000053  }
0x70: {  	s0 =	sadd.s32 @!p0 $0x100000, s0;
	[bflag:$0x2] =	sbarrier.arrive $0xFFFF  }
0x71: {  	[sflag:s0] =	ssyncadd.tile.s32 @!p0 $0x1;
	_ =	shalt  }
.Lfunc_end2:
_tile_overlayer_lowered:
.L_overlay_start_2:
0x72: {  	(tag) =	ssettag $0x2  }
0x73: {  	s0 =	rddreg [dreg:$0x0];
	s2 =	stileid.u32  }
0x74: {  	s1 =	rddreg [dreg:$0x1];
	p0 =	sne.s32 s2, $0x0  }
0x75: {  	s3 =	rddreg [dreg:$0x2];
	[bflag:$0x3] =	sbarrier.arrive $0xFFFF;
	s2 =	simm.s32 @!p0 $0x1C02  }
0x76: {  	[timem:s3], [sflag:s2] =	dma.local @!p0 [hbm:s0], s1  }
0x77: {  	s0 =	simm.s32 @!p0 $0x2  }
0x78: {  	_ =	swait.ge @!p0 [sflag:s0], s1  }
0x79: {  	s1 =	ssub.s32 @!p0 $0x0, s1;
	[sflag:s0] =	ssyncset.done @!p0 $0x0  }
0x7a: {  	[sflag:s0] =	ssyncadd.s32 @!p0 s1  }
0x7b: {  	[bflag:$0x3] =	sbarrier.arrive $0xFFFF  }
0x7c: {  	_ =	shalt  }

// kernel: kernel.36.cloned.1.call-start
scs
__scs_entry_jumppad:
0x0: {  	(pc) =	sbr.rel $0x88, $3  }
0x1: {  	(tag) =	ssettag $0x0;
	lr =	simm.s32 $0x1  }
0x2: {  	[smem:$0x3F99] =	sst lr;
	_ =	strace $0xD0000000  }
0x3: {  	_ = 	snop  }
0x4: {  	_ = 	snop  }
0x5: {  	_ = 	snop  }
0x6: {  	_ = 	snop  }
0x7: {  	_ = 	snop  }
__scs_overlays_trampoline_lowered:
0x8: {  	[smem:$0x3FA8] =	sst s0  }
0x9: {  	[smem:$0x3FA9] =	sst s1  }
0xa: {  	[smem:$0x3FAA] =	sst s2  }
0xb: {  	[smem:$0x3FAB] =	sst s3  }
0xc: {  	[smem:$0x3FAC] =	sst s4  }
0xd: {  	[smem:$0x3FAD] =	sst s5  }
0xe: {  	[smem:$0x3FAE] =	sst s6  }
0xf: {  	[smem:$0x3FAF] =	sst s7  }
0x10: {  	[smem:$0x3FB0] =	sst s8  }
0x11: {  	[smem:$0x3FB1] =	sst s9;
	s0 =	simm.s32 @!p0 $0x0  }
0x12: {  	s1 =	sld [smem:$0x3F97];
	s0 =	simm.s32 @p0 $0x1  }
0x13: {  	[smem:$0x3FB2] =	sst s0;
	s0 =	simm.s32 @!p1 $0x0  }
0x14: {  	s2 =	sld [smem:$0x3F96];
	s0 =	simm.s32 @p1 $0x1  }
0x15: {  	[smem:$0x3FB3] =	sst s0;
	s0 =	simm.s32 @!p2 $0x0  }
0x16: {  	s3 =	sld [smem:$0x3FDB];
	s0 =	simm.s32 @p2 $0x1  }
0x17: {  	s4 =	simm.s32 $0x1BF5;
	[smem:$0x3FB5] =	sst s0  }
0x18: {  	s0 =	sld [smem:$0x3F98];
	_ =	swait.ge [sflag:s4], $0x0  }
0x19: {  	s7 =	sld [smem:$0x3F99]  }
0x1a: {  	s8 =	sadd.s32 $0xFFFFE003, lr  }
0x1b: {  	s9 =	sadd.s32 $0xFFFFFEF7, lr;
	s5 =	simm.s32 $0xFFFFFFFF;
	p2 =	slt.u32 s8, $0xFFFFF086  }
0x1c: {  	p1 =	slt.u32 s9, $0xF7A;
	s5 =	simm.s32 @!p2 $0x0  }
0x1d: {  	s5 =	simm.s32 @p1 $0x1;
	p0 =	seq.s32 s7, s2  }
0x1e: {  	s7 =	smul.u32 @!p0 $0xF7A, s2;
	p2 =	seq.s32 @!p0 s5, $0x0  }
0x1f: {  	s9 =	smul.u32 $0xF7A, s1;
	s8 =	simm.s32 @!p0 $0x1BF5;
	p2 =	por !p2, p0  }
0x20: {  	[sflag:s8] =	ssyncset.s32 @!p0 $0xFFFFF086;
	s6 =	sadd.s32 @!p0 s3, s7;
	s7 =	simm.s32 @!p0 $0x108  }
0x21: {  	s3 =	sadd.s32 s3, s9;
	s6 =	sadd.s32 @!p0 $0x88, s6;
	s7 =	simm.s32 @p2 $0x1082  }
0x22: {  	[simem:s7], [sflag:s8] =	dma.local @!p0 [hbm:s6], $0xF7A  }
0x23: {  	s9 =	sor.u32 $0xD0000000, s2;
	s6 =	simm.s32 $0x108;
	_ =	swait.ge @!p0 [sflag:s8], $0x0  }
0x24: {  	s3 =	sadd.s32 $0x88, s3;
	s6 =	simm.s32 @!p1 $0x1082;
	[sflag:s4] =	ssyncset.s32 $0xFFFFF086  }
0x25: {  	[simem:s6], [sflag:s4] =	dma.local [hbm:s3], $0xF7A  }
0x26: {  	[smem:$0x3F99] =	sst s1;
	(tag) =	ssettag s2;
	_ =	strace s9  }
0x27: {  	s1 =	sld [smem:$0x3FA9]  }
0x28: {  	s2 =	sld [smem:$0x3FAA]  }
0x29: {  	s4 =	sld [smem:$0x3FAC]  }
0x2a: {  	p0 =	seq.s32 s5, $0x0;
	s5 =	sld [smem:$0x3FAD]  }
0x2b: {  	s6 =	sld [smem:$0x3FAE]  }
0x2c: {  	s7 =	sld [smem:$0x3FAF]  }
0x2d: {  	s3 =	simm.s32 $0x108;
	s8 =	sld [smem:$0x3FB0]  }
0x2e: {  	s3 =	simm.s32 @!p0 $0x1082;
	s9 =	sld [smem:$0x3FB1]  }
0x2f: {  	lr =	sadd.s32 s0, s3;
	s0 =	sld [smem:$0x3FA8]  }
0x30: {  	s3 =	sld [smem:$0x3FAB]  }
0x31: {  	[smem:$0x3FB4] =	sst s10  }
0x32: {  	s10 =	sld [smem:$0x3FB2];
	_ =	sdelay $0x3  }
0x33: {  	p0 =	seq.s32 s10, $0x1;
	s10 =	sld [smem:$0x3FB4];
	_ =	sdelay $0x3  }
0x34: {  	[smem:$0x3FB4] =	sst s10  }
0x35: {  	s10 =	sld [smem:$0x3FB3];
	_ =	sdelay $0x3  }
0x36: {  	p1 =	seq.s32 s10, $0x1;
	s10 =	sld [smem:$0x3FB4];
	_ =	sdelay $0x3  }
0x37: {  	[smem:$0x3FB4] =	sst s10  }
0x38: {  	s10 =	sld [smem:$0x3FB5]  }
0x39: {  	_ = 	snop;
	(pc) =	sbr.ind lr, $3  }
0x3a: {  	_ = 	snop  }
0x3b: {  	_ = 	snop  }
0x3c: {  	p2 =	seq.s32 s10, $0x1;
	s10 =	sld [smem:$0x3FB4]  }
0x3d: {  	_ =	shalt  }
0x3e: {  	_ =	shalt  }
0x3f: {  	_ =	shalt  }
0x40: {  	_ =	shalt  }
0x41: {  	_ =	shalt  }
0x42: {  	_ =	shalt  }
0x43: {  	_ =	shalt  }
0x44: {  	_ =	shalt  }
0x45: {  	_ =	shalt  }
0x46: {  	_ =	shalt  }
0x47: {  	_ =	shalt  }
0x48: {  	_ =	shalt  }
0x49: {  	_ =	shalt  }
0x4a: {  	_ =	shalt  }
0x4b: {  	_ =	shalt  }
0x4c: {  	_ =	shalt  }
0x4d: {  	_ =	shalt  }
0x4e: {  	_ =	shalt  }
0x4f: {  	_ =	shalt  }
0x50: {  	_ =	shalt  }
0x51: {  	_ =	shalt  }
0x52: {  	_ =	shalt  }
0x53: {  	_ =	shalt  }
0x54: {  	_ =	shalt  }
0x55: {  	_ =	shalt  }
0x56: {  	_ =	shalt  }
0x57: {  	_ =	shalt  }
0x58: {  	_ =	shalt  }
0x59: {  	_ =	shalt  }
0x5a: {  	_ =	shalt  }
0x5b: {  	_ =	shalt  }
0x5c: {  	_ =	shalt  }
0x5d: {  	_ =	shalt  }
0x5e: {  	_ =	shalt  }
0x5f: {  	_ =	shalt  }
0x60: {  	_ =	shalt  }
0x61: {  	_ =	shalt  }
0x62: {  	_ =	shalt  }
0x63: {  	_ =	shalt  }
0x64: {  	_ =	shalt  }
0x65: {  	_ =	shalt  }
0x66: {  	_ =	shalt  }
0x67: {  	_ =	shalt  }
0x68: {  	_ =	shalt  }
0x69: {  	_ =	shalt  }
0x6a: {  	_ =	shalt  }
0x6b: {  	_ =	shalt  }
0x6c: {  	_ =	shalt  }
0x6d: {  	_ =	shalt  }
0x6e: {  	_ =	shalt  }
0x6f: {  	_ =	shalt  }
0x70: {  	_ =	shalt  }
0x71: {  	_ =	shalt  }
0x72: {  	_ =	shalt  }
0x73: {  	_ =	shalt  }
0x74: {  	_ =	shalt  }
0x75: {  	_ =	shalt  }
0x76: {  	_ =	shalt  }
0x77: {  	_ =	shalt  }
0x78: {  	_ =	shalt  }
0x79: {  	_ =	shalt  }
0x7a: {  	_ =	shalt  }
0x7b: {  	_ =	shalt  }
0x7c: {  	_ =	shalt  }
0x7d: {  	_ =	shalt  }
0x7e: {  	_ =	shalt  }
0x7f: {  	_ =	shalt  }
0x80: {  	_ =	shalt  }
0x81: {  	_ =	shalt  }
0x82: {  	_ =	shalt  }
0x83: {  	_ =	shalt  }
0x84: {  	_ =	shalt  }
0x85: {  	_ =	shalt  }
0x86: {  	_ =	shalt  }
0x87: {  	_ =	shalt  }
.Lfunc_end0:
.L_simem_size_0:
called_computation.5_lowered:
.L_overlay_start_0:
0x88: {  	s2 =	sld [smem:$0x3FD9]  }
0x89: {  	s3 =	sld [smem:$0x3FFE];
	_ =	sdelay $0x1  }
0x8a: {  	s1 =	srdreg.scid  }
0x8b: {  	s0 =	sand.u32 $0x1, s1  }
0x8c: {  	s17 =	sshll.u32 s0, $0xA;
	s2 =	sadd.s32 s3, s2  }
0x8d: {  	s2 =	sadd.s32 s2, s17  }
0x8e: {  	[smem:$0x3FC0] =	sst s2  }
0x8f: {  	_ = 	snop  }
0x90: {  	s2 =	sld [smem:$0x3FD0];
	(tm) =	ssettm $0x1  }
0x91: {  	s18 =	sld [smem:$0x3FFB];
	_ =	sdelay $0x3  }
0x92: {  	_ =	strace s18  }
0x93: {  	s3 =	sld [smem:$0x3FFC];
	_ =	sdelay $0x3  }
0x94: {  	_ =	strace s3  }
0x95: {  	s3 =	sld [smem:$0x3FFD];
	_ =	sdelay $0x3  }
0x96: {  	_ =	strace s3  }
0x97: {  	_ =	strace $0x8FFFFFFF  }
0x98: {  	s19 =	sld [smem:$0x3FDB];
	_ =	sdelay $0x1  }
0x99: {  	s4 =	simm.s32 $_scs_section_size  }
0x9a: {  	s5 =	simm.s32 $_size__tile_overlayer_lowered;
	s6 =	simm.s32 $_tile_overlayer_lowered  }
0x9b: {  	s22 =	simm.s32 $0x1BFF;
	s21 =	sshll.u32 s6, $0x1;
	s3 =	sadd.s32 s4, s19  }
0x9c: {  	s7 =	simm.s32 $0x0;
	s20 =	sshll.u32 s5, $0x1;
	s5 =	sadd.s32 s21, s3  }
0x9d: {  	[timem:s7], [sflag:s22] =	dma.local [hbm:s5], s20  }
0x9e: {  	_ =	swait.ge [sflag:s22], s20  }
0x9f: {  	s4 =	ssub.s32 $0x0, s20;
	[sflag:s22] =	ssyncset.done $0x0  }
0xa0: {  	[sflag:s22] =	ssyncadd.s32 s4;
	_ =	sdelay $0x1  }
0xa1: {  	s23 =	simm.s32 $0x1B8B  }
0xa2: {  	_ =	swait.ge [sflag:s23], $0x1  }
0xa3: {  	[sflag:s23] =	ssyncset.done $0x0  }
0xa4: {  	s25 =	simm.s32 $0x1B8E;
	s24 =	sld [smem:$0x3FFE];
	[sflag:s23] =	ssyncadd.s32 $0xFFFFFFFF  }
0xa5: {  	s26 =	simm.s32 $execute0_lowered;
	[smem:$0x3FD2] =	sst s25  }
0xa6: {  	s5 =	sshll.u32 s26, $0x1;
	_ =	strace $0x80000055;
	[dreg:$0x1] =	wrdreg $0xFFFFFFFF  }
0xa7: {  	s28 =	simm.s32 $_size_execute0_lowered;
	s3 =	sadd.s32 s3, s5;
	[dreg:$0x0] =	wrdreg $0x0  }
0xa8: {  	s5 =	sshll.u32 s28, $0x1;
	[dreg:$0x2] =	wrdreg s3  }
0xa9: {  	[dreg:$0x3] =	wrdreg s5  }
0xaa: {  	[dreg:$0x4] =	wrdreg $0xC0  }
0xab: {  	_ =	task [dreg:s7], $0x5FFFF  }
0xac: {  	[dreg:$0x1] =	wrdreg $0xFFFFFFFF  }
0xad: {  	[dreg:$0x0] =	wrdreg $0x60  }
0xae: {  	[dreg:$0x2] =	wrdreg s24  }
0xaf: {  	[dreg:$0x3] =	wrdreg s2  }
0xb0: {  	[dreg:$0x4] =	wrdreg $0x81000  }
0xb1: {  	[dreg:$0x5] =	wrdreg $0x9  }
0xb2: {  	_ =	task.clear_ibuf [dreg:s7], $0x6FFFF;
	_ =	strace $0x90000055  }
0xb3: {  	s29 =	simm.s32 $0x9;
	_ =	strace $0x80000057  }
0xb4: {  	_ =	swait.ge [sflag:s29], $0x1  }
0xb5: {  	[sflag:s29] =	ssyncadd.s32 $0xFFFFFFFF  }
0xb6: {  	_ =	strace $0x90000057  }
0xb7: {  	_ =	sfence  }
0xb8: {  	s30 =	sld [smem:$0x0];
	_ =	sdelay $0x2  }
0xb9: {  	s31 =	sshll.u32 s1, $0xD;
	s1 =	sshrl.u32 s1, $0x2  }
0xba: {  	s3 =	sand.u32 $0x4000, s31;
	s1 =	sadd.s32 s1, s30  }
0xbb: {  	s0 =	sor.u32 s3, s0;
	s1 =	sshll.u32 s1, $0x11  }
0xbc: {  	s0 =	sor.u32 s1, s0  }
0xbd: {  	s0 =	sadd.s32 $0x8F2B, s0  }
0xbe: {  	[sflag:s0] =	ssyncadd.remote.s32 $0x1  }
0xbf: {  	_ =	sfence.sel $0xFFFF  }
0xc0: {  	[dreg:$0x0] =	wrdreg $0xFFFFFFFF;
	(pc) =	sbr.abs _section_cstart, $3  }
0xc1: {  	[dreg:$0x1] =	wrdreg $0xFFFFFFFF  }
0xc2: {  	_ =	task.clear_ibuf [dreg:s7], $0x2FFFF;
	_ =	strace $0x9FFFFFFF  }
0xc3: {  	(tm) =	ssettm $0x7FFFFFFF  }
tec
execute0_lowered:
.L_overlay_start_1:
0x0: {  	(tag) =	ssettag $0x1  }
0x1: {  	s5 =	rddreg [dreg:$0x0]  }
0x2: {  	s11 =	rddreg [dreg:$0x1];
	s0 =	srdreg.scid  }
0x3: {  	s1 =	rddreg [dreg:$0x2];
	s2 =	stileid.u32  }
0x4: {  	s3 =	simm.s32 $0x0;
	s17 =	simm.s32 $0x100;
	s8 =	smul.u32 $0x14000, s2  }
0x5: {  	s18 =	simm.s32 $0x1;
	s21 =	simm.s32 $0x0;
	s9 =	smul.u32 $0x50000, s2  }
0x6: {  	s6 =	sand.u32 $0x1, s0;
	s0 =	rddreg [dreg:$0x3];
	s15 =	smul.u32 $0x4F0, s2  }
0x7: {  	[smem:$0x7FF] =	sst s3;
	s4 =	sadd.s32 $0x6AC00, s5;
	s12 =	smul.u32 $0x4F00, s6  }
0x8: {  	s19 =	sshll.u32 s2, $0x6;
	s7 =	smul.u32 $0x140000, s6;
	_ =	strace $0x80000056  }
0x9: {  	s6 =	ssub.s32 $0x2, s6;
	s19 =	sor.u32 $0x1C02, s19;
	s30 =	sshrl.u32 s9, $0x2  }
0xa: {  	s31 =	sshrl.u32 s6, $0x1;
	s13 =	sadd.s32 s12, s5;
	s7 =	sadd.s32 s8, s7  }
0xb: {  	s14 =	ssub.s32 s6, s31;
	s16 =	sadd.s32 s12, s11;
	s7 =	sshrl.u32 s7, $0x3  }
0xc: {  	s13 =	sadd.s32 s15, s13;
	s11 =	smax.u32 s14, $0x1;
	s14 =	simm.s32 $0x4100  }
0xd: {  	s10 =	sadd.s32 s7, s5;
	s5 =	sadd.s32 s30, s1;
	s12 =	sadd.s32 $0x60E00, s13  }
0xe: {  	s13 =	sadd.s32 s15, s16;
	s15 =	simm.s32 $0x2;
	s16 =	simm.s32 $0x80  }
0xf: {  	s6 =	sadd.s32 $0x4000, s5;
	s7 =	sadd.s32 $0x8000, s5;
	s8 =	sadd.s32 $0xC000, s5  }
0x10: {  	v0 =	vimm.f32 $0.0e+00;
	s9 =	sadd.s32 $0x10000, s5;
	s10 =	sadd.s32 $0x91E00, s10;
	s20 =	sshrl.u32 s5, $0x3  }
.LBB2_1:
0x11: {  	s22 =	simm.s32 $0x0;
	s23 =	simm.s32 $0x200  }
.LBB2_2:
0x12: {  	p0 =	sne.s32 s23, $0xFE00;
	[tilespmem:s22+$0x4170] =	vst v0  }
0x13: {  	[tilespmem:s22+$0x4100] =	vst v0  }
0x14: {  	[tilespmem:s22+$0x4110] =	vst v0  }
.Ltmp0:
0x15: {  	[tilespmem:s22+$0x4120] =	vst v0;
	(pc) =	sbr.rel @p0 .LBB2_2-.Ltmp0, $4  }
0x16: {  	[tilespmem:s22+$0x4130] =	vst v0  }
0x17: {  	[tilespmem:s22+$0x4140] =	vst v0  }
0x18: {  	[tilespmem:s22+$0x4150] =	vst v0  }
0x19: {  	[tilespmem:s22+$0x4160] =	vst v0;
	s22 =	sshra.s32 s23, $0x2;
	s23 =	sadd.s32 $0x200, s23  }
0x1a: {  	[tilespmem:s22+$0x4170] =	vst v0  }
0x1b: {  	[tilespmem:s22+$0x4100] =	vst v0  }
0x1c: {  	[tilespmem:s22+$0x4110] =	vst v0  }
0x1d: {  	[tilespmem:s22+$0x4120] =	vst v0  }
0x1e: {  	[tilespmem:s22+$0x4130] =	vst v0  }
0x1f: {  	[tilespmem:s22+$0x4140] =	vst v0  }
0x20: {  	[tilespmem:s22+$0x4150] =	vst v0  }
0x21: {  	[tilespmem:s22+$0x4160] =	vst v0  }
0x22: {  	[spmem:s5] =	stream.linear.scatter [tilespmem:s14], [sflag:$0x2], $0x4000, $0x38;
	[tilespmem:$0x1C100] =	vst v63  }
0x23: {  	_ =	swait.ge [sflag:s15], $0x4000  }
0x24: {  	[sflag:s15] =	ssyncset.done $0x0  }
0x25: {  	[sflag:s15] =	ssyncadd.s32 $0xFFFFC000  }
0x26: {  	[spmem:s6] =	stream.linear.scatter [tilespmem:s14], [sflag:$0x2], $0x4000, $0x38;
	[tilespmem:$0x1C100] =	vst v63  }
0x27: {  	_ =	swait.ge [sflag:s15], $0x4000  }
0x28: {  	[sflag:s15] =	ssyncset.done $0x0  }
0x29: {  	[sflag:s15] =	ssyncadd.s32 $0xFFFFC000  }
0x2a: {  	[spmem:s7] =	stream.linear.scatter [tilespmem:s14], [sflag:$0x2], $0x4000, $0x38;
	[tilespmem:$0x1C100] =	vst v63  }
0x2b: {  	_ =	swait.ge [sflag:s15], $0x4000  }
0x2c: {  	[sflag:s15] =	ssyncset.done $0x0  }
0x2d: {  	[sflag:s15] =	ssyncadd.s32 $0xFFFFC000  }
0x2e: {  	[spmem:s8] =	stream.linear.scatter [tilespmem:s14], [sflag:$0x2], $0x4000, $0x38;
	[tilespmem:$0x1C100] =	vst v63  }
0x2f: {  	_ =	swait.ge [sflag:s15], $0x4000  }
0x30: {  	[sflag:s15] =	ssyncset.done $0x0  }
0x31: {  	[sflag:s15] =	ssyncadd.s32 $0xFFFFC000  }
0x32: {  	[spmem:s9] =	stream.linear.scatter [tilespmem:s14], [sflag:$0x2], $0x4000, $0x38;
	[tilespmem:$0x1C100] =	vst v63  }
0x33: {  	_ =	swait.ge [sflag:s15], $0x4000  }
0x34: {  	[sflag:s15] =	ssyncset.done $0x0  }
0x35: {  	[sflag:s15] =	ssyncadd.s32 $0xFFFFC000  }
0x36: {  	s30 =	sadd.s32 $0x0, s13;
	[bflag:$0x0] =	sbarrier.arrive $0xFFFF  }
0x37: {  	[tilespmem:s3], [sflag:$0x2] =	stream.linear.gather [hbm4b:s30+s3], $0x80, $0x38;
	[tilespmem:$0x1C100] =	vst v63  }
0x38: {  	_ =	swait.ge [sflag:s15], $0x80  }
0x39: {  	[sflag:s15] =	ssyncset.done $0x0  }
0x3a: {  	s31 =	sadd.s32 $0x0, s12;
	[sflag:s15] =	ssyncadd.s32 $0xFFFFFF80  }
0x3b: {  	[tilespmem:s16], [sflag:$0x2] =	stream.linear.gather [hbm4b:s31+s3], $0x80, $0x38;
	[tilespmem:$0x1C100] =	vst v63  }
0x3c: {  	_ =	swait.ge [sflag:s15], $0x80  }
0x3d: {  	[sflag:s15] =	ssyncset.done $0x0  }
0x3e: {  	[sflag:s15] =	ssyncadd.s32 $0xFFFFFF80  }
0x3f: {  	[tilespmem:s17], [sflag:$0x1] =	stream.indirect.gather [hbm4b:s4+s16], $0x80, s3, s16, $0xb8;
	[tilespmem:$0x1C100] =	vst v63  }
0x40: {  	_ =	swait.ge [sflag:s18], $0x4000  }
0x41: {  	[sflag:s18] =	ssyncset.done $0x0  }
0x42: {  	[sflag:s18] =	ssyncadd.s32 $0xFFFFC000  }
0x43: {  	[spmem:s1] =	stream.indirect.scatter.add.f32 [tilespmem:s17], [sflag:$0x2], $0x80, s16, s16, $0xb8;
	[tilespmem:$0x1C100] =	vst v63  }
0x44: {  	_ =	swait.ge [sflag:s15], $0x4000  }
0x45: {  	s22 =	simm.s32 $0x10;
	s23 =	simm.s32 $0x20;
	[sflag:s15] =	ssyncset.done $0x0  }
.LBB2_4:
0x46: {  	s24 =	sadd.s32 s22, s13  }
0x47: {  	[sflag:s15] =	ssyncadd.s32 $0xFFFFC000;
	s25 =	smov.u32 s23;
	s26 =	sadd.s32 $0x10, s23  }
0x48: {  	[tilespmem:s3], [sflag:$0x2] =	stream.linear.gather [hbm4b:s24+s3], $0x80, $0x38;
	[tilespmem:$0x1C100] =	vst v63  }
0x49: {  	p0 =	sne.s32 s23, $0x4E0;
	_ =	swait.ge [sflag:s15], $0x80  }
0x4a: {  	[sflag:s15] =	ssyncset.done $0x0  }
0x4b: {  	s23 =	sadd.s32 s22, s12;
	s22 =	smov.u32 s25;
	[sflag:s15] =	ssyncadd.s32 $0xFFFFFF80  }
0x4c: {  	[tilespmem:s16], [sflag:$0x2] =	stream.linear.gather [hbm4b:s23+s3], $0x80, $0x38;
	[tilespmem:$0x1C100] =	vst v63  }
0x4d: {  	_ =	swait.ge [sflag:s15], $0x80  }
0x4e: {  	[sflag:s15] =	ssyncset.done $0x0  }
0x4f: {  	[sflag:s15] =	ssyncadd.s32 $0xFFFFFF80  }
0x50: {  	[tilespmem:s17], [sflag:$0x1] =	stream.indirect.gather [hbm4b:s4+s16], $0x80, s3, s16, $0xb8;
	[tilespmem:$0x1C100] =	vst v63  }
0x51: {  	_ =	swait.ge [sflag:s18], $0x4000  }
.Ltmp1:
0x52: {  	[sflag:s18] =	ssyncset.done $0x0;
	(pc) =	sbr.rel @p0 .LBB2_4-.Ltmp1, $4  }
0x53: {  	[sflag:s18] =	ssyncadd.s32 $0xFFFFC000  }
0x54: {  	[spmem:s1] =	stream.indirect.scatter.add.f32 [tilespmem:s17], [sflag:$0x2], $0x80, s16, s16, $0xb8;
	[tilespmem:$0x1C100] =	vst v63  }
0x55: {  	_ =	swait.ge [sflag:s15], $0x4000  }
0x56: {  	s23 =	smov.u32 s26;
	[sflag:s15] =	ssyncset.done $0x0  }
0x57: {  	s23 =	sadd.s32 s22, s13;
	[sflag:s15] =	ssyncadd.s32 $0xFFFFC000  }
0x58: {  	[tilespmem:s3], [sflag:$0x2] =	stream.linear.gather [hbm4b:s23+s3], $0x80, $0x38;
	[tilespmem:$0x1C100] =	vst v63  }
0x59: {  	_ =	swait.ge [sflag:s15], $0x80  }
0x5a: {  	[sflag:s15] =	ssyncset.done $0x0  }
0x5b: {  	s31 =	sadd.s32 s22, s12;
	[sflag:s15] =	ssyncadd.s32 $0xFFFFFF80  }
0x5c: {  	[tilespmem:s16], [sflag:$0x2] =	stream.linear.gather [hbm4b:s31+s3], $0x80, $0x38;
	[tilespmem:$0x1C100] =	vst v63  }
0x5d: {  	_ =	swait.ge [sflag:s15], $0x80  }
0x5e: {  	[sflag:s15] =	ssyncset.done $0x0  }
0x5f: {  	[sflag:s15] =	ssyncadd.s32 $0xFFFFFF80  }
0x60: {  	[tilespmem:s17], [sflag:$0x1] =	stream.indirect.gather [hbm4b:s4+s16], $0x80, s3, s16, $0xb8;
	[tilespmem:$0x1C100] =	vst v63  }
0x61: {  	_ =	swait.ge [sflag:s18], $0x4000  }
0x62: {  	[sflag:s18] =	ssyncset.done $0x0  }
0x63: {  	[sflag:s18] =	ssyncadd.s32 $0xFFFFC000  }
0x64: {  	[spmem:s1] =	stream.indirect.scatter.add.f32 [tilespmem:s17], [sflag:$0x2], $0x80, s16, s16, $0xb8;
	[tilespmem:$0x1C100] =	vst v63  }
0x65: {  	_ =	swait.ge [sflag:s15], $0x4000  }
0x66: {  	s21 =	sadd.s32 $0x1, s21;
	[sflag:s15] =	ssyncset.done $0x0  }
0x67: {  	p0 =	sne.s32 s21, s11;
	[sflag:s15] =	ssyncadd.s32 $0xFFFFC000  }
.Ltmp2:
0x68: {  	[bflag:$0x0] =	sbarrier.arrive $0xFFFF;
	(pc) =	sbr.rel @p0 .LBB2_1-.Ltmp2, $4  }
0x69: {  	[hbm:s10], [sflag:s19] =	dma.local [spmem:s20], $0x2800  }
0x6a: {  	_ =	swait.ge [sflag:s15], $0x2800  }
0x6b: {  	[sflag:s15] =	ssyncset.done $0x0  }
0x6c: {  	[sflag:s15] =	ssyncadd.s32 $0xFFFFD800  }
0x6d: {  	_ =	sfence.sel $0x180000  }
0x6e: {  	[bflag:$0x0] =	sbarrier.arrive $0xFFFF  }
0x6f: {  	p0 =	sne.s32 s2, $0x0;
	_ =	strace $0x90000056  }
0x70: {  	s0 =	sadd.s32 @!p0 $0x100000, s0;
	[bflag:$0x2] =	sbarrier.arrive $0xFFFF  }
0x71: {  	[sflag:s0] =	ssyncadd.tile.s32 @!p0 $0x1;
	_ =	shalt  }
.Lfunc_end2:
_tile_overlayer_lowered:
.L_overlay_start_2:
0x72: {  	(tag) =	ssettag $0x2  }
0x73: {  	s0 =	rddreg [dreg:$0x0];
	s2 =	stileid.u32  }
0x74: {  	s1 =	rddreg [dreg:$0x1];
	p0 =	sne.s32 s2, $0x0  }
0x75: {  	s3 =	rddreg [dreg:$0x2];
	[bflag:$0x3] =	sbarrier.arrive $0xFFFF;
	s2 =	simm.s32 @!p0 $0x1C02  }
0x76: {  	[timem:s3], [sflag:s2] =	dma.local @!p0 [hbm:s0], s1  }
0x77: {  	s0 =	simm.s32 @!p0 $0x2  }
0x78: {  	_ =	swait.ge @!p0 [sflag:s0], s1  }
0x79: {  	s1 =	ssub.s32 @!p0 $0x0, s1;
	[sflag:s0] =	ssyncset.done @!p0 $0x0  }
0x7a: {  	[sflag:s0] =	ssyncadd.s32 @!p0 s1  }
0x7b: {  	[bflag:$0x3] =	sbarrier.arrive $0xFFFF  }
0x7c: {  	_ =	shalt  }

// kernel: kernel.39.cloned.1.call-start
scs
__scs_entry_jumppad:
0x0: {  	(pc) =	sbr.rel $0x88, $3  }
0x1: {  	(tag) =	ssettag $0x0;
	lr =	simm.s32 $0x1  }
0x2: {  	[smem:$0x3F99] =	sst lr;
	_ =	strace $0xD0000000  }
0x3: {  	_ = 	snop  }
0x4: {  	_ = 	snop  }
0x5: {  	_ = 	snop  }
0x6: {  	_ = 	snop  }
0x7: {  	_ = 	snop  }
__scs_overlays_trampoline_lowered:
0x8: {  	[smem:$0x3FA8] =	sst s0  }
0x9: {  	[smem:$0x3FA9] =	sst s1  }
0xa: {  	[smem:$0x3FAA] =	sst s2  }
0xb: {  	[smem:$0x3FAB] =	sst s3  }
0xc: {  	[smem:$0x3FAC] =	sst s4  }
0xd: {  	[smem:$0x3FAD] =	sst s5  }
0xe: {  	[smem:$0x3FAE] =	sst s6  }
0xf: {  	[smem:$0x3FAF] =	sst s7  }
0x10: {  	[smem:$0x3FB0] =	sst s8  }
0x11: {  	[smem:$0x3FB1] =	sst s9;
	s0 =	simm.s32 @!p0 $0x0  }
0x12: {  	s1 =	sld [smem:$0x3F97];
	s0 =	simm.s32 @p0 $0x1  }
0x13: {  	[smem:$0x3FB2] =	sst s0;
	s0 =	simm.s32 @!p1 $0x0  }
0x14: {  	s2 =	sld [smem:$0x3F96];
	s0 =	simm.s32 @p1 $0x1  }
0x15: {  	[smem:$0x3FB3] =	sst s0;
	s0 =	simm.s32 @!p2 $0x0  }
0x16: {  	s3 =	sld [smem:$0x3FDB];
	s0 =	simm.s32 @p2 $0x1  }
0x17: {  	s4 =	simm.s32 $0x1BF5;
	[smem:$0x3FB5] =	sst s0  }
0x18: {  	s0 =	sld [smem:$0x3F98];
	_ =	swait.ge [sflag:s4], $0x0  }
0x19: {  	s7 =	sld [smem:$0x3F99]  }
0x1a: {  	s8 =	sadd.s32 $0xFFFFE003, lr  }
0x1b: {  	s9 =	sadd.s32 $0xFFFFFEF7, lr;
	s5 =	simm.s32 $0xFFFFFFFF;
	p2 =	slt.u32 s8, $0xFFFFF086  }
0x1c: {  	p1 =	slt.u32 s9, $0xF7A;
	s5 =	simm.s32 @!p2 $0x0  }
0x1d: {  	s5 =	simm.s32 @p1 $0x1;
	p0 =	seq.s32 s7, s2  }
0x1e: {  	s7 =	smul.u32 @!p0 $0xF7A, s2;
	p2 =	seq.s32 @!p0 s5, $0x0  }
0x1f: {  	s9 =	smul.u32 $0xF7A, s1;
	s8 =	simm.s32 @!p0 $0x1BF5;
	p2 =	por !p2, p0  }
0x20: {  	[sflag:s8] =	ssyncset.s32 @!p0 $0xFFFFF086;
	s6 =	sadd.s32 @!p0 s3, s7;
	s7 =	simm.s32 @!p0 $0x108  }
0x21: {  	s3 =	sadd.s32 s3, s9;
	s6 =	sadd.s32 @!p0 $0x88, s6;
	s7 =	simm.s32 @p2 $0x1082  }
0x22: {  	[simem:s7], [sflag:s8] =	dma.local @!p0 [hbm:s6], $0xF7A  }
0x23: {  	s9 =	sor.u32 $0xD0000000, s2;
	s6 =	simm.s32 $0x108;
	_ =	swait.ge @!p0 [sflag:s8], $0x0  }
0x24: {  	s3 =	sadd.s32 $0x88, s3;
	s6 =	simm.s32 @!p1 $0x1082;
	[sflag:s4] =	ssyncset.s32 $0xFFFFF086  }
0x25: {  	[simem:s6], [sflag:s4] =	dma.local [hbm:s3], $0xF7A  }
0x26: {  	[smem:$0x3F99] =	sst s1;
	(tag) =	ssettag s2;
	_ =	strace s9  }
0x27: {  	s1 =	sld [smem:$0x3FA9]  }
0x28: {  	s2 =	sld [smem:$0x3FAA]  }
0x29: {  	s4 =	sld [smem:$0x3FAC]  }
0x2a: {  	p0 =	seq.s32 s5, $0x0;
	s5 =	sld [smem:$0x3FAD]  }
0x2b: {  	s6 =	sld [smem:$0x3FAE]  }
0x2c: {  	s7 =	sld [smem:$0x3FAF]  }
0x2d: {  	s3 =	simm.s32 $0x108;
	s8 =	sld [smem:$0x3FB0]  }
0x2e: {  	s3 =	simm.s32 @!p0 $0x1082;
	s9 =	sld [smem:$0x3FB1]  }
0x2f: {  	lr =	sadd.s32 s0, s3;
	s0 =	sld [smem:$0x3FA8]  }
0x30: {  	s3 =	sld [smem:$0x3FAB]  }
0x31: {  	[smem:$0x3FB4] =	sst s10  }
0x32: {  	s10 =	sld [smem:$0x3FB2];
	_ =	sdelay $0x3  }
0x33: {  	p0 =	seq.s32 s10, $0x1;
	s10 =	sld [smem:$0x3FB4];
	_ =	sdelay $0x3  }
0x34: {  	[smem:$0x3FB4] =	sst s10  }
0x35: {  	s10 =	sld [smem:$0x3FB3];
	_ =	sdelay $0x3  }
0x36: {  	p1 =	seq.s32 s10, $0x1;
	s10 =	sld [smem:$0x3FB4];
	_ =	sdelay $0x3  }
0x37: {  	[smem:$0x3FB4] =	sst s10  }
0x38: {  	s10 =	sld [smem:$0x3FB5]  }
0x39: {  	_ = 	snop;
	(pc) =	sbr.ind lr, $3  }
0x3a: {  	_ = 	snop  }
0x3b: {  	_ = 	snop  }
0x3c: {  	p2 =	seq.s32 s10, $0x1;
	s10 =	sld [smem:$0x3FB4]  }
0x3d: {  	_ =	shalt  }
0x3e: {  	_ =	shalt  }
0x3f: {  	_ =	shalt  }
0x40: {  	_ =	shalt  }
0x41: {  	_ =	shalt  }
0x42: {  	_ =	shalt  }
0x43: {  	_ =	shalt  }
0x44: {  	_ =	shalt  }
0x45: {  	_ =	shalt  }
0x46: {  	_ =	shalt  }
0x47: {  	_ =	shalt  }
0x48: {  	_ =	shalt  }
0x49: {  	_ =	shalt  }
0x4a: {  	_ =	shalt  }
0x4b: {  	_ =	shalt  }
0x4c: {  	_ =	shalt  }
0x4d: {  	_ =	shalt  }
0x4e: {  	_ =	shalt  }
0x4f: {  	_ =	shalt  }
0x50: {  	_ =	shalt  }
0x51: {  	_ =	shalt  }
0x52: {  	_ =	shalt  }
0x53: {  	_ =	shalt  }
0x54: {  	_ =	shalt  }
0x55: {  	_ =	shalt  }
0x56: {  	_ =	shalt  }
0x57: {  	_ =	shalt  }
0x58: {  	_ =	shalt  }
0x59: {  	_ =	shalt  }
0x5a: {  	_ =	shalt  }
0x5b: {  	_ =	shalt  }
0x5c: {  	_ =	shalt  }
0x5d: {  	_ =	shalt  }
0x5e: {  	_ =	shalt  }
0x5f: {  	_ =	shalt  }
0x60: {  	_ =	shalt  }
0x61: {  	_ =	shalt  }
0x62: {  	_ =	shalt  }
0x63: {  	_ =	shalt  }
0x64: {  	_ =	shalt  }
0x65: {  	_ =	shalt  }
0x66: {  	_ =	shalt  }
0x67: {  	_ =	shalt  }
0x68: {  	_ =	shalt  }
0x69: {  	_ =	shalt  }
0x6a: {  	_ =	shalt  }
0x6b: {  	_ =	shalt  }
0x6c: {  	_ =	shalt  }
0x6d: {  	_ =	shalt  }
0x6e: {  	_ =	shalt  }
0x6f: {  	_ =	shalt  }
0x70: {  	_ =	shalt  }
0x71: {  	_ =	shalt  }
0x72: {  	_ =	shalt  }
0x73: {  	_ =	shalt  }
0x74: {  	_ =	shalt  }
0x75: {  	_ =	shalt  }
0x76: {  	_ =	shalt  }
0x77: {  	_ =	shalt  }
0x78: {  	_ =	shalt  }
0x79: {  	_ =	shalt  }
0x7a: {  	_ =	shalt  }
0x7b: {  	_ =	shalt  }
0x7c: {  	_ =	shalt  }
0x7d: {  	_ =	shalt  }
0x7e: {  	_ =	shalt  }
0x7f: {  	_ =	shalt  }
0x80: {  	_ =	shalt  }
0x81: {  	_ =	shalt  }
0x82: {  	_ =	shalt  }
0x83: {  	_ =	shalt  }
0x84: {  	_ =	shalt  }
0x85: {  	_ =	shalt  }
0x86: {  	_ =	shalt  }
0x87: {  	_ =	shalt  }
.Lfunc_end0:
.L_simem_size_0:
called_computation.6_lowered:
.L_overlay_start_0:
0x88: {  	s2 =	sld [smem:$0x3FD9]  }
0x89: {  	s3 =	sld [smem:$0x3FFE];
	_ =	sdelay $0x1  }
0x8a: {  	s1 =	srdreg.scid  }
0x8b: {  	s0 =	sand.u32 $0x1, s1  }
0x8c: {  	s17 =	sshll.u32 s0, $0xA;
	s2 =	sadd.s32 s3, s2  }
0x8d: {  	s2 =	sadd.s32 s2, s17  }
0x8e: {  	[smem:$0x3FC0] =	sst s2  }
0x8f: {  	_ = 	snop  }
0x90: {  	s2 =	sld [smem:$0x3FD0];
	(tm) =	ssettm $0x1  }
0x91: {  	s18 =	sld [smem:$0x3FFB];
	_ =	sdelay $0x3  }
0x92: {  	_ =	strace s18  }
0x93: {  	s3 =	sld [smem:$0x3FFC];
	_ =	sdelay $0x3  }
0x94: {  	_ =	strace s3  }
0x95: {  	s3 =	sld [smem:$0x3FFD];
	_ =	sdelay $0x3  }
0x96: {  	_ =	strace s3  }
0x97: {  	_ =	strace $0x8FFFFFFF  }
0x98: {  	s19 =	sld [smem:$0x3FDB];
	_ =	sdelay $0x1  }
0x99: {  	s4 =	simm.s32 $_scs_section_size  }
0x9a: {  	s5 =	simm.s32 $_size__tile_overlayer_lowered;
	s6 =	simm.s32 $_tile_overlayer_lowered  }
0x9b: {  	s22 =	simm.s32 $0x1BFF;
	s21 =	sshll.u32 s6, $0x1;
	s3 =	sadd.s32 s4, s19  }
0x9c: {  	s7 =	simm.s32 $0x0;
	s20 =	sshll.u32 s5, $0x1;
	s5 =	sadd.s32 s21, s3  }
0x9d: {  	[timem:s7], [sflag:s22] =	dma.local [hbm:s5], s20  }
0x9e: {  	_ =	swait.ge [sflag:s22], s20  }
0x9f: {  	s4 =	ssub.s32 $0x0, s20;
	[sflag:s22] =	ssyncset.done $0x0  }
0xa0: {  	[sflag:s22] =	ssyncadd.s32 s4;
	_ =	sdelay $0x1  }
0xa1: {  	s23 =	simm.s32 $0x1B8B  }
0xa2: {  	_ =	swait.ge [sflag:s23], $0x1  }
0xa3: {  	[sflag:s23] =	ssyncset.done $0x0  }
0xa4: {  	s25 =	simm.s32 $0x1B8E;
	s24 =	sld [smem:$0x3FFE];
	[sflag:s23] =	ssyncadd.s32 $0xFFFFFFFF  }
0xa5: {  	s26 =	simm.s32 $execute0_lowered;
	[smem:$0x3FD2] =	sst s25  }
0xa6: {  	s5 =	sshll.u32 s26, $0x1;
	_ =	strace $0x80000058;
	[dreg:$0x1] =	wrdreg $0xFFFFFFFF  }
0xa7: {  	s28 =	simm.s32 $_size_execute0_lowered;
	s3 =	sadd.s32 s3, s5;
	[dreg:$0x0] =	wrdreg $0x0  }
0xa8: {  	s5 =	sshll.u32 s28, $0x1;
	[dreg:$0x2] =	wrdreg s3  }
0xa9: {  	[dreg:$0x3] =	wrdreg s5  }
0xaa: {  	[dreg:$0x4] =	wrdreg $0xC0  }
0xab: {  	_ =	task [dreg:s7], $0x5FFFF  }
0xac: {  	[dreg:$0x1] =	wrdreg $0xFFFFFFFF  }
0xad: {  	[dreg:$0x0] =	wrdreg $0x60  }
0xae: {  	[dreg:$0x2] =	wrdreg s24  }
0xaf: {  	[dreg:$0x3] =	wrdreg s2  }
0xb0: {  	[dreg:$0x4] =	wrdreg $0x81000  }
0xb1: {  	[dreg:$0x5] =	wrdreg $0x9  }
0xb2: {  	_ =	task.clear_ibuf [dreg:s7], $0x6FFFF;
	_ =	strace $0x90000058  }
0xb3: {  	s29 =	simm.s32 $0x9;
	_ =	strace $0x8000005A  }
0xb4: {  	_ =	swait.ge [sflag:s29], $0x1  }
0xb5: {  	[sflag:s29] =	ssyncadd.s32 $0xFFFFFFFF  }
0xb6: {  	_ =	strace $0x9000005A  }
0xb7: {  	_ =	sfence  }
0xb8: {  	s30 =	sld [smem:$0x0];
	_ =	sdelay $0x2  }
0xb9: {  	s31 =	sshll.u32 s1, $0xD;
	s1 =	sshrl.u32 s1, $0x2  }
0xba: {  	s3 =	sand.u32 $0x4000, s31;
	s1 =	sadd.s32 s1, s30  }
0xbb: {  	s0 =	sor.u32 s3, s0;
	s1 =	sshll.u32 s1, $0x11  }
0xbc: {  	s0 =	sor.u32 s1, s0  }
0xbd: {  	s0 =	sadd.s32 $0x8F2B, s0  }
0xbe: {  	[sflag:s0] =	ssyncadd.remote.s32 $0x1  }
0xbf: {  	_ =	sfence.sel $0xFFFF  }
0xc0: {  	[dreg:$0x0] =	wrdreg $0xFFFFFFFF;
	(pc) =	sbr.abs _section_cstart, $3  }
0xc1: {  	[dreg:$0x1] =	wrdreg $0xFFFFFFFF  }
0xc2: {  	_ =	task.clear_ibuf [dreg:s7], $0x2FFFF;
	_ =	strace $0x9FFFFFFF  }
0xc3: {  	(tm) =	ssettm $0x7FFFFFFF  }
tec
execute0_lowered:
.L_overlay_start_1:
0x0: {  	(tag) =	ssettag $0x1  }
0x1: {  	s5 =	rddreg [dreg:$0x0]  }
0x2: {  	s11 =	rddreg [dreg:$0x1];
	s0 =	srdreg.scid  }
0x3: {  	s1 =	rddreg [dreg:$0x2];
	s2 =	stileid.u32  }
0x4: {  	s3 =	simm.s32 $0x0;
	s17 =	simm.s32 $0x100;
	s8 =	smul.u32 $0x14000, s2  }
0x5: {  	s18 =	simm.s32 $0x1;
	s21 =	simm.s32 $0x0;
	s9 =	smul.u32 $0x50000, s2  }
0x6: {  	s6 =	sand.u32 $0x1, s0;
	s0 =	rddreg [dreg:$0x3];
	s15 =	smul.u32 $0x4F0, s2  }
0x7: {  	[smem:$0x7FF] =	sst s3;
	s4 =	sadd.s32 $0x6AC00, s5;
	s12 =	smul.u32 $0x4F00, s6  }
0x8: {  	s19 =	sshll.u32 s2, $0x6;
	s7 =	smul.u32 $0x140000, s6;
	_ =	strace $0x80000059  }
0x9: {  	s6 =	ssub.s32 $0x2, s6;
	s19 =	sor.u32 $0x1C02, s19;
	s30 =	sshrl.u32 s9, $0x2  }
0xa: {  	s31 =	sshrl.u32 s6, $0x1;
	s13 =	sadd.s32 s12, s5;
	s7 =	sadd.s32 s8, s7  }
0xb: {  	s14 =	ssub.s32 s6, s31;
	s16 =	sadd.s32 s12, s11;
	s7 =	sshrl.u32 s7, $0x3  }
0xc: {  	s13 =	sadd.s32 s15, s13;
	s11 =	smax.u32 s14, $0x1;
	s14 =	simm.s32 $0x4100  }
0xd: {  	s10 =	sadd.s32 s7, s5;
	s5 =	sadd.s32 s30, s1;
	s12 =	sadd.s32 $0x60E00, s13  }
0xe: {  	s13 =	sadd.s32 s15, s16;
	s15 =	simm.s32 $0x2;
	s16 =	simm.s32 $0x80  }
0xf: {  	s6 =	sadd.s32 $0x4000, s5;
	s7 =	sadd.s32 $0x8000, s5;
	s8 =	sadd.s32 $0xC000, s5  }
0x10: {  	v0 =	vimm.f32 $0.0e+00;
	s9 =	sadd.s32 $0x10000, s5;
	s10 =	sadd.s32 $0x91E00, s10;
	s20 =	sshrl.u32 s5, $0x3  }
.LBB2_1:
0x11: {  	s22 =	simm.s32 $0x0;
	s23 =	simm.s32 $0x200  }
.LBB2_2:
0x12: {  	p0 =	sne.s32 s23, $0xFE00;
	[tilespmem:s22+$0x4170] =	vst v0  }
0x13: {  	[tilespmem:s22+$0x4100] =	vst v0  }
0x14: {  	[tilespmem:s22+$0x4110] =	vst v0  }
.Ltmp0:
0x15: {  	[tilespmem:s22+$0x4120] =	vst v0;
	(pc) =	sbr.rel @p0 .LBB2_2-.Ltmp0, $4  }
0x16: {  	[tilespmem:s22+$0x4130] =	vst v0  }
0x17: {  	[tilespmem:s22+$0x4140] =	vst v0  }
0x18: {  	[tilespmem:s22+$0x4150] =	vst v0  }
0x19: {  	[tilespmem:s22+$0x4160] =	vst v0;
	s22 =	sshra.s32 s23, $0x2;
	s23 =	sadd.s32 $0x200, s23  }
0x1a: {  	[tilespmem:s22+$0x4170] =	vst v0  }
0x1b: {  	[tilespmem:s22+$0x4100] =	vst v0  }
0x1c: {  	[tilespmem:s22+$0x4110] =	vst v0  }
0x1d: {  	[tilespmem:s22+$0x4120] =	vst v0  }
0x1e: {  	[tilespmem:s22+$0x4130] =	vst v0  }
0x1f: {  	[tilespmem:s22+$0x4140] =	vst v0  }
0x20: {  	[tilespmem:s22+$0x4150] =	vst v0  }
0x21: {  	[tilespmem:s22+$0x4160] =	vst v0  }
0x22: {  	[spmem:s5] =	stream.linear.scatter [tilespmem:s14], [sflag:$0x2], $0x4000, $0x38;
	[tilespmem:$0x1C100] =	vst v63  }
0x23: {  	_ =	swait.ge [sflag:s15], $0x4000  }
0x24: {  	[sflag:s15] =	ssyncset.done $0x0  }
0x25: {  	[sflag:s15] =	ssyncadd.s32 $0xFFFFC000  }
0x26: {  	[spmem:s6] =	stream.linear.scatter [tilespmem:s14], [sflag:$0x2], $0x4000, $0x38;
	[tilespmem:$0x1C100] =	vst v63  }
0x27: {  	_ =	swait.ge [sflag:s15], $0x4000  }
0x28: {  	[sflag:s15] =	ssyncset.done $0x0  }
0x29: {  	[sflag:s15] =	ssyncadd.s32 $0xFFFFC000  }
0x2a: {  	[spmem:s7] =	stream.linear.scatter [tilespmem:s14], [sflag:$0x2], $0x4000, $0x38;
	[tilespmem:$0x1C100] =	vst v63  }
0x2b: {  	_ =	swait.ge [sflag:s15], $0x4000  }
0x2c: {  	[sflag:s15] =	ssyncset.done $0x0  }
0x2d: {  	[sflag:s15] =	ssyncadd.s32 $0xFFFFC000  }
0x2e: {  	[spmem:s8] =	stream.linear.scatter [tilespmem:s14], [sflag:$0x2], $0x4000, $0x38;
	[tilespmem:$0x1C100] =	vst v63  }
0x2f: {  	_ =	swait.ge [sflag:s15], $0x4000  }
0x30: {  	[sflag:s15] =	ssyncset.done $0x0  }
0x31: {  	[sflag:s15] =	ssyncadd.s32 $0xFFFFC000  }
0x32: {  	[spmem:s9] =	stream.linear.scatter [tilespmem:s14], [sflag:$0x2], $0x4000, $0x38;
	[tilespmem:$0x1C100] =	vst v63  }
0x33: {  	_ =	swait.ge [sflag:s15], $0x4000  }
0x34: {  	[sflag:s15] =	ssyncset.done $0x0  }
0x35: {  	[sflag:s15] =	ssyncadd.s32 $0xFFFFC000  }
0x36: {  	s30 =	sadd.s32 $0x0, s13;
	[bflag:$0x0] =	sbarrier.arrive $0xFFFF  }
0x37: {  	[tilespmem:s3], [sflag:$0x2] =	stream.linear.gather [hbm4b:s30+s3], $0x80, $0x38;
	[tilespmem:$0x1C100] =	vst v63  }
0x38: {  	_ =	swait.ge [sflag:s15], $0x80  }
0x39: {  	[sflag:s15] =	ssyncset.done $0x0  }
0x3a: {  	s31 =	sadd.s32 $0x0, s12;
	[sflag:s15] =	ssyncadd.s32 $0xFFFFFF80  }
0x3b: {  	[tilespmem:s16], [sflag:$0x2] =	stream.linear.gather [hbm4b:s31+s3], $0x80, $0x38;
	[tilespmem:$0x1C100] =	vst v63  }
0x3c: {  	_ =	swait.ge [sflag:s15], $0x80  }
0x3d: {  	[sflag:s15] =	ssyncset.done $0x0  }
0x3e: {  	[sflag:s15] =	ssyncadd.s32 $0xFFFFFF80  }
0x3f: {  	[tilespmem:s17], [sflag:$0x1] =	stream.indirect.gather [hbm4b:s4+s16], $0x80, s3, s16, $0xb8;
	[tilespmem:$0x1C100] =	vst v63  }
0x40: {  	_ =	swait.ge [sflag:s18], $0x4000  }
0x41: {  	[sflag:s18] =	ssyncset.done $0x0  }
0x42: {  	[sflag:s18] =	ssyncadd.s32 $0xFFFFC000  }
0x43: {  	[spmem:s1] =	stream.indirect.scatter.add.f32 [tilespmem:s17], [sflag:$0x2], $0x80, s16, s16, $0xb8;
	[tilespmem:$0x1C100] =	vst v63  }
0x44: {  	_ =	swait.ge [sflag:s15], $0x4000  }
0x45: {  	s22 =	simm.s32 $0x10;
	s23 =	simm.s32 $0x20;
	[sflag:s15] =	ssyncset.done $0x0  }
.LBB2_4:
0x46: {  	s24 =	sadd.s32 s22, s13  }
0x47: {  	[sflag:s15] =	ssyncadd.s32 $0xFFFFC000;
	s25 =	smov.u32 s23;
	s26 =	sadd.s32 $0x10, s23  }
0x48: {  	[tilespmem:s3], [sflag:$0x2] =	stream.linear.gather [hbm4b:s24+s3], $0x80, $0x38;
	[tilespmem:$0x1C100] =	vst v63  }
0x49: {  	p0 =	sne.s32 s23, $0x4E0;
	_ =	swait.ge [sflag:s15], $0x80  }
0x4a: {  	[sflag:s15] =	ssyncset.done $0x0  }
0x4b: {  	s23 =	sadd.s32 s22, s12;
	s22 =	smov.u32 s25;
	[sflag:s15] =	ssyncadd.s32 $0xFFFFFF80  }
0x4c: {  	[tilespmem:s16], [sflag:$0x2] =	stream.linear.gather [hbm4b:s23+s3], $0x80, $0x38;
	[tilespmem:$0x1C100] =	vst v63  }
0x4d: {  	_ =	swait.ge [sflag:s15], $0x80  }
0x4e: {  	[sflag:s15] =	ssyncset.done $0x0  }
0x4f: {  	[sflag:s15] =	ssyncadd.s32 $0xFFFFFF80  }
0x50: {  	[tilespmem:s17], [sflag:$0x1] =	stream.indirect.gather [hbm4b:s4+s16], $0x80, s3, s16, $0xb8;
	[tilespmem:$0x1C100] =	vst v63  }
0x51: {  	_ =	swait.ge [sflag:s18], $0x4000  }
.Ltmp1:
0x52: {  	[sflag:s18] =	ssyncset.done $0x0;
	(pc) =	sbr.rel @p0 .LBB2_4-.Ltmp1, $4  }
0x53: {  	[sflag:s18] =	ssyncadd.s32 $0xFFFFC000  }
0x54: {  	[spmem:s1] =	stream.indirect.scatter.add.f32 [tilespmem:s17], [sflag:$0x2], $0x80, s16, s16, $0xb8;
	[tilespmem:$0x1C100] =	vst v63  }
0x55: {  	_ =	swait.ge [sflag:s15], $0x4000  }
0x56: {  	s23 =	smov.u32 s26;
	[sflag:s15] =	ssyncset.done $0x0  }
0x57: {  	s23 =	sadd.s32 s22, s13;
	[sflag:s15] =	ssyncadd.s32 $0xFFFFC000  }
0x58: {  	[tilespmem:s3], [sflag:$0x2] =	stream.linear.gather [hbm4b:s23+s3], $0x80, $0x38;
	[tilespmem:$0x1C100] =	vst v63  }
0x59: {  	_ =	swait.ge [sflag:s15], $0x80  }
0x5a: {  	[sflag:s15] =	ssyncset.done $0x0  }
0x5b: {  	s31 =	sadd.s32 s22, s12;
	[sflag:s15] =	ssyncadd.s32 $0xFFFFFF80  }
0x5c: {  	[tilespmem:s16], [sflag:$0x2] =	stream.linear.gather [hbm4b:s31+s3], $0x80, $0x38;
	[tilespmem:$0x1C100] =	vst v63  }
0x5d: {  	_ =	swait.ge [sflag:s15], $0x80  }
0x5e: {  	[sflag:s15] =	ssyncset.done $0x0  }
0x5f: {  	[sflag:s15] =	ssyncadd.s32 $0xFFFFFF80  }
0x60: {  	[tilespmem:s17], [sflag:$0x1] =	stream.indirect.gather [hbm4b:s4+s16], $0x80, s3, s16, $0xb8;
	[tilespmem:$0x1C100] =	vst v63  }
0x61: {  	_ =	swait.ge [sflag:s18], $0x4000  }
0x62: {  	[sflag:s18] =	ssyncset.done $0x0  }
0x63: {  	[sflag:s18] =	ssyncadd.s32 $0xFFFFC000  }
0x64: {  	[spmem:s1] =	stream.indirect.scatter.add.f32 [tilespmem:s17], [sflag:$0x2], $0x80, s16, s16, $0xb8;
	[tilespmem:$0x1C100] =	vst v63  }
0x65: {  	_ =	swait.ge [sflag:s15], $0x4000  }
0x66: {  	s21 =	sadd.s32 $0x1, s21;
	[sflag:s15] =	ssyncset.done $0x0  }
0x67: {  	p0 =	sne.s32 s21, s11;
	[sflag:s15] =	ssyncadd.s32 $0xFFFFC000  }
.Ltmp2:
0x68: {  	[bflag:$0x0] =	sbarrier.arrive $0xFFFF;
	(pc) =	sbr.rel @p0 .LBB2_1-.Ltmp2, $4  }
0x69: {  	[hbm:s10], [sflag:s19] =	dma.local [spmem:s20], $0x2800  }
0x6a: {  	_ =	swait.ge [sflag:s15], $0x2800  }
0x6b: {  	[sflag:s15] =	ssyncset.done $0x0  }
0x6c: {  	[sflag:s15] =	ssyncadd.s32 $0xFFFFD800  }
0x6d: {  	_ =	sfence.sel $0x180000  }
0x6e: {  	[bflag:$0x0] =	sbarrier.arrive $0xFFFF  }
0x6f: {  	p0 =	sne.s32 s2, $0x0;
	_ =	strace $0x90000059  }
0x70: {  	s0 =	sadd.s32 @!p0 $0x100000, s0;
	[bflag:$0x2] =	sbarrier.arrive $0xFFFF  }
0x71: {  	[sflag:s0] =	ssyncadd.tile.s32 @!p0 $0x1;
	_ =	shalt  }
.Lfunc_end2:
_tile_overlayer_lowered:
.L_overlay_start_2:
0x72: {  	(tag) =	ssettag $0x2  }
0x73: {  	s0 =	rddreg [dreg:$0x0];
	s2 =	stileid.u32  }
0x74: {  	s1 =	rddreg [dreg:$0x1];
	p0 =	sne.s32 s2, $0x0  }
0x75: {  	s3 =	rddreg [dreg:$0x2];
	[bflag:$0x3] =	sbarrier.arrive $0xFFFF;
	s2 =	simm.s32 @!p0 $0x1C02  }
0x76: {  	[timem:s3], [sflag:s2] =	dma.local @!p0 [hbm:s0], s1  }
0x77: {  	s0 =	simm.s32 @!p0 $0x2  }
0x78: {  	_ =	swait.ge @!p0 [sflag:s0], s1  }
0x79: {  	s1 =	ssub.s32 @!p0 $0x0, s1;
	[sflag:s0] =	ssyncset.done @!p0 $0x0  }
0x7a: {  	[sflag:s0] =	ssyncadd.s32 @!p0 s1  }
0x7b: {  	[bflag:$0x3] =	sbarrier.arrive $0xFFFF  }
0x7c: {  	_ =	shalt  }

// kernel: kernel.42.cloned.1.call-start
scs
__scs_entry_jumppad:
0x0: {  	(pc) =	sbr.rel $0x88, $3  }
0x1: {  	(tag) =	ssettag $0x0;
	lr =	simm.s32 $0x1  }
0x2: {  	[smem:$0x3F99] =	sst lr;
	_ =	strace $0xD0000000  }
0x3: {  	_ = 	snop  }
0x4: {  	_ = 	snop  }
0x5: {  	_ = 	snop  }
0x6: {  	_ = 	snop  }
0x7: {  	_ = 	snop  }
__scs_overlays_trampoline_lowered:
0x8: {  	[smem:$0x3FA8] =	sst s0  }
0x9: {  	[smem:$0x3FA9] =	sst s1  }
0xa: {  	[smem:$0x3FAA] =	sst s2  }
0xb: {  	[smem:$0x3FAB] =	sst s3  }
0xc: {  	[smem:$0x3FAC] =	sst s4  }
0xd: {  	[smem:$0x3FAD] =	sst s5  }
0xe: {  	[smem:$0x3FAE] =	sst s6  }
0xf: {  	[smem:$0x3FAF] =	sst s7  }
0x10: {  	[smem:$0x3FB0] =	sst s8  }
0x11: {  	[smem:$0x3FB1] =	sst s9;
	s0 =	simm.s32 @!p0 $0x0  }
0x12: {  	s1 =	sld [smem:$0x3F97];
	s0 =	simm.s32 @p0 $0x1  }
0x13: {  	[smem:$0x3FB2] =	sst s0;
	s0 =	simm.s32 @!p1 $0x0  }
0x14: {  	s2 =	sld [smem:$0x3F96];
	s0 =	simm.s32 @p1 $0x1  }
0x15: {  	[smem:$0x3FB3] =	sst s0;
	s0 =	simm.s32 @!p2 $0x0  }
0x16: {  	s3 =	sld [smem:$0x3FDB];
	s0 =	simm.s32 @p2 $0x1  }
0x17: {  	s4 =	simm.s32 $0x1BF5;
	[smem:$0x3FB5] =	sst s0  }
0x18: {  	s0 =	sld [smem:$0x3F98];
	_ =	swait.ge [sflag:s4], $0x0  }
0x19: {  	s7 =	sld [smem:$0x3F99]  }
0x1a: {  	s8 =	sadd.s32 $0xFFFFE003, lr  }
0x1b: {  	s9 =	sadd.s32 $0xFFFFFEF7, lr;
	s5 =	simm.s32 $0xFFFFFFFF;
	p2 =	slt.u32 s8, $0xFFFFF086  }
0x1c: {  	p1 =	slt.u32 s9, $0xF7A;
	s5 =	simm.s32 @!p2 $0x0  }
0x1d: {  	s5 =	simm.s32 @p1 $0x1;
	p0 =	seq.s32 s7, s2  }
0x1e: {  	s7 =	smul.u32 @!p0 $0xF7A, s2;
	p2 =	seq.s32 @!p0 s5, $0x0  }
0x1f: {  	s9 =	smul.u32 $0xF7A, s1;
	s8 =	simm.s32 @!p0 $0x1BF5;
	p2 =	por !p2, p0  }
0x20: {  	[sflag:s8] =	ssyncset.s32 @!p0 $0xFFFFF086;
	s6 =	sadd.s32 @!p0 s3, s7;
	s7 =	simm.s32 @!p0 $0x108  }
0x21: {  	s3 =	sadd.s32 s3, s9;
	s6 =	sadd.s32 @!p0 $0x88, s6;
	s7 =	simm.s32 @p2 $0x1082  }
0x22: {  	[simem:s7], [sflag:s8] =	dma.local @!p0 [hbm:s6], $0xF7A  }
0x23: {  	s9 =	sor.u32 $0xD0000000, s2;
	s6 =	simm.s32 $0x108;
	_ =	swait.ge @!p0 [sflag:s8], $0x0  }
0x24: {  	s3 =	sadd.s32 $0x88, s3;
	s6 =	simm.s32 @!p1 $0x1082;
	[sflag:s4] =	ssyncset.s32 $0xFFFFF086  }
0x25: {  	[simem:s6], [sflag:s4] =	dma.local [hbm:s3], $0xF7A  }
0x26: {  	[smem:$0x3F99] =	sst s1;
	(tag) =	ssettag s2;
	_ =	strace s9  }
0x27: {  	s1 =	sld [smem:$0x3FA9]  }
0x28: {  	s2 =	sld [smem:$0x3FAA]  }
0x29: {  	s4 =	sld [smem:$0x3FAC]  }
0x2a: {  	p0 =	seq.s32 s5, $0x0;
	s5 =	sld [smem:$0x3FAD]  }
0x2b: {  	s6 =	sld [smem:$0x3FAE]  }
0x2c: {  	s7 =	sld [smem:$0x3FAF]  }
0x2d: {  	s3 =	simm.s32 $0x108;
	s8 =	sld [smem:$0x3FB0]  }
0x2e: {  	s3 =	simm.s32 @!p0 $0x1082;
	s9 =	sld [smem:$0x3FB1]  }
0x2f: {  	lr =	sadd.s32 s0, s3;
	s0 =	sld [smem:$0x3FA8]  }
0x30: {  	s3 =	sld [smem:$0x3FAB]  }
0x31: {  	[smem:$0x3FB4] =	sst s10  }
0x32: {  	s10 =	sld [smem:$0x3FB2];
	_ =	sdelay $0x3  }
0x33: {  	p0 =	seq.s32 s10, $0x1;
	s10 =	sld [smem:$0x3FB4];
	_ =	sdelay $0x3  }
0x34: {  	[smem:$0x3FB4] =	sst s10  }
0x35: {  	s10 =	sld [smem:$0x3FB3];
	_ =	sdelay $0x3  }
0x36: {  	p1 =	seq.s32 s10, $0x1;
	s10 =	sld [smem:$0x3FB4];
	_ =	sdelay $0x3  }
0x37: {  	[smem:$0x3FB4] =	sst s10  }
0x38: {  	s10 =	sld [smem:$0x3FB5]  }
0x39: {  	_ = 	snop;
	(pc) =	sbr.ind lr, $3  }
0x3a: {  	_ = 	snop  }
0x3b: {  	_ = 	snop  }
0x3c: {  	p2 =	seq.s32 s10, $0x1;
	s10 =	sld [smem:$0x3FB4]  }
0x3d: {  	_ =	shalt  }
0x3e: {  	_ =	shalt  }
0x3f: {  	_ =	shalt  }
0x40: {  	_ =	shalt  }
0x41: {  	_ =	shalt  }
0x42: {  	_ =	shalt  }
0x43: {  	_ =	shalt  }
0x44: {  	_ =	shalt  }
0x45: {  	_ =	shalt  }
0x46: {  	_ =	shalt  }
0x47: {  	_ =	shalt  }
0x48: {  	_ =	shalt  }
0x49: {  	_ =	shalt  }
0x4a: {  	_ =	shalt  }
0x4b: {  	_ =	shalt  }
0x4c: {  	_ =	shalt  }
0x4d: {  	_ =	shalt  }
0x4e: {  	_ =	shalt  }
0x4f: {  	_ =	shalt  }
0x50: {  	_ =	shalt  }
0x51: {  	_ =	shalt  }
0x52: {  	_ =	shalt  }
0x53: {  	_ =	shalt  }
0x54: {  	_ =	shalt  }
0x55: {  	_ =	shalt  }
0x56: {  	_ =	shalt  }
0x57: {  	_ =	shalt  }
0x58: {  	_ =	shalt  }
0x59: {  	_ =	shalt  }
0x5a: {  	_ =	shalt  }
0x5b: {  	_ =	shalt  }
0x5c: {  	_ =	shalt  }
0x5d: {  	_ =	shalt  }
0x5e: {  	_ =	shalt  }
0x5f: {  	_ =	shalt  }
0x60: {  	_ =	shalt  }
0x61: {  	_ =	shalt  }
0x62: {  	_ =	shalt  }
0x63: {  	_ =	shalt  }
0x64: {  	_ =	shalt  }
0x65: {  	_ =	shalt  }
0x66: {  	_ =	shalt  }
0x67: {  	_ =	shalt  }
0x68: {  	_ =	shalt  }
0x69: {  	_ =	shalt  }
0x6a: {  	_ =	shalt  }
0x6b: {  	_ =	shalt  }
0x6c: {  	_ =	shalt  }
0x6d: {  	_ =	shalt  }
0x6e: {  	_ =	shalt  }
0x6f: {  	_ =	shalt  }
0x70: {  	_ =	shalt  }
0x71: {  	_ =	shalt  }
0x72: {  	_ =	shalt  }
0x73: {  	_ =	shalt  }
0x74: {  	_ =	shalt  }
0x75: {  	_ =	shalt  }
0x76: {  	_ =	shalt  }
0x77: {  	_ =	shalt  }
0x78: {  	_ =	shalt  }
0x79: {  	_ =	shalt  }
0x7a: {  	_ =	shalt  }
0x7b: {  	_ =	shalt  }
0x7c: {  	_ =	shalt  }
0x7d: {  	_ =	shalt  }
0x7e: {  	_ =	shalt  }
0x7f: {  	_ =	shalt  }
0x80: {  	_ =	shalt  }
0x81: {  	_ =	shalt  }
0x82: {  	_ =	shalt  }
0x83: {  	_ =	shalt  }
0x84: {  	_ =	shalt  }
0x85: {  	_ =	shalt  }
0x86: {  	_ =	shalt  }
0x87: {  	_ =	shalt  }
.Lfunc_end0:
.L_simem_size_0:
called_computation.7_lowered:
.L_overlay_start_0:
0x88: {  	s2 =	sld [smem:$0x3FD9]  }
0x89: {  	s3 =	sld [smem:$0x3FFE];
	_ =	sdelay $0x1  }
0x8a: {  	s1 =	srdreg.scid  }
0x8b: {  	s0 =	sand.u32 $0x1, s1  }
0x8c: {  	s17 =	sshll.u32 s0, $0xA;
	s2 =	sadd.s32 s3, s2  }
0x8d: {  	s2 =	sadd.s32 s2, s17  }
0x8e: {  	[smem:$0x3FC0] =	sst s2  }
0x8f: {  	_ = 	snop  }
0x90: {  	s2 =	sld [smem:$0x3FD0];
	(tm) =	ssettm $0x1  }
0x91: {  	s18 =	sld [smem:$0x3FFB];
	_ =	sdelay $0x3  }
0x92: {  	_ =	strace s18  }
0x93: {  	s3 =	sld [smem:$0x3FFC];
	_ =	sdelay $0x3  }
0x94: {  	_ =	strace s3  }
0x95: {  	s3 =	sld [smem:$0x3FFD];
	_ =	sdelay $0x3  }
0x96: {  	_ =	strace s3  }
0x97: {  	_ =	strace $0x8FFFFFFF  }
0x98: {  	s19 =	sld [smem:$0x3FDB];
	_ =	sdelay $0x1  }
0x99: {  	s4 =	simm.s32 $_scs_section_size  }
0x9a: {  	s5 =	simm.s32 $_size__tile_overlayer_lowered;
	s6 =	simm.s32 $_tile_overlayer_lowered  }
0x9b: {  	s22 =	simm.s32 $0x1BFF;
	s21 =	sshll.u32 s6, $0x1;
	s3 =	sadd.s32 s4, s19  }
0x9c: {  	s7 =	simm.s32 $0x0;
	s20 =	sshll.u32 s5, $0x1;
	s5 =	sadd.s32 s21, s3  }
0x9d: {  	[timem:s7], [sflag:s22] =	dma.local [hbm:s5], s20  }
0x9e: {  	_ =	swait.ge [sflag:s22], s20  }
0x9f: {  	s4 =	ssub.s32 $0x0, s20;
	[sflag:s22] =	ssyncset.done $0x0  }
0xa0: {  	[sflag:s22] =	ssyncadd.s32 s4;
	_ =	sdelay $0x1  }
0xa1: {  	s23 =	simm.s32 $0x1B8B  }
0xa2: {  	_ =	swait.ge [sflag:s23], $0x1  }
0xa3: {  	[sflag:s23] =	ssyncset.done $0x0  }
0xa4: {  	s25 =	simm.s32 $0x1B8E;
	s24 =	sld [smem:$0x3FFE];
	[sflag:s23] =	ssyncadd.s32 $0xFFFFFFFF  }
0xa5: {  	s26 =	simm.s32 $execute0_lowered;
	[smem:$0x3FD2] =	sst s25  }
0xa6: {  	s5 =	sshll.u32 s26, $0x1;
	_ =	strace $0x8000005B;
	[dreg:$0x1] =	wrdreg $0xFFFFFFFF  }
0xa7: {  	s28 =	simm.s32 $_size_execute0_lowered;
	s3 =	sadd.s32 s3, s5;
	[dreg:$0x0] =	wrdreg $0x0  }
0xa8: {  	s5 =	sshll.u32 s28, $0x1;
	[dreg:$0x2] =	wrdreg s3  }
0xa9: {  	[dreg:$0x3] =	wrdreg s5  }
0xaa: {  	[dreg:$0x4] =	wrdreg $0xC0  }
0xab: {  	_ =	task [dreg:s7], $0x5FFFF  }
0xac: {  	[dreg:$0x1] =	wrdreg $0xFFFFFFFF  }
0xad: {  	[dreg:$0x0] =	wrdreg $0x60  }
0xae: {  	[dreg:$0x2] =	wrdreg s24  }
0xaf: {  	[dreg:$0x3] =	wrdreg s2  }
0xb0: {  	[dreg:$0x4] =	wrdreg $0x81000  }
0xb1: {  	[dreg:$0x5] =	wrdreg $0x9  }
0xb2: {  	_ =	task.clear_ibuf [dreg:s7], $0x6FFFF;
	_ =	strace $0x9000005B  }
0xb3: {  	s29 =	simm.s32 $0x9;
	_ =	strace $0x8000005D  }
0xb4: {  	_ =	swait.ge [sflag:s29], $0x1  }
0xb5: {  	[sflag:s29] =	ssyncadd.s32 $0xFFFFFFFF  }
0xb6: {  	_ =	strace $0x9000005D  }
0xb7: {  	_ =	sfence  }
0xb8: {  	s30 =	sld [smem:$0x0];
	_ =	sdelay $0x2  }
0xb9: {  	s31 =	sshll.u32 s1, $0xD;
	s1 =	sshrl.u32 s1, $0x2  }
0xba: {  	s3 =	sand.u32 $0x4000, s31;
	s1 =	sadd.s32 s1, s30  }
0xbb: {  	s0 =	sor.u32 s3, s0;
	s1 =	sshll.u32 s1, $0x11  }
0xbc: {  	s0 =	sor.u32 s1, s0  }
0xbd: {  	s0 =	sadd.s32 $0x8F2B, s0  }
0xbe: {  	[sflag:s0] =	ssyncadd.remote.s32 $0x1  }
0xbf: {  	_ =	sfence.sel $0xFFFF  }
0xc0: {  	[dreg:$0x0] =	wrdreg $0xFFFFFFFF;
	(pc) =	sbr.abs _section_cstart, $3  }
0xc1: {  	[dreg:$0x1] =	wrdreg $0xFFFFFFFF  }
0xc2: {  	_ =	task.clear_ibuf [dreg:s7], $0x2FFFF;
	_ =	strace $0x9FFFFFFF  }
0xc3: {  	(tm) =	ssettm $0x7FFFFFFF  }
tec
execute0_lowered:
.L_overlay_start_1:
0x0: {  	(tag) =	ssettag $0x1  }
0x1: {  	s5 =	rddreg [dreg:$0x0]  }
0x2: {  	s11 =	rddreg [dreg:$0x1];
	s0 =	srdreg.scid  }
0x3: {  	s1 =	rddreg [dreg:$0x2];
	s2 =	stileid.u32  }
0x4: {  	s3 =	simm.s32 $0x0;
	s17 =	simm.s32 $0x100;
	s8 =	smul.u32 $0x14000, s2  }
0x5: {  	s18 =	simm.s32 $0x1;
	s21 =	simm.s32 $0x0;
	s9 =	smul.u32 $0x50000, s2  }
0x6: {  	s6 =	sand.u32 $0x1, s0;
	s0 =	rddreg [dreg:$0x3];
	s15 =	smul.u32 $0x4F0, s2  }
0x7: {  	[smem:$0x7FF] =	sst s3;
	s4 =	sadd.s32 $0x6AC00, s5;
	s12 =	smul.u32 $0x4F00, s6  }
0x8: {  	s19 =	sshll.u32 s2, $0x6;
	s7 =	smul.u32 $0x140000, s6;
	_ =	strace $0x8000005C  }
0x9: {  	s6 =	ssub.s32 $0x2, s6;
	s19 =	sor.u32 $0x1C02, s19;
	s30 =	sshrl.u32 s9, $0x2  }
0xa: {  	s31 =	sshrl.u32 s6, $0x1;
	s13 =	sadd.s32 s12, s5;
	s7 =	sadd.s32 s8, s7  }
0xb: {  	s14 =	ssub.s32 s6, s31;
	s16 =	sadd.s32 s12, s11;
	s7 =	sshrl.u32 s7, $0x3  }
0xc: {  	s13 =	sadd.s32 s15, s13;
	s11 =	smax.u32 s14, $0x1;
	s14 =	simm.s32 $0x4100  }
0xd: {  	s10 =	sadd.s32 s7, s5;
	s5 =	sadd.s32 s30, s1;
	s12 =	sadd.s32 $0x60E00, s13  }
0xe: {  	s13 =	sadd.s32 s15, s16;
	s15 =	simm.s32 $0x2;
	s16 =	simm.s32 $0x80  }
0xf: {  	s6 =	sadd.s32 $0x4000, s5;
	s7 =	sadd.s32 $0x8000, s5;
	s8 =	sadd.s32 $0xC000, s5  }
0x10: {  	v0 =	vimm.f32 $0.0e+00;
	s9 =	sadd.s32 $0x10000, s5;
	s10 =	sadd.s32 $0x91E00, s10;
	s20 =	sshrl.u32 s5, $0x3  }
.LBB2_1:
0x11: {  	s22 =	simm.s32 $0x0;
	s23 =	simm.s32 $0x200  }
.LBB2_2:
0x12: {  	p0 =	sne.s32 s23, $0xFE00;
	[tilespmem:s22+$0x4170] =	vst v0  }
0x13: {  	[tilespmem:s22+$0x4100] =	vst v0  }
0x14: {  	[tilespmem:s22+$0x4110] =	vst v0  }
.Ltmp0:
0x15: {  	[tilespmem:s22+$0x4120] =	vst v0;
	(pc) =	sbr.rel @p0 .LBB2_2-.Ltmp0, $4  }
0x16: {  	[tilespmem:s22+$0x4130] =	vst v0  }
0x17: {  	[tilespmem:s22+$0x4140] =	vst v0  }
0x18: {  	[tilespmem:s22+$0x4150] =	vst v0  }
0x19: {  	[tilespmem:s22+$0x4160] =	vst v0;
	s22 =	sshra.s32 s23, $0x2;
	s23 =	sadd.s32 $0x200, s23  }
0x1a: {  	[tilespmem:s22+$0x4170] =	vst v0  }
0x1b: {  	[tilespmem:s22+$0x4100] =	vst v0  }
0x1c: {  	[tilespmem:s22+$0x4110] =	vst v0  }
0x1d: {  	[tilespmem:s22+$0x4120] =	vst v0  }
0x1e: {  	[tilespmem:s22+$0x4130] =	vst v0  }
0x1f: {  	[tilespmem:s22+$0x4140] =	vst v0  }
0x20: {  	[tilespmem:s22+$0x4150] =	vst v0  }
0x21: {  	[tilespmem:s22+$0x4160] =	vst v0  }
0x22: {  	[spmem:s5] =	stream.linear.scatter [tilespmem:s14], [sflag:$0x2], $0x4000, $0x38;
	[tilespmem:$0x1C100] =	vst v63  }
0x23: {  	_ =	swait.ge [sflag:s15], $0x4000  }
0x24: {  	[sflag:s15] =	ssyncset.done $0x0  }
0x25: {  	[sflag:s15] =	ssyncadd.s32 $0xFFFFC000  }
0x26: {  	[spmem:s6] =	stream.linear.scatter [tilespmem:s14], [sflag:$0x2], $0x4000, $0x38;
	[tilespmem:$0x1C100] =	vst v63  }
0x27: {  	_ =	swait.ge [sflag:s15], $0x4000  }
0x28: {  	[sflag:s15] =	ssyncset.done $0x0  }
0x29: {  	[sflag:s15] =	ssyncadd.s32 $0xFFFFC000  }
0x2a: {  	[spmem:s7] =	stream.linear.scatter [tilespmem:s14], [sflag:$0x2], $0x4000, $0x38;
	[tilespmem:$0x1C100] =	vst v63  }
0x2b: {  	_ =	swait.ge [sflag:s15], $0x4000  }
0x2c: {  	[sflag:s15] =	ssyncset.done $0x0  }
0x2d: {  	[sflag:s15] =	ssyncadd.s32 $0xFFFFC000  }
0x2e: {  	[spmem:s8] =	stream.linear.scatter [tilespmem:s14], [sflag:$0x2], $0x4000, $0x38;
	[tilespmem:$0x1C100] =	vst v63  }
0x2f: {  	_ =	swait.ge [sflag:s15], $0x4000  }
0x30: {  	[sflag:s15] =	ssyncset.done $0x0  }
0x31: {  	[sflag:s15] =	ssyncadd.s32 $0xFFFFC000  }
0x32: {  	[spmem:s9] =	stream.linear.scatter [tilespmem:s14], [sflag:$0x2], $0x4000, $0x38;
	[tilespmem:$0x1C100] =	vst v63  }
0x33: {  	_ =	swait.ge [sflag:s15], $0x4000  }
0x34: {  	[sflag:s15] =	ssyncset.done $0x0  }
0x35: {  	[sflag:s15] =	ssyncadd.s32 $0xFFFFC000  }
0x36: {  	s30 =	sadd.s32 $0x0, s13;
	[bflag:$0x0] =	sbarrier.arrive $0xFFFF  }
0x37: {  	[tilespmem:s3], [sflag:$0x2] =	stream.linear.gather [hbm4b:s30+s3], $0x80, $0x38;
	[tilespmem:$0x1C100] =	vst v63  }
0x38: {  	_ =	swait.ge [sflag:s15], $0x80  }
0x39: {  	[sflag:s15] =	ssyncset.done $0x0  }
0x3a: {  	s31 =	sadd.s32 $0x0, s12;
	[sflag:s15] =	ssyncadd.s32 $0xFFFFFF80  }
0x3b: {  	[tilespmem:s16], [sflag:$0x2] =	stream.linear.gather [hbm4b:s31+s3], $0x80, $0x38;
	[tilespmem:$0x1C100] =	vst v63  }
0x3c: {  	_ =	swait.ge [sflag:s15], $0x80  }
0x3d: {  	[sflag:s15] =	ssyncset.done $0x0  }
0x3e: {  	[sflag:s15] =	ssyncadd.s32 $0xFFFFFF80  }
0x3f: {  	[tilespmem:s17], [sflag:$0x1] =	stream.indirect.gather [hbm4b:s4+s16], $0x80, s3, s16, $0xb8;
	[tilespmem:$0x1C100] =	vst v63  }
0x40: {  	_ =	swait.ge [sflag:s18], $0x4000  }
0x41: {  	[sflag:s18] =	ssyncset.done $0x0  }
0x42: {  	[sflag:s18] =	ssyncadd.s32 $0xFFFFC000  }
0x43: {  	[spmem:s1] =	stream.indirect.scatter.add.f32 [tilespmem:s17], [sflag:$0x2], $0x80, s16, s16, $0xb8;
	[tilespmem:$0x1C100] =	vst v63  }
0x44: {  	_ =	swait.ge [sflag:s15], $0x4000  }
0x45: {  	s22 =	simm.s32 $0x10;
	s23 =	simm.s32 $0x20;
	[sflag:s15] =	ssyncset.done $0x0  }
.LBB2_4:
0x46: {  	s24 =	sadd.s32 s22, s13  }
0x47: {  	[sflag:s15] =	ssyncadd.s32 $0xFFFFC000;
	s25 =	smov.u32 s23;
	s26 =	sadd.s32 $0x10, s23  }
0x48: {  	[tilespmem:s3], [sflag:$0x2] =	stream.linear.gather [hbm4b:s24+s3], $0x80, $0x38;
	[tilespmem:$0x1C100] =	vst v63  }
0x49: {  	p0 =	sne.s32 s23, $0x4E0;
	_ =	swait.ge [sflag:s15], $0x80  }
0x4a: {  	[sflag:s15] =	ssyncset.done $0x0  }
0x4b: {  	s23 =	sadd.s32 s22, s12;
	s22 =	smov.u32 s25;
	[sflag:s15] =	ssyncadd.s32 $0xFFFFFF80  }
0x4c: {  	[tilespmem:s16], [sflag:$0x2] =	stream.linear.gather [hbm4b:s23+s3], $0x80, $0x38;
	[tilespmem:$0x1C100] =	vst v63  }
0x4d: {  	_ =	swait.ge [sflag:s15], $0x80  }
0x4e: {  	[sflag:s15] =	ssyncset.done $0x0  }
0x4f: {  	[sflag:s15] =	ssyncadd.s32 $0xFFFFFF80  }
0x50: {  	[tilespmem:s17], [sflag:$0x1] =	stream.indirect.gather [hbm4b:s4+s16], $0x80, s3, s16, $0xb8;
	[tilespmem:$0x1C100] =	vst v63  }
0x51: {  	_ =	swait.ge [sflag:s18], $0x4000  }
.Ltmp1:
0x52: {  	[sflag:s18] =	ssyncset.done $0x0;
	(pc) =	sbr.rel @p0 .LBB2_4-.Ltmp1, $4  }
0x53: {  	[sflag:s18] =	ssyncadd.s32 $0xFFFFC000  }
0x54: {  	[spmem:s1] =	stream.indirect.scatter.add.f32 [tilespmem:s17], [sflag:$0x2], $0x80, s16, s16, $0xb8;
	[tilespmem:$0x1C100] =	vst v63  }
0x55: {  	_ =	swait.ge [sflag:s15], $0x4000  }
0x56: {  	s23 =	smov.u32 s26;
	[sflag:s15] =	ssyncset.done $0x0  }
0x57: {  	s23 =	sadd.s32 s22, s13;
	[sflag:s15] =	ssyncadd.s32 $0xFFFFC000  }
0x58: {  	[tilespmem:s3], [sflag:$0x2] =	stream.linear.gather [hbm4b:s23+s3], $0x80, $0x38;
	[tilespmem:$0x1C100] =	vst v63  }
0x59: {  	_ =	swait.ge [sflag:s15], $0x80  }
0x5a: {  	[sflag:s15] =	ssyncset.done $0x0  }
0x5b: {  	s31 =	sadd.s32 s22, s12;
	[sflag:s15] =	ssyncadd.s32 $0xFFFFFF80  }
0x5c: {  	[tilespmem:s16], [sflag:$0x2] =	stream.linear.gather [hbm4b:s31+s3], $0x80, $0x38;
	[tilespmem:$0x1C100] =	vst v63  }
0x5d: {  	_ =	swait.ge [sflag:s15], $0x80  }
0x5e: {  	[sflag:s15] =	ssyncset.done $0x0  }
0x5f: {  	[sflag:s15] =	ssyncadd.s32 $0xFFFFFF80  }
0x60: {  	[tilespmem:s17], [sflag:$0x1] =	stream.indirect.gather [hbm4b:s4+s16], $0x80, s3, s16, $0xb8;
	[tilespmem:$0x1C100] =	vst v63  }
0x61: {  	_ =	swait.ge [sflag:s18], $0x4000  }
0x62: {  	[sflag:s18] =	ssyncset.done $0x0  }
0x63: {  	[sflag:s18] =	ssyncadd.s32 $0xFFFFC000  }
0x64: {  	[spmem:s1] =	stream.indirect.scatter.add.f32 [tilespmem:s17], [sflag:$0x2], $0x80, s16, s16, $0xb8;
	[tilespmem:$0x1C100] =	vst v63  }
0x65: {  	_ =	swait.ge [sflag:s15], $0x4000  }
0x66: {  	s21 =	sadd.s32 $0x1, s21;
	[sflag:s15] =	ssyncset.done $0x0  }
0x67: {  	p0 =	sne.s32 s21, s11;
	[sflag:s15] =	ssyncadd.s32 $0xFFFFC000  }
.Ltmp2:
0x68: {  	[bflag:$0x0] =	sbarrier.arrive $0xFFFF;
	(pc) =	sbr.rel @p0 .LBB2_1-.Ltmp2, $4  }
0x69: {  	[hbm:s10], [sflag:s19] =	dma.local [spmem:s20], $0x2800  }
0x6a: {  	_ =	swait.ge [sflag:s15], $0x2800  }
0x6b: {  	[sflag:s15] =	ssyncset.done $0x0  }
0x6c: {  	[sflag:s15] =	ssyncadd.s32 $0xFFFFD800  }
0x6d: {  	_ =	sfence.sel $0x180000  }
0x6e: {  	[bflag:$0x0] =	sbarrier.arrive $0xFFFF  }
0x6f: {  	p0 =	sne.s32 s2, $0x0;
	_ =	strace $0x9000005C  }
0x70: {  	s0 =	sadd.s32 @!p0 $0x100000, s0;
	[bflag:$0x2] =	sbarrier.arrive $0xFFFF  }
0x71: {  	[sflag:s0] =	ssyncadd.tile.s32 @!p0 $0x1;
	_ =	shalt  }
.Lfunc_end2:
_tile_overlayer_lowered:
.L_overlay_start_2:
0x72: {  	(tag) =	ssettag $0x2  }
0x73: {  	s0 =	rddreg [dreg:$0x0];
	s2 =	stileid.u32  }
0x74: {  	s1 =	rddreg [dreg:$0x1];
	p0 =	sne.s32 s2, $0x0  }
0x75: {  	s3 =	rddreg [dreg:$0x2];
	[bflag:$0x3] =	sbarrier.arrive $0xFFFF;
	s2 =	simm.s32 @!p0 $0x1C02  }
0x76: {  	[timem:s3], [sflag:s2] =	dma.local @!p0 [hbm:s0], s1  }
0x77: {  	s0 =	simm.s32 @!p0 $0x2  }
0x78: {  	_ =	swait.ge @!p0 [sflag:s0], s1  }
0x79: {  	s1 =	ssub.s32 @!p0 $0x0, s1;
	[sflag:s0] =	ssyncset.done @!p0 $0x0  }
0x7a: {  	[sflag:s0] =	ssyncadd.s32 @!p0 s1  }
0x7b: {  	[bflag:$0x3] =	sbarrier.arrive $0xFFFF  }
0x7c: {  	_ =	shalt  }

// kernel: kernel.45.cloned.1.call-start
scs
__scs_entry_jumppad:
0x0: {  	(pc) =	sbr.rel $0x88, $3  }
0x1: {  	(tag) =	ssettag $0x0;
	lr =	simm.s32 $0x1  }
0x2: {  	[smem:$0x3F99] =	sst lr;
	_ =	strace $0xD0000000  }
0x3: {  	_ = 	snop  }
0x4: {  	_ = 	snop  }
0x5: {  	_ = 	snop  }
0x6: {  	_ = 	snop  }
0x7: {  	_ = 	snop  }
__scs_overlays_trampoline_lowered:
0x8: {  	[smem:$0x3FA8] =	sst s0  }
0x9: {  	[smem:$0x3FA9] =	sst s1  }
0xa: {  	[smem:$0x3FAA] =	sst s2  }
0xb: {  	[smem:$0x3FAB] =	sst s3  }
0xc: {  	[smem:$0x3FAC] =	sst s4  }
0xd: {  	[smem:$0x3FAD] =	sst s5  }
0xe: {  	[smem:$0x3FAE] =	sst s6  }
0xf: {  	[smem:$0x3FAF] =	sst s7  }
0x10: {  	[smem:$0x3FB0] =	sst s8  }
0x11: {  	[smem:$0x3FB1] =	sst s9;
	s0 =	simm.s32 @!p0 $0x0  }
0x12: {  	s1 =	sld [smem:$0x3F97];
	s0 =	simm.s32 @p0 $0x1  }
0x13: {  	[smem:$0x3FB2] =	sst s0;
	s0 =	simm.s32 @!p1 $0x0  }
0x14: {  	s2 =	sld [smem:$0x3F96];
	s0 =	simm.s32 @p1 $0x1  }
0x15: {  	[smem:$0x3FB3] =	sst s0;
	s0 =	simm.s32 @!p2 $0x0  }
0x16: {  	s3 =	sld [smem:$0x3FDB];
	s0 =	simm.s32 @p2 $0x1  }
0x17: {  	s4 =	simm.s32 $0x1BF5;
	[smem:$0x3FB5] =	sst s0  }
0x18: {  	s0 =	sld [smem:$0x3F98];
	_ =	swait.ge [sflag:s4], $0x0  }
0x19: {  	s7 =	sld [smem:$0x3F99]  }
0x1a: {  	s8 =	sadd.s32 $0xFFFFE003, lr  }
0x1b: {  	s9 =	sadd.s32 $0xFFFFFEF7, lr;
	s5 =	simm.s32 $0xFFFFFFFF;
	p2 =	slt.u32 s8, $0xFFFFF086  }
0x1c: {  	p1 =	slt.u32 s9, $0xF7A;
	s5 =	simm.s32 @!p2 $0x0  }
0x1d: {  	s5 =	simm.s32 @p1 $0x1;
	p0 =	seq.s32 s7, s2  }
0x1e: {  	s7 =	smul.u32 @!p0 $0xF7A, s2;
	p2 =	seq.s32 @!p0 s5, $0x0  }
0x1f: {  	s9 =	smul.u32 $0xF7A, s1;
	s8 =	simm.s32 @!p0 $0x1BF5;
	p2 =	por !p2, p0  }
0x20: {  	[sflag:s8] =	ssyncset.s32 @!p0 $0xFFFFF086;
	s6 =	sadd.s32 @!p0 s3, s7;
	s7 =	simm.s32 @!p0 $0x108  }
0x21: {  	s3 =	sadd.s32 s3, s9;
	s6 =	sadd.s32 @!p0 $0x88, s6;
	s7 =	simm.s32 @p2 $0x1082  }
0x22: {  	[simem:s7], [sflag:s8] =	dma.local @!p0 [hbm:s6], $0xF7A  }
0x23: {  	s9 =	sor.u32 $0xD0000000, s2;
	s6 =	simm.s32 $0x108;
	_ =	swait.ge @!p0 [sflag:s8], $0x0  }
0x24: {  	s3 =	sadd.s32 $0x88, s3;
	s6 =	simm.s32 @!p1 $0x1082;
	[sflag:s4] =	ssyncset.s32 $0xFFFFF086  }
0x25: {  	[simem:s6], [sflag:s4] =	dma.local [hbm:s3], $0xF7A  }
0x26: {  	[smem:$0x3F99] =	sst s1;
	(tag) =	ssettag s2;
	_ =	strace s9  }
0x27: {  	s1 =	sld [smem:$0x3FA9]  }
0x28: {  	s2 =	sld [smem:$0x3FAA]  }
0x29: {  	s4 =	sld [smem:$0x3FAC]  }
0x2a: {  	p0 =	seq.s32 s5, $0x0;
	s5 =	sld [smem:$0x3FAD]  }
0x2b: {  	s6 =	sld [smem:$0x3FAE]  }
0x2c: {  	s7 =	sld [smem:$0x3FAF]  }
0x2d: {  	s3 =	simm.s32 $0x108;
	s8 =	sld [smem:$0x3FB0]  }
0x2e: {  	s3 =	simm.s32 @!p0 $0x1082;
	s9 =	sld [smem:$0x3FB1]  }
0x2f: {  	lr =	sadd.s32 s0, s3;
	s0 =	sld [smem:$0x3FA8]  }
0x30: {  	s3 =	sld [smem:$0x3FAB]  }
0x31: {  	[smem:$0x3FB4] =	sst s10  }
0x32: {  	s10 =	sld [smem:$0x3FB2];
	_ =	sdelay $0x3  }
0x33: {  	p0 =	seq.s32 s10, $0x1;
	s10 =	sld [smem:$0x3FB4];
	_ =	sdelay $0x3  }
0x34: {  	[smem:$0x3FB4] =	sst s10  }
0x35: {  	s10 =	sld [smem:$0x3FB3];
	_ =	sdelay $0x3  }
0x36: {  	p1 =	seq.s32 s10, $0x1;
	s10 =	sld [smem:$0x3FB4];
	_ =	sdelay $0x3  }
0x37: {  	[smem:$0x3FB4] =	sst s10  }
0x38: {  	s10 =	sld [smem:$0x3FB5]  }
0x39: {  	_ = 	snop;
	(pc) =	sbr.ind lr, $3  }
0x3a: {  	_ = 	snop  }
0x3b: {  	_ = 	snop  }
0x3c: {  	p2 =	seq.s32 s10, $0x1;
	s10 =	sld [smem:$0x3FB4]  }
0x3d: {  	_ =	shalt  }
0x3e: {  	_ =	shalt  }
0x3f: {  	_ =	shalt  }
0x40: {  	_ =	shalt  }
0x41: {  	_ =	shalt  }
0x42: {  	_ =	shalt  }
0x43: {  	_ =	shalt  }
0x44: {  	_ =	shalt  }
0x45: {  	_ =	shalt  }
0x46: {  	_ =	shalt  }
0x47: {  	_ =	shalt  }
0x48: {  	_ =	shalt  }
0x49: {  	_ =	shalt  }
0x4a: {  	_ =	shalt  }
0x4b: {  	_ =	shalt  }
0x4c: {  	_ =	shalt  }
0x4d: {  	_ =	shalt  }
0x4e: {  	_ =	shalt  }
0x4f: {  	_ =	shalt  }
0x50: {  	_ =	shalt  }
0x51: {  	_ =	shalt  }
0x52: {  	_ =	shalt  }
0x53: {  	_ =	shalt  }
0x54: {  	_ =	shalt  }
0x55: {  	_ =	shalt  }
0x56: {  	_ =	shalt  }
0x57: {  	_ =	shalt  }
0x58: {  	_ =	shalt  }
0x59: {  	_ =	shalt  }
0x5a: {  	_ =	shalt  }
0x5b: {  	_ =	shalt  }
0x5c: {  	_ =	shalt  }
0x5d: {  	_ =	shalt  }
0x5e: {  	_ =	shalt  }
0x5f: {  	_ =	shalt  }
0x60: {  	_ =	shalt  }
0x61: {  	_ =	shalt  }
0x62: {  	_ =	shalt  }
0x63: {  	_ =	shalt  }
0x64: {  	_ =	shalt  }
0x65: {  	_ =	shalt  }
0x66: {  	_ =	shalt  }
0x67: {  	_ =	shalt  }
0x68: {  	_ =	shalt  }
0x69: {  	_ =	shalt  }
0x6a: {  	_ =	shalt  }
0x6b: {  	_ =	shalt  }
0x6c: {  	_ =	shalt  }
0x6d: {  	_ =	shalt  }
0x6e: {  	_ =	shalt  }
0x6f: {  	_ =	shalt  }
0x70: {  	_ =	shalt  }
0x71: {  	_ =	shalt  }
0x72: {  	_ =	shalt  }
0x73: {  	_ =	shalt  }
0x74: {  	_ =	shalt  }
0x75: {  	_ =	shalt  }
0x76: {  	_ =	shalt  }
0x77: {  	_ =	shalt  }
0x78: {  	_ =	shalt  }
0x79: {  	_ =	shalt  }
0x7a: {  	_ =	shalt  }
0x7b: {  	_ =	shalt  }
0x7c: {  	_ =	shalt  }
0x7d: {  	_ =	shalt  }
0x7e: {  	_ =	shalt  }
0x7f: {  	_ =	shalt  }
0x80: {  	_ =	shalt  }
0x81: {  	_ =	shalt  }
0x82: {  	_ =	shalt  }
0x83: {  	_ =	shalt  }
0x84: {  	_ =	shalt  }
0x85: {  	_ =	shalt  }
0x86: {  	_ =	shalt  }
0x87: {  	_ =	shalt  }
.Lfunc_end0:
.L_simem_size_0:
called_computation.8_lowered:
.L_overlay_start_0:
0x88: {  	s2 =	sld [smem:$0x3FD9]  }
0x89: {  	s3 =	sld [smem:$0x3FFE];
	_ =	sdelay $0x1  }
0x8a: {  	s1 =	srdreg.scid  }
0x8b: {  	s0 =	sand.u32 $0x1, s1  }
0x8c: {  	s17 =	sshll.u32 s0, $0xA;
	s2 =	sadd.s32 s3, s2  }
0x8d: {  	s2 =	sadd.s32 s2, s17  }
0x8e: {  	[smem:$0x3FC0] =	sst s2  }
0x8f: {  	_ = 	snop  }
0x90: {  	s2 =	sld [smem:$0x3FD0];
	(tm) =	ssettm $0x1  }
0x91: {  	s18 =	sld [smem:$0x3FFB];
	_ =	sdelay $0x3  }
0x92: {  	_ =	strace s18  }
0x93: {  	s3 =	sld [smem:$0x3FFC];
	_ =	sdelay $0x3  }
0x94: {  	_ =	strace s3  }
0x95: {  	s3 =	sld [smem:$0x3FFD];
	_ =	sdelay $0x3  }
0x96: {  	_ =	strace s3  }
0x97: {  	_ =	strace $0x8FFFFFFF  }
0x98: {  	s19 =	sld [smem:$0x3FDB];
	_ =	sdelay $0x1  }
0x99: {  	s4 =	simm.s32 $_scs_section_size  }
0x9a: {  	s5 =	simm.s32 $_size__tile_overlayer_lowered;
	s6 =	simm.s32 $_tile_overlayer_lowered  }
0x9b: {  	s22 =	simm.s32 $0x1BFF;
	s21 =	sshll.u32 s6, $0x1;
	s3 =	sadd.s32 s4, s19  }
0x9c: {  	s7 =	simm.s32 $0x0;
	s20 =	sshll.u32 s5, $0x1;
	s5 =	sadd.s32 s21, s3  }
0x9d: {  	[timem:s7], [sflag:s22] =	dma.local [hbm:s5], s20  }
0x9e: {  	_ =	swait.ge [sflag:s22], s20  }
0x9f: {  	s4 =	ssub.s32 $0x0, s20;
	[sflag:s22] =	ssyncset.done $0x0  }
0xa0: {  	[sflag:s22] =	ssyncadd.s32 s4;
	_ =	sdelay $0x1  }
0xa1: {  	s23 =	simm.s32 $0x1B8B  }
0xa2: {  	_ =	swait.ge [sflag:s23], $0x1  }
0xa3: {  	[sflag:s23] =	ssyncset.done $0x0  }
0xa4: {  	s25 =	simm.s32 $0x1B8E;
	s24 =	sld [smem:$0x3FFE];
	[sflag:s23] =	ssyncadd.s32 $0xFFFFFFFF  }
0xa5: {  	s26 =	simm.s32 $execute0_lowered;
	[smem:$0x3FD2] =	sst s25  }
0xa6: {  	s5 =	sshll.u32 s26, $0x1;
	_ =	strace $0x8000005E;
	[dreg:$0x1] =	wrdreg $0xFFFFFFFF  }
0xa7: {  	s28 =	simm.s32 $_size_execute0_lowered;
	s3 =	sadd.s32 s3, s5;
	[dreg:$0x0] =	wrdreg $0x0  }
0xa8: {  	s5 =	sshll.u32 s28, $0x1;
	[dreg:$0x2] =	wrdreg s3  }
0xa9: {  	[dreg:$0x3] =	wrdreg s5  }
0xaa: {  	[dreg:$0x4] =	wrdreg $0xC0  }
0xab: {  	_ =	task [dreg:s7], $0x5FFFF  }
0xac: {  	[dreg:$0x1] =	wrdreg $0xFFFFFFFF  }
0xad: {  	[dreg:$0x0] =	wrdreg $0x60  }
0xae: {  	[dreg:$0x2] =	wrdreg s24  }
0xaf: {  	[dreg:$0x3] =	wrdreg s2  }
0xb0: {  	[dreg:$0x4] =	wrdreg $0x81000  }
0xb1: {  	[dreg:$0x5] =	wrdreg $0x9  }
0xb2: {  	_ =	task.clear_ibuf [dreg:s7], $0x6FFFF;
	_ =	strace $0x9000005E  }
0xb3: {  	s29 =	simm.s32 $0x9;
	_ =	strace $0x80000060  }
0xb4: {  	_ =	swait.ge [sflag:s29], $0x1  }
0xb5: {  	[sflag:s29] =	ssyncadd.s32 $0xFFFFFFFF  }
0xb6: {  	_ =	strace $0x90000060  }
0xb7: {  	_ =	sfence  }
0xb8: {  	s30 =	sld [smem:$0x0];
	_ =	sdelay $0x2  }
0xb9: {  	s31 =	sshll.u32 s1, $0xD;
	s1 =	sshrl.u32 s1, $0x2  }
0xba: {  	s3 =	sand.u32 $0x4000, s31;
	s1 =	sadd.s32 s1, s30  }
0xbb: {  	s0 =	sor.u32 s3, s0;
	s1 =	sshll.u32 s1, $0x11  }
0xbc: {  	s0 =	sor.u32 s1, s0  }
0xbd: {  	s0 =	sadd.s32 $0x8F2B, s0  }
0xbe: {  	[sflag:s0] =	ssyncadd.remote.s32 $0x1  }
0xbf: {  	_ =	sfence.sel $0xFFFF  }
0xc0: {  	[dreg:$0x0] =	wrdreg $0xFFFFFFFF;
	(pc) =	sbr.abs _section_cstart, $3  }
0xc1: {  	[dreg:$0x1] =	wrdreg $0xFFFFFFFF  }
0xc2: {  	_ =	task.clear_ibuf [dreg:s7], $0x2FFFF;
	_ =	strace $0x9FFFFFFF  }
0xc3: {  	(tm) =	ssettm $0x7FFFFFFF  }
tec
execute0_lowered:
.L_overlay_start_1:
0x0: {  	(tag) =	ssettag $0x1  }
0x1: {  	s5 =	rddreg [dreg:$0x0]  }
0x2: {  	s11 =	rddreg [dreg:$0x1];
	s0 =	srdreg.scid  }
0x3: {  	s1 =	rddreg [dreg:$0x2];
	s2 =	stileid.u32  }
0x4: {  	s3 =	simm.s32 $0x0;
	s17 =	simm.s32 $0x100;
	s8 =	smul.u32 $0x14000, s2  }
0x5: {  	s18 =	simm.s32 $0x1;
	s21 =	simm.s32 $0x0;
	s9 =	smul.u32 $0x50000, s2  }
0x6: {  	s6 =	sand.u32 $0x1, s0;
	s0 =	rddreg [dreg:$0x3];
	s15 =	smul.u32 $0x4F0, s2  }
0x7: {  	[smem:$0x7FF] =	sst s3;
	s4 =	sadd.s32 $0x6AC00, s5;
	s12 =	smul.u32 $0x4F00, s6  }
0x8: {  	s19 =	sshll.u32 s2, $0x6;
	s7 =	smul.u32 $0x140000, s6;
	_ =	strace $0x8000005F  }
0x9: {  	s6 =	ssub.s32 $0x2, s6;
	s19 =	sor.u32 $0x1C02, s19;
	s30 =	sshrl.u32 s9, $0x2  }
0xa: {  	s31 =	sshrl.u32 s6, $0x1;
	s13 =	sadd.s32 s12, s5;
	s7 =	sadd.s32 s8, s7  }
0xb: {  	s14 =	ssub.s32 s6, s31;
	s16 =	sadd.s32 s12, s11;
	s7 =	sshrl.u32 s7, $0x3  }
0xc: {  	s13 =	sadd.s32 s15, s13;
	s11 =	smax.u32 s14, $0x1;
	s14 =	simm.s32 $0x4100  }
0xd: {  	s10 =	sadd.s32 s7, s5;
	s5 =	sadd.s32 s30, s1;
	s12 =	sadd.s32 $0x60E00, s13  }
0xe: {  	s13 =	sadd.s32 s15, s16;
	s15 =	simm.s32 $0x2;
	s16 =	simm.s32 $0x80  }
0xf: {  	s6 =	sadd.s32 $0x4000, s5;
	s7 =	sadd.s32 $0x8000, s5;
	s8 =	sadd.s32 $0xC000, s5  }
0x10: {  	v0 =	vimm.f32 $0.0e+00;
	s9 =	sadd.s32 $0x10000, s5;
	s10 =	sadd.s32 $0x91E00, s10;
	s20 =	sshrl.u32 s5, $0x3  }
.LBB2_1:
0x11: {  	s22 =	simm.s32 $0x0;
	s23 =	simm.s32 $0x200  }
.LBB2_2:
0x12: {  	p0 =	sne.s32 s23, $0xFE00;
	[tilespmem:s22+$0x4170] =	vst v0  }
0x13: {  	[tilespmem:s22+$0x4100] =	vst v0  }
0x14: {  	[tilespmem:s22+$0x4110] =	vst v0  }
.Ltmp0:
0x15: {  	[tilespmem:s22+$0x4120] =	vst v0;
	(pc) =	sbr.rel @p0 .LBB2_2-.Ltmp0, $4  }
0x16: {  	[tilespmem:s22+$0x4130] =	vst v0  }
0x17: {  	[tilespmem:s22+$0x4140] =	vst v0  }
0x18: {  	[tilespmem:s22+$0x4150] =	vst v0  }
0x19: {  	[tilespmem:s22+$0x4160] =	vst v0;
	s22 =	sshra.s32 s23, $0x2;
	s23 =	sadd.s32 $0x200, s23  }
0x1a: {  	[tilespmem:s22+$0x4170] =	vst v0  }
0x1b: {  	[tilespmem:s22+$0x4100] =	vst v0  }
0x1c: {  	[tilespmem:s22+$0x4110] =	vst v0  }
0x1d: {  	[tilespmem:s22+$0x4120] =	vst v0  }
0x1e: {  	[tilespmem:s22+$0x4130] =	vst v0  }
0x1f: {  	[tilespmem:s22+$0x4140] =	vst v0  }
0x20: {  	[tilespmem:s22+$0x4150] =	vst v0  }
0x21: {  	[tilespmem:s22+$0x4160] =	vst v0  }
0x22: {  	[spmem:s5] =	stream.linear.scatter [tilespmem:s14], [sflag:$0x2], $0x4000, $0x38;
	[tilespmem:$0x1C100] =	vst v63  }
0x23: {  	_ =	swait.ge [sflag:s15], $0x4000  }
0x24: {  	[sflag:s15] =	ssyncset.done $0x0  }
0x25: {  	[sflag:s15] =	ssyncadd.s32 $0xFFFFC000  }
0x26: {  	[spmem:s6] =	stream.linear.scatter [tilespmem:s14], [sflag:$0x2], $0x4000, $0x38;
	[tilespmem:$0x1C100] =	vst v63  }
0x27: {  	_ =	swait.ge [sflag:s15], $0x4000  }
0x28: {  	[sflag:s15] =	ssyncset.done $0x0  }
0x29: {  	[sflag:s15] =	ssyncadd.s32 $0xFFFFC000  }
0x2a: {  	[spmem:s7] =	stream.linear.scatter [tilespmem:s14], [sflag:$0x2], $0x4000, $0x38;
	[tilespmem:$0x1C100] =	vst v63  }
0x2b: {  	_ =	swait.ge [sflag:s15], $0x4000  }
0x2c: {  	[sflag:s15] =	ssyncset.done $0x0  }
0x2d: {  	[sflag:s15] =	ssyncadd.s32 $0xFFFFC000  }
0x2e: {  	[spmem:s8] =	stream.linear.scatter [tilespmem:s14], [sflag:$0x2], $0x4000, $0x38;
	[tilespmem:$0x1C100] =	vst v63  }
0x2f: {  	_ =	swait.ge [sflag:s15], $0x4000  }
0x30: {  	[sflag:s15] =	ssyncset.done $0x0  }
0x31: {  	[sflag:s15] =	ssyncadd.s32 $0xFFFFC000  }
0x32: {  	[spmem:s9] =	stream.linear.scatter [tilespmem:s14], [sflag:$0x2], $0x4000, $0x38;
	[tilespmem:$0x1C100] =	vst v63  }
0x33: {  	_ =	swait.ge [sflag:s15], $0x4000  }
0x34: {  	[sflag:s15] =	ssyncset.done $0x0  }
0x35: {  	[sflag:s15] =	ssyncadd.s32 $0xFFFFC000  }
0x36: {  	s30 =	sadd.s32 $0x0, s13;
	[bflag:$0x0] =	sbarrier.arrive $0xFFFF  }
0x37: {  	[tilespmem:s3], [sflag:$0x2] =	stream.linear.gather [hbm4b:s30+s3], $0x80, $0x38;
	[tilespmem:$0x1C100] =	vst v63  }
0x38: {  	_ =	swait.ge [sflag:s15], $0x80  }
0x39: {  	[sflag:s15] =	ssyncset.done $0x0  }
0x3a: {  	s31 =	sadd.s32 $0x0, s12;
	[sflag:s15] =	ssyncadd.s32 $0xFFFFFF80  }
0x3b: {  	[tilespmem:s16], [sflag:$0x2] =	stream.linear.gather [hbm4b:s31+s3], $0x80, $0x38;
	[tilespmem:$0x1C100] =	vst v63  }
0x3c: {  	_ =	swait.ge [sflag:s15], $0x80  }
0x3d: {  	[sflag:s15] =	ssyncset.done $0x0  }
0x3e: {  	[sflag:s15] =	ssyncadd.s32 $0xFFFFFF80  }
0x3f: {  	[tilespmem:s17], [sflag:$0x1] =	stream.indirect.gather [hbm4b:s4+s16], $0x80, s3, s16, $0xb8;
	[tilespmem:$0x1C100] =	vst v63  }
0x40: {  	_ =	swait.ge [sflag:s18], $0x4000  }
0x41: {  	[sflag:s18] =	ssyncset.done $0x0  }
0x42: {  	[sflag:s18] =	ssyncadd.s32 $0xFFFFC000  }
0x43: {  	[spmem:s1] =	stream.indirect.scatter.add.f32 [tilespmem:s17], [sflag:$0x2], $0x80, s16, s16, $0xb8;
	[tilespmem:$0x1C100] =	vst v63  }
0x44: {  	_ =	swait.ge [sflag:s15], $0x4000  }
0x45: {  	s22 =	simm.s32 $0x10;
	s23 =	simm.s32 $0x20;
	[sflag:s15] =	ssyncset.done $0x0  }
.LBB2_4:
0x46: {  	s24 =	sadd.s32 s22, s13  }
0x47: {  	[sflag:s15] =	ssyncadd.s32 $0xFFFFC000;
	s25 =	smov.u32 s23;
	s26 =	sadd.s32 $0x10, s23  }
0x48: {  	[tilespmem:s3], [sflag:$0x2] =	stream.linear.gather [hbm4b:s24+s3], $0x80, $0x38;
	[tilespmem:$0x1C100] =	vst v63  }
0x49: {  	p0 =	sne.s32 s23, $0x4E0;
	_ =	swait.ge [sflag:s15], $0x80  }
0x4a: {  	[sflag:s15] =	ssyncset.done $0x0  }
0x4b: {  	s23 =	sadd.s32 s22, s12;
	s22 =	smov.u32 s25;
	[sflag:s15] =	ssyncadd.s32 $0xFFFFFF80  }
0x4c: {  	[tilespmem:s16], [sflag:$0x2] =	stream.linear.gather [hbm4b:s23+s3], $0x80, $0x38;
	[tilespmem:$0x1C100] =	vst v63  }
0x4d: {  	_ =	swait.ge [sflag:s15], $0x80  }
0x4e: {  	[sflag:s15] =	ssyncset.done $0x0  }
0x4f: {  	[sflag:s15] =	ssyncadd.s32 $0xFFFFFF80  }
0x50: {  	[tilespmem:s17], [sflag:$0x1] =	stream.indirect.gather [hbm4b:s4+s16], $0x80, s3, s16, $0xb8;
	[tilespmem:$0x1C100] =	vst v63  }
0x51: {  	_ =	swait.ge [sflag:s18], $0x4000  }
.Ltmp1:
0x52: {  	[sflag:s18] =	ssyncset.done $0x0;
	(pc) =	sbr.rel @p0 .LBB2_4-.Ltmp1, $4  }
0x53: {  	[sflag:s18] =	ssyncadd.s32 $0xFFFFC000  }
0x54: {  	[spmem:s1] =	stream.indirect.scatter.add.f32 [tilespmem:s17], [sflag:$0x2], $0x80, s16, s16, $0xb8;
	[tilespmem:$0x1C100] =	vst v63  }
0x55: {  	_ =	swait.ge [sflag:s15], $0x4000  }
0x56: {  	s23 =	smov.u32 s26;
	[sflag:s15] =	ssyncset.done $0x0  }
0x57: {  	s23 =	sadd.s32 s22, s13;
	[sflag:s15] =	ssyncadd.s32 $0xFFFFC000  }
0x58: {  	[tilespmem:s3], [sflag:$0x2] =	stream.linear.gather [hbm4b:s23+s3], $0x80, $0x38;
	[tilespmem:$0x1C100] =	vst v63  }
0x59: {  	_ =	swait.ge [sflag:s15], $0x80  }
0x5a: {  	[sflag:s15] =	ssyncset.done $0x0  }
0x5b: {  	s31 =	sadd.s32 s22, s12;
	[sflag:s15] =	ssyncadd.s32 $0xFFFFFF80  }
0x5c: {  	[tilespmem:s16], [sflag:$0x2] =	stream.linear.gather [hbm4b:s31+s3], $0x80, $0x38;
	[tilespmem:$0x1C100] =	vst v63  }
0x5d: {  	_ =	swait.ge [sflag:s15], $0x80  }
0x5e: {  	[sflag:s15] =	ssyncset.done $0x0  }
0x5f: {  	[sflag:s15] =	ssyncadd.s32 $0xFFFFFF80  }
0x60: {  	[tilespmem:s17], [sflag:$0x1] =	stream.indirect.gather [hbm4b:s4+s16], $0x80, s3, s16, $0xb8;
	[tilespmem:$0x1C100] =	vst v63  }
0x61: {  	_ =	swait.ge [sflag:s18], $0x4000  }
0x62: {  	[sflag:s18] =	ssyncset.done $0x0  }
0x63: {  	[sflag:s18] =	ssyncadd.s32 $0xFFFFC000  }
0x64: {  	[spmem:s1] =	stream.indirect.scatter.add.f32 [tilespmem:s17], [sflag:$0x2], $0x80, s16, s16, $0xb8;
	[tilespmem:$0x1C100] =	vst v63  }
0x65: {  	_ =	swait.ge [sflag:s15], $0x4000  }
0x66: {  	s21 =	sadd.s32 $0x1, s21;
	[sflag:s15] =	ssyncset.done $0x0  }
0x67: {  	p0 =	sne.s32 s21, s11;
	[sflag:s15] =	ssyncadd.s32 $0xFFFFC000  }
.Ltmp2:
0x68: {  	[bflag:$0x0] =	sbarrier.arrive $0xFFFF;
	(pc) =	sbr.rel @p0 .LBB2_1-.Ltmp2, $4  }
0x69: {  	[hbm:s10], [sflag:s19] =	dma.local [spmem:s20], $0x2800  }
0x6a: {  	_ =	swait.ge [sflag:s15], $0x2800  }
0x6b: {  	[sflag:s15] =	ssyncset.done $0x0  }
0x6c: {  	[sflag:s15] =	ssyncadd.s32 $0xFFFFD800  }
0x6d: {  	_ =	sfence.sel $0x180000  }
0x6e: {  	[bflag:$0x0] =	sbarrier.arrive $0xFFFF  }
0x6f: {  	p0 =	sne.s32 s2, $0x0;
	_ =	strace $0x9000005F  }
0x70: {  	s0 =	sadd.s32 @!p0 $0x100000, s0;
	[bflag:$0x2] =	sbarrier.arrive $0xFFFF  }
0x71: {  	[sflag:s0] =	ssyncadd.tile.s32 @!p0 $0x1;
	_ =	shalt  }
.Lfunc_end2:
_tile_overlayer_lowered:
.L_overlay_start_2:
0x72: {  	(tag) =	ssettag $0x2  }
0x73: {  	s0 =	rddreg [dreg:$0x0];
	s2 =	stileid.u32  }
0x74: {  	s1 =	rddreg [dreg:$0x1];
	p0 =	sne.s32 s2, $0x0  }
0x75: {  	s3 =	rddreg [dreg:$0x2];
	[bflag:$0x3] =	sbarrier.arrive $0xFFFF;
	s2 =	simm.s32 @!p0 $0x1C02  }
0x76: {  	[timem:s3], [sflag:s2] =	dma.local @!p0 [hbm:s0], s1  }
0x77: {  	s0 =	simm.s32 @!p0 $0x2  }
0x78: {  	_ =	swait.ge @!p0 [sflag:s0], s1  }
0x79: {  	s1 =	ssub.s32 @!p0 $0x0, s1;
	[sflag:s0] =	ssyncset.done @!p0 $0x0  }
0x7a: {  	[sflag:s0] =	ssyncadd.s32 @!p0 s1  }
0x7b: {  	[bflag:$0x3] =	sbarrier.arrive $0xFFFF  }
0x7c: {  	_ =	shalt  }

</sc_bundles>
